<compile_context>
chip_gen: v7x
topology: tpu7x:2x2x1
jax: 0.10.2.dev20260603
libtpu: 0.0.44.dev20260713+nightly
codegen_flags: <defaults>
</compile_context>

<pallas_src>
import functools

import jax
import jax.numpy as jnp
from jax import lax
from jax.experimental import pallas as pl
from jax.experimental.pallas import tpu as pltpu
from jax.experimental.pallas import tpu_sc as plsc

EPS = 1e-6
LANES = 16
CHUNK = 128


def _rsqrt(x):
    xi = lax.bitcast_convert_type(x, jnp.int32)
    yi = jnp.int32(0x5F3759DF) - (xi >> 1)
    y = lax.bitcast_convert_type(yi, jnp.float32)
    for _ in range(2):
        y = y * (1.5 - 0.5 * x * y * y)
    return y


def kernel(src, seg, table, gamma, beta):
    del seg
    B, L = src.shape
    V, E = table.shape
    n_vec = E // LANES
    N = B * L

    info = plsc.get_sparse_core_info()
    NC, NS = info.num_cores, info.num_subcores
    NW = NC * NS
    per_w = N // NW
    n_chunks = per_w // CHUNK
    assert per_w * NW == N and n_chunks * CHUNK == per_w
    assert n_chunks >= 4 and n_chunks % 2 == 0

    idx = src.reshape(NW, n_chunks, CHUNK)
    mesh = plsc.VectorSubcoreMesh(core_axis_name="c", subcore_axis_name="s")

    @functools.partial(
        pl.kernel,
        mesh=mesh,
        out_type=jax.ShapeDtypeStruct((N, E), jnp.float32),
        compiler_params=pltpu.CompilerParams(
            use_tc_tiling_on_sc=False, needs_layout_passes=False),
        scratch_types=[
            pltpu.VMEM((n_chunks, CHUNK), jnp.int32),
            pltpu.VMEM((CHUNK, E), jnp.float32),
            pltpu.VMEM((CHUNK, E), jnp.float32),
            pltpu.VMEM((CHUNK, E), jnp.float32),
            pltpu.VMEM((CHUNK, E), jnp.float32),
            pltpu.VMEM((LANES, LANES), jnp.float32),
            pltpu.VMEM((LANES, LANES), jnp.float32),
            pltpu.VMEM((E,), jnp.float32),
            pltpu.VMEM((E,), jnp.float32),
            pltpu.SemaphoreType.DMA,
            pltpu.SemaphoreType.DMA,
            pltpu.SemaphoreType.DMA,
            pltpu.SemaphoreType.DMA,
        ],
    )
    def emb_ln(table_hbm, idx_hbm, gamma_hbm, beta_hbm, out_hbm,
               idx_v, rows0, rows1, outv0, outv1, sbuf, qbuf,
               gamma_v, beta_v, gsem0, gsem1, osem0, osem1):
        rows_vs = (rows0, rows1)
        out_vs = (outv0, outv1)
        gsems = (gsem0, gsem1)
        osems = (osem0, osem1)

        wid = lax.axis_index("s") * NC + lax.axis_index("c")
        base = wid * per_w
        pltpu.sync_copy(idx_hbm.at[wid], idx_v)
        pltpu.sync_copy(gamma_hbm, gamma_v)
        pltpu.sync_copy(beta_hbm, beta_v)
        g = [gamma_v[pl.ds(j * LANES, LANES)] for j in range(n_vec)]
        bta = [beta_v[pl.ds(j * LANES, LANES)] for j in range(n_vec)]
        inv_e = jnp.float32(1.0 / E)
        lane = lax.iota(jnp.int32, LANES)

        def gather_start(c, b):
            pltpu.async_copy(table_hbm.at[idx_v.at[c]], rows_vs[b], gsems[b])

        def gather_wait(c, b):
            pltpu.make_async_copy(
                table_hbm.at[idx_v.at[c]], rows_vs[b], gsems[b]).wait()

        def out_start(c, b):
            pltpu.async_copy(
                out_vs[b], out_hbm.at[pl.ds(base + c * CHUNK, CHUNK)],
                osems[b])

        def out_wait(c, b):
            pltpu.make_async_copy(
                out_vs[b], out_hbm.at[pl.ds(base + c * CHUNK, CHUNK)],
                osems[b]).wait()

        def compute(b):
            rows_v = rows_vs[b]
            out_v = out_vs[b]

            def group_body(gi, _):
                g0 = gi * LANES
                for rr in range(LANES):
                    r = g0 + rr
                    x = [rows_v[r, pl.ds(j * LANES, LANES)]
                         for j in range(n_vec)]
                    s = (x[0] + x[1]) + (x[2] + x[3])
                    q = (x[0] * x[0] + x[1] * x[1]) + (
                        x[2] * x[2] + x[3] * x[3])
                    sbuf[rr, pl.ds(0, LANES)] = s
                    qbuf[rr, pl.ds(0, LANES)] = q
                svs = [plsc.load_gather(
                    sbuf, [lane, jnp.full((LANES,), l, jnp.int32)])
                    for l in range(LANES)]
                qvs = [plsc.load_gather(
                    qbuf, [lane, jnp.full((LANES,), l, jnp.int32)])
                    for l in range(LANES)]
                while len(svs) > 1:
                    svs = [a + c for a, c in zip(svs[::2], svs[1::2])]
                while len(qvs) > 1:
                    qvs = [a + c for a, c in zip(qvs[::2], qvs[1::2])]
                mean = svs[0] * inv_e
                var = qvs[0] * inv_e - mean * mean
                inv = _rsqrt(var + EPS)
                for rr in range(LANES):
                    r = g0 + rr
                    sel = jnp.full((LANES,), rr, jnp.int32)
                    m_r = mean.at[sel].get(mode="promise_in_bounds")
                    i_r = inv.at[sel].get(mode="promise_in_bounds")
                    for j in range(n_vec):
                        xj = rows_v[r, pl.ds(j * LANES, LANES)]
                        out_v[r, pl.ds(j * LANES, LANES)] = (
                            (xj - m_r) * (i_r * g[j]) + bta[j])
                return 0

            lax.fori_loop(0, CHUNK // LANES, group_body, 0)

        def stage(c0, b):
            c = c0 + b
            gather_wait(c, b)
            pl.when(c >= 2)(lambda: out_wait(c - 2, b))
            compute(b)
            out_start(c, b)
            pl.when(c + 2 < n_chunks)(lambda: gather_start(c + 2, b))

        gather_start(0, 0)
        gather_start(1, 1)

        def loop_body(i, _):
            c0 = 2 * i
            stage(c0, 0)
            stage(c0, 1)
            return 0

        lax.fori_loop(0, n_chunks // 2, loop_body, 0)
        out_wait(n_chunks - 2, 0)
        out_wait(n_chunks - 1, 1)

    out = emb_ln(table, idx, gamma, beta)
    return out.reshape(B, L, E)

# --- scband reference (transcript-rebuilt; emitter-appended) ---
"""Pipeline reference for scband-word-embedding-5746666242499 (READ-ONLY COPY).

The authoritative reference and input builder live on the scoring server;
editing this copy changes nothing except your own understanding.
"""

import jax, jax.numpy as jnp
import numpy as np

VOCAB = 1000000
EMB = 64
B = 4096
L = 200
EPS = 1e-6

def setup_inputs(seed: int = 0) -> dict:
    key = jax.random.key(seed)
    k1, k2 = jax.random.split(key, 2)
    src = jax.random.randint(k1, (B, L), 0, VOCAB, dtype=jnp.int32)
    seg = jnp.zeros((B, L), dtype=jnp.int32)
    table = jax.random.normal(k2, (VOCAB, EMB), dtype=jnp.float32) * 0.02
    gamma = jnp.ones((EMB,), dtype=jnp.float32)
    beta = jnp.zeros((EMB,), dtype=jnp.float32)
    return {"src": src, "seg": seg, "table": table, "gamma": gamma, "beta": beta}

def reference(src, seg, table, gamma, beta):
    # embedding lookup (gather)
    emb = jnp.take(table, src, axis=0)
    # layer norm over last dim
    mean = jnp.mean(emb, axis=-1, keepdims=True)
    var = jnp.mean(jnp.square(emb - mean), axis=-1, keepdims=True)
    normed = (emb - mean) / jnp.sqrt(var + EPS)
    out = normed * gamma + beta
    # dropout is identity in eval mode
    return out

if __name__ == "__main__":
    import jax
    _d = setup_inputs()
    print(jax.jit(kernel)(*tuple(_d.values())))

</pallas_src>

<mosaic_0001>
#map = affine_map<(d0, d1) -> (0, 0)>
#map1 = affine_map<(d0, d1) -> (0, 0, 0)>
#map2 = affine_map<(d0, d1) -> (0)>
module attributes {stable_mosaic.version = 14 : i64} {
  func.func @emb_ln(%arg0: i32, %arg1: i32, %arg2: memref<1000000x64xf32, #tpu.memory_space<hbm>>, %arg3: memref<32x200x128xi32, #tpu.memory_space<hbm>>, %arg4: memref<64xf32, #tpu.memory_space<hbm>>, %arg5: memref<64xf32, #tpu.memory_space<hbm>>, %arg6: memref<819200x64xf32, #tpu.memory_space<hbm>>, %arg7: memref<200x128xi32, #tpu.memory_space<vmem>>, %arg8: memref<128x64xf32, #tpu.memory_space<vmem>>, %arg9: memref<128x64xf32, #tpu.memory_space<vmem>>, %arg10: memref<128x64xf32, #tpu.memory_space<vmem>>, %arg11: memref<128x64xf32, #tpu.memory_space<vmem>>, %arg12: memref<16x16xf32, #tpu.memory_space<vmem>>, %arg13: memref<16x16xf32, #tpu.memory_space<vmem>>, %arg14: memref<64xf32, #tpu.memory_space<vmem>>, %arg15: memref<64xf32, #tpu.memory_space<vmem>>, %arg16: memref<!tpu.dma_semaphore, #tpu.memory_space<semaphore_mem>>, %arg17: memref<!tpu.dma_semaphore, #tpu.memory_space<semaphore_mem>>, %arg18: memref<!tpu.dma_semaphore, #tpu.memory_space<semaphore_mem>>, %arg19: memref<!tpu.dma_semaphore, #tpu.memory_space<semaphore_mem>>) attributes {dimension_semantics = [#tpu.dimension_semantics<core_parallel>, #tpu.dimension_semantics<subcore_parallel>], iteration_bounds = array<i64: 2, 16>, scalar_prefetch = 0 : i64, scratch_operands = 13 : i64, tpu.core_type = #tpu.core_type<sc_vector_subcore>, window_params = [{transform_indices = #map}, {transform_indices = #map1}, {transform_indices = #map2}, {transform_indices = #map2}, {transform_indices = #map}]} {
    %mul3A = arith.constant 2 : i32
    %mul3A_0 = arith.muli %arg1, %mul3A : i32
    %add3A = arith.addi %mul3A_0, %arg0 : i32
    %mul3A_1 = arith.constant 25600 : i32
    %mul3A_2 = arith.muli %add3A, %mul3A_1 : i32
    "tpu.region"() ({
      %run_scoped3A = tpu.sem_alloc : memref<!tpu.dma_semaphore, #tpu.memory_space<semaphore_mem>>
      %dma_start3A_49 = arith.constant 0 : i32
      %dma_start3A_50 = arith.constant 0 : i32
      %dma_start3A_51 = tpu.memref_slice %arg3[%add3A, %dma_start3A_49, %dma_start3A_50] : memref<32x200x128xi32, #tpu.memory_space<hbm>> -> memref<1x200x128xi32, #tpu.memory_space<hbm>>
      %dma_start3A_52 = tpu.memref_squeeze %dma_start3A_51 : memref<1x200x128xi32, #tpu.memory_space<hbm>> -> memref<200x128xi32, #tpu.memory_space<hbm>>
      %dma_start3A_53 = arith.constant 0 : i32
      %dma_start3A_54 = arith.constant 0 : i32
      %dma_start3A_55 = tpu.memref_slice %arg3[%add3A, %dma_start3A_53, %dma_start3A_54] : memref<32x200x128xi32, #tpu.memory_space<hbm>> -> memref<1x200x128xi32, #tpu.memory_space<hbm>>
      %dma_start3A_56 = tpu.memref_squeeze %dma_start3A_55 : memref<1x200x128xi32, #tpu.memory_space<hbm>> -> memref<200x128xi32, #tpu.memory_space<hbm>>
      tpu.enqueue_dma source(%dma_start3A_56 : memref<200x128xi32, #tpu.memory_space<hbm>>) target(%arg7 : memref<200x128xi32, #tpu.memory_space<vmem>>) target_semaphore(%run_scoped3A : memref<!tpu.dma_semaphore, #tpu.memory_space<semaphore_mem>>)
      %dma_wait3A_57 = arith.constant 0 : i32
      %dma_wait3A_58 = arith.constant 0 : i32
      %dma_wait3A_59 = tpu.memref_slice %arg3[%add3A, %dma_wait3A_57, %dma_wait3A_58] : memref<32x200x128xi32, #tpu.memory_space<hbm>> -> memref<1x200x128xi32, #tpu.memory_space<hbm>>
      %dma_wait3A_60 = tpu.memref_squeeze %dma_wait3A_59 : memref<1x200x128xi32, #tpu.memory_space<hbm>> -> memref<200x128xi32, #tpu.memory_space<hbm>>
      %dma_wait3A_61 = arith.constant 0 : i32
      %dma_wait3A_62 = arith.constant 0 : i32
      %dma_wait3A_63 = tpu.memref_slice %arg3[%add3A, %dma_wait3A_61, %dma_wait3A_62] : memref<32x200x128xi32, #tpu.memory_space<hbm>> -> memref<1x200x128xi32, #tpu.memory_space<hbm>>
      %dma_wait3A_64 = tpu.memref_squeeze %dma_wait3A_63 : memref<1x200x128xi32, #tpu.memory_space<hbm>> -> memref<200x128xi32, #tpu.memory_space<hbm>>
      tpu.wait_dma2 semaphore(%run_scoped3A : memref<!tpu.dma_semaphore, #tpu.memory_space<semaphore_mem>>) src(%dma_wait3A_64 : memref<200x128xi32, #tpu.memory_space<hbm>>) dst(%arg7 : memref<200x128xi32, #tpu.memory_space<vmem>>)
      tpu.yield
    }) : () -> ()
    "tpu.region"() ({
      %run_scoped3A = tpu.sem_alloc : memref<!tpu.dma_semaphore, #tpu.memory_space<semaphore_mem>>
      tpu.enqueue_dma source(%arg4 : memref<64xf32, #tpu.memory_space<hbm>>) target(%arg14 : memref<64xf32, #tpu.memory_space<vmem>>) target_semaphore(%run_scoped3A : memref<!tpu.dma_semaphore, #tpu.memory_space<semaphore_mem>>)
      tpu.wait_dma2 semaphore(%run_scoped3A : memref<!tpu.dma_semaphore, #tpu.memory_space<semaphore_mem>>) src(%arg4 : memref<64xf32, #tpu.memory_space<hbm>>) dst(%arg14 : memref<64xf32, #tpu.memory_space<vmem>>)
      tpu.yield
    }) : () -> ()
    "tpu.region"() ({
      %run_scoped3A = tpu.sem_alloc : memref<!tpu.dma_semaphore, #tpu.memory_space<semaphore_mem>>
      tpu.enqueue_dma source(%arg5 : memref<64xf32, #tpu.memory_space<hbm>>) target(%arg15 : memref<64xf32, #tpu.memory_space<vmem>>) target_semaphore(%run_scoped3A : memref<!tpu.dma_semaphore, #tpu.memory_space<semaphore_mem>>)
      tpu.wait_dma2 semaphore(%run_scoped3A : memref<!tpu.dma_semaphore, #tpu.memory_space<semaphore_mem>>) src(%arg5 : memref<64xf32, #tpu.memory_space<hbm>>) dst(%arg15 : memref<64xf32, #tpu.memory_space<vmem>>)
      tpu.yield
    }) : () -> ()
    %get3A = arith.constant 0 : index
    %get3A_3 = tpu.vector_load %arg14[%get3A] {strides = array<i32>} : memref<64xf32, #tpu.memory_space<vmem>>, vector<16xf32>,
    %get3A_4 = arith.constant 16 : index
    %get3A_5 = tpu.vector_load %arg14[%get3A_4] {strides = array<i32>} : memref<64xf32, #tpu.memory_space<vmem>>, vector<16xf32>,
    %get3A_6 = arith.constant 32 : index
    %get3A_7 = tpu.vector_load %arg14[%get3A_6] {strides = array<i32>} : memref<64xf32, #tpu.memory_space<vmem>>, vector<16xf32>,
    %get3A_8 = arith.constant 48 : index
    %get3A_9 = tpu.vector_load %arg14[%get3A_8] {strides = array<i32>} : memref<64xf32, #tpu.memory_space<vmem>>, vector<16xf32>,
    %get3A_10 = arith.constant 0 : index
    %get3A_11 = tpu.vector_load %arg15[%get3A_10] {strides = array<i32>} : memref<64xf32, #tpu.memory_space<vmem>>, vector<16xf32>,
    %get3A_12 = arith.constant 16 : index
    %get3A_13 = tpu.vector_load %arg15[%get3A_12] {strides = array<i32>} : memref<64xf32, #tpu.memory_space<vmem>>, vector<16xf32>,
    %get3A_14 = arith.constant 32 : index
    %get3A_15 = tpu.vector_load %arg15[%get3A_14] {strides = array<i32>} : memref<64xf32, #tpu.memory_space<vmem>>, vector<16xf32>,
    %get3A_16 = arith.constant 48 : index
    %get3A_17 = tpu.vector_load %arg15[%get3A_16] {strides = array<i32>} : memref<64xf32, #tpu.memory_space<vmem>>, vector<16xf32>,
    %iota3A = tpu.iota {dimensions = array<i32: 0>} : vector<16xi32>
    %dma_start3A = arith.constant 0 : i32
    %dma_start3A_18 = arith.constant 0 : i32
    %dma_start3A_19 = tpu.memref_slice %arg7[%dma_start3A, %dma_start3A_18] : memref<200x128xi32, #tpu.memory_space<vmem>> -> memref<1x128xi32, #tpu.memory_space<vmem>>
    %dma_start3A_20 = tpu.memref_squeeze %dma_start3A_19 : memref<1x128xi32, #tpu.memory_space<vmem>> -> memref<128xi32, #tpu.memory_space<vmem>>
    %dma_start3A_21 = arith.constant 0 : i32
    %dma_start3A_22 = arith.constant 0 : i32
    %dma_start3A_23 = tpu.memref_slice %arg2[%dma_start3A_21, %dma_start3A_22] : memref<1000000x64xf32, #tpu.memory_space<hbm>> -> memref<1000000x64xf32, #tpu.memory_space<hbm>>
    tpu.enqueue_indirect_dma source(%dma_start3A_23 : memref<1000000x64xf32, #tpu.memory_space<hbm>>) target(%arg8 : memref<128x64xf32, #tpu.memory_space<vmem>>) offsets(%dma_start3A_20 : memref<128xi32, #tpu.memory_space<vmem>>) semaphore(%arg16 : memref<!tpu.dma_semaphore, #tpu.memory_space<semaphore_mem>>)
    %dma_start3A_24 = arith.constant 1 : i32
    %dma_start3A_25 = arith.constant 0 : i32
    %dma_start3A_26 = tpu.memref_slice %arg7[%dma_start3A_24, %dma_start3A_25] : memref<200x128xi32, #tpu.memory_space<vmem>> -> memref<1x128xi32, #tpu.memory_space<vmem>>
    %dma_start3A_27 = tpu.memref_squeeze %dma_start3A_26 : memref<1x128xi32, #tpu.memory_space<vmem>> -> memref<128xi32, #tpu.memory_space<vmem>>
    %dma_start3A_28 = arith.constant 0 : i32
    %dma_start3A_29 = arith.constant 0 : i32
    %dma_start3A_30 = tpu.memref_slice %arg2[%dma_start3A_28, %dma_start3A_29] : memref<1000000x64xf32, #tpu.memory_space<hbm>> -> memref<1000000x64xf32, #tpu.memory_space<hbm>>
    tpu.enqueue_indirect_dma source(%dma_start3A_30 : memref<1000000x64xf32, #tpu.memory_space<hbm>>) target(%arg9 : memref<128x64xf32, #tpu.memory_space<vmem>>) offsets(%dma_start3A_27 : memref<128xi32, #tpu.memory_space<vmem>>) semaphore(%arg17 : memref<!tpu.dma_semaphore, #tpu.memory_space<semaphore_mem>>)
    %scan3A = arith.constant 1.562500e-02 : f32
    %scan3A_31 = arith.constant 0 : i32
    %scan3A_32 = arith.constant 0 : i32
    %scan3A_33 = arith.constant 100 : i32
    %scan3A_34 = arith.addi %scan3A_32, %scan3A_33 : i32
    %scan3A_35 = arith.constant 1 : i32
    %scan3A_36 = scf.for %scan3A_49 = %scan3A_32 to %scan3A_34 step %scan3A_35 iter_args(%scan3A_50 = %scan3A_31) -> (i32)  : i32 {
      %mul3A_51 = arith.constant 2 : i32
      %mul3A_52 = arith.muli %mul3A_51, %scan3A_49 : i32
      %add3A_53 = arith.constant 0 : i32
      %add3A_54 = arith.addi %mul3A_52, %add3A_53 : i32
      %dma_wait3A_55 = arith.constant 0 : i32
      %dma_wait3A_56 = tpu.memref_slice %arg7[%add3A_54, %dma_wait3A_55] : memref<200x128xi32, #tpu.memory_space<vmem>> -> memref<1x128xi32, #tpu.memory_space<vmem>>
      %dma_wait3A_57 = tpu.memref_squeeze %dma_wait3A_56 : memref<1x128xi32, #tpu.memory_space<vmem>> -> memref<128xi32, #tpu.memory_space<vmem>>
      %dma_wait3A_58 = arith.constant 0 : i32
      %dma_wait3A_59 = arith.constant 0 : i32
      %dma_wait3A_60 = tpu.memref_slice %arg2[%dma_wait3A_58, %dma_wait3A_59] : memref<1000000x64xf32, #tpu.memory_space<hbm>> -> memref<1000000x64xf32, #tpu.memory_space<hbm>>
      tpu.wait_indirect_dma semaphore(%arg16 : memref<!tpu.dma_semaphore, #tpu.memory_space<semaphore_mem>>) src(%dma_wait3A_60 : memref<1000000x64xf32, #tpu.memory_space<hbm>>) dst(%arg8 : memref<128x64xf32, #tpu.memory_space<vmem>>)
      %ge3A = arith.constant 2 : i32
      %ge3A_61 = arith.cmpi sge, %add3A_54, %ge3A : i32
      %convert_element_type3A = arith.extui %ge3A_61 : i1 to i32
      %cond3A = arith.constant 0 : i32
      %cond3A_62 = arith.cmpi ne, %convert_element_type3A, %cond3A : i32
      scf.if %cond3A_62 {
        %sub3A = arith.constant 2 : i32
        %sub3A_118 = arith.subi %add3A_54, %sub3A : i32
        %mul3A_119 = arith.constant 128 : i32
        %mul3A_120 = arith.muli %sub3A_118, %mul3A_119 : i32
        %add3A_121 = arith.addi %mul3A_2, %mul3A_120 : i32
        %dma_wait3A_122 = arith.constant 0 : i32
        %dma_wait3A_123 = tpu.memref_slice %arg6[%add3A_121, %dma_wait3A_122] : memref<819200x64xf32, #tpu.memory_space<hbm>> -> memref<128x64xf32, #tpu.memory_space<hbm>>
        %dma_wait3A_124 = arith.constant 0 : i32
        %dma_wait3A_125 = tpu.memref_slice %arg6[%add3A_121, %dma_wait3A_124] : memref<819200x64xf32, #tpu.memory_space<hbm>> -> memref<128x64xf32, #tpu.memory_space<hbm>>
        tpu.wait_dma2 semaphore(%arg18 : memref<!tpu.dma_semaphore, #tpu.memory_space<semaphore_mem>>) src(%arg10 : memref<128x64xf32, #tpu.memory_space<vmem>>) dst(%dma_wait3A_125 : memref<128x64xf32, #tpu.memory_space<hbm>>)
      } else {
      }
      %scan3A_63 = arith.constant 0 : i32
      %scan3A_64 = arith.constant 0 : i32
      %scan3A_65 = arith.constant 8 : i32
      %scan3A_66 = arith.addi %scan3A_64, %scan3A_65 : i32
      %scan3A_67 = arith.constant 1 : i32
      %scan3A_68 = scf.for %scan3A_118 = %scan3A_64 to %scan3A_66 step %scan3A_67 iter_args(%scan3A_119 = %scan3A_63) -> (i32)  : i32 {
        %mul3A_120 = arith.constant 16 : i32
        %mul3A_121 = arith.muli %scan3A_118, %mul3A_120 : i32
        %add3A_122 = arith.constant 0 : i32
        %add3A_123 = arith.addi %mul3A_121, %add3A_122 : i32
        %get3A_124 = arith.index_cast %add3A_123 : i32 to index
        %get3A_125 = arith.constant 0 : index
        %get3A_126 = tpu.vector_load %arg8[%get3A_124, %get3A_125] {strides = array<i32>} : memref<128x64xf32, #tpu.memory_space<vmem>>, vector<16xf32>,
        %get3A_127 = arith.index_cast %add3A_123 : i32 to index
        %get3A_128 = arith.constant 16 : index
        %get3A_129 = tpu.vector_load %arg8[%get3A_127, %get3A_128] {strides = array<i32>} : memref<128x64xf32, #tpu.memory_space<vmem>>, vector<16xf32>,
        %get3A_130 = arith.index_cast %add3A_123 : i32 to index
        %get3A_131 = arith.constant 32 : index
        %get3A_132 = tpu.vector_load %arg8[%get3A_130, %get3A_131] {strides = array<i32>} : memref<128x64xf32, #tpu.memory_space<vmem>>, vector<16xf32>,
        %get3A_133 = arith.index_cast %add3A_123 : i32 to index
        %get3A_134 = arith.constant 48 : index
        %get3A_135 = tpu.vector_load %arg8[%get3A_133, %get3A_134] {strides = array<i32>} : memref<128x64xf32, #tpu.memory_space<vmem>>, vector<16xf32>,
        %add3A_136 = arith.addf %get3A_126, %get3A_129 : vector<16xf32>
        %add3A_137 = arith.addf %get3A_132, %get3A_135 : vector<16xf32>
        %add3A_138 = arith.addf %add3A_136, %add3A_137 : vector<16xf32>
        %mul3A_139 = arith.mulf %get3A_126, %get3A_126 : vector<16xf32>
        %mul3A_140 = arith.mulf %get3A_129, %get3A_129 : vector<16xf32>
        %add3A_141 = arith.addf %mul3A_139, %mul3A_140 : vector<16xf32>
        %mul3A_142 = arith.mulf %get3A_132, %get3A_132 : vector<16xf32>
        %mul3A_143 = arith.mulf %get3A_135, %get3A_135 : vector<16xf32>
        %add3A_144 = arith.addf %mul3A_142, %mul3A_143 : vector<16xf32>
        %add3A_145 = arith.addf %add3A_141, %add3A_144 : vector<16xf32>
        %swap3A = arith.constant 0 : i32
        %swap3A_146 = arith.index_cast %swap3A : i32 to index
        %swap3A_147 = arith.constant 0 : index
        %swap3A_148 = tpu.vector_load %arg12[%swap3A_146, %swap3A_147] {strides = array<i32>} : memref<16x16xf32, #tpu.memory_space<vmem>>, vector<16xf32>,
        tpu.vector_store %arg12[%swap3A_146, %swap3A_147], %add3A_138 {strides = array<i32>} : memref<16x16xf32, #tpu.memory_space<vmem>>, vector<16xf32>,
        %swap3A_149 = arith.constant 0 : i32
        %swap3A_150 = arith.index_cast %swap3A_149 : i32 to index
        %swap3A_151 = arith.constant 0 : index
        %swap3A_152 = tpu.vector_load %arg13[%swap3A_150, %swap3A_151] {strides = array<i32>} : memref<16x16xf32, #tpu.memory_space<vmem>>, vector<16xf32>,
        tpu.vector_store %arg13[%swap3A_150, %swap3A_151], %add3A_145 {strides = array<i32>} : memref<16x16xf32, #tpu.memory_space<vmem>>, vector<16xf32>,
        %add3A_153 = arith.constant 1 : i32
        %add3A_154 = arith.addi %mul3A_121, %add3A_153 : i32
        %get3A_155 = arith.index_cast %add3A_154 : i32 to index
        %get3A_156 = arith.constant 0 : index
        %get3A_157 = tpu.vector_load %arg8[%get3A_155, %get3A_156] {strides = array<i32>} : memref<128x64xf32, #tpu.memory_space<vmem>>, vector<16xf32>,
        %get3A_158 = arith.index_cast %add3A_154 : i32 to index
        %get3A_159 = arith.constant 16 : index
        %get3A_160 = tpu.vector_load %arg8[%get3A_158, %get3A_159] {strides = array<i32>} : memref<128x64xf32, #tpu.memory_space<vmem>>, vector<16xf32>,
        %get3A_161 = arith.index_cast %add3A_154 : i32 to index
        %get3A_162 = arith.constant 32 : index
        %get3A_163 = tpu.vector_load %arg8[%get3A_161, %get3A_162] {strides = array<i32>} : memref<128x64xf32, #tpu.memory_space<vmem>>, vector<16xf32>,
        %get3A_164 = arith.index_cast %add3A_154 : i32 to index
        %get3A_165 = arith.constant 48 : index
        %get3A_166 = tpu.vector_load %arg8[%get3A_164, %get3A_165] {strides = array<i32>} : memref<128x64xf32, #tpu.memory_space<vmem>>, vector<16xf32>,
        %add3A_167 = arith.addf %get3A_157, %get3A_160 : vector<16xf32>
        %add3A_168 = arith.addf %get3A_163, %get3A_166 : vector<16xf32>
        %add3A_169 = arith.addf %add3A_167, %add3A_168 : vector<16xf32>
        %mul3A_170 = arith.mulf %get3A_157, %get3A_157 : vector<16xf32>
        %mul3A_171 = arith.mulf %get3A_160, %get3A_160 : vector<16xf32>
        %add3A_172 = arith.addf %mul3A_170, %mul3A_171 : vector<16xf32>
        %mul3A_173 = arith.mulf %get3A_163, %get3A_163 : vector<16xf32>
        %mul3A_174 = arith.mulf %get3A_166, %get3A_166 : vector<16xf32>
        %add3A_175 = arith.addf %mul3A_173, %mul3A_174 : vector<16xf32>
        %add3A_176 = arith.addf %add3A_172, %add3A_175 : vector<16xf32>
        %swap3A_177 = arith.constant 1 : i32
        %swap3A_178 = arith.index_cast %swap3A_177 : i32 to index
        %swap3A_179 = arith.constant 0 : index
        %swap3A_180 = tpu.vector_load %arg12[%swap3A_178, %swap3A_179] {strides = array<i32>} : memref<16x16xf32, #tpu.memory_space<vmem>>, vector<16xf32>,
        tpu.vector_store %arg12[%swap3A_178, %swap3A_179], %add3A_169 {strides = array<i32>} : memref<16x16xf32, #tpu.memory_space<vmem>>, vector<16xf32>,
        %swap3A_181 = arith.constant 1 : i32
        %swap3A_182 = arith.index_cast %swap3A_181 : i32 to index
        %swap3A_183 = arith.constant 0 : index
        %swap3A_184 = tpu.vector_load %arg13[%swap3A_182, %swap3A_183] {strides = array<i32>} : memref<16x16xf32, #tpu.memory_space<vmem>>, vector<16xf32>,
        tpu.vector_store %arg13[%swap3A_182, %swap3A_183], %add3A_176 {strides = array<i32>} : memref<16x16xf32, #tpu.memory_space<vmem>>, vector<16xf32>,
        %add3A_185 = arith.constant 2 : i32
        %add3A_186 = arith.addi %mul3A_121, %add3A_185 : i32
        %get3A_187 = arith.index_cast %add3A_186 : i32 to index
        %get3A_188 = arith.constant 0 : index
        %get3A_189 = tpu.vector_load %arg8[%get3A_187, %get3A_188] {strides = array<i32>} : memref<128x64xf32, #tpu.memory_space<vmem>>, vector<16xf32>,
        %get3A_190 = arith.index_cast %add3A_186 : i32 to index
        %get3A_191 = arith.constant 16 : index
        %get3A_192 = tpu.vector_load %arg8[%get3A_190, %get3A_191] {strides = array<i32>} : memref<128x64xf32, #tpu.memory_space<vmem>>, vector<16xf32>,
        %get3A_193 = arith.index_cast %add3A_186 : i32 to index
        %get3A_194 = arith.constant 32 : index
        %get3A_195 = tpu.vector_load %arg8[%get3A_193, %get3A_194] {strides = array<i32>} : memref<128x64xf32, #tpu.memory_space<vmem>>, vector<16xf32>,
        %get3A_196 = arith.index_cast %add3A_186 : i32 to index
        %get3A_197 = arith.constant 48 : index
        %get3A_198 = tpu.vector_load %arg8[%get3A_196, %get3A_197] {strides = array<i32>} : memref<128x64xf32, #tpu.memory_space<vmem>>, vector<16xf32>,
        %add3A_199 = arith.addf %get3A_189, %get3A_192 : vector<16xf32>
        %add3A_200 = arith.addf %get3A_195, %get3A_198 : vector<16xf32>
        %add3A_201 = arith.addf %add3A_199, %add3A_200 : vector<16xf32>
        %mul3A_202 = arith.mulf %get3A_189, %get3A_189 : vector<16xf32>
        %mul3A_203 = arith.mulf %get3A_192, %get3A_192 : vector<16xf32>
        %add3A_204 = arith.addf %mul3A_202, %mul3A_203 : vector<16xf32>
        %mul3A_205 = arith.mulf %get3A_195, %get3A_195 : vector<16xf32>
        %mul3A_206 = arith.mulf %get3A_198, %get3A_198 : vector<16xf32>
        %add3A_207 = arith.addf %mul3A_205, %mul3A_206 : vector<16xf32>
        %add3A_208 = arith.addf %add3A_204, %add3A_207 : vector<16xf32>
        %swap3A_209 = arith.constant 2 : i32
        %swap3A_210 = arith.index_cast %swap3A_209 : i32 to index
        %swap3A_211 = arith.constant 0 : index
        %swap3A_212 = tpu.vector_load %arg12[%swap3A_210, %swap3A_211] {strides = array<i32>} : memref<16x16xf32, #tpu.memory_space<vmem>>, vector<16xf32>,
        tpu.vector_store %arg12[%swap3A_210, %swap3A_211], %add3A_201 {strides = array<i32>} : memref<16x16xf32, #tpu.memory_space<vmem>>, vector<16xf32>,
        %swap3A_213 = arith.constant 2 : i32
        %swap3A_214 = arith.index_cast %swap3A_213 : i32 to index
        %swap3A_215 = arith.constant 0 : index
        %swap3A_216 = tpu.vector_load %arg13[%swap3A_214, %swap3A_215] {strides = array<i32>} : memref<16x16xf32, #tpu.memory_space<vmem>>, vector<16xf32>,
        tpu.vector_store %arg13[%swap3A_214, %swap3A_215], %add3A_208 {strides = array<i32>} : memref<16x16xf32, #tpu.memory_space<vmem>>, vector<16xf32>,
        %add3A_217 = arith.constant 3 : i32
        %add3A_218 = arith.addi %mul3A_121, %add3A_217 : i32
        %get3A_219 = arith.index_cast %add3A_218 : i32 to index
        %get3A_220 = arith.constant 0 : index
        %get3A_221 = tpu.vector_load %arg8[%get3A_219, %get3A_220] {strides = array<i32>} : memref<128x64xf32, #tpu.memory_space<vmem>>, vector<16xf32>,
        %get3A_222 = arith.index_cast %add3A_218 : i32 to index
        %get3A_223 = arith.constant 16 : index
        %get3A_224 = tpu.vector_load %arg8[%get3A_222, %get3A_223] {strides = array<i32>} : memref<128x64xf32, #tpu.memory_space<vmem>>, vector<16xf32>,
        %get3A_225 = arith.index_cast %add3A_218 : i32 to index
        %get3A_226 = arith.constant 32 : index
        %get3A_227 = tpu.vector_load %arg8[%get3A_225, %get3A_226] {strides = array<i32>} : memref<128x64xf32, #tpu.memory_space<vmem>>, vector<16xf32>,
        %get3A_228 = arith.index_cast %add3A_218 : i32 to index
        %get3A_229 = arith.constant 48 : index
        %get3A_230 = tpu.vector_load %arg8[%get3A_228, %get3A_229] {strides = array<i32>} : memref<128x64xf32, #tpu.memory_space<vmem>>, vector<16xf32>,
        %add3A_231 = arith.addf %get3A_221, %get3A_224 : vector<16xf32>
        %add3A_232 = arith.addf %get3A_227, %get3A_230 : vector<16xf32>
        %add3A_233 = arith.addf %add3A_231, %add3A_232 : vector<16xf32>
        %mul3A_234 = arith.mulf %get3A_221, %get3A_221 : vector<16xf32>
        %mul3A_235 = arith.mulf %get3A_224, %get3A_224 : vector<16xf32>
        %add3A_236 = arith.addf %mul3A_234, %mul3A_235 : vector<16xf32>
        %mul3A_237 = arith.mulf %get3A_227, %get3A_227 : vector<16xf32>
        %mul3A_238 = arith.mulf %get3A_230, %get3A_230 : vector<16xf32>
        %add3A_239 = arith.addf %mul3A_237, %mul3A_238 : vector<16xf32>
        %add3A_240 = arith.addf %add3A_236, %add3A_239 : vector<16xf32>
        %swap3A_241 = arith.constant 3 : i32
        %swap3A_242 = arith.index_cast %swap3A_241 : i32 to index
        %swap3A_243 = arith.constant 0 : index
        %swap3A_244 = tpu.vector_load %arg12[%swap3A_242, %swap3A_243] {strides = array<i32>} : memref<16x16xf32, #tpu.memory_space<vmem>>, vector<16xf32>,
        tpu.vector_store %arg12[%swap3A_242, %swap3A_243], %add3A_233 {strides = array<i32>} : memref<16x16xf32, #tpu.memory_space<vmem>>, vector<16xf32>,
        %swap3A_245 = arith.constant 3 : i32
        %swap3A_246 = arith.index_cast %swap3A_245 : i32 to index
        %swap3A_247 = arith.constant 0 : index
        %swap3A_248 = tpu.vector_load %arg13[%swap3A_246, %swap3A_247] {strides = array<i32>} : memref<16x16xf32, #tpu.memory_space<vmem>>, vector<16xf32>,
        tpu.vector_store %arg13[%swap3A_246, %swap3A_247], %add3A_240 {strides = array<i32>} : memref<16x16xf32, #tpu.memory_space<vmem>>, vector<16xf32>,
        %add3A_249 = arith.constant 4 : i32
        %add3A_250 = arith.addi %mul3A_121, %add3A_249 : i32
        %get3A_251 = arith.index_cast %add3A_250 : i32 to index
        %get3A_252 = arith.constant 0 : index
        %get3A_253 = tpu.vector_load %arg8[%get3A_251, %get3A_252] {strides = array<i32>} : memref<128x64xf32, #tpu.memory_space<vmem>>, vector<16xf32>,
        %get3A_254 = arith.index_cast %add3A_250 : i32 to index
        %get3A_255 = arith.constant 16 : index
        %get3A_256 = tpu.vector_load %arg8[%get3A_254, %get3A_255] {strides = array<i32>} : memref<128x64xf32, #tpu.memory_space<vmem>>, vector<16xf32>,
        %get3A_257 = arith.index_cast %add3A_250 : i32 to index
        %get3A_258 = arith.constant 32 : index
        %get3A_259 = tpu.vector_load %arg8[%get3A_257, %get3A_258] {strides = array<i32>} : memref<128x64xf32, #tpu.memory_space<vmem>>, vector<16xf32>,
        %get3A_260 = arith.index_cast %add3A_250 : i32 to index
        %get3A_261 = arith.constant 48 : index
        %get3A_262 = tpu.vector_load %arg8[%get3A_260, %get3A_261] {strides = array<i32>} : memref<128x64xf32, #tpu.memory_space<vmem>>, vector<16xf32>,
        %add3A_263 = arith.addf %get3A_253, %get3A_256 : vector<16xf32>
        %add3A_264 = arith.addf %get3A_259, %get3A_262 : vector<16xf32>
        %add3A_265 = arith.addf %add3A_263, %add3A_264 : vector<16xf32>
        %mul3A_266 = arith.mulf %get3A_253, %get3A_253 : vector<16xf32>
        %mul3A_267 = arith.mulf %get3A_256, %get3A_256 : vector<16xf32>
        %add3A_268 = arith.addf %mul3A_266, %mul3A_267 : vector<16xf32>
        %mul3A_269 = arith.mulf %get3A_259, %get3A_259 : vector<16xf32>
        %mul3A_270 = arith.mulf %get3A_262, %get3A_262 : vector<16xf32>
        %add3A_271 = arith.addf %mul3A_269, %mul3A_270 : vector<16xf32>
        %add3A_272 = arith.addf %add3A_268, %add3A_271 : vector<16xf32>
        %swap3A_273 = arith.constant 4 : i32
        %swap3A_274 = arith.index_cast %swap3A_273 : i32 to index
        %swap3A_275 = arith.constant 0 : index
        %swap3A_276 = tpu.vector_load %arg12[%swap3A_274, %swap3A_275] {strides = array<i32>} : memref<16x16xf32, #tpu.memory_space<vmem>>, vector<16xf32>,
        tpu.vector_store %arg12[%swap3A_274, %swap3A_275], %add3A_265 {strides = array<i32>} : memref<16x16xf32, #tpu.memory_space<vmem>>, vector<16xf32>,
        %swap3A_277 = arith.constant 4 : i32
        %swap3A_278 = arith.index_cast %swap3A_277 : i32 to index
        %swap3A_279 = arith.constant 0 : index
        %swap3A_280 = tpu.vector_load %arg13[%swap3A_278, %swap3A_279] {strides = array<i32>} : memref<16x16xf32, #tpu.memory_space<vmem>>, vector<16xf32>,
        tpu.vector_store %arg13[%swap3A_278, %swap3A_279], %add3A_272 {strides = array<i32>} : memref<16x16xf32, #tpu.memory_space<vmem>>, vector<16xf32>,
        %add3A_281 = arith.constant 5 : i32
        %add3A_282 = arith.addi %mul3A_121, %add3A_281 : i32
        %get3A_283 = arith.index_cast %add3A_282 : i32 to index
        %get3A_284 = arith.constant 0 : index
        %get3A_285 = tpu.vector_load %arg8[%get3A_283, %get3A_284] {strides = array<i32>} : memref<128x64xf32, #tpu.memory_space<vmem>>, vector<16xf32>,
        %get3A_286 = arith.index_cast %add3A_282 : i32 to index
        %get3A_287 = arith.constant 16 : index
        %get3A_288 = tpu.vector_load %arg8[%get3A_286, %get3A_287] {strides = array<i32>} : memref<128x64xf32, #tpu.memory_space<vmem>>, vector<16xf32>,
        %get3A_289 = arith.index_cast %add3A_282 : i32 to index
        %get3A_290 = arith.constant 32 : index
        %get3A_291 = tpu.vector_load %arg8[%get3A_289, %get3A_290] {strides = array<i32>} : memref<128x64xf32, #tpu.memory_space<vmem>>, vector<16xf32>,
        %get3A_292 = arith.index_cast %add3A_282 : i32 to index
        %get3A_293 = arith.constant 48 : index
        %get3A_294 = tpu.vector_load %arg8[%get3A_292, %get3A_293] {strides = array<i32>} : memref<128x64xf32, #tpu.memory_space<vmem>>, vector<16xf32>,
        %add3A_295 = arith.addf %get3A_285, %get3A_288 : vector<16xf32>
        %add3A_296 = arith.addf %get3A_291, %get3A_294 : vector<16xf32>
        %add3A_297 = arith.addf %add3A_295, %add3A_296 : vector<16xf32>
        %mul3A_298 = arith.mulf %get3A_285, %get3A_285 : vector<16xf32>
        %mul3A_299 = arith.mulf %get3A_288, %get3A_288 : vector<16xf32>
        %add3A_300 = arith.addf %mul3A_298, %mul3A_299 : vector<16xf32>
        %mul3A_301 = arith.mulf %get3A_291, %get3A_291 : vector<16xf32>
        %mul3A_302 = arith.mulf %get3A_294, %get3A_294 : vector<16xf32>
        %add3A_303 = arith.addf %mul3A_301, %mul3A_302 : vector<16xf32>
        %add3A_304 = arith.addf %add3A_300, %add3A_303 : vector<16xf32>
        %swap3A_305 = arith.constant 5 : i32
        %swap3A_306 = arith.index_cast %swap3A_305 : i32 to index
        %swap3A_307 = arith.constant 0 : index
        %swap3A_308 = tpu.vector_load %arg12[%swap3A_306, %swap3A_307] {strides = array<i32>} : memref<16x16xf32, #tpu.memory_space<vmem>>, vector<16xf32>,
        tpu.vector_store %arg12[%swap3A_306, %swap3A_307], %add3A_297 {strides = array<i32>} : memref<16x16xf32, #tpu.memory_space<vmem>>, vector<16xf32>,
        %swap3A_309 = arith.constant 5 : i32
        %swap3A_310 = arith.index_cast %swap3A_309 : i32 to index
        %swap3A_311 = arith.constant 0 : index
        %swap3A_312 = tpu.vector_load %arg13[%swap3A_310, %swap3A_311] {strides = array<i32>} : memref<16x16xf32, #tpu.memory_space<vmem>>, vector<16xf32>,
        tpu.vector_store %arg13[%swap3A_310, %swap3A_311], %add3A_304 {strides = array<i32>} : memref<16x16xf32, #tpu.memory_space<vmem>>, vector<16xf32>,
        %add3A_313 = arith.constant 6 : i32
        %add3A_314 = arith.addi %mul3A_121, %add3A_313 : i32
        %get3A_315 = arith.index_cast %add3A_314 : i32 to index
        %get3A_316 = arith.constant 0 : index
        %get3A_317 = tpu.vector_load %arg8[%get3A_315, %get3A_316] {strides = array<i32>} : memref<128x64xf32, #tpu.memory_space<vmem>>, vector<16xf32>,
        %get3A_318 = arith.index_cast %add3A_314 : i32 to index
        %get3A_319 = arith.constant 16 : index
        %get3A_320 = tpu.vector_load %arg8[%get3A_318, %get3A_319] {strides = array<i32>} : memref<128x64xf32, #tpu.memory_space<vmem>>, vector<16xf32>,
        %get3A_321 = arith.index_cast %add3A_314 : i32 to index
        %get3A_322 = arith.constant 32 : index
        %get3A_323 = tpu.vector_load %arg8[%get3A_321, %get3A_322] {strides = array<i32>} : memref<128x64xf32, #tpu.memory_space<vmem>>, vector<16xf32>,
        %get3A_324 = arith.index_cast %add3A_314 : i32 to index
        %get3A_325 = arith.constant 48 : index
        %get3A_326 = tpu.vector_load %arg8[%get3A_324, %get3A_325] {strides = array<i32>} : memref<128x64xf32, #tpu.memory_space<vmem>>, vector<16xf32>,
        %add3A_327 = arith.addf %get3A_317, %get3A_320 : vector<16xf32>
        %add3A_328 = arith.addf %get3A_323, %get3A_326 : vector<16xf32>
        %add3A_329 = arith.addf %add3A_327, %add3A_328 : vector<16xf32>
        %mul3A_330 = arith.mulf %get3A_317, %get3A_317 : vector<16xf32>
        %mul3A_331 = arith.mulf %get3A_320, %get3A_320 : vector<16xf32>
        %add3A_332 = arith.addf %mul3A_330, %mul3A_331 : vector<16xf32>
        %mul3A_333 = arith.mulf %get3A_323, %get3A_323 : vector<16xf32>
        %mul3A_334 = arith.mulf %get3A_326, %get3A_326 : vector<16xf32>
        %add3A_335 = arith.addf %mul3A_333, %mul3A_334 : vector<16xf32>
        %add3A_336 = arith.addf %add3A_332, %add3A_335 : vector<16xf32>
        %swap3A_337 = arith.constant 6 : i32
        %swap3A_338 = arith.index_cast %swap3A_337 : i32 to index
        %swap3A_339 = arith.constant 0 : index
        %swap3A_340 = tpu.vector_load %arg12[%swap3A_338, %swap3A_339] {strides = array<i32>} : memref<16x16xf32, #tpu.memory_space<vmem>>, vector<16xf32>,
        tpu.vector_store %arg12[%swap3A_338, %swap3A_339], %add3A_329 {strides = array<i32>} : memref<16x16xf32, #tpu.memory_space<vmem>>, vector<16xf32>,
        %swap3A_341 = arith.constant 6 : i32
        %swap3A_342 = arith.index_cast %swap3A_341 : i32 to index
        %swap3A_343 = arith.constant 0 : index
        %swap3A_344 = tpu.vector_load %arg13[%swap3A_342, %swap3A_343] {strides = array<i32>} : memref<16x16xf32, #tpu.memory_space<vmem>>, vector<16xf32>,
        tpu.vector_store %arg13[%swap3A_342, %swap3A_343], %add3A_336 {strides = array<i32>} : memref<16x16xf32, #tpu.memory_space<vmem>>, vector<16xf32>,
        %add3A_345 = arith.constant 7 : i32
        %add3A_346 = arith.addi %mul3A_121, %add3A_345 : i32
        %get3A_347 = arith.index_cast %add3A_346 : i32 to index
        %get3A_348 = arith.constant 0 : index
        %get3A_349 = tpu.vector_load %arg8[%get3A_347, %get3A_348] {strides = array<i32>} : memref<128x64xf32, #tpu.memory_space<vmem>>, vector<16xf32>,
        %get3A_350 = arith.index_cast %add3A_346 : i32 to index
        %get3A_351 = arith.constant 16 : index
        %get3A_352 = tpu.vector_load %arg8[%get3A_350, %get3A_351] {strides = array<i32>} : memref<128x64xf32, #tpu.memory_space<vmem>>, vector<16xf32>,
        %get3A_353 = arith.index_cast %add3A_346 : i32 to index
        %get3A_354 = arith.constant 32 : index
        %get3A_355 = tpu.vector_load %arg8[%get3A_353, %get3A_354] {strides = array<i32>} : memref<128x64xf32, #tpu.memory_space<vmem>>, vector<16xf32>,
        %get3A_356 = arith.index_cast %add3A_346 : i32 to index
        %get3A_357 = arith.constant 48 : index
        %get3A_358 = tpu.vector_load %arg8[%get3A_356, %get3A_357] {strides = array<i32>} : memref<128x64xf32, #tpu.memory_space<vmem>>, vector<16xf32>,
        %add3A_359 = arith.addf %get3A_349, %get3A_352 : vector<16xf32>
        %add3A_360 = arith.addf %get3A_355, %get3A_358 : vector<16xf32>
        %add3A_361 = arith.addf %add3A_359, %add3A_360 : vector<16xf32>
        %mul3A_362 = arith.mulf %get3A_349, %get3A_349 : vector<16xf32>
        %mul3A_363 = arith.mulf %get3A_352, %get3A_352 : vector<16xf32>
        %add3A_364 = arith.addf %mul3A_362, %mul3A_363 : vector<16xf32>
        %mul3A_365 = arith.mulf %get3A_355, %get3A_355 : vector<16xf32>
        %mul3A_366 = arith.mulf %get3A_358, %get3A_358 : vector<16xf32>
        %add3A_367 = arith.addf %mul3A_365, %mul3A_366 : vector<16xf32>
        %add3A_368 = arith.addf %add3A_364, %add3A_367 : vector<16xf32>
        %swap3A_369 = arith.constant 7 : i32
        %swap3A_370 = arith.index_cast %swap3A_369 : i32 to index
        %swap3A_371 = arith.constant 0 : index
        %swap3A_372 = tpu.vector_load %arg12[%swap3A_370, %swap3A_371] {strides = array<i32>} : memref<16x16xf32, #tpu.memory_space<vmem>>, vector<16xf32>,
        tpu.vector_store %arg12[%swap3A_370, %swap3A_371], %add3A_361 {strides = array<i32>} : memref<16x16xf32, #tpu.memory_space<vmem>>, vector<16xf32>,
        %swap3A_373 = arith.constant 7 : i32
        %swap3A_374 = arith.index_cast %swap3A_373 : i32 to index
        %swap3A_375 = arith.constant 0 : index
        %swap3A_376 = tpu.vector_load %arg13[%swap3A_374, %swap3A_375] {strides = array<i32>} : memref<16x16xf32, #tpu.memory_space<vmem>>, vector<16xf32>,
        tpu.vector_store %arg13[%swap3A_374, %swap3A_375], %add3A_368 {strides = array<i32>} : memref<16x16xf32, #tpu.memory_space<vmem>>, vector<16xf32>,
        %add3A_377 = arith.constant 8 : i32
        %add3A_378 = arith.addi %mul3A_121, %add3A_377 : i32
        %get3A_379 = arith.index_cast %add3A_378 : i32 to index
        %get3A_380 = arith.constant 0 : index
        %get3A_381 = tpu.vector_load %arg8[%get3A_379, %get3A_380] {strides = array<i32>} : memref<128x64xf32, #tpu.memory_space<vmem>>, vector<16xf32>,
        %get3A_382 = arith.index_cast %add3A_378 : i32 to index
        %get3A_383 = arith.constant 16 : index
        %get3A_384 = tpu.vector_load %arg8[%get3A_382, %get3A_383] {strides = array<i32>} : memref<128x64xf32, #tpu.memory_space<vmem>>, vector<16xf32>,
        %get3A_385 = arith.index_cast %add3A_378 : i32 to index
        %get3A_386 = arith.constant 32 : index
        %get3A_387 = tpu.vector_load %arg8[%get3A_385, %get3A_386] {strides = array<i32>} : memref<128x64xf32, #tpu.memory_space<vmem>>, vector<16xf32>,
        %get3A_388 = arith.index_cast %add3A_378 : i32 to index
        %get3A_389 = arith.constant 48 : index
        %get3A_390 = tpu.vector_load %arg8[%get3A_388, %get3A_389] {strides = array<i32>} : memref<128x64xf32, #tpu.memory_space<vmem>>, vector<16xf32>,
        %add3A_391 = arith.addf %get3A_381, %get3A_384 : vector<16xf32>
        %add3A_392 = arith.addf %get3A_387, %get3A_390 : vector<16xf32>
        %add3A_393 = arith.addf %add3A_391, %add3A_392 : vector<16xf32>
        %mul3A_394 = arith.mulf %get3A_381, %get3A_381 : vector<16xf32>
        %mul3A_395 = arith.mulf %get3A_384, %get3A_384 : vector<16xf32>
        %add3A_396 = arith.addf %mul3A_394, %mul3A_395 : vector<16xf32>
        %mul3A_397 = arith.mulf %get3A_387, %get3A_387 : vector<16xf32>
        %mul3A_398 = arith.mulf %get3A_390, %get3A_390 : vector<16xf32>
        %add3A_399 = arith.addf %mul3A_397, %mul3A_398 : vector<16xf32>
        %add3A_400 = arith.addf %add3A_396, %add3A_399 : vector<16xf32>
        %swap3A_401 = arith.constant 8 : i32
        %swap3A_402 = arith.index_cast %swap3A_401 : i32 to index
        %swap3A_403 = arith.constant 0 : index
        %swap3A_404 = tpu.vector_load %arg12[%swap3A_402, %swap3A_403] {strides = array<i32>} : memref<16x16xf32, #tpu.memory_space<vmem>>, vector<16xf32>,
        tpu.vector_store %arg12[%swap3A_402, %swap3A_403], %add3A_393 {strides = array<i32>} : memref<16x16xf32, #tpu.memory_space<vmem>>, vector<16xf32>,
        %swap3A_405 = arith.constant 8 : i32
        %swap3A_406 = arith.index_cast %swap3A_405 : i32 to index
        %swap3A_407 = arith.constant 0 : index
        %swap3A_408 = tpu.vector_load %arg13[%swap3A_406, %swap3A_407] {strides = array<i32>} : memref<16x16xf32, #tpu.memory_space<vmem>>, vector<16xf32>,
        tpu.vector_store %arg13[%swap3A_406, %swap3A_407], %add3A_400 {strides = array<i32>} : memref<16x16xf32, #tpu.memory_space<vmem>>, vector<16xf32>,
        %add3A_409 = arith.constant 9 : i32
        %add3A_410 = arith.addi %mul3A_121, %add3A_409 : i32
        %get3A_411 = arith.index_cast %add3A_410 : i32 to index
        %get3A_412 = arith.constant 0 : index
        %get3A_413 = tpu.vector_load %arg8[%get3A_411, %get3A_412] {strides = array<i32>} : memref<128x64xf32, #tpu.memory_space<vmem>>, vector<16xf32>,
        %get3A_414 = arith.index_cast %add3A_410 : i32 to index
        %get3A_415 = arith.constant 16 : index
        %get3A_416 = tpu.vector_load %arg8[%get3A_414, %get3A_415] {strides = array<i32>} : memref<128x64xf32, #tpu.memory_space<vmem>>, vector<16xf32>,
        %get3A_417 = arith.index_cast %add3A_410 : i32 to index
        %get3A_418 = arith.constant 32 : index
        %get3A_419 = tpu.vector_load %arg8[%get3A_417, %get3A_418] {strides = array<i32>} : memref<128x64xf32, #tpu.memory_space<vmem>>, vector<16xf32>,
        %get3A_420 = arith.index_cast %add3A_410 : i32 to index
        %get3A_421 = arith.constant 48 : index
        %get3A_422 = tpu.vector_load %arg8[%get3A_420, %get3A_421] {strides = array<i32>} : memref<128x64xf32, #tpu.memory_space<vmem>>, vector<16xf32>,
        %add3A_423 = arith.addf %get3A_413, %get3A_416 : vector<16xf32>
        %add3A_424 = arith.addf %get3A_419, %get3A_422 : vector<16xf32>
        %add3A_425 = arith.addf %add3A_423, %add3A_424 : vector<16xf32>
        %mul3A_426 = arith.mulf %get3A_413, %get3A_413 : vector<16xf32>
        %mul3A_427 = arith.mulf %get3A_416, %get3A_416 : vector<16xf32>
        %add3A_428 = arith.addf %mul3A_426, %mul3A_427 : vector<16xf32>
        %mul3A_429 = arith.mulf %get3A_419, %get3A_419 : vector<16xf32>
        %mul3A_430 = arith.mulf %get3A_422, %get3A_422 : vector<16xf32>
        %add3A_431 = arith.addf %mul3A_429, %mul3A_430 : vector<16xf32>
        %add3A_432 = arith.addf %add3A_428, %add3A_431 : vector<16xf32>
        %swap3A_433 = arith.constant 9 : i32
        %swap3A_434 = arith.index_cast %swap3A_433 : i32 to index
        %swap3A_435 = arith.constant 0 : index
        %swap3A_436 = tpu.vector_load %arg12[%swap3A_434, %swap3A_435] {strides = array<i32>} : memref<16x16xf32, #tpu.memory_space<vmem>>, vector<16xf32>,
        tpu.vector_store %arg12[%swap3A_434, %swap3A_435], %add3A_425 {strides = array<i32>} : memref<16x16xf32, #tpu.memory_space<vmem>>, vector<16xf32>,
        %swap3A_437 = arith.constant 9 : i32
        %swap3A_438 = arith.index_cast %swap3A_437 : i32 to index
        %swap3A_439 = arith.constant 0 : index
        %swap3A_440 = tpu.vector_load %arg13[%swap3A_438, %swap3A_439] {strides = array<i32>} : memref<16x16xf32, #tpu.memory_space<vmem>>, vector<16xf32>,
        tpu.vector_store %arg13[%swap3A_438, %swap3A_439], %add3A_432 {strides = array<i32>} : memref<16x16xf32, #tpu.memory_space<vmem>>, vector<16xf32>,
        %add3A_441 = arith.constant 10 : i32
        %add3A_442 = arith.addi %mul3A_121, %add3A_441 : i32
        %get3A_443 = arith.index_cast %add3A_442 : i32 to index
        %get3A_444 = arith.constant 0 : index
        %get3A_445 = tpu.vector_load %arg8[%get3A_443, %get3A_444] {strides = array<i32>} : memref<128x64xf32, #tpu.memory_space<vmem>>, vector<16xf32>,
        %get3A_446 = arith.index_cast %add3A_442 : i32 to index
        %get3A_447 = arith.constant 16 : index
        %get3A_448 = tpu.vector_load %arg8[%get3A_446, %get3A_447] {strides = array<i32>} : memref<128x64xf32, #tpu.memory_space<vmem>>, vector<16xf32>,
        %get3A_449 = arith.index_cast %add3A_442 : i32 to index
        %get3A_450 = arith.constant 32 : index
        %get3A_451 = tpu.vector_load %arg8[%get3A_449, %get3A_450] {strides = array<i32>} : memref<128x64xf32, #tpu.memory_space<vmem>>, vector<16xf32>,
        %get3A_452 = arith.index_cast %add3A_442 : i32 to index
        %get3A_453 = arith.constant 48 : index
        %get3A_454 = tpu.vector_load %arg8[%get3A_452, %get3A_453] {strides = array<i32>} : memref<128x64xf32, #tpu.memory_space<vmem>>, vector<16xf32>,
        %add3A_455 = arith.addf %get3A_445, %get3A_448 : vector<16xf32>
        %add3A_456 = arith.addf %get3A_451, %get3A_454 : vector<16xf32>
        %add3A_457 = arith.addf %add3A_455, %add3A_456 : vector<16xf32>
        %mul3A_458 = arith.mulf %get3A_445, %get3A_445 : vector<16xf32>
        %mul3A_459 = arith.mulf %get3A_448, %get3A_448 : vector<16xf32>
        %add3A_460 = arith.addf %mul3A_458, %mul3A_459 : vector<16xf32>
        %mul3A_461 = arith.mulf %get3A_451, %get3A_451 : vector<16xf32>
        %mul3A_462 = arith.mulf %get3A_454, %get3A_454 : vector<16xf32>
        %add3A_463 = arith.addf %mul3A_461, %mul3A_462 : vector<16xf32>
        %add3A_464 = arith.addf %add3A_460, %add3A_463 : vector<16xf32>
        %swap3A_465 = arith.constant 10 : i32
        %swap3A_466 = arith.index_cast %swap3A_465 : i32 to index
        %swap3A_467 = arith.constant 0 : index
        %swap3A_468 = tpu.vector_load %arg12[%swap3A_466, %swap3A_467] {strides = array<i32>} : memref<16x16xf32, #tpu.memory_space<vmem>>, vector<16xf32>,
        tpu.vector_store %arg12[%swap3A_466, %swap3A_467], %add3A_457 {strides = array<i32>} : memref<16x16xf32, #tpu.memory_space<vmem>>, vector<16xf32>,
        %swap3A_469 = arith.constant 10 : i32
        %swap3A_470 = arith.index_cast %swap3A_469 : i32 to index
        %swap3A_471 = arith.constant 0 : index
        %swap3A_472 = tpu.vector_load %arg13[%swap3A_470, %swap3A_471] {strides = array<i32>} : memref<16x16xf32, #tpu.memory_space<vmem>>, vector<16xf32>,
        tpu.vector_store %arg13[%swap3A_470, %swap3A_471], %add3A_464 {strides = array<i32>} : memref<16x16xf32, #tpu.memory_space<vmem>>, vector<16xf32>,
        %add3A_473 = arith.constant 11 : i32
        %add3A_474 = arith.addi %mul3A_121, %add3A_473 : i32
        %get3A_475 = arith.index_cast %add3A_474 : i32 to index
        %get3A_476 = arith.constant 0 : index
        %get3A_477 = tpu.vector_load %arg8[%get3A_475, %get3A_476] {strides = array<i32>} : memref<128x64xf32, #tpu.memory_space<vmem>>, vector<16xf32>,
        %get3A_478 = arith.index_cast %add3A_474 : i32 to index
        %get3A_479 = arith.constant 16 : index
        %get3A_480 = tpu.vector_load %arg8[%get3A_478, %get3A_479] {strides = array<i32>} : memref<128x64xf32, #tpu.memory_space<vmem>>, vector<16xf32>,
        %get3A_481 = arith.index_cast %add3A_474 : i32 to index
        %get3A_482 = arith.constant 32 : index
        %get3A_483 = tpu.vector_load %arg8[%get3A_481, %get3A_482] {strides = array<i32>} : memref<128x64xf32, #tpu.memory_space<vmem>>, vector<16xf32>,
        %get3A_484 = arith.index_cast %add3A_474 : i32 to index
        %get3A_485 = arith.constant 48 : index
        %get3A_486 = tpu.vector_load %arg8[%get3A_484, %get3A_485] {strides = array<i32>} : memref<128x64xf32, #tpu.memory_space<vmem>>, vector<16xf32>,
        %add3A_487 = arith.addf %get3A_477, %get3A_480 : vector<16xf32>
        %add3A_488 = arith.addf %get3A_483, %get3A_486 : vector<16xf32>
        %add3A_489 = arith.addf %add3A_487, %add3A_488 : vector<16xf32>
        %mul3A_490 = arith.mulf %get3A_477, %get3A_477 : vector<16xf32>
        %mul3A_491 = arith.mulf %get3A_480, %get3A_480 : vector<16xf32>
        %add3A_492 = arith.addf %mul3A_490, %mul3A_491 : vector<16xf32>
        %mul3A_493 = arith.mulf %get3A_483, %get3A_483 : vector<16xf32>
        %mul3A_494 = arith.mulf %get3A_486, %get3A_486 : vector<16xf32>
        %add3A_495 = arith.addf %mul3A_493, %mul3A_494 : vector<16xf32>
        %add3A_496 = arith.addf %add3A_492, %add3A_495 : vector<16xf32>
        %swap3A_497 = arith.constant 11 : i32
        %swap3A_498 = arith.index_cast %swap3A_497 : i32 to index
        %swap3A_499 = arith.constant 0 : index
        %swap3A_500 = tpu.vector_load %arg12[%swap3A_498, %swap3A_499] {strides = array<i32>} : memref<16x16xf32, #tpu.memory_space<vmem>>, vector<16xf32>,
        tpu.vector_store %arg12[%swap3A_498, %swap3A_499], %add3A_489 {strides = array<i32>} : memref<16x16xf32, #tpu.memory_space<vmem>>, vector<16xf32>,
        %swap3A_501 = arith.constant 11 : i32
        %swap3A_502 = arith.index_cast %swap3A_501 : i32 to index
        %swap3A_503 = arith.constant 0 : index
        %swap3A_504 = tpu.vector_load %arg13[%swap3A_502, %swap3A_503] {strides = array<i32>} : memref<16x16xf32, #tpu.memory_space<vmem>>, vector<16xf32>,
        tpu.vector_store %arg13[%swap3A_502, %swap3A_503], %add3A_496 {strides = array<i32>} : memref<16x16xf32, #tpu.memory_space<vmem>>, vector<16xf32>,
        %add3A_505 = arith.constant 12 : i32
        %add3A_506 = arith.addi %mul3A_121, %add3A_505 : i32
        %get3A_507 = arith.index_cast %add3A_506 : i32 to index
        %get3A_508 = arith.constant 0 : index
        %get3A_509 = tpu.vector_load %arg8[%get3A_507, %get3A_508] {strides = array<i32>} : memref<128x64xf32, #tpu.memory_space<vmem>>, vector<16xf32>,
        %get3A_510 = arith.index_cast %add3A_506 : i32 to index
        %get3A_511 = arith.constant 16 : index
        %get3A_512 = tpu.vector_load %arg8[%get3A_510, %get3A_511] {strides = array<i32>} : memref<128x64xf32, #tpu.memory_space<vmem>>, vector<16xf32>,
        %get3A_513 = arith.index_cast %add3A_506 : i32 to index
        %get3A_514 = arith.constant 32 : index
        %get3A_515 = tpu.vector_load %arg8[%get3A_513, %get3A_514] {strides = array<i32>} : memref<128x64xf32, #tpu.memory_space<vmem>>, vector<16xf32>,
        %get3A_516 = arith.index_cast %add3A_506 : i32 to index
        %get3A_517 = arith.constant 48 : index
        %get3A_518 = tpu.vector_load %arg8[%get3A_516, %get3A_517] {strides = array<i32>} : memref<128x64xf32, #tpu.memory_space<vmem>>, vector<16xf32>,
        %add3A_519 = arith.addf %get3A_509, %get3A_512 : vector<16xf32>
        %add3A_520 = arith.addf %get3A_515, %get3A_518 : vector<16xf32>
        %add3A_521 = arith.addf %add3A_519, %add3A_520 : vector<16xf32>
        %mul3A_522 = arith.mulf %get3A_509, %get3A_509 : vector<16xf32>
        %mul3A_523 = arith.mulf %get3A_512, %get3A_512 : vector<16xf32>
        %add3A_524 = arith.addf %mul3A_522, %mul3A_523 : vector<16xf32>
        %mul3A_525 = arith.mulf %get3A_515, %get3A_515 : vector<16xf32>
        %mul3A_526 = arith.mulf %get3A_518, %get3A_518 : vector<16xf32>
        %add3A_527 = arith.addf %mul3A_525, %mul3A_526 : vector<16xf32>
        %add3A_528 = arith.addf %add3A_524, %add3A_527 : vector<16xf32>
        %swap3A_529 = arith.constant 12 : i32
        %swap3A_530 = arith.index_cast %swap3A_529 : i32 to index
        %swap3A_531 = arith.constant 0 : index
        %swap3A_532 = tpu.vector_load %arg12[%swap3A_530, %swap3A_531] {strides = array<i32>} : memref<16x16xf32, #tpu.memory_space<vmem>>, vector<16xf32>,
        tpu.vector_store %arg12[%swap3A_530, %swap3A_531], %add3A_521 {strides = array<i32>} : memref<16x16xf32, #tpu.memory_space<vmem>>, vector<16xf32>,
        %swap3A_533 = arith.constant 12 : i32
        %swap3A_534 = arith.index_cast %swap3A_533 : i32 to index
        %swap3A_535 = arith.constant 0 : index
        %swap3A_536 = tpu.vector_load %arg13[%swap3A_534, %swap3A_535] {strides = array<i32>} : memref<16x16xf32, #tpu.memory_space<vmem>>, vector<16xf32>,
        tpu.vector_store %arg13[%swap3A_534, %swap3A_535], %add3A_528 {strides = array<i32>} : memref<16x16xf32, #tpu.memory_space<vmem>>, vector<16xf32>,
        %add3A_537 = arith.constant 13 : i32
        %add3A_538 = arith.addi %mul3A_121, %add3A_537 : i32
        %get3A_539 = arith.index_cast %add3A_538 : i32 to index
        %get3A_540 = arith.constant 0 : index
        %get3A_541 = tpu.vector_load %arg8[%get3A_539, %get3A_540] {strides = array<i32>} : memref<128x64xf32, #tpu.memory_space<vmem>>, vector<16xf32>,
        %get3A_542 = arith.index_cast %add3A_538 : i32 to index
        %get3A_543 = arith.constant 16 : index
        %get3A_544 = tpu.vector_load %arg8[%get3A_542, %get3A_543] {strides = array<i32>} : memref<128x64xf32, #tpu.memory_space<vmem>>, vector<16xf32>,
        %get3A_545 = arith.index_cast %add3A_538 : i32 to index
        %get3A_546 = arith.constant 32 : index
        %get3A_547 = tpu.vector_load %arg8[%get3A_545, %get3A_546] {strides = array<i32>} : memref<128x64xf32, #tpu.memory_space<vmem>>, vector<16xf32>,
        %get3A_548 = arith.index_cast %add3A_538 : i32 to index
        %get3A_549 = arith.constant 48 : index
        %get3A_550 = tpu.vector_load %arg8[%get3A_548, %get3A_549] {strides = array<i32>} : memref<128x64xf32, #tpu.memory_space<vmem>>, vector<16xf32>,
        %add3A_551 = arith.addf %get3A_541, %get3A_544 : vector<16xf32>
        %add3A_552 = arith.addf %get3A_547, %get3A_550 : vector<16xf32>
        %add3A_553 = arith.addf %add3A_551, %add3A_552 : vector<16xf32>
        %mul3A_554 = arith.mulf %get3A_541, %get3A_541 : vector<16xf32>
        %mul3A_555 = arith.mulf %get3A_544, %get3A_544 : vector<16xf32>
        %add3A_556 = arith.addf %mul3A_554, %mul3A_555 : vector<16xf32>
        %mul3A_557 = arith.mulf %get3A_547, %get3A_547 : vector<16xf32>
        %mul3A_558 = arith.mulf %get3A_550, %get3A_550 : vector<16xf32>
        %add3A_559 = arith.addf %mul3A_557, %mul3A_558 : vector<16xf32>
        %add3A_560 = arith.addf %add3A_556, %add3A_559 : vector<16xf32>
        %swap3A_561 = arith.constant 13 : i32
        %swap3A_562 = arith.index_cast %swap3A_561 : i32 to index
        %swap3A_563 = arith.constant 0 : index
        %swap3A_564 = tpu.vector_load %arg12[%swap3A_562, %swap3A_563] {strides = array<i32>} : memref<16x16xf32, #tpu.memory_space<vmem>>, vector<16xf32>,
        tpu.vector_store %arg12[%swap3A_562, %swap3A_563], %add3A_553 {strides = array<i32>} : memref<16x16xf32, #tpu.memory_space<vmem>>, vector<16xf32>,
        %swap3A_565 = arith.constant 13 : i32
        %swap3A_566 = arith.index_cast %swap3A_565 : i32 to index
        %swap3A_567 = arith.constant 0 : index
        %swap3A_568 = tpu.vector_load %arg13[%swap3A_566, %swap3A_567] {strides = array<i32>} : memref<16x16xf32, #tpu.memory_space<vmem>>, vector<16xf32>,
        tpu.vector_store %arg13[%swap3A_566, %swap3A_567], %add3A_560 {strides = array<i32>} : memref<16x16xf32, #tpu.memory_space<vmem>>, vector<16xf32>,
        %add3A_569 = arith.constant 14 : i32
        %add3A_570 = arith.addi %mul3A_121, %add3A_569 : i32
        %get3A_571 = arith.index_cast %add3A_570 : i32 to index
        %get3A_572 = arith.constant 0 : index
        %get3A_573 = tpu.vector_load %arg8[%get3A_571, %get3A_572] {strides = array<i32>} : memref<128x64xf32, #tpu.memory_space<vmem>>, vector<16xf32>,
        %get3A_574 = arith.index_cast %add3A_570 : i32 to index
        %get3A_575 = arith.constant 16 : index
        %get3A_576 = tpu.vector_load %arg8[%get3A_574, %get3A_575] {strides = array<i32>} : memref<128x64xf32, #tpu.memory_space<vmem>>, vector<16xf32>,
        %get3A_577 = arith.index_cast %add3A_570 : i32 to index
        %get3A_578 = arith.constant 32 : index
        %get3A_579 = tpu.vector_load %arg8[%get3A_577, %get3A_578] {strides = array<i32>} : memref<128x64xf32, #tpu.memory_space<vmem>>, vector<16xf32>,
        %get3A_580 = arith.index_cast %add3A_570 : i32 to index
        %get3A_581 = arith.constant 48 : index
        %get3A_582 = tpu.vector_load %arg8[%get3A_580, %get3A_581] {strides = array<i32>} : memref<128x64xf32, #tpu.memory_space<vmem>>, vector<16xf32>,
        %add3A_583 = arith.addf %get3A_573, %get3A_576 : vector<16xf32>
        %add3A_584 = arith.addf %get3A_579, %get3A_582 : vector<16xf32>
        %add3A_585 = arith.addf %add3A_583, %add3A_584 : vector<16xf32>
        %mul3A_586 = arith.mulf %get3A_573, %get3A_573 : vector<16xf32>
        %mul3A_587 = arith.mulf %get3A_576, %get3A_576 : vector<16xf32>
        %add3A_588 = arith.addf %mul3A_586, %mul3A_587 : vector<16xf32>
        %mul3A_589 = arith.mulf %get3A_579, %get3A_579 : vector<16xf32>
        %mul3A_590 = arith.mulf %get3A_582, %get3A_582 : vector<16xf32>
        %add3A_591 = arith.addf %mul3A_589, %mul3A_590 : vector<16xf32>
        %add3A_592 = arith.addf %add3A_588, %add3A_591 : vector<16xf32>
        %swap3A_593 = arith.constant 14 : i32
        %swap3A_594 = arith.index_cast %swap3A_593 : i32 to index
        %swap3A_595 = arith.constant 0 : index
        %swap3A_596 = tpu.vector_load %arg12[%swap3A_594, %swap3A_595] {strides = array<i32>} : memref<16x16xf32, #tpu.memory_space<vmem>>, vector<16xf32>,
        tpu.vector_store %arg12[%swap3A_594, %swap3A_595], %add3A_585 {strides = array<i32>} : memref<16x16xf32, #tpu.memory_space<vmem>>, vector<16xf32>,
        %swap3A_597 = arith.constant 14 : i32
        %swap3A_598 = arith.index_cast %swap3A_597 : i32 to index
        %swap3A_599 = arith.constant 0 : index
        %swap3A_600 = tpu.vector_load %arg13[%swap3A_598, %swap3A_599] {strides = array<i32>} : memref<16x16xf32, #tpu.memory_space<vmem>>, vector<16xf32>,
        tpu.vector_store %arg13[%swap3A_598, %swap3A_599], %add3A_592 {strides = array<i32>} : memref<16x16xf32, #tpu.memory_space<vmem>>, vector<16xf32>,
        %add3A_601 = arith.constant 15 : i32
        %add3A_602 = arith.addi %mul3A_121, %add3A_601 : i32
        %get3A_603 = arith.index_cast %add3A_602 : i32 to index
        %get3A_604 = arith.constant 0 : index
        %get3A_605 = tpu.vector_load %arg8[%get3A_603, %get3A_604] {strides = array<i32>} : memref<128x64xf32, #tpu.memory_space<vmem>>, vector<16xf32>,
        %get3A_606 = arith.index_cast %add3A_602 : i32 to index
        %get3A_607 = arith.constant 16 : index
        %get3A_608 = tpu.vector_load %arg8[%get3A_606, %get3A_607] {strides = array<i32>} : memref<128x64xf32, #tpu.memory_space<vmem>>, vector<16xf32>,
        %get3A_609 = arith.index_cast %add3A_602 : i32 to index
        %get3A_610 = arith.constant 32 : index
        %get3A_611 = tpu.vector_load %arg8[%get3A_609, %get3A_610] {strides = array<i32>} : memref<128x64xf32, #tpu.memory_space<vmem>>, vector<16xf32>,
        %get3A_612 = arith.index_cast %add3A_602 : i32 to index
        %get3A_613 = arith.constant 48 : index
        %get3A_614 = tpu.vector_load %arg8[%get3A_612, %get3A_613] {strides = array<i32>} : memref<128x64xf32, #tpu.memory_space<vmem>>, vector<16xf32>,
        %add3A_615 = arith.addf %get3A_605, %get3A_608 : vector<16xf32>
        %add3A_616 = arith.addf %get3A_611, %get3A_614 : vector<16xf32>
        %add3A_617 = arith.addf %add3A_615, %add3A_616 : vector<16xf32>
        %mul3A_618 = arith.mulf %get3A_605, %get3A_605 : vector<16xf32>
        %mul3A_619 = arith.mulf %get3A_608, %get3A_608 : vector<16xf32>
        %add3A_620 = arith.addf %mul3A_618, %mul3A_619 : vector<16xf32>
        %mul3A_621 = arith.mulf %get3A_611, %get3A_611 : vector<16xf32>
        %mul3A_622 = arith.mulf %get3A_614, %get3A_614 : vector<16xf32>
        %add3A_623 = arith.addf %mul3A_621, %mul3A_622 : vector<16xf32>
        %add3A_624 = arith.addf %add3A_620, %add3A_623 : vector<16xf32>
        %swap3A_625 = arith.constant 15 : i32
        %swap3A_626 = arith.index_cast %swap3A_625 : i32 to index
        %swap3A_627 = arith.constant 0 : index
        %swap3A_628 = tpu.vector_load %arg12[%swap3A_626, %swap3A_627] {strides = array<i32>} : memref<16x16xf32, #tpu.memory_space<vmem>>, vector<16xf32>,
        tpu.vector_store %arg12[%swap3A_626, %swap3A_627], %add3A_617 {strides = array<i32>} : memref<16x16xf32, #tpu.memory_space<vmem>>, vector<16xf32>,
        %swap3A_629 = arith.constant 15 : i32
        %swap3A_630 = arith.index_cast %swap3A_629 : i32 to index
        %swap3A_631 = arith.constant 0 : index
        %swap3A_632 = tpu.vector_load %arg13[%swap3A_630, %swap3A_631] {strides = array<i32>} : memref<16x16xf32, #tpu.memory_space<vmem>>, vector<16xf32>,
        tpu.vector_store %arg13[%swap3A_630, %swap3A_631], %add3A_624 {strides = array<i32>} : memref<16x16xf32, #tpu.memory_space<vmem>>, vector<16xf32>,
        %broadcast_in_dim3A = arith.constant 0 : i32
        %broadcast_in_dim3A_633 = vector.broadcast %broadcast_in_dim3A : i32 to vector<16xi32>
        %gather3A = tpu.vector_load_idx %arg12[%iota3A, %broadcast_in_dim3A_633] : memref<16x16xf32, #tpu.memory_space<vmem>>[vector<16xi32>, vector<16xi32>], vector<16xf32>,
        %broadcast_in_dim3A_634 = arith.constant 1 : i32
        %broadcast_in_dim3A_635 = vector.broadcast %broadcast_in_dim3A_634 : i32 to vector<16xi32>
        %gather3A_636 = tpu.vector_load_idx %arg12[%iota3A, %broadcast_in_dim3A_635] : memref<16x16xf32, #tpu.memory_space<vmem>>[vector<16xi32>, vector<16xi32>], vector<16xf32>,
        %broadcast_in_dim3A_637 = arith.constant 2 : i32
        %broadcast_in_dim3A_638 = vector.broadcast %broadcast_in_dim3A_637 : i32 to vector<16xi32>
        %gather3A_639 = tpu.vector_load_idx %arg12[%iota3A, %broadcast_in_dim3A_638] : memref<16x16xf32, #tpu.memory_space<vmem>>[vector<16xi32>, vector<16xi32>], vector<16xf32>,
        %broadcast_in_dim3A_640 = arith.constant 3 : i32
        %broadcast_in_dim3A_641 = vector.broadcast %broadcast_in_dim3A_640 : i32 to vector<16xi32>
        %gather3A_642 = tpu.vector_load_idx %arg12[%iota3A, %broadcast_in_dim3A_641] : memref<16x16xf32, #tpu.memory_space<vmem>>[vector<16xi32>, vector<16xi32>], vector<16xf32>,
        %broadcast_in_dim3A_643 = arith.constant 4 : i32
        %broadcast_in_dim3A_644 = vector.broadcast %broadcast_in_dim3A_643 : i32 to vector<16xi32>
        %gather3A_645 = tpu.vector_load_idx %arg12[%iota3A, %broadcast_in_dim3A_644] : memref<16x16xf32, #tpu.memory_space<vmem>>[vector<16xi32>, vector<16xi32>], vector<16xf32>,
        %broadcast_in_dim3A_646 = arith.constant 5 : i32
        %broadcast_in_dim3A_647 = vector.broadcast %broadcast_in_dim3A_646 : i32 to vector<16xi32>
        %gather3A_648 = tpu.vector_load_idx %arg12[%iota3A, %broadcast_in_dim3A_647] : memref<16x16xf32, #tpu.memory_space<vmem>>[vector<16xi32>, vector<16xi32>], vector<16xf32>,
        %broadcast_in_dim3A_649 = arith.constant 6 : i32
        %broadcast_in_dim3A_650 = vector.broadcast %broadcast_in_dim3A_649 : i32 to vector<16xi32>
        %gather3A_651 = tpu.vector_load_idx %arg12[%iota3A, %broadcast_in_dim3A_650] : memref<16x16xf32, #tpu.memory_space<vmem>>[vector<16xi32>, vector<16xi32>], vector<16xf32>,
        %broadcast_in_dim3A_652 = arith.constant 7 : i32
        %broadcast_in_dim3A_653 = vector.broadcast %broadcast_in_dim3A_652 : i32 to vector<16xi32>
        %gather3A_654 = tpu.vector_load_idx %arg12[%iota3A, %broadcast_in_dim3A_653] : memref<16x16xf32, #tpu.memory_space<vmem>>[vector<16xi32>, vector<16xi32>], vector<16xf32>,
        %broadcast_in_dim3A_655 = arith.constant 8 : i32
        %broadcast_in_dim3A_656 = vector.broadcast %broadcast_in_dim3A_655 : i32 to vector<16xi32>
        %gather3A_657 = tpu.vector_load_idx %arg12[%iota3A, %broadcast_in_dim3A_656] : memref<16x16xf32, #tpu.memory_space<vmem>>[vector<16xi32>, vector<16xi32>], vector<16xf32>,
        %broadcast_in_dim3A_658 = arith.constant 9 : i32
        %broadcast_in_dim3A_659 = vector.broadcast %broadcast_in_dim3A_658 : i32 to vector<16xi32>
        %gather3A_660 = tpu.vector_load_idx %arg12[%iota3A, %broadcast_in_dim3A_659] : memref<16x16xf32, #tpu.memory_space<vmem>>[vector<16xi32>, vector<16xi32>], vector<16xf32>,
        %broadcast_in_dim3A_661 = arith.constant 10 : i32
        %broadcast_in_dim3A_662 = vector.broadcast %broadcast_in_dim3A_661 : i32 to vector<16xi32>
        %gather3A_663 = tpu.vector_load_idx %arg12[%iota3A, %broadcast_in_dim3A_662] : memref<16x16xf32, #tpu.memory_space<vmem>>[vector<16xi32>, vector<16xi32>], vector<16xf32>,
        %broadcast_in_dim3A_664 = arith.constant 11 : i32
        %broadcast_in_dim3A_665 = vector.broadcast %broadcast_in_dim3A_664 : i32 to vector<16xi32>
        %gather3A_666 = tpu.vector_load_idx %arg12[%iota3A, %broadcast_in_dim3A_665] : memref<16x16xf32, #tpu.memory_space<vmem>>[vector<16xi32>, vector<16xi32>], vector<16xf32>,
        %broadcast_in_dim3A_667 = arith.constant 12 : i32
        %broadcast_in_dim3A_668 = vector.broadcast %broadcast_in_dim3A_667 : i32 to vector<16xi32>
        %gather3A_669 = tpu.vector_load_idx %arg12[%iota3A, %broadcast_in_dim3A_668] : memref<16x16xf32, #tpu.memory_space<vmem>>[vector<16xi32>, vector<16xi32>], vector<16xf32>,
        %broadcast_in_dim3A_670 = arith.constant 13 : i32
        %broadcast_in_dim3A_671 = vector.broadcast %broadcast_in_dim3A_670 : i32 to vector<16xi32>
        %gather3A_672 = tpu.vector_load_idx %arg12[%iota3A, %broadcast_in_dim3A_671] : memref<16x16xf32, #tpu.memory_space<vmem>>[vector<16xi32>, vector<16xi32>], vector<16xf32>,
        %broadcast_in_dim3A_673 = arith.constant 14 : i32
        %broadcast_in_dim3A_674 = vector.broadcast %broadcast_in_dim3A_673 : i32 to vector<16xi32>
        %gather3A_675 = tpu.vector_load_idx %arg12[%iota3A, %broadcast_in_dim3A_674] : memref<16x16xf32, #tpu.memory_space<vmem>>[vector<16xi32>, vector<16xi32>], vector<16xf32>,
        %broadcast_in_dim3A_676 = arith.constant 15 : i32
        %broadcast_in_dim3A_677 = vector.broadcast %broadcast_in_dim3A_676 : i32 to vector<16xi32>
        %gather3A_678 = tpu.vector_load_idx %arg12[%iota3A, %broadcast_in_dim3A_677] : memref<16x16xf32, #tpu.memory_space<vmem>>[vector<16xi32>, vector<16xi32>], vector<16xf32>,
        %broadcast_in_dim3A_679 = arith.constant 0 : i32
        %broadcast_in_dim3A_680 = vector.broadcast %broadcast_in_dim3A_679 : i32 to vector<16xi32>
        %gather3A_681 = tpu.vector_load_idx %arg13[%iota3A, %broadcast_in_dim3A_680] : memref<16x16xf32, #tpu.memory_space<vmem>>[vector<16xi32>, vector<16xi32>], vector<16xf32>,
        %broadcast_in_dim3A_682 = arith.constant 1 : i32
        %broadcast_in_dim3A_683 = vector.broadcast %broadcast_in_dim3A_682 : i32 to vector<16xi32>
        %gather3A_684 = tpu.vector_load_idx %arg13[%iota3A, %broadcast_in_dim3A_683] : memref<16x16xf32, #tpu.memory_space<vmem>>[vector<16xi32>, vector<16xi32>], vector<16xf32>,
        %broadcast_in_dim3A_685 = arith.constant 2 : i32
        %broadcast_in_dim3A_686 = vector.broadcast %broadcast_in_dim3A_685 : i32 to vector<16xi32>
        %gather3A_687 = tpu.vector_load_idx %arg13[%iota3A, %broadcast_in_dim3A_686] : memref<16x16xf32, #tpu.memory_space<vmem>>[vector<16xi32>, vector<16xi32>], vector<16xf32>,
        %broadcast_in_dim3A_688 = arith.constant 3 : i32
        %broadcast_in_dim3A_689 = vector.broadcast %broadcast_in_dim3A_688 : i32 to vector<16xi32>
        %gather3A_690 = tpu.vector_load_idx %arg13[%iota3A, %broadcast_in_dim3A_689] : memref<16x16xf32, #tpu.memory_space<vmem>>[vector<16xi32>, vector<16xi32>], vector<16xf32>,
        %broadcast_in_dim3A_691 = arith.constant 4 : i32
        %broadcast_in_dim3A_692 = vector.broadcast %broadcast_in_dim3A_691 : i32 to vector<16xi32>
        %gather3A_693 = tpu.vector_load_idx %arg13[%iota3A, %broadcast_in_dim3A_692] : memref<16x16xf32, #tpu.memory_space<vmem>>[vector<16xi32>, vector<16xi32>], vector<16xf32>,
        %broadcast_in_dim3A_694 = arith.constant 5 : i32
        %broadcast_in_dim3A_695 = vector.broadcast %broadcast_in_dim3A_694 : i32 to vector<16xi32>
        %gather3A_696 = tpu.vector_load_idx %arg13[%iota3A, %broadcast_in_dim3A_695] : memref<16x16xf32, #tpu.memory_space<vmem>>[vector<16xi32>, vector<16xi32>], vector<16xf32>,
        %broadcast_in_dim3A_697 = arith.constant 6 : i32
        %broadcast_in_dim3A_698 = vector.broadcast %broadcast_in_dim3A_697 : i32 to vector<16xi32>
        %gather3A_699 = tpu.vector_load_idx %arg13[%iota3A, %broadcast_in_dim3A_698] : memref<16x16xf32, #tpu.memory_space<vmem>>[vector<16xi32>, vector<16xi32>], vector<16xf32>,
        %broadcast_in_dim3A_700 = arith.constant 7 : i32
        %broadcast_in_dim3A_701 = vector.broadcast %broadcast_in_dim3A_700 : i32 to vector<16xi32>
        %gather3A_702 = tpu.vector_load_idx %arg13[%iota3A, %broadcast_in_dim3A_701] : memref<16x16xf32, #tpu.memory_space<vmem>>[vector<16xi32>, vector<16xi32>], vector<16xf32>,
        %broadcast_in_dim3A_703 = arith.constant 8 : i32
        %broadcast_in_dim3A_704 = vector.broadcast %broadcast_in_dim3A_703 : i32 to vector<16xi32>
        %gather3A_705 = tpu.vector_load_idx %arg13[%iota3A, %broadcast_in_dim3A_704] : memref<16x16xf32, #tpu.memory_space<vmem>>[vector<16xi32>, vector<16xi32>], vector<16xf32>,
        %broadcast_in_dim3A_706 = arith.constant 9 : i32
        %broadcast_in_dim3A_707 = vector.broadcast %broadcast_in_dim3A_706 : i32 to vector<16xi32>
        %gather3A_708 = tpu.vector_load_idx %arg13[%iota3A, %broadcast_in_dim3A_707] : memref<16x16xf32, #tpu.memory_space<vmem>>[vector<16xi32>, vector<16xi32>], vector<16xf32>,
        %broadcast_in_dim3A_709 = arith.constant 10 : i32
        %broadcast_in_dim3A_710 = vector.broadcast %broadcast_in_dim3A_709 : i32 to vector<16xi32>
        %gather3A_711 = tpu.vector_load_idx %arg13[%iota3A, %broadcast_in_dim3A_710] : memref<16x16xf32, #tpu.memory_space<vmem>>[vector<16xi32>, vector<16xi32>], vector<16xf32>,
        %broadcast_in_dim3A_712 = arith.constant 11 : i32
        %broadcast_in_dim3A_713 = vector.broadcast %broadcast_in_dim3A_712 : i32 to vector<16xi32>
        %gather3A_714 = tpu.vector_load_idx %arg13[%iota3A, %broadcast_in_dim3A_713] : memref<16x16xf32, #tpu.memory_space<vmem>>[vector<16xi32>, vector<16xi32>], vector<16xf32>,
        %broadcast_in_dim3A_715 = arith.constant 12 : i32
        %broadcast_in_dim3A_716 = vector.broadcast %broadcast_in_dim3A_715 : i32 to vector<16xi32>
        %gather3A_717 = tpu.vector_load_idx %arg13[%iota3A, %broadcast_in_dim3A_716] : memref<16x16xf32, #tpu.memory_space<vmem>>[vector<16xi32>, vector<16xi32>], vector<16xf32>,
        %broadcast_in_dim3A_718 = arith.constant 13 : i32
        %broadcast_in_dim3A_719 = vector.broadcast %broadcast_in_dim3A_718 : i32 to vector<16xi32>
        %gather3A_720 = tpu.vector_load_idx %arg13[%iota3A, %broadcast_in_dim3A_719] : memref<16x16xf32, #tpu.memory_space<vmem>>[vector<16xi32>, vector<16xi32>], vector<16xf32>,
        %broadcast_in_dim3A_721 = arith.constant 14 : i32
        %broadcast_in_dim3A_722 = vector.broadcast %broadcast_in_dim3A_721 : i32 to vector<16xi32>
        %gather3A_723 = tpu.vector_load_idx %arg13[%iota3A, %broadcast_in_dim3A_722] : memref<16x16xf32, #tpu.memory_space<vmem>>[vector<16xi32>, vector<16xi32>], vector<16xf32>,
        %broadcast_in_dim3A_724 = arith.constant 15 : i32
        %broadcast_in_dim3A_725 = vector.broadcast %broadcast_in_dim3A_724 : i32 to vector<16xi32>
        %gather3A_726 = tpu.vector_load_idx %arg13[%iota3A, %broadcast_in_dim3A_725] : memref<16x16xf32, #tpu.memory_space<vmem>>[vector<16xi32>, vector<16xi32>], vector<16xf32>,
        %add3A_727 = arith.addf %gather3A, %gather3A_636 : vector<16xf32>
        %add3A_728 = arith.addf %gather3A_639, %gather3A_642 : vector<16xf32>
        %add3A_729 = arith.addf %gather3A_645, %gather3A_648 : vector<16xf32>
        %add3A_730 = arith.addf %gather3A_651, %gather3A_654 : vector<16xf32>
        %add3A_731 = arith.addf %gather3A_657, %gather3A_660 : vector<16xf32>
        %add3A_732 = arith.addf %gather3A_663, %gather3A_666 : vector<16xf32>
        %add3A_733 = arith.addf %gather3A_669, %gather3A_672 : vector<16xf32>
        %add3A_734 = arith.addf %gather3A_675, %gather3A_678 : vector<16xf32>
        %add3A_735 = arith.addf %add3A_727, %add3A_728 : vector<16xf32>
        %add3A_736 = arith.addf %add3A_729, %add3A_730 : vector<16xf32>
        %add3A_737 = arith.addf %add3A_731, %add3A_732 : vector<16xf32>
        %add3A_738 = arith.addf %add3A_733, %add3A_734 : vector<16xf32>
        %add3A_739 = arith.addf %add3A_735, %add3A_736 : vector<16xf32>
        %add3A_740 = arith.addf %add3A_737, %add3A_738 : vector<16xf32>
        %add3A_741 = arith.addf %add3A_739, %add3A_740 : vector<16xf32>
        %add3A_742 = arith.addf %gather3A_681, %gather3A_684 : vector<16xf32>
        %add3A_743 = arith.addf %gather3A_687, %gather3A_690 : vector<16xf32>
        %add3A_744 = arith.addf %gather3A_693, %gather3A_696 : vector<16xf32>
        %add3A_745 = arith.addf %gather3A_699, %gather3A_702 : vector<16xf32>
        %add3A_746 = arith.addf %gather3A_705, %gather3A_708 : vector<16xf32>
        %add3A_747 = arith.addf %gather3A_711, %gather3A_714 : vector<16xf32>
        %add3A_748 = arith.addf %gather3A_717, %gather3A_720 : vector<16xf32>
        %add3A_749 = arith.addf %gather3A_723, %gather3A_726 : vector<16xf32>
        %add3A_750 = arith.addf %add3A_742, %add3A_743 : vector<16xf32>
        %add3A_751 = arith.addf %add3A_744, %add3A_745 : vector<16xf32>
        %add3A_752 = arith.addf %add3A_746, %add3A_747 : vector<16xf32>
        %add3A_753 = arith.addf %add3A_748, %add3A_749 : vector<16xf32>
        %add3A_754 = arith.addf %add3A_750, %add3A_751 : vector<16xf32>
        %add3A_755 = arith.addf %add3A_752, %add3A_753 : vector<16xf32>
        %add3A_756 = arith.addf %add3A_754, %add3A_755 : vector<16xf32>
        %mul3A_757 = vector.broadcast %scan3A : f32 to vector<16xf32>
        %mul3A_758 = arith.mulf %add3A_741, %mul3A_757 : vector<16xf32>
        %mul3A_759 = vector.broadcast %scan3A : f32 to vector<16xf32>
        %mul3A_760 = arith.mulf %add3A_756, %mul3A_759 : vector<16xf32>
        %mul3A_761 = arith.mulf %mul3A_758, %mul3A_758 : vector<16xf32>
        %sub3A = arith.subf %mul3A_760, %mul3A_761 : vector<16xf32>
        %add3A_762 = arith.constant 9.99999997E-7 : f32
        %add3A_763 = vector.broadcast %add3A_762 : f32 to vector<16xf32>
        %add3A_764 = arith.addf %sub3A, %add3A_763 : vector<16xf32>
        %bitcast_convert_type3A = tpu.bitcast %add3A_764 : vector<16xf32> -> vector<16xi32>
        %shift_right_arithmetic3A = arith.constant 1 : i32
        %shift_right_arithmetic3A_765 = vector.broadcast %shift_right_arithmetic3A : i32 to vector<16xi32>
        %shift_right_arithmetic3A_766 = arith.shrsi %bitcast_convert_type3A, %shift_right_arithmetic3A_765 : vector<16xi32>
        %sub3A_767 = arith.constant 1597463007 : i32
        %sub3A_768 = vector.broadcast %sub3A_767 : i32 to vector<16xi32>
        %sub3A_769 = arith.subi %sub3A_768, %shift_right_arithmetic3A_766 : vector<16xi32>
        %bitcast_convert_type3A_770 = tpu.bitcast %sub3A_769 : vector<16xi32> -> vector<16xf32>
        %mul3A_771 = arith.constant 5.000000e-01 : f32
        %mul3A_772 = vector.broadcast %mul3A_771 : f32 to vector<16xf32>
        %mul3A_773 = arith.mulf %mul3A_772, %add3A_764 : vector<16xf32>
        %mul3A_774 = arith.mulf %mul3A_773, %bitcast_convert_type3A_770 : vector<16xf32>
        %mul3A_775 = arith.mulf %mul3A_774, %bitcast_convert_type3A_770 : vector<16xf32>
        %sub3A_776 = arith.constant 1.500000e+00 : f32
        %sub3A_777 = vector.broadcast %sub3A_776 : f32 to vector<16xf32>
        %sub3A_778 = arith.subf %sub3A_777, %mul3A_775 : vector<16xf32>
        %mul3A_779 = arith.mulf %bitcast_convert_type3A_770, %sub3A_778 : vector<16xf32>
        %mul3A_780 = arith.constant 5.000000e-01 : f32
        %mul3A_781 = vector.broadcast %mul3A_780 : f32 to vector<16xf32>
        %mul3A_782 = arith.mulf %mul3A_781, %add3A_764 : vector<16xf32>
        %mul3A_783 = arith.mulf %mul3A_782, %mul3A_779 : vector<16xf32>
        %mul3A_784 = arith.mulf %mul3A_783, %mul3A_779 : vector<16xf32>
        %sub3A_785 = arith.constant 1.500000e+00 : f32
        %sub3A_786 = vector.broadcast %sub3A_785 : f32 to vector<16xf32>
        %sub3A_787 = arith.subf %sub3A_786, %mul3A_784 : vector<16xf32>
        %mul3A_788 = arith.mulf %mul3A_779, %sub3A_787 : vector<16xf32>
        %add3A_789 = arith.constant 0 : i32
        %add3A_790 = arith.addi %mul3A_121, %add3A_789 : i32
        %broadcast_in_dim3A_791 = arith.constant 0 : i32
        %broadcast_in_dim3A_792 = vector.broadcast %broadcast_in_dim3A_791 : i32 to vector<16xi32>
        %lt3A_793 = arith.constant 0 : i32
        %lt3A_794 = vector.broadcast %lt3A_793 : i32 to vector<16xi32>
        %lt3A_795 = arith.cmpi slt, %broadcast_in_dim3A_792, %lt3A_794 : vector<16xi32>
        %add3A_796 = arith.constant 16 : i32
        %add3A_797 = vector.broadcast %add3A_796 : i32 to vector<16xi32>
        %add3A_798 = arith.addi %broadcast_in_dim3A_792, %add3A_797 : vector<16xi32>
        %select_n3A = arith.select %lt3A_795, %add3A_798, %broadcast_in_dim3A_792 : vector<16xi1>, vector<16xi32>
        %broadcast_in_dim3A_799 = vector.shape_cast %select_n3A : vector<16xi32> to vector<16x1xi32>
        %gather3A_800 = vector.shape_cast %broadcast_in_dim3A_799 : vector<16x1xi32> to vector<16xi32>
        %gather3A_801 = tpu.dynamic_gather %mul3A_758[%gather3A_800] in [0] : vector<16xf32>, vector<16xi32> -> vector<16xf32>
        %lt3A_802 = arith.constant 0 : i32
        %lt3A_803 = vector.broadcast %lt3A_802 : i32 to vector<16xi32>
        %lt3A_804 = arith.cmpi slt, %broadcast_in_dim3A_792, %lt3A_803 : vector<16xi32>
        %add3A_805 = arith.constant 16 : i32
        %add3A_806 = vector.broadcast %add3A_805 : i32 to vector<16xi32>
        %add3A_807 = arith.addi %broadcast_in_dim3A_792, %add3A_806 : vector<16xi32>
        %select_n3A_808 = arith.select %lt3A_804, %add3A_807, %broadcast_in_dim3A_792 : vector<16xi1>, vector<16xi32>
        %broadcast_in_dim3A_809 = vector.shape_cast %select_n3A_808 : vector<16xi32> to vector<16x1xi32>
        %gather3A_810 = vector.shape_cast %broadcast_in_dim3A_809 : vector<16x1xi32> to vector<16xi32>
        %gather3A_811 = tpu.dynamic_gather %mul3A_788[%gather3A_810] in [0] : vector<16xf32>, vector<16xi32> -> vector<16xf32>
        %get3A_812 = arith.index_cast %add3A_790 : i32 to index
        %get3A_813 = arith.constant 0 : index
        %get3A_814 = tpu.vector_load %arg8[%get3A_812, %get3A_813] {strides = array<i32>} : memref<128x64xf32, #tpu.memory_space<vmem>>, vector<16xf32>,
        %sub3A_815 = arith.subf %get3A_814, %gather3A_801 : vector<16xf32>
        %mul3A_816 = arith.mulf %gather3A_811, %get3A_3 : vector<16xf32>
        %mul3A_817 = arith.mulf %sub3A_815, %mul3A_816 : vector<16xf32>
        %add3A_818 = arith.addf %mul3A_817, %get3A_11 : vector<16xf32>
        %swap3A_819 = arith.index_cast %add3A_790 : i32 to index
        %swap3A_820 = arith.constant 0 : index
        %swap3A_821 = tpu.vector_load %arg10[%swap3A_819, %swap3A_820] {strides = array<i32>} : memref<128x64xf32, #tpu.memory_space<vmem>>, vector<16xf32>,
        tpu.vector_store %arg10[%swap3A_819, %swap3A_820], %add3A_818 {strides = array<i32>} : memref<128x64xf32, #tpu.memory_space<vmem>>, vector<16xf32>,
        %get3A_822 = arith.index_cast %add3A_790 : i32 to index
        %get3A_823 = arith.constant 16 : index
        %get3A_824 = tpu.vector_load %arg8[%get3A_822, %get3A_823] {strides = array<i32>} : memref<128x64xf32, #tpu.memory_space<vmem>>, vector<16xf32>,
        %sub3A_825 = arith.subf %get3A_824, %gather3A_801 : vector<16xf32>
        %mul3A_826 = arith.mulf %gather3A_811, %get3A_5 : vector<16xf32>
        %mul3A_827 = arith.mulf %sub3A_825, %mul3A_826 : vector<16xf32>
        %add3A_828 = arith.addf %mul3A_827, %get3A_13 : vector<16xf32>
        %swap3A_829 = arith.index_cast %add3A_790 : i32 to index
        %swap3A_830 = arith.constant 16 : index
        %swap3A_831 = tpu.vector_load %arg10[%swap3A_829, %swap3A_830] {strides = array<i32>} : memref<128x64xf32, #tpu.memory_space<vmem>>, vector<16xf32>,
        tpu.vector_store %arg10[%swap3A_829, %swap3A_830], %add3A_828 {strides = array<i32>} : memref<128x64xf32, #tpu.memory_space<vmem>>, vector<16xf32>,
        %get3A_832 = arith.index_cast %add3A_790 : i32 to index
        %get3A_833 = arith.constant 32 : index
        %get3A_834 = tpu.vector_load %arg8[%get3A_832, %get3A_833] {strides = array<i32>} : memref<128x64xf32, #tpu.memory_space<vmem>>, vector<16xf32>,
        %sub3A_835 = arith.subf %get3A_834, %gather3A_801 : vector<16xf32>
        %mul3A_836 = arith.mulf %gather3A_811, %get3A_7 : vector<16xf32>
        %mul3A_837 = arith.mulf %sub3A_835, %mul3A_836 : vector<16xf32>
        %add3A_838 = arith.addf %mul3A_837, %get3A_15 : vector<16xf32>
        %swap3A_839 = arith.index_cast %add3A_790 : i32 to index
        %swap3A_840 = arith.constant 32 : index
        %swap3A_841 = tpu.vector_load %arg10[%swap3A_839, %swap3A_840] {strides = array<i32>} : memref<128x64xf32, #tpu.memory_space<vmem>>, vector<16xf32>,
        tpu.vector_store %arg10[%swap3A_839, %swap3A_840], %add3A_838 {strides = array<i32>} : memref<128x64xf32, #tpu.memory_space<vmem>>, vector<16xf32>,
        %get3A_842 = arith.index_cast %add3A_790 : i32 to index
        %get3A_843 = arith.constant 48 : index
        %get3A_844 = tpu.vector_load %arg8[%get3A_842, %get3A_843] {strides = array<i32>} : memref<128x64xf32, #tpu.memory_space<vmem>>, vector<16xf32>,
        %sub3A_845 = arith.subf %get3A_844, %gather3A_801 : vector<16xf32>
        %mul3A_846 = arith.mulf %gather3A_811, %get3A_9 : vector<16xf32>
        %mul3A_847 = arith.mulf %sub3A_845, %mul3A_846 : vector<16xf32>
        %add3A_848 = arith.addf %mul3A_847, %get3A_17 : vector<16xf32>
        %swap3A_849 = arith.index_cast %add3A_790 : i32 to index
        %swap3A_850 = arith.constant 48 : index
        %swap3A_851 = tpu.vector_load %arg10[%swap3A_849, %swap3A_850] {strides = array<i32>} : memref<128x64xf32, #tpu.memory_space<vmem>>, vector<16xf32>,
        tpu.vector_store %arg10[%swap3A_849, %swap3A_850], %add3A_848 {strides = array<i32>} : memref<128x64xf32, #tpu.memory_space<vmem>>, vector<16xf32>,
        %add3A_852 = arith.constant 1 : i32
        %add3A_853 = arith.addi %mul3A_121, %add3A_852 : i32
        %broadcast_in_dim3A_854 = arith.constant 1 : i32
        %broadcast_in_dim3A_855 = vector.broadcast %broadcast_in_dim3A_854 : i32 to vector<16xi32>
        %lt3A_856 = arith.constant 0 : i32
        %lt3A_857 = vector.broadcast %lt3A_856 : i32 to vector<16xi32>
        %lt3A_858 = arith.cmpi slt, %broadcast_in_dim3A_855, %lt3A_857 : vector<16xi32>
        %add3A_859 = arith.constant 16 : i32
        %add3A_860 = vector.broadcast %add3A_859 : i32 to vector<16xi32>
        %add3A_861 = arith.addi %broadcast_in_dim3A_855, %add3A_860 : vector<16xi32>
        %select_n3A_862 = arith.select %lt3A_858, %add3A_861, %broadcast_in_dim3A_855 : vector<16xi1>, vector<16xi32>
        %broadcast_in_dim3A_863 = vector.shape_cast %select_n3A_862 : vector<16xi32> to vector<16x1xi32>
        %gather3A_864 = vector.shape_cast %broadcast_in_dim3A_863 : vector<16x1xi32> to vector<16xi32>
        %gather3A_865 = tpu.dynamic_gather %mul3A_758[%gather3A_864] in [0] : vector<16xf32>, vector<16xi32> -> vector<16xf32>
        %lt3A_866 = arith.constant 0 : i32
        %lt3A_867 = vector.broadcast %lt3A_866 : i32 to vector<16xi32>
        %lt3A_868 = arith.cmpi slt, %broadcast_in_dim3A_855, %lt3A_867 : vector<16xi32>
        %add3A_869 = arith.constant 16 : i32
        %add3A_870 = vector.broadcast %add3A_869 : i32 to vector<16xi32>
        %add3A_871 = arith.addi %broadcast_in_dim3A_855, %add3A_870 : vector<16xi32>
        %select_n3A_872 = arith.select %lt3A_868, %add3A_871, %broadcast_in_dim3A_855 : vector<16xi1>, vector<16xi32>
        %broadcast_in_dim3A_873 = vector.shape_cast %select_n3A_872 : vector<16xi32> to vector<16x1xi32>
        %gather3A_874 = vector.shape_cast %broadcast_in_dim3A_873 : vector<16x1xi32> to vector<16xi32>
        %gather3A_875 = tpu.dynamic_gather %mul3A_788[%gather3A_874] in [0] : vector<16xf32>, vector<16xi32> -> vector<16xf32>
        %get3A_876 = arith.index_cast %add3A_853 : i32 to index
        %get3A_877 = arith.constant 0 : index
        %get3A_878 = tpu.vector_load %arg8[%get3A_876, %get3A_877] {strides = array<i32>} : memref<128x64xf32, #tpu.memory_space<vmem>>, vector<16xf32>,
        %sub3A_879 = arith.subf %get3A_878, %gather3A_865 : vector<16xf32>
        %mul3A_880 = arith.mulf %gather3A_875, %get3A_3 : vector<16xf32>
        %mul3A_881 = arith.mulf %sub3A_879, %mul3A_880 : vector<16xf32>
        %add3A_882 = arith.addf %mul3A_881, %get3A_11 : vector<16xf32>
        %swap3A_883 = arith.index_cast %add3A_853 : i32 to index
        %swap3A_884 = arith.constant 0 : index
        %swap3A_885 = tpu.vector_load %arg10[%swap3A_883, %swap3A_884] {strides = array<i32>} : memref<128x64xf32, #tpu.memory_space<vmem>>, vector<16xf32>,
        tpu.vector_store %arg10[%swap3A_883, %swap3A_884], %add3A_882 {strides = array<i32>} : memref<128x64xf32, #tpu.memory_space<vmem>>, vector<16xf32>,
        %get3A_886 = arith.index_cast %add3A_853 : i32 to index
        %get3A_887 = arith.constant 16 : index
        %get3A_888 = tpu.vector_load %arg8[%get3A_886, %get3A_887] {strides = array<i32>} : memref<128x64xf32, #tpu.memory_space<vmem>>, vector<16xf32>,
        %sub3A_889 = arith.subf %get3A_888, %gather3A_865 : vector<16xf32>
        %mul3A_890 = arith.mulf %gather3A_875, %get3A_5 : vector<16xf32>
        %mul3A_891 = arith.mulf %sub3A_889, %mul3A_890 : vector<16xf32>
        %add3A_892 = arith.addf %mul3A_891, %get3A_13 : vector<16xf32>
        %swap3A_893 = arith.index_cast %add3A_853 : i32 to index
        %swap3A_894 = arith.constant 16 : index
        %swap3A_895 = tpu.vector_load %arg10[%swap3A_893, %swap3A_894] {strides = array<i32>} : memref<128x64xf32, #tpu.memory_space<vmem>>, vector<16xf32>,
        tpu.vector_store %arg10[%swap3A_893, %swap3A_894], %add3A_892 {strides = array<i32>} : memref<128x64xf32, #tpu.memory_space<vmem>>, vector<16xf32>,
        %get3A_896 = arith.index_cast %add3A_853 : i32 to index
        %get3A_897 = arith.constant 32 : index
        %get3A_898 = tpu.vector_load %arg8[%get3A_896, %get3A_897] {strides = array<i32>} : memref<128x64xf32, #tpu.memory_space<vmem>>, vector<16xf32>,
        %sub3A_899 = arith.subf %get3A_898, %gather3A_865 : vector<16xf32>
        %mul3A_900 = arith.mulf %gather3A_875, %get3A_7 : vector<16xf32>
        %mul3A_901 = arith.mulf %sub3A_899, %mul3A_900 : vector<16xf32>
        %add3A_902 = arith.addf %mul3A_901, %get3A_15 : vector<16xf32>
        %swap3A_903 = arith.index_cast %add3A_853 : i32 to index
        %swap3A_904 = arith.constant 32 : index
        %swap3A_905 = tpu.vector_load %arg10[%swap3A_903, %swap3A_904] {strides = array<i32>} : memref<128x64xf32, #tpu.memory_space<vmem>>, vector<16xf32>,
        tpu.vector_store %arg10[%swap3A_903, %swap3A_904], %add3A_902 {strides = array<i32>} : memref<128x64xf32, #tpu.memory_space<vmem>>, vector<16xf32>,
        %get3A_906 = arith.index_cast %add3A_853 : i32 to index
        %get3A_907 = arith.constant 48 : index
        %get3A_908 = tpu.vector_load %arg8[%get3A_906, %get3A_907] {strides = array<i32>} : memref<128x64xf32, #tpu.memory_space<vmem>>, vector<16xf32>,
        %sub3A_909 = arith.subf %get3A_908, %gather3A_865 : vector<16xf32>
        %mul3A_910 = arith.mulf %gather3A_875, %get3A_9 : vector<16xf32>
        %mul3A_911 = arith.mulf %sub3A_909, %mul3A_910 : vector<16xf32>
        %add3A_912 = arith.addf %mul3A_911, %get3A_17 : vector<16xf32>
        %swap3A_913 = arith.index_cast %add3A_853 : i32 to index
        %swap3A_914 = arith.constant 48 : index
        %swap3A_915 = tpu.vector_load %arg10[%swap3A_913, %swap3A_914] {strides = array<i32>} : memref<128x64xf32, #tpu.memory_space<vmem>>, vector<16xf32>,
        tpu.vector_store %arg10[%swap3A_913, %swap3A_914], %add3A_912 {strides = array<i32>} : memref<128x64xf32, #tpu.memory_space<vmem>>, vector<16xf32>,
        %add3A_916 = arith.constant 2 : i32
        %add3A_917 = arith.addi %mul3A_121, %add3A_916 : i32
        %broadcast_in_dim3A_918 = arith.constant 2 : i32
        %broadcast_in_dim3A_919 = vector.broadcast %broadcast_in_dim3A_918 : i32 to vector<16xi32>
        %lt3A_920 = arith.constant 0 : i32
        %lt3A_921 = vector.broadcast %lt3A_920 : i32 to vector<16xi32>
        %lt3A_922 = arith.cmpi slt, %broadcast_in_dim3A_919, %lt3A_921 : vector<16xi32>
        %add3A_923 = arith.constant 16 : i32
        %add3A_924 = vector.broadcast %add3A_923 : i32 to vector<16xi32>
        %add3A_925 = arith.addi %broadcast_in_dim3A_919, %add3A_924 : vector<16xi32>
        %select_n3A_926 = arith.select %lt3A_922, %add3A_925, %broadcast_in_dim3A_919 : vector<16xi1>, vector<16xi32>
        %broadcast_in_dim3A_927 = vector.shape_cast %select_n3A_926 : vector<16xi32> to vector<16x1xi32>
        %gather3A_928 = vector.shape_cast %broadcast_in_dim3A_927 : vector<16x1xi32> to vector<16xi32>
        %gather3A_929 = tpu.dynamic_gather %mul3A_758[%gather3A_928] in [0] : vector<16xf32>, vector<16xi32> -> vector<16xf32>
        %lt3A_930 = arith.constant 0 : i32
        %lt3A_931 = vector.broadcast %lt3A_930 : i32 to vector<16xi32>
        %lt3A_932 = arith.cmpi slt, %broadcast_in_dim3A_919, %lt3A_931 : vector<16xi32>
        %add3A_933 = arith.constant 16 : i32
        %add3A_934 = vector.broadcast %add3A_933 : i32 to vector<16xi32>
        %add3A_935 = arith.addi %broadcast_in_dim3A_919, %add3A_934 : vector<16xi32>
        %select_n3A_936 = arith.select %lt3A_932, %add3A_935, %broadcast_in_dim3A_919 : vector<16xi1>, vector<16xi32>
        %broadcast_in_dim3A_937 = vector.shape_cast %select_n3A_936 : vector<16xi32> to vector<16x1xi32>
        %gather3A_938 = vector.shape_cast %broadcast_in_dim3A_937 : vector<16x1xi32> to vector<16xi32>
        %gather3A_939 = tpu.dynamic_gather %mul3A_788[%gather3A_938] in [0] : vector<16xf32>, vector<16xi32> -> vector<16xf32>
        %get3A_940 = arith.index_cast %add3A_917 : i32 to index
        %get3A_941 = arith.constant 0 : index
        %get3A_942 = tpu.vector_load %arg8[%get3A_940, %get3A_941] {strides = array<i32>} : memref<128x64xf32, #tpu.memory_space<vmem>>, vector<16xf32>,
        %sub3A_943 = arith.subf %get3A_942, %gather3A_929 : vector<16xf32>
        %mul3A_944 = arith.mulf %gather3A_939, %get3A_3 : vector<16xf32>
        %mul3A_945 = arith.mulf %sub3A_943, %mul3A_944 : vector<16xf32>
        %add3A_946 = arith.addf %mul3A_945, %get3A_11 : vector<16xf32>
        %swap3A_947 = arith.index_cast %add3A_917 : i32 to index
        %swap3A_948 = arith.constant 0 : index
        %swap3A_949 = tpu.vector_load %arg10[%swap3A_947, %swap3A_948] {strides = array<i32>} : memref<128x64xf32, #tpu.memory_space<vmem>>, vector<16xf32>,
        tpu.vector_store %arg10[%swap3A_947, %swap3A_948], %add3A_946 {strides = array<i32>} : memref<128x64xf32, #tpu.memory_space<vmem>>, vector<16xf32>,
        %get3A_950 = arith.index_cast %add3A_917 : i32 to index
        %get3A_951 = arith.constant 16 : index
        %get3A_952 = tpu.vector_load %arg8[%get3A_950, %get3A_951] {strides = array<i32>} : memref<128x64xf32, #tpu.memory_space<vmem>>, vector<16xf32>,
        %sub3A_953 = arith.subf %get3A_952, %gather3A_929 : vector<16xf32>
        %mul3A_954 = arith.mulf %gather3A_939, %get3A_5 : vector<16xf32>
        %mul3A_955 = arith.mulf %sub3A_953, %mul3A_954 : vector<16xf32>
        %add3A_956 = arith.addf %mul3A_955, %get3A_13 : vector<16xf32>
        %swap3A_957 = arith.index_cast %add3A_917 : i32 to index
        %swap3A_958 = arith.constant 16 : index
        %swap3A_959 = tpu.vector_load %arg10[%swap3A_957, %swap3A_958] {strides = array<i32>} : memref<128x64xf32, #tpu.memory_space<vmem>>, vector<16xf32>,
        tpu.vector_store %arg10[%swap3A_957, %swap3A_958], %add3A_956 {strides = array<i32>} : memref<128x64xf32, #tpu.memory_space<vmem>>, vector<16xf32>,
        %get3A_960 = arith.index_cast %add3A_917 : i32 to index
        %get3A_961 = arith.constant 32 : index
        %get3A_962 = tpu.vector_load %arg8[%get3A_960, %get3A_961] {strides = array<i32>} : memref<128x64xf32, #tpu.memory_space<vmem>>, vector<16xf32>,
        %sub3A_963 = arith.subf %get3A_962, %gather3A_929 : vector<16xf32>
        %mul3A_964 = arith.mulf %gather3A_939, %get3A_7 : vector<16xf32>
        %mul3A_965 = arith.mulf %sub3A_963, %mul3A_964 : vector<16xf32>
        %add3A_966 = arith.addf %mul3A_965, %get3A_15 : vector<16xf32>
        %swap3A_967 = arith.index_cast %add3A_917 : i32 to index
        %swap3A_968 = arith.constant 32 : index
        %swap3A_969 = tpu.vector_load %arg10[%swap3A_967, %swap3A_968] {strides = array<i32>} : memref<128x64xf32, #tpu.memory_space<vmem>>, vector<16xf32>,
        tpu.vector_store %arg10[%swap3A_967, %swap3A_968], %add3A_966 {strides = array<i32>} : memref<128x64xf32, #tpu.memory_space<vmem>>, vector<16xf32>,
        %get3A_970 = arith.index_cast %add3A_917 : i32 to index
        %get3A_971 = arith.constant 48 : index
        %get3A_972 = tpu.vector_load %arg8[%get3A_970, %get3A_971] {strides = array<i32>} : memref<128x64xf32, #tpu.memory_space<vmem>>, vector<16xf32>,
        %sub3A_973 = arith.subf %get3A_972, %gather3A_929 : vector<16xf32>
        %mul3A_974 = arith.mulf %gather3A_939, %get3A_9 : vector<16xf32>
        %mul3A_975 = arith.mulf %sub3A_973, %mul3A_974 : vector<16xf32>
        %add3A_976 = arith.addf %mul3A_975, %get3A_17 : vector<16xf32>
        %swap3A_977 = arith.index_cast %add3A_917 : i32 to index
        %swap3A_978 = arith.constant 48 : index
        %swap3A_979 = tpu.vector_load %arg10[%swap3A_977, %swap3A_978] {strides = array<i32>} : memref<128x64xf32, #tpu.memory_space<vmem>>, vector<16xf32>,
        tpu.vector_store %arg10[%swap3A_977, %swap3A_978], %add3A_976 {strides = array<i32>} : memref<128x64xf32, #tpu.memory_space<vmem>>, vector<16xf32>,
        %add3A_980 = arith.constant 3 : i32
        %add3A_981 = arith.addi %mul3A_121, %add3A_980 : i32
        %broadcast_in_dim3A_982 = arith.constant 3 : i32
        %broadcast_in_dim3A_983 = vector.broadcast %broadcast_in_dim3A_982 : i32 to vector<16xi32>
        %lt3A_984 = arith.constant 0 : i32
        %lt3A_985 = vector.broadcast %lt3A_984 : i32 to vector<16xi32>
        %lt3A_986 = arith.cmpi slt, %broadcast_in_dim3A_983, %lt3A_985 : vector<16xi32>
        %add3A_987 = arith.constant 16 : i32
        %add3A_988 = vector.broadcast %add3A_987 : i32 to vector<16xi32>
        %add3A_989 = arith.addi %broadcast_in_dim3A_983, %add3A_988 : vector<16xi32>
        %select_n3A_990 = arith.select %lt3A_986, %add3A_989, %broadcast_in_dim3A_983 : vector<16xi1>, vector<16xi32>
        %broadcast_in_dim3A_991 = vector.shape_cast %select_n3A_990 : vector<16xi32> to vector<16x1xi32>
        %gather3A_992 = vector.shape_cast %broadcast_in_dim3A_991 : vector<16x1xi32> to vector<16xi32>
        %gather3A_993 = tpu.dynamic_gather %mul3A_758[%gather3A_992] in [0] : vector<16xf32>, vector<16xi32> -> vector<16xf32>
        %lt3A_994 = arith.constant 0 : i32
        %lt3A_995 = vector.broadcast %lt3A_994 : i32 to vector<16xi32>
        %lt3A_996 = arith.cmpi slt, %broadcast_in_dim3A_983, %lt3A_995 : vector<16xi32>
        %add3A_997 = arith.constant 16 : i32
        %add3A_998 = vector.broadcast %add3A_997 : i32 to vector<16xi32>
        %add3A_999 = arith.addi %broadcast_in_dim3A_983, %add3A_998 : vector<16xi32>
        %select_n3A_1000 = arith.select %lt3A_996, %add3A_999, %broadcast_in_dim3A_983 : vector<16xi1>, vector<16xi32>
        %broadcast_in_dim3A_1001 = vector.shape_cast %select_n3A_1000 : vector<16xi32> to vector<16x1xi32>
        %gather3A_1002 = vector.shape_cast %broadcast_in_dim3A_1001 : vector<16x1xi32> to vector<16xi32>
        %gather3A_1003 = tpu.dynamic_gather %mul3A_788[%gather3A_1002] in [0] : vector<16xf32>, vector<16xi32> -> vector<16xf32>
        %get3A_1004 = arith.index_cast %add3A_981 : i32 to index
        %get3A_1005 = arith.constant 0 : index
        %get3A_1006 = tpu.vector_load %arg8[%get3A_1004, %get3A_1005] {strides = array<i32>} : memref<128x64xf32, #tpu.memory_space<vmem>>, vector<16xf32>,
        %sub3A_1007 = arith.subf %get3A_1006, %gather3A_993 : vector<16xf32>
        %mul3A_1008 = arith.mulf %gather3A_1003, %get3A_3 : vector<16xf32>
        %mul3A_1009 = arith.mulf %sub3A_1007, %mul3A_1008 : vector<16xf32>
        %add3A_1010 = arith.addf %mul3A_1009, %get3A_11 : vector<16xf32>
        %swap3A_1011 = arith.index_cast %add3A_981 : i32 to index
        %swap3A_1012 = arith.constant 0 : index
        %swap3A_1013 = tpu.vector_load %arg10[%swap3A_1011, %swap3A_1012] {strides = array<i32>} : memref<128x64xf32, #tpu.memory_space<vmem>>, vector<16xf32>,
        tpu.vector_store %arg10[%swap3A_1011, %swap3A_1012], %add3A_1010 {strides = array<i32>} : memref<128x64xf32, #tpu.memory_space<vmem>>, vector<16xf32>,
        %get3A_1014 = arith.index_cast %add3A_981 : i32 to index
        %get3A_1015 = arith.constant 16 : index
        %get3A_1016 = tpu.vector_load %arg8[%get3A_1014, %get3A_1015] {strides = array<i32>} : memref<128x64xf32, #tpu.memory_space<vmem>>, vector<16xf32>,
        %sub3A_1017 = arith.subf %get3A_1016, %gather3A_993 : vector<16xf32>
        %mul3A_1018 = arith.mulf %gather3A_1003, %get3A_5 : vector<16xf32>
        %mul3A_1019 = arith.mulf %sub3A_1017, %mul3A_1018 : vector<16xf32>
        %add3A_1020 = arith.addf %mul3A_1019, %get3A_13 : vector<16xf32>
        %swap3A_1021 = arith.index_cast %add3A_981 : i32 to index
        %swap3A_1022 = arith.constant 16 : index
        %swap3A_1023 = tpu.vector_load %arg10[%swap3A_1021, %swap3A_1022] {strides = array<i32>} : memref<128x64xf32, #tpu.memory_space<vmem>>, vector<16xf32>,
        tpu.vector_store %arg10[%swap3A_1021, %swap3A_1022], %add3A_1020 {strides = array<i32>} : memref<128x64xf32, #tpu.memory_space<vmem>>, vector<16xf32>,
        %get3A_1024 = arith.index_cast %add3A_981 : i32 to index
        %get3A_1025 = arith.constant 32 : index
        %get3A_1026 = tpu.vector_load %arg8[%get3A_1024, %get3A_1025] {strides = array<i32>} : memref<128x64xf32, #tpu.memory_space<vmem>>, vector<16xf32>,
        %sub3A_1027 = arith.subf %get3A_1026, %gather3A_993 : vector<16xf32>
        %mul3A_1028 = arith.mulf %gather3A_1003, %get3A_7 : vector<16xf32>
        %mul3A_1029 = arith.mulf %sub3A_1027, %mul3A_1028 : vector<16xf32>
        %add3A_1030 = arith.addf %mul3A_1029, %get3A_15 : vector<16xf32>
        %swap3A_1031 = arith.index_cast %add3A_981 : i32 to index
        %swap3A_1032 = arith.constant 32 : index
        %swap3A_1033 = tpu.vector_load %arg10[%swap3A_1031, %swap3A_1032] {strides = array<i32>} : memref<128x64xf32, #tpu.memory_space<vmem>>, vector<16xf32>,
        tpu.vector_store %arg10[%swap3A_1031, %swap3A_1032], %add3A_1030 {strides = array<i32>} : memref<128x64xf32, #tpu.memory_space<vmem>>, vector<16xf32>,
        %get3A_1034 = arith.index_cast %add3A_981 : i32 to index
        %get3A_1035 = arith.constant 48 : index
        %get3A_1036 = tpu.vector_load %arg8[%get3A_1034, %get3A_1035] {strides = array<i32>} : memref<128x64xf32, #tpu.memory_space<vmem>>, vector<16xf32>,
        %sub3A_1037 = arith.subf %get3A_1036, %gather3A_993 : vector<16xf32>
        %mul3A_1038 = arith.mulf %gather3A_1003, %get3A_9 : vector<16xf32>
        %mul3A_1039 = arith.mulf %sub3A_1037, %mul3A_1038 : vector<16xf32>
        %add3A_1040 = arith.addf %mul3A_1039, %get3A_17 : vector<16xf32>
        %swap3A_1041 = arith.index_cast %add3A_981 : i32 to index
        %swap3A_1042 = arith.constant 48 : index
        %swap3A_1043 = tpu.vector_load %arg10[%swap3A_1041, %swap3A_1042] {strides = array<i32>} : memref<128x64xf32, #tpu.memory_space<vmem>>, vector<16xf32>,
        tpu.vector_store %arg10[%swap3A_1041, %swap3A_1042], %add3A_1040 {strides = array<i32>} : memref<128x64xf32, #tpu.memory_space<vmem>>, vector<16xf32>,
        %add3A_1044 = arith.constant 4 : i32
        %add3A_1045 = arith.addi %mul3A_121, %add3A_1044 : i32
        %broadcast_in_dim3A_1046 = arith.constant 4 : i32
        %broadcast_in_dim3A_1047 = vector.broadcast %broadcast_in_dim3A_1046 : i32 to vector<16xi32>
        %lt3A_1048 = arith.constant 0 : i32
        %lt3A_1049 = vector.broadcast %lt3A_1048 : i32 to vector<16xi32>
        %lt3A_1050 = arith.cmpi slt, %broadcast_in_dim3A_1047, %lt3A_1049 : vector<16xi32>
        %add3A_1051 = arith.constant 16 : i32
        %add3A_1052 = vector.broadcast %add3A_1051 : i32 to vector<16xi32>
        %add3A_1053 = arith.addi %broadcast_in_dim3A_1047, %add3A_1052 : vector<16xi32>
        %select_n3A_1054 = arith.select %lt3A_1050, %add3A_1053, %broadcast_in_dim3A_1047 : vector<16xi1>, vector<16xi32>
        %broadcast_in_dim3A_1055 = vector.shape_cast %select_n3A_1054 : vector<16xi32> to vector<16x1xi32>
        %gather3A_1056 = vector.shape_cast %broadcast_in_dim3A_1055 : vector<16x1xi32> to vector<16xi32>
        %gather3A_1057 = tpu.dynamic_gather %mul3A_758[%gather3A_1056] in [0] : vector<16xf32>, vector<16xi32> -> vector<16xf32>
        %lt3A_1058 = arith.constant 0 : i32
        %lt3A_1059 = vector.broadcast %lt3A_1058 : i32 to vector<16xi32>
        %lt3A_1060 = arith.cmpi slt, %broadcast_in_dim3A_1047, %lt3A_1059 : vector<16xi32>
        %add3A_1061 = arith.constant 16 : i32
        %add3A_1062 = vector.broadcast %add3A_1061 : i32 to vector<16xi32>
        %add3A_1063 = arith.addi %broadcast_in_dim3A_1047, %add3A_1062 : vector<16xi32>
        %select_n3A_1064 = arith.select %lt3A_1060, %add3A_1063, %broadcast_in_dim3A_1047 : vector<16xi1>, vector<16xi32>
        %broadcast_in_dim3A_1065 = vector.shape_cast %select_n3A_1064 : vector<16xi32> to vector<16x1xi32>
        %gather3A_1066 = vector.shape_cast %broadcast_in_dim3A_1065 : vector<16x1xi32> to vector<16xi32>
        %gather3A_1067 = tpu.dynamic_gather %mul3A_788[%gather3A_1066] in [0] : vector<16xf32>, vector<16xi32> -> vector<16xf32>
        %get3A_1068 = arith.index_cast %add3A_1045 : i32 to index
        %get3A_1069 = arith.constant 0 : index
        %get3A_1070 = tpu.vector_load %arg8[%get3A_1068, %get3A_1069] {strides = array<i32>} : memref<128x64xf32, #tpu.memory_space<vmem>>, vector<16xf32>,
        %sub3A_1071 = arith.subf %get3A_1070, %gather3A_1057 : vector<16xf32>
        %mul3A_1072 = arith.mulf %gather3A_1067, %get3A_3 : vector<16xf32>
        %mul3A_1073 = arith.mulf %sub3A_1071, %mul3A_1072 : vector<16xf32>
        %add3A_1074 = arith.addf %mul3A_1073, %get3A_11 : vector<16xf32>
        %swap3A_1075 = arith.index_cast %add3A_1045 : i32 to index
        %swap3A_1076 = arith.constant 0 : index
        %swap3A_1077 = tpu.vector_load %arg10[%swap3A_1075, %swap3A_1076] {strides = array<i32>} : memref<128x64xf32, #tpu.memory_space<vmem>>, vector<16xf32>,
        tpu.vector_store %arg10[%swap3A_1075, %swap3A_1076], %add3A_1074 {strides = array<i32>} : memref<128x64xf32, #tpu.memory_space<vmem>>, vector<16xf32>,
        %get3A_1078 = arith.index_cast %add3A_1045 : i32 to index
        %get3A_1079 = arith.constant 16 : index
        %get3A_1080 = tpu.vector_load %arg8[%get3A_1078, %get3A_1079] {strides = array<i32>} : memref<128x64xf32, #tpu.memory_space<vmem>>, vector<16xf32>,
        %sub3A_1081 = arith.subf %get3A_1080, %gather3A_1057 : vector<16xf32>
        %mul3A_1082 = arith.mulf %gather3A_1067, %get3A_5 : vector<16xf32>
        %mul3A_1083 = arith.mulf %sub3A_1081, %mul3A_1082 : vector<16xf32>
        %add3A_1084 = arith.addf %mul3A_1083, %get3A_13 : vector<16xf32>
        %swap3A_1085 = arith.index_cast %add3A_1045 : i32 to index
        %swap3A_1086 = arith.constant 16 : index
        %swap3A_1087 = tpu.vector_load %arg10[%swap3A_1085, %swap3A_1086] {strides = array<i32>} : memref<128x64xf32, #tpu.memory_space<vmem>>, vector<16xf32>,
        tpu.vector_store %arg10[%swap3A_1085, %swap3A_1086], %add3A_1084 {strides = array<i32>} : memref<128x64xf32, #tpu.memory_space<vmem>>, vector<16xf32>,
        %get3A_1088 = arith.index_cast %add3A_1045 : i32 to index
        %get3A_1089 = arith.constant 32 : index
        %get3A_1090 = tpu.vector_load %arg8[%get3A_1088, %get3A_1089] {strides = array<i32>} : memref<128x64xf32, #tpu.memory_space<vmem>>, vector<16xf32>,
        %sub3A_1091 = arith.subf %get3A_1090, %gather3A_1057 : vector<16xf32>
        %mul3A_1092 = arith.mulf %gather3A_1067, %get3A_7 : vector<16xf32>
        %mul3A_1093 = arith.mulf %sub3A_1091, %mul3A_1092 : vector<16xf32>
        %add3A_1094 = arith.addf %mul3A_1093, %get3A_15 : vector<16xf32>
        %swap3A_1095 = arith.index_cast %add3A_1045 : i32 to index
        %swap3A_1096 = arith.constant 32 : index
        %swap3A_1097 = tpu.vector_load %arg10[%swap3A_1095, %swap3A_1096] {strides = array<i32>} : memref<128x64xf32, #tpu.memory_space<vmem>>, vector<16xf32>,
        tpu.vector_store %arg10[%swap3A_1095, %swap3A_1096], %add3A_1094 {strides = array<i32>} : memref<128x64xf32, #tpu.memory_space<vmem>>, vector<16xf32>,
        %get3A_1098 = arith.index_cast %add3A_1045 : i32 to index
        %get3A_1099 = arith.constant 48 : index
        %get3A_1100 = tpu.vector_load %arg8[%get3A_1098, %get3A_1099] {strides = array<i32>} : memref<128x64xf32, #tpu.memory_space<vmem>>, vector<16xf32>,
        %sub3A_1101 = arith.subf %get3A_1100, %gather3A_1057 : vector<16xf32>
        %mul3A_1102 = arith.mulf %gather3A_1067, %get3A_9 : vector<16xf32>
        %mul3A_1103 = arith.mulf %sub3A_1101, %mul3A_1102 : vector<16xf32>
        %add3A_1104 = arith.addf %mul3A_1103, %get3A_17 : vector<16xf32>
        %swap3A_1105 = arith.index_cast %add3A_1045 : i32 to index
        %swap3A_1106 = arith.constant 48 : index
        %swap3A_1107 = tpu.vector_load %arg10[%swap3A_1105, %swap3A_1106] {strides = array<i32>} : memref<128x64xf32, #tpu.memory_space<vmem>>, vector<16xf32>,
        tpu.vector_store %arg10[%swap3A_1105, %swap3A_1106], %add3A_1104 {strides = array<i32>} : memref<128x64xf32, #tpu.memory_space<vmem>>, vector<16xf32>,
        %add3A_1108 = arith.constant 5 : i32
        %add3A_1109 = arith.addi %mul3A_121, %add3A_1108 : i32
        %broadcast_in_dim3A_1110 = arith.constant 5 : i32
        %broadcast_in_dim3A_1111 = vector.broadcast %broadcast_in_dim3A_1110 : i32 to vector<16xi32>
        %lt3A_1112 = arith.constant 0 : i32
        %lt3A_1113 = vector.broadcast %lt3A_1112 : i32 to vector<16xi32>
        %lt3A_1114 = arith.cmpi slt, %broadcast_in_dim3A_1111, %lt3A_1113 : vector<16xi32>
        %add3A_1115 = arith.constant 16 : i32
        %add3A_1116 = vector.broadcast %add3A_1115 : i32 to vector<16xi32>
        %add3A_1117 = arith.addi %broadcast_in_dim3A_1111, %add3A_1116 : vector<16xi32>
        %select_n3A_1118 = arith.select %lt3A_1114, %add3A_1117, %broadcast_in_dim3A_1111 : vector<16xi1>, vector<16xi32>
        %broadcast_in_dim3A_1119 = vector.shape_cast %select_n3A_1118 : vector<16xi32> to vector<16x1xi32>
        %gather3A_1120 = vector.shape_cast %broadcast_in_dim3A_1119 : vector<16x1xi32> to vector<16xi32>
        %gather3A_1121 = tpu.dynamic_gather %mul3A_758[%gather3A_1120] in [0] : vector<16xf32>, vector<16xi32> -> vector<16xf32>
        %lt3A_1122 = arith.constant 0 : i32
        %lt3A_1123 = vector.broadcast %lt3A_1122 : i32 to vector<16xi32>
        %lt3A_1124 = arith.cmpi slt, %broadcast_in_dim3A_1111, %lt3A_1123 : vector<16xi32>
        %add3A_1125 = arith.constant 16 : i32
        %add3A_1126 = vector.broadcast %add3A_1125 : i32 to vector<16xi32>
        %add3A_1127 = arith.addi %broadcast_in_dim3A_1111, %add3A_1126 : vector<16xi32>
        %select_n3A_1128 = arith.select %lt3A_1124, %add3A_1127, %broadcast_in_dim3A_1111 : vector<16xi1>, vector<16xi32>
        %broadcast_in_dim3A_1129 = vector.shape_cast %select_n3A_1128 : vector<16xi32> to vector<16x1xi32>
        %gather3A_1130 = vector.shape_cast %broadcast_in_dim3A_1129 : vector<16x1xi32> to vector<16xi32>
        %gather3A_1131 = tpu.dynamic_gather %mul3A_788[%gather3A_1130] in [0] : vector<16xf32>, vector<16xi32> -> vector<16xf32>
        %get3A_1132 = arith.index_cast %add3A_1109 : i32 to index
        %get3A_1133 = arith.constant 0 : index
        %get3A_1134 = tpu.vector_load %arg8[%get3A_1132, %get3A_1133] {strides = array<i32>} : memref<128x64xf32, #tpu.memory_space<vmem>>, vector<16xf32>,
        %sub3A_1135 = arith.subf %get3A_1134, %gather3A_1121 : vector<16xf32>
        %mul3A_1136 = arith.mulf %gather3A_1131, %get3A_3 : vector<16xf32>
        %mul3A_1137 = arith.mulf %sub3A_1135, %mul3A_1136 : vector<16xf32>
        %add3A_1138 = arith.addf %mul3A_1137, %get3A_11 : vector<16xf32>
        %swap3A_1139 = arith.index_cast %add3A_1109 : i32 to index
        %swap3A_1140 = arith.constant 0 : index
        %swap3A_1141 = tpu.vector_load %arg10[%swap3A_1139, %swap3A_1140] {strides = array<i32>} : memref<128x64xf32, #tpu.memory_space<vmem>>, vector<16xf32>,
        tpu.vector_store %arg10[%swap3A_1139, %swap3A_1140], %add3A_1138 {strides = array<i32>} : memref<128x64xf32, #tpu.memory_space<vmem>>, vector<16xf32>,
        %get3A_1142 = arith.index_cast %add3A_1109 : i32 to index
        %get3A_1143 = arith.constant 16 : index
        %get3A_1144 = tpu.vector_load %arg8[%get3A_1142, %get3A_1143] {strides = array<i32>} : memref<128x64xf32, #tpu.memory_space<vmem>>, vector<16xf32>,
        %sub3A_1145 = arith.subf %get3A_1144, %gather3A_1121 : vector<16xf32>
        %mul3A_1146 = arith.mulf %gather3A_1131, %get3A_5 : vector<16xf32>
        %mul3A_1147 = arith.mulf %sub3A_1145, %mul3A_1146 : vector<16xf32>
        %add3A_1148 = arith.addf %mul3A_1147, %get3A_13 : vector<16xf32>
        %swap3A_1149 = arith.index_cast %add3A_1109 : i32 to index
        %swap3A_1150 = arith.constant 16 : index
        %swap3A_1151 = tpu.vector_load %arg10[%swap3A_1149, %swap3A_1150] {strides = array<i32>} : memref<128x64xf32, #tpu.memory_space<vmem>>, vector<16xf32>,
        tpu.vector_store %arg10[%swap3A_1149, %swap3A_1150], %add3A_1148 {strides = array<i32>} : memref<128x64xf32, #tpu.memory_space<vmem>>, vector<16xf32>,
        %get3A_1152 = arith.index_cast %add3A_1109 : i32 to index
        %get3A_1153 = arith.constant 32 : index
        %get3A_1154 = tpu.vector_load %arg8[%get3A_1152, %get3A_1153] {strides = array<i32>} : memref<128x64xf32, #tpu.memory_space<vmem>>, vector<16xf32>,
        %sub3A_1155 = arith.subf %get3A_1154, %gather3A_1121 : vector<16xf32>
        %mul3A_1156 = arith.mulf %gather3A_1131, %get3A_7 : vector<16xf32>
        %mul3A_1157 = arith.mulf %sub3A_1155, %mul3A_1156 : vector<16xf32>
        %add3A_1158 = arith.addf %mul3A_1157, %get3A_15 : vector<16xf32>
        %swap3A_1159 = arith.index_cast %add3A_1109 : i32 to index
        %swap3A_1160 = arith.constant 32 : index
        %swap3A_1161 = tpu.vector_load %arg10[%swap3A_1159, %swap3A_1160] {strides = array<i32>} : memref<128x64xf32, #tpu.memory_space<vmem>>, vector<16xf32>,
        tpu.vector_store %arg10[%swap3A_1159, %swap3A_1160], %add3A_1158 {strides = array<i32>} : memref<128x64xf32, #tpu.memory_space<vmem>>, vector<16xf32>,
        %get3A_1162 = arith.index_cast %add3A_1109 : i32 to index
        %get3A_1163 = arith.constant 48 : index
        %get3A_1164 = tpu.vector_load %arg8[%get3A_1162, %get3A_1163] {strides = array<i32>} : memref<128x64xf32, #tpu.memory_space<vmem>>, vector<16xf32>,
        %sub3A_1165 = arith.subf %get3A_1164, %gather3A_1121 : vector<16xf32>
        %mul3A_1166 = arith.mulf %gather3A_1131, %get3A_9 : vector<16xf32>
        %mul3A_1167 = arith.mulf %sub3A_1165, %mul3A_1166 : vector<16xf32>
        %add3A_1168 = arith.addf %mul3A_1167, %get3A_17 : vector<16xf32>
        %swap3A_1169 = arith.index_cast %add3A_1109 : i32 to index
        %swap3A_1170 = arith.constant 48 : index
        %swap3A_1171 = tpu.vector_load %arg10[%swap3A_1169, %swap3A_1170] {strides = array<i32>} : memref<128x64xf32, #tpu.memory_space<vmem>>, vector<16xf32>,
        tpu.vector_store %arg10[%swap3A_1169, %swap3A_1170], %add3A_1168 {strides = array<i32>} : memref<128x64xf32, #tpu.memory_space<vmem>>, vector<16xf32>,
        %add3A_1172 = arith.constant 6 : i32
        %add3A_1173 = arith.addi %mul3A_121, %add3A_1172 : i32
        %broadcast_in_dim3A_1174 = arith.constant 6 : i32
        %broadcast_in_dim3A_1175 = vector.broadcast %broadcast_in_dim3A_1174 : i32 to vector<16xi32>
        %lt3A_1176 = arith.constant 0 : i32
        %lt3A_1177 = vector.broadcast %lt3A_1176 : i32 to vector<16xi32>
        %lt3A_1178 = arith.cmpi slt, %broadcast_in_dim3A_1175, %lt3A_1177 : vector<16xi32>
        %add3A_1179 = arith.constant 16 : i32
        %add3A_1180 = vector.broadcast %add3A_1179 : i32 to vector<16xi32>
        %add3A_1181 = arith.addi %broadcast_in_dim3A_1175, %add3A_1180 : vector<16xi32>
        %select_n3A_1182 = arith.select %lt3A_1178, %add3A_1181, %broadcast_in_dim3A_1175 : vector<16xi1>, vector<16xi32>
        %broadcast_in_dim3A_1183 = vector.shape_cast %select_n3A_1182 : vector<16xi32> to vector<16x1xi32>
        %gather3A_1184 = vector.shape_cast %broadcast_in_dim3A_1183 : vector<16x1xi32> to vector<16xi32>
        %gather3A_1185 = tpu.dynamic_gather %mul3A_758[%gather3A_1184] in [0] : vector<16xf32>, vector<16xi32> -> vector<16xf32>
        %lt3A_1186 = arith.constant 0 : i32
        %lt3A_1187 = vector.broadcast %lt3A_1186 : i32 to vector<16xi32>
        %lt3A_1188 = arith.cmpi slt, %broadcast_in_dim3A_1175, %lt3A_1187 : vector<16xi32>
        %add3A_1189 = arith.constant 16 : i32
        %add3A_1190 = vector.broadcast %add3A_1189 : i32 to vector<16xi32>
        %add3A_1191 = arith.addi %broadcast_in_dim3A_1175, %add3A_1190 : vector<16xi32>
        %select_n3A_1192 = arith.select %lt3A_1188, %add3A_1191, %broadcast_in_dim3A_1175 : vector<16xi1>, vector<16xi32>
        %broadcast_in_dim3A_1193 = vector.shape_cast %select_n3A_1192 : vector<16xi32> to vector<16x1xi32>
        %gather3A_1194 = vector.shape_cast %broadcast_in_dim3A_1193 : vector<16x1xi32> to vector<16xi32>
        %gather3A_1195 = tpu.dynamic_gather %mul3A_788[%gather3A_1194] in [0] : vector<16xf32>, vector<16xi32> -> vector<16xf32>
        %get3A_1196 = arith.index_cast %add3A_1173 : i32 to index
        %get3A_1197 = arith.constant 0 : index
        %get3A_1198 = tpu.vector_load %arg8[%get3A_1196, %get3A_1197] {strides = array<i32>} : memref<128x64xf32, #tpu.memory_space<vmem>>, vector<16xf32>,
        %sub3A_1199 = arith.subf %get3A_1198, %gather3A_1185 : vector<16xf32>
        %mul3A_1200 = arith.mulf %gather3A_1195, %get3A_3 : vector<16xf32>
        %mul3A_1201 = arith.mulf %sub3A_1199, %mul3A_1200 : vector<16xf32>
        %add3A_1202 = arith.addf %mul3A_1201, %get3A_11 : vector<16xf32>
        %swap3A_1203 = arith.index_cast %add3A_1173 : i32 to index
        %swap3A_1204 = arith.constant 0 : index
        %swap3A_1205 = tpu.vector_load %arg10[%swap3A_1203, %swap3A_1204] {strides = array<i32>} : memref<128x64xf32, #tpu.memory_space<vmem>>, vector<16xf32>,
        tpu.vector_store %arg10[%swap3A_1203, %swap3A_1204], %add3A_1202 {strides = array<i32>} : memref<128x64xf32, #tpu.memory_space<vmem>>, vector<16xf32>,
        %get3A_1206 = arith.index_cast %add3A_1173 : i32 to index
        %get3A_1207 = arith.constant 16 : index
        %get3A_1208 = tpu.vector_load %arg8[%get3A_1206, %get3A_1207] {strides = array<i32>} : memref<128x64xf32, #tpu.memory_space<vmem>>, vector<16xf32>,
        %sub3A_1209 = arith.subf %get3A_1208, %gather3A_1185 : vector<16xf32>
        %mul3A_1210 = arith.mulf %gather3A_1195, %get3A_5 : vector<16xf32>
        %mul3A_1211 = arith.mulf %sub3A_1209, %mul3A_1210 : vector<16xf32>
        %add3A_1212 = arith.addf %mul3A_1211, %get3A_13 : vector<16xf32>
        %swap3A_1213 = arith.index_cast %add3A_1173 : i32 to index
        %swap3A_1214 = arith.constant 16 : index
        %swap3A_1215 = tpu.vector_load %arg10[%swap3A_1213, %swap3A_1214] {strides = array<i32>} : memref<128x64xf32, #tpu.memory_space<vmem>>, vector<16xf32>,
        tpu.vector_store %arg10[%swap3A_1213, %swap3A_1214], %add3A_1212 {strides = array<i32>} : memref<128x64xf32, #tpu.memory_space<vmem>>, vector<16xf32>,
        %get3A_1216 = arith.index_cast %add3A_1173 : i32 to index
        %get3A_1217 = arith.constant 32 : index
        %get3A_1218 = tpu.vector_load %arg8[%get3A_1216, %get3A_1217] {strides = array<i32>} : memref<128x64xf32, #tpu.memory_space<vmem>>, vector<16xf32>,
        %sub3A_1219 = arith.subf %get3A_1218, %gather3A_1185 : vector<16xf32>
        %mul3A_1220 = arith.mulf %gather3A_1195, %get3A_7 : vector<16xf32>
        %mul3A_1221 = arith.mulf %sub3A_1219, %mul3A_1220 : vector<16xf32>
        %add3A_1222 = arith.addf %mul3A_1221, %get3A_15 : vector<16xf32>
        %swap3A_1223 = arith.index_cast %add3A_1173 : i32 to index
        %swap3A_1224 = arith.constant 32 : index
        %swap3A_1225 = tpu.vector_load %arg10[%swap3A_1223, %swap3A_1224] {strides = array<i32>} : memref<128x64xf32, #tpu.memory_space<vmem>>, vector<16xf32>,
        tpu.vector_store %arg10[%swap3A_1223, %swap3A_1224], %add3A_1222 {strides = array<i32>} : memref<128x64xf32, #tpu.memory_space<vmem>>, vector<16xf32>,
        %get3A_1226 = arith.index_cast %add3A_1173 : i32 to index
        %get3A_1227 = arith.constant 48 : index
        %get3A_1228 = tpu.vector_load %arg8[%get3A_1226, %get3A_1227] {strides = array<i32>} : memref<128x64xf32, #tpu.memory_space<vmem>>, vector<16xf32>,
        %sub3A_1229 = arith.subf %get3A_1228, %gather3A_1185 : vector<16xf32>
        %mul3A_1230 = arith.mulf %gather3A_1195, %get3A_9 : vector<16xf32>
        %mul3A_1231 = arith.mulf %sub3A_1229, %mul3A_1230 : vector<16xf32>
        %add3A_1232 = arith.addf %mul3A_1231, %get3A_17 : vector<16xf32>
        %swap3A_1233 = arith.index_cast %add3A_1173 : i32 to index
        %swap3A_1234 = arith.constant 48 : index
        %swap3A_1235 = tpu.vector_load %arg10[%swap3A_1233, %swap3A_1234] {strides = array<i32>} : memref<128x64xf32, #tpu.memory_space<vmem>>, vector<16xf32>,
        tpu.vector_store %arg10[%swap3A_1233, %swap3A_1234], %add3A_1232 {strides = array<i32>} : memref<128x64xf32, #tpu.memory_space<vmem>>, vector<16xf32>,
        %add3A_1236 = arith.constant 7 : i32
        %add3A_1237 = arith.addi %mul3A_121, %add3A_1236 : i32
        %broadcast_in_dim3A_1238 = arith.constant 7 : i32
        %broadcast_in_dim3A_1239 = vector.broadcast %broadcast_in_dim3A_1238 : i32 to vector<16xi32>
        %lt3A_1240 = arith.constant 0 : i32
        %lt3A_1241 = vector.broadcast %lt3A_1240 : i32 to vector<16xi32>
        %lt3A_1242 = arith.cmpi slt, %broadcast_in_dim3A_1239, %lt3A_1241 : vector<16xi32>
        %add3A_1243 = arith.constant 16 : i32
        %add3A_1244 = vector.broadcast %add3A_1243 : i32 to vector<16xi32>
        %add3A_1245 = arith.addi %broadcast_in_dim3A_1239, %add3A_1244 : vector<16xi32>
        %select_n3A_1246 = arith.select %lt3A_1242, %add3A_1245, %broadcast_in_dim3A_1239 : vector<16xi1>, vector<16xi32>
        %broadcast_in_dim3A_1247 = vector.shape_cast %select_n3A_1246 : vector<16xi32> to vector<16x1xi32>
        %gather3A_1248 = vector.shape_cast %broadcast_in_dim3A_1247 : vector<16x1xi32> to vector<16xi32>
        %gather3A_1249 = tpu.dynamic_gather %mul3A_758[%gather3A_1248] in [0] : vector<16xf32>, vector<16xi32> -> vector<16xf32>
        %lt3A_1250 = arith.constant 0 : i32
        %lt3A_1251 = vector.broadcast %lt3A_1250 : i32 to vector<16xi32>
        %lt3A_1252 = arith.cmpi slt, %broadcast_in_dim3A_1239, %lt3A_1251 : vector<16xi32>
        %add3A_1253 = arith.constant 16 : i32
        %add3A_1254 = vector.broadcast %add3A_1253 : i32 to vector<16xi32>
        %add3A_1255 = arith.addi %broadcast_in_dim3A_1239, %add3A_1254 : vector<16xi32>
        %select_n3A_1256 = arith.select %lt3A_1252, %add3A_1255, %broadcast_in_dim3A_1239 : vector<16xi1>, vector<16xi32>
        %broadcast_in_dim3A_1257 = vector.shape_cast %select_n3A_1256 : vector<16xi32> to vector<16x1xi32>
        %gather3A_1258 = vector.shape_cast %broadcast_in_dim3A_1257 : vector<16x1xi32> to vector<16xi32>
        %gather3A_1259 = tpu.dynamic_gather %mul3A_788[%gather3A_1258] in [0] : vector<16xf32>, vector<16xi32> -> vector<16xf32>
        %get3A_1260 = arith.index_cast %add3A_1237 : i32 to index
        %get3A_1261 = arith.constant 0 : index
        %get3A_1262 = tpu.vector_load %arg8[%get3A_1260, %get3A_1261] {strides = array<i32>} : memref<128x64xf32, #tpu.memory_space<vmem>>, vector<16xf32>,
        %sub3A_1263 = arith.subf %get3A_1262, %gather3A_1249 : vector<16xf32>
        %mul3A_1264 = arith.mulf %gather3A_1259, %get3A_3 : vector<16xf32>
        %mul3A_1265 = arith.mulf %sub3A_1263, %mul3A_1264 : vector<16xf32>
        %add3A_1266 = arith.addf %mul3A_1265, %get3A_11 : vector<16xf32>
        %swap3A_1267 = arith.index_cast %add3A_1237 : i32 to index
        %swap3A_1268 = arith.constant 0 : index
        %swap3A_1269 = tpu.vector_load %arg10[%swap3A_1267, %swap3A_1268] {strides = array<i32>} : memref<128x64xf32, #tpu.memory_space<vmem>>, vector<16xf32>,
        tpu.vector_store %arg10[%swap3A_1267, %swap3A_1268], %add3A_1266 {strides = array<i32>} : memref<128x64xf32, #tpu.memory_space<vmem>>, vector<16xf32>,
        %get3A_1270 = arith.index_cast %add3A_1237 : i32 to index
        %get3A_1271 = arith.constant 16 : index
        %get3A_1272 = tpu.vector_load %arg8[%get3A_1270, %get3A_1271] {strides = array<i32>} : memref<128x64xf32, #tpu.memory_space<vmem>>, vector<16xf32>,
        %sub3A_1273 = arith.subf %get3A_1272, %gather3A_1249 : vector<16xf32>
        %mul3A_1274 = arith.mulf %gather3A_1259, %get3A_5 : vector<16xf32>
        %mul3A_1275 = arith.mulf %sub3A_1273, %mul3A_1274 : vector<16xf32>
        %add3A_1276 = arith.addf %mul3A_1275, %get3A_13 : vector<16xf32>
        %swap3A_1277 = arith.index_cast %add3A_1237 : i32 to index
        %swap3A_1278 = arith.constant 16 : index
        %swap3A_1279 = tpu.vector_load %arg10[%swap3A_1277, %swap3A_1278] {strides = array<i32>} : memref<128x64xf32, #tpu.memory_space<vmem>>, vector<16xf32>,
        tpu.vector_store %arg10[%swap3A_1277, %swap3A_1278], %add3A_1276 {strides = array<i32>} : memref<128x64xf32, #tpu.memory_space<vmem>>, vector<16xf32>,
        %get3A_1280 = arith.index_cast %add3A_1237 : i32 to index
        %get3A_1281 = arith.constant 32 : index
        %get3A_1282 = tpu.vector_load %arg8[%get3A_1280, %get3A_1281] {strides = array<i32>} : memref<128x64xf32, #tpu.memory_space<vmem>>, vector<16xf32>,
        %sub3A_1283 = arith.subf %get3A_1282, %gather3A_1249 : vector<16xf32>
        %mul3A_1284 = arith.mulf %gather3A_1259, %get3A_7 : vector<16xf32>
        %mul3A_1285 = arith.mulf %sub3A_1283, %mul3A_1284 : vector<16xf32>
        %add3A_1286 = arith.addf %mul3A_1285, %get3A_15 : vector<16xf32>
        %swap3A_1287 = arith.index_cast %add3A_1237 : i32 to index
        %swap3A_1288 = arith.constant 32 : index
        %swap3A_1289 = tpu.vector_load %arg10[%swap3A_1287, %swap3A_1288] {strides = array<i32>} : memref<128x64xf32, #tpu.memory_space<vmem>>, vector<16xf32>,
        tpu.vector_store %arg10[%swap3A_1287, %swap3A_1288], %add3A_1286 {strides = array<i32>} : memref<128x64xf32, #tpu.memory_space<vmem>>, vector<16xf32>,
        %get3A_1290 = arith.index_cast %add3A_1237 : i32 to index
        %get3A_1291 = arith.constant 48 : index
        %get3A_1292 = tpu.vector_load %arg8[%get3A_1290, %get3A_1291] {strides = array<i32>} : memref<128x64xf32, #tpu.memory_space<vmem>>, vector<16xf32>,
        %sub3A_1293 = arith.subf %get3A_1292, %gather3A_1249 : vector<16xf32>
        %mul3A_1294 = arith.mulf %gather3A_1259, %get3A_9 : vector<16xf32>
        %mul3A_1295 = arith.mulf %sub3A_1293, %mul3A_1294 : vector<16xf32>
        %add3A_1296 = arith.addf %mul3A_1295, %get3A_17 : vector<16xf32>
        %swap3A_1297 = arith.index_cast %add3A_1237 : i32 to index
        %swap3A_1298 = arith.constant 48 : index
        %swap3A_1299 = tpu.vector_load %arg10[%swap3A_1297, %swap3A_1298] {strides = array<i32>} : memref<128x64xf32, #tpu.memory_space<vmem>>, vector<16xf32>,
        tpu.vector_store %arg10[%swap3A_1297, %swap3A_1298], %add3A_1296 {strides = array<i32>} : memref<128x64xf32, #tpu.memory_space<vmem>>, vector<16xf32>,
        %add3A_1300 = arith.constant 8 : i32
        %add3A_1301 = arith.addi %mul3A_121, %add3A_1300 : i32
        %broadcast_in_dim3A_1302 = arith.constant 8 : i32
        %broadcast_in_dim3A_1303 = vector.broadcast %broadcast_in_dim3A_1302 : i32 to vector<16xi32>
        %lt3A_1304 = arith.constant 0 : i32
        %lt3A_1305 = vector.broadcast %lt3A_1304 : i32 to vector<16xi32>
        %lt3A_1306 = arith.cmpi slt, %broadcast_in_dim3A_1303, %lt3A_1305 : vector<16xi32>
        %add3A_1307 = arith.constant 16 : i32
        %add3A_1308 = vector.broadcast %add3A_1307 : i32 to vector<16xi32>
        %add3A_1309 = arith.addi %broadcast_in_dim3A_1303, %add3A_1308 : vector<16xi32>
        %select_n3A_1310 = arith.select %lt3A_1306, %add3A_1309, %broadcast_in_dim3A_1303 : vector<16xi1>, vector<16xi32>
        %broadcast_in_dim3A_1311 = vector.shape_cast %select_n3A_1310 : vector<16xi32> to vector<16x1xi32>
        %gather3A_1312 = vector.shape_cast %broadcast_in_dim3A_1311 : vector<16x1xi32> to vector<16xi32>
        %gather3A_1313 = tpu.dynamic_gather %mul3A_758[%gather3A_1312] in [0] : vector<16xf32>, vector<16xi32> -> vector<16xf32>
        %lt3A_1314 = arith.constant 0 : i32
        %lt3A_1315 = vector.broadcast %lt3A_1314 : i32 to vector<16xi32>
        %lt3A_1316 = arith.cmpi slt, %broadcast_in_dim3A_1303, %lt3A_1315 : vector<16xi32>
        %add3A_1317 = arith.constant 16 : i32
        %add3A_1318 = vector.broadcast %add3A_1317 : i32 to vector<16xi32>
        %add3A_1319 = arith.addi %broadcast_in_dim3A_1303, %add3A_1318 : vector<16xi32>
        %select_n3A_1320 = arith.select %lt3A_1316, %add3A_1319, %broadcast_in_dim3A_1303 : vector<16xi1>, vector<16xi32>
        %broadcast_in_dim3A_1321 = vector.shape_cast %select_n3A_1320 : vector<16xi32> to vector<16x1xi32>
        %gather3A_1322 = vector.shape_cast %broadcast_in_dim3A_1321 : vector<16x1xi32> to vector<16xi32>
        %gather3A_1323 = tpu.dynamic_gather %mul3A_788[%gather3A_1322] in [0] : vector<16xf32>, vector<16xi32> -> vector<16xf32>
        %get3A_1324 = arith.index_cast %add3A_1301 : i32 to index
        %get3A_1325 = arith.constant 0 : index
        %get3A_1326 = tpu.vector_load %arg8[%get3A_1324, %get3A_1325] {strides = array<i32>} : memref<128x64xf32, #tpu.memory_space<vmem>>, vector<16xf32>,
        %sub3A_1327 = arith.subf %get3A_1326, %gather3A_1313 : vector<16xf32>
        %mul3A_1328 = arith.mulf %gather3A_1323, %get3A_3 : vector<16xf32>
        %mul3A_1329 = arith.mulf %sub3A_1327, %mul3A_1328 : vector<16xf32>
        %add3A_1330 = arith.addf %mul3A_1329, %get3A_11 : vector<16xf32>
        %swap3A_1331 = arith.index_cast %add3A_1301 : i32 to index
        %swap3A_1332 = arith.constant 0 : index
        %swap3A_1333 = tpu.vector_load %arg10[%swap3A_1331, %swap3A_1332] {strides = array<i32>} : memref<128x64xf32, #tpu.memory_space<vmem>>, vector<16xf32>,
        tpu.vector_store %arg10[%swap3A_1331, %swap3A_1332], %add3A_1330 {strides = array<i32>} : memref<128x64xf32, #tpu.memory_space<vmem>>, vector<16xf32>,
        %get3A_1334 = arith.index_cast %add3A_1301 : i32 to index
        %get3A_1335 = arith.constant 16 : index
        %get3A_1336 = tpu.vector_load %arg8[%get3A_1334, %get3A_1335] {strides = array<i32>} : memref<128x64xf32, #tpu.memory_space<vmem>>, vector<16xf32>,
        %sub3A_1337 = arith.subf %get3A_1336, %gather3A_1313 : vector<16xf32>
        %mul3A_1338 = arith.mulf %gather3A_1323, %get3A_5 : vector<16xf32>
        %mul3A_1339 = arith.mulf %sub3A_1337, %mul3A_1338 : vector<16xf32>
        %add3A_1340 = arith.addf %mul3A_1339, %get3A_13 : vector<16xf32>
        %swap3A_1341 = arith.index_cast %add3A_1301 : i32 to index
        %swap3A_1342 = arith.constant 16 : index
        %swap3A_1343 = tpu.vector_load %arg10[%swap3A_1341, %swap3A_1342] {strides = array<i32>} : memref<128x64xf32, #tpu.memory_space<vmem>>, vector<16xf32>,
        tpu.vector_store %arg10[%swap3A_1341, %swap3A_1342], %add3A_1340 {strides = array<i32>} : memref<128x64xf32, #tpu.memory_space<vmem>>, vector<16xf32>,
        %get3A_1344 = arith.index_cast %add3A_1301 : i32 to index
        %get3A_1345 = arith.constant 32 : index
        %get3A_1346 = tpu.vector_load %arg8[%get3A_1344, %get3A_1345] {strides = array<i32>} : memref<128x64xf32, #tpu.memory_space<vmem>>, vector<16xf32>,
        %sub3A_1347 = arith.subf %get3A_1346, %gather3A_1313 : vector<16xf32>
        %mul3A_1348 = arith.mulf %gather3A_1323, %get3A_7 : vector<16xf32>
        %mul3A_1349 = arith.mulf %sub3A_1347, %mul3A_1348 : vector<16xf32>
        %add3A_1350 = arith.addf %mul3A_1349, %get3A_15 : vector<16xf32>
        %swap3A_1351 = arith.index_cast %add3A_1301 : i32 to index
        %swap3A_1352 = arith.constant 32 : index
        %swap3A_1353 = tpu.vector_load %arg10[%swap3A_1351, %swap3A_1352] {strides = array<i32>} : memref<128x64xf32, #tpu.memory_space<vmem>>, vector<16xf32>,
        tpu.vector_store %arg10[%swap3A_1351, %swap3A_1352], %add3A_1350 {strides = array<i32>} : memref<128x64xf32, #tpu.memory_space<vmem>>, vector<16xf32>,
        %get3A_1354 = arith.index_cast %add3A_1301 : i32 to index
        %get3A_1355 = arith.constant 48 : index
        %get3A_1356 = tpu.vector_load %arg8[%get3A_1354, %get3A_1355] {strides = array<i32>} : memref<128x64xf32, #tpu.memory_space<vmem>>, vector<16xf32>,
        %sub3A_1357 = arith.subf %get3A_1356, %gather3A_1313 : vector<16xf32>
        %mul3A_1358 = arith.mulf %gather3A_1323, %get3A_9 : vector<16xf32>
        %mul3A_1359 = arith.mulf %sub3A_1357, %mul3A_1358 : vector<16xf32>
        %add3A_1360 = arith.addf %mul3A_1359, %get3A_17 : vector<16xf32>
        %swap3A_1361 = arith.index_cast %add3A_1301 : i32 to index
        %swap3A_1362 = arith.constant 48 : index
        %swap3A_1363 = tpu.vector_load %arg10[%swap3A_1361, %swap3A_1362] {strides = array<i32>} : memref<128x64xf32, #tpu.memory_space<vmem>>, vector<16xf32>,
        tpu.vector_store %arg10[%swap3A_1361, %swap3A_1362], %add3A_1360 {strides = array<i32>} : memref<128x64xf32, #tpu.memory_space<vmem>>, vector<16xf32>,
        %add3A_1364 = arith.constant 9 : i32
        %add3A_1365 = arith.addi %mul3A_121, %add3A_1364 : i32
        %broadcast_in_dim3A_1366 = arith.constant 9 : i32
        %broadcast_in_dim3A_1367 = vector.broadcast %broadcast_in_dim3A_1366 : i32 to vector<16xi32>
        %lt3A_1368 = arith.constant 0 : i32
        %lt3A_1369 = vector.broadcast %lt3A_1368 : i32 to vector<16xi32>
        %lt3A_1370 = arith.cmpi slt, %broadcast_in_dim3A_1367, %lt3A_1369 : vector<16xi32>
        %add3A_1371 = arith.constant 16 : i32
        %add3A_1372 = vector.broadcast %add3A_1371 : i32 to vector<16xi32>
        %add3A_1373 = arith.addi %broadcast_in_dim3A_1367, %add3A_1372 : vector<16xi32>
        %select_n3A_1374 = arith.select %lt3A_1370, %add3A_1373, %broadcast_in_dim3A_1367 : vector<16xi1>, vector<16xi32>
        %broadcast_in_dim3A_1375 = vector.shape_cast %select_n3A_1374 : vector<16xi32> to vector<16x1xi32>
        %gather3A_1376 = vector.shape_cast %broadcast_in_dim3A_1375 : vector<16x1xi32> to vector<16xi32>
        %gather3A_1377 = tpu.dynamic_gather %mul3A_758[%gather3A_1376] in [0] : vector<16xf32>, vector<16xi32> -> vector<16xf32>
        %lt3A_1378 = arith.constant 0 : i32
        %lt3A_1379 = vector.broadcast %lt3A_1378 : i32 to vector<16xi32>
        %lt3A_1380 = arith.cmpi slt, %broadcast_in_dim3A_1367, %lt3A_1379 : vector<16xi32>
        %add3A_1381 = arith.constant 16 : i32
        %add3A_1382 = vector.broadcast %add3A_1381 : i32 to vector<16xi32>
        %add3A_1383 = arith.addi %broadcast_in_dim3A_1367, %add3A_1382 : vector<16xi32>
        %select_n3A_1384 = arith.select %lt3A_1380, %add3A_1383, %broadcast_in_dim3A_1367 : vector<16xi1>, vector<16xi32>
        %broadcast_in_dim3A_1385 = vector.shape_cast %select_n3A_1384 : vector<16xi32> to vector<16x1xi32>
        %gather3A_1386 = vector.shape_cast %broadcast_in_dim3A_1385 : vector<16x1xi32> to vector<16xi32>
        %gather3A_1387 = tpu.dynamic_gather %mul3A_788[%gather3A_1386] in [0] : vector<16xf32>, vector<16xi32> -> vector<16xf32>
        %get3A_1388 = arith.index_cast %add3A_1365 : i32 to index
        %get3A_1389 = arith.constant 0 : index
        %get3A_1390 = tpu.vector_load %arg8[%get3A_1388, %get3A_1389] {strides = array<i32>} : memref<128x64xf32, #tpu.memory_space<vmem>>, vector<16xf32>,
        %sub3A_1391 = arith.subf %get3A_1390, %gather3A_1377 : vector<16xf32>
        %mul3A_1392 = arith.mulf %gather3A_1387, %get3A_3 : vector<16xf32>
        %mul3A_1393 = arith.mulf %sub3A_1391, %mul3A_1392 : vector<16xf32>
        %add3A_1394 = arith.addf %mul3A_1393, %get3A_11 : vector<16xf32>
        %swap3A_1395 = arith.index_cast %add3A_1365 : i32 to index
        %swap3A_1396 = arith.constant 0 : index
        %swap3A_1397 = tpu.vector_load %arg10[%swap3A_1395, %swap3A_1396] {strides = array<i32>} : memref<128x64xf32, #tpu.memory_space<vmem>>, vector<16xf32>,
        tpu.vector_store %arg10[%swap3A_1395, %swap3A_1396], %add3A_1394 {strides = array<i32>} : memref<128x64xf32, #tpu.memory_space<vmem>>, vector<16xf32>,
        %get3A_1398 = arith.index_cast %add3A_1365 : i32 to index
        %get3A_1399 = arith.constant 16 : index
        %get3A_1400 = tpu.vector_load %arg8[%get3A_1398, %get3A_1399] {strides = array<i32>} : memref<128x64xf32, #tpu.memory_space<vmem>>, vector<16xf32>,
        %sub3A_1401 = arith.subf %get3A_1400, %gather3A_1377 : vector<16xf32>
        %mul3A_1402 = arith.mulf %gather3A_1387, %get3A_5 : vector<16xf32>
        %mul3A_1403 = arith.mulf %sub3A_1401, %mul3A_1402 : vector<16xf32>
        %add3A_1404 = arith.addf %mul3A_1403, %get3A_13 : vector<16xf32>
        %swap3A_1405 = arith.index_cast %add3A_1365 : i32 to index
        %swap3A_1406 = arith.constant 16 : index
        %swap3A_1407 = tpu.vector_load %arg10[%swap3A_1405, %swap3A_1406] {strides = array<i32>} : memref<128x64xf32, #tpu.memory_space<vmem>>, vector<16xf32>,
        tpu.vector_store %arg10[%swap3A_1405, %swap3A_1406], %add3A_1404 {strides = array<i32>} : memref<128x64xf32, #tpu.memory_space<vmem>>, vector<16xf32>,
        %get3A_1408 = arith.index_cast %add3A_1365 : i32 to index
        %get3A_1409 = arith.constant 32 : index
        %get3A_1410 = tpu.vector_load %arg8[%get3A_1408, %get3A_1409] {strides = array<i32>} : memref<128x64xf32, #tpu.memory_space<vmem>>, vector<16xf32>,
        %sub3A_1411 = arith.subf %get3A_1410, %gather3A_1377 : vector<16xf32>
        %mul3A_1412 = arith.mulf %gather3A_1387, %get3A_7 : vector<16xf32>
        %mul3A_1413 = arith.mulf %sub3A_1411, %mul3A_1412 : vector<16xf32>
        %add3A_1414 = arith.addf %mul3A_1413, %get3A_15 : vector<16xf32>
        %swap3A_1415 = arith.index_cast %add3A_1365 : i32 to index
        %swap3A_1416 = arith.constant 32 : index
        %swap3A_1417 = tpu.vector_load %arg10[%swap3A_1415, %swap3A_1416] {strides = array<i32>} : memref<128x64xf32, #tpu.memory_space<vmem>>, vector<16xf32>,
        tpu.vector_store %arg10[%swap3A_1415, %swap3A_1416], %add3A_1414 {strides = array<i32>} : memref<128x64xf32, #tpu.memory_space<vmem>>, vector<16xf32>,
        %get3A_1418 = arith.index_cast %add3A_1365 : i32 to index
        %get3A_1419 = arith.constant 48 : index
        %get3A_1420 = tpu.vector_load %arg8[%get3A_1418, %get3A_1419] {strides = array<i32>} : memref<128x64xf32, #tpu.memory_space<vmem>>, vector<16xf32>,
        %sub3A_1421 = arith.subf %get3A_1420, %gather3A_1377 : vector<16xf32>
        %mul3A_1422 = arith.mulf %gather3A_1387, %get3A_9 : vector<16xf32>
        %mul3A_1423 = arith.mulf %sub3A_1421, %mul3A_1422 : vector<16xf32>
        %add3A_1424 = arith.addf %mul3A_1423, %get3A_17 : vector<16xf32>
        %swap3A_1425 = arith.index_cast %add3A_1365 : i32 to index
        %swap3A_1426 = arith.constant 48 : index
        %swap3A_1427 = tpu.vector_load %arg10[%swap3A_1425, %swap3A_1426] {strides = array<i32>} : memref<128x64xf32, #tpu.memory_space<vmem>>, vector<16xf32>,
        tpu.vector_store %arg10[%swap3A_1425, %swap3A_1426], %add3A_1424 {strides = array<i32>} : memref<128x64xf32, #tpu.memory_space<vmem>>, vector<16xf32>,
        %add3A_1428 = arith.constant 10 : i32
        %add3A_1429 = arith.addi %mul3A_121, %add3A_1428 : i32
        %broadcast_in_dim3A_1430 = arith.constant 10 : i32
        %broadcast_in_dim3A_1431 = vector.broadcast %broadcast_in_dim3A_1430 : i32 to vector<16xi32>
        %lt3A_1432 = arith.constant 0 : i32
        %lt3A_1433 = vector.broadcast %lt3A_1432 : i32 to vector<16xi32>
        %lt3A_1434 = arith.cmpi slt, %broadcast_in_dim3A_1431, %lt3A_1433 : vector<16xi32>
        %add3A_1435 = arith.constant 16 : i32
        %add3A_1436 = vector.broadcast %add3A_1435 : i32 to vector<16xi32>
        %add3A_1437 = arith.addi %broadcast_in_dim3A_1431, %add3A_1436 : vector<16xi32>
        %select_n3A_1438 = arith.select %lt3A_1434, %add3A_1437, %broadcast_in_dim3A_1431 : vector<16xi1>, vector<16xi32>
        %broadcast_in_dim3A_1439 = vector.shape_cast %select_n3A_1438 : vector<16xi32> to vector<16x1xi32>
        %gather3A_1440 = vector.shape_cast %broadcast_in_dim3A_1439 : vector<16x1xi32> to vector<16xi32>
        %gather3A_1441 = tpu.dynamic_gather %mul3A_758[%gather3A_1440] in [0] : vector<16xf32>, vector<16xi32> -> vector<16xf32>
        %lt3A_1442 = arith.constant 0 : i32
        %lt3A_1443 = vector.broadcast %lt3A_1442 : i32 to vector<16xi32>
        %lt3A_1444 = arith.cmpi slt, %broadcast_in_dim3A_1431, %lt3A_1443 : vector<16xi32>
        %add3A_1445 = arith.constant 16 : i32
        %add3A_1446 = vector.broadcast %add3A_1445 : i32 to vector<16xi32>
        %add3A_1447 = arith.addi %broadcast_in_dim3A_1431, %add3A_1446 : vector<16xi32>
        %select_n3A_1448 = arith.select %lt3A_1444, %add3A_1447, %broadcast_in_dim3A_1431 : vector<16xi1>, vector<16xi32>
        %broadcast_in_dim3A_1449 = vector.shape_cast %select_n3A_1448 : vector<16xi32> to vector<16x1xi32>
        %gather3A_1450 = vector.shape_cast %broadcast_in_dim3A_1449 : vector<16x1xi32> to vector<16xi32>
        %gather3A_1451 = tpu.dynamic_gather %mul3A_788[%gather3A_1450] in [0] : vector<16xf32>, vector<16xi32> -> vector<16xf32>
        %get3A_1452 = arith.index_cast %add3A_1429 : i32 to index
        %get3A_1453 = arith.constant 0 : index
        %get3A_1454 = tpu.vector_load %arg8[%get3A_1452, %get3A_1453] {strides = array<i32>} : memref<128x64xf32, #tpu.memory_space<vmem>>, vector<16xf32>,
        %sub3A_1455 = arith.subf %get3A_1454, %gather3A_1441 : vector<16xf32>
        %mul3A_1456 = arith.mulf %gather3A_1451, %get3A_3 : vector<16xf32>
        %mul3A_1457 = arith.mulf %sub3A_1455, %mul3A_1456 : vector<16xf32>
        %add3A_1458 = arith.addf %mul3A_1457, %get3A_11 : vector<16xf32>
        %swap3A_1459 = arith.index_cast %add3A_1429 : i32 to index
        %swap3A_1460 = arith.constant 0 : index
        %swap3A_1461 = tpu.vector_load %arg10[%swap3A_1459, %swap3A_1460] {strides = array<i32>} : memref<128x64xf32, #tpu.memory_space<vmem>>, vector<16xf32>,
        tpu.vector_store %arg10[%swap3A_1459, %swap3A_1460], %add3A_1458 {strides = array<i32>} : memref<128x64xf32, #tpu.memory_space<vmem>>, vector<16xf32>,
        %get3A_1462 = arith.index_cast %add3A_1429 : i32 to index
        %get3A_1463 = arith.constant 16 : index
        %get3A_1464 = tpu.vector_load %arg8[%get3A_1462, %get3A_1463] {strides = array<i32>} : memref<128x64xf32, #tpu.memory_space<vmem>>, vector<16xf32>,
        %sub3A_1465 = arith.subf %get3A_1464, %gather3A_1441 : vector<16xf32>
        %mul3A_1466 = arith.mulf %gather3A_1451, %get3A_5 : vector<16xf32>
        %mul3A_1467 = arith.mulf %sub3A_1465, %mul3A_1466 : vector<16xf32>
        %add3A_1468 = arith.addf %mul3A_1467, %get3A_13 : vector<16xf32>
        %swap3A_1469 = arith.index_cast %add3A_1429 : i32 to index
        %swap3A_1470 = arith.constant 16 : index
        %swap3A_1471 = tpu.vector_load %arg10[%swap3A_1469, %swap3A_1470] {strides = array<i32>} : memref<128x64xf32, #tpu.memory_space<vmem>>, vector<16xf32>,
        tpu.vector_store %arg10[%swap3A_1469, %swap3A_1470], %add3A_1468 {strides = array<i32>} : memref<128x64xf32, #tpu.memory_space<vmem>>, vector<16xf32>,
        %get3A_1472 = arith.index_cast %add3A_1429 : i32 to index
        %get3A_1473 = arith.constant 32 : index
        %get3A_1474 = tpu.vector_load %arg8[%get3A_1472, %get3A_1473] {strides = array<i32>} : memref<128x64xf32, #tpu.memory_space<vmem>>, vector<16xf32>,
        %sub3A_1475 = arith.subf %get3A_1474, %gather3A_1441 : vector<16xf32>
        %mul3A_1476 = arith.mulf %gather3A_1451, %get3A_7 : vector<16xf32>
        %mul3A_1477 = arith.mulf %sub3A_1475, %mul3A_1476 : vector<16xf32>
        %add3A_1478 = arith.addf %mul3A_1477, %get3A_15 : vector<16xf32>
        %swap3A_1479 = arith.index_cast %add3A_1429 : i32 to index
        %swap3A_1480 = arith.constant 32 : index
        %swap3A_1481 = tpu.vector_load %arg10[%swap3A_1479, %swap3A_1480] {strides = array<i32>} : memref<128x64xf32, #tpu.memory_space<vmem>>, vector<16xf32>,
        tpu.vector_store %arg10[%swap3A_1479, %swap3A_1480], %add3A_1478 {strides = array<i32>} : memref<128x64xf32, #tpu.memory_space<vmem>>, vector<16xf32>,
        %get3A_1482 = arith.index_cast %add3A_1429 : i32 to index
        %get3A_1483 = arith.constant 48 : index
        %get3A_1484 = tpu.vector_load %arg8[%get3A_1482, %get3A_1483] {strides = array<i32>} : memref<128x64xf32, #tpu.memory_space<vmem>>, vector<16xf32>,
        %sub3A_1485 = arith.subf %get3A_1484, %gather3A_1441 : vector<16xf32>
        %mul3A_1486 = arith.mulf %gather3A_1451, %get3A_9 : vector<16xf32>
        %mul3A_1487 = arith.mulf %sub3A_1485, %mul3A_1486 : vector<16xf32>
        %add3A_1488 = arith.addf %mul3A_1487, %get3A_17 : vector<16xf32>
        %swap3A_1489 = arith.index_cast %add3A_1429 : i32 to index
        %swap3A_1490 = arith.constant 48 : index
        %swap3A_1491 = tpu.vector_load %arg10[%swap3A_1489, %swap3A_1490] {strides = array<i32>} : memref<128x64xf32, #tpu.memory_space<vmem>>, vector<16xf32>,
        tpu.vector_store %arg10[%swap3A_1489, %swap3A_1490], %add3A_1488 {strides = array<i32>} : memref<128x64xf32, #tpu.memory_space<vmem>>, vector<16xf32>,
        %add3A_1492 = arith.constant 11 : i32
        %add3A_1493 = arith.addi %mul3A_121, %add3A_1492 : i32
        %broadcast_in_dim3A_1494 = arith.constant 11 : i32
        %broadcast_in_dim3A_1495 = vector.broadcast %broadcast_in_dim3A_1494 : i32 to vector<16xi32>
        %lt3A_1496 = arith.constant 0 : i32
        %lt3A_1497 = vector.broadcast %lt3A_1496 : i32 to vector<16xi32>
        %lt3A_1498 = arith.cmpi slt, %broadcast_in_dim3A_1495, %lt3A_1497 : vector<16xi32>
        %add3A_1499 = arith.constant 16 : i32
        %add3A_1500 = vector.broadcast %add3A_1499 : i32 to vector<16xi32>
        %add3A_1501 = arith.addi %broadcast_in_dim3A_1495, %add3A_1500 : vector<16xi32>
        %select_n3A_1502 = arith.select %lt3A_1498, %add3A_1501, %broadcast_in_dim3A_1495 : vector<16xi1>, vector<16xi32>
        %broadcast_in_dim3A_1503 = vector.shape_cast %select_n3A_1502 : vector<16xi32> to vector<16x1xi32>
        %gather3A_1504 = vector.shape_cast %broadcast_in_dim3A_1503 : vector<16x1xi32> to vector<16xi32>
        %gather3A_1505 = tpu.dynamic_gather %mul3A_758[%gather3A_1504] in [0] : vector<16xf32>, vector<16xi32> -> vector<16xf32>
        %lt3A_1506 = arith.constant 0 : i32
        %lt3A_1507 = vector.broadcast %lt3A_1506 : i32 to vector<16xi32>
        %lt3A_1508 = arith.cmpi slt, %broadcast_in_dim3A_1495, %lt3A_1507 : vector<16xi32>
        %add3A_1509 = arith.constant 16 : i32
        %add3A_1510 = vector.broadcast %add3A_1509 : i32 to vector<16xi32>
        %add3A_1511 = arith.addi %broadcast_in_dim3A_1495, %add3A_1510 : vector<16xi32>
        %select_n3A_1512 = arith.select %lt3A_1508, %add3A_1511, %broadcast_in_dim3A_1495 : vector<16xi1>, vector<16xi32>
        %broadcast_in_dim3A_1513 = vector.shape_cast %select_n3A_1512 : vector<16xi32> to vector<16x1xi32>
        %gather3A_1514 = vector.shape_cast %broadcast_in_dim3A_1513 : vector<16x1xi32> to vector<16xi32>
        %gather3A_1515 = tpu.dynamic_gather %mul3A_788[%gather3A_1514] in [0] : vector<16xf32>, vector<16xi32> -> vector<16xf32>
        %get3A_1516 = arith.index_cast %add3A_1493 : i32 to index
        %get3A_1517 = arith.constant 0 : index
        %get3A_1518 = tpu.vector_load %arg8[%get3A_1516, %get3A_1517] {strides = array<i32>} : memref<128x64xf32, #tpu.memory_space<vmem>>, vector<16xf32>,
        %sub3A_1519 = arith.subf %get3A_1518, %gather3A_1505 : vector<16xf32>
        %mul3A_1520 = arith.mulf %gather3A_1515, %get3A_3 : vector<16xf32>
        %mul3A_1521 = arith.mulf %sub3A_1519, %mul3A_1520 : vector<16xf32>
        %add3A_1522 = arith.addf %mul3A_1521, %get3A_11 : vector<16xf32>
        %swap3A_1523 = arith.index_cast %add3A_1493 : i32 to index
        %swap3A_1524 = arith.constant 0 : index
        %swap3A_1525 = tpu.vector_load %arg10[%swap3A_1523, %swap3A_1524] {strides = array<i32>} : memref<128x64xf32, #tpu.memory_space<vmem>>, vector<16xf32>,
        tpu.vector_store %arg10[%swap3A_1523, %swap3A_1524], %add3A_1522 {strides = array<i32>} : memref<128x64xf32, #tpu.memory_space<vmem>>, vector<16xf32>,
        %get3A_1526 = arith.index_cast %add3A_1493 : i32 to index
        %get3A_1527 = arith.constant 16 : index
        %get3A_1528 = tpu.vector_load %arg8[%get3A_1526, %get3A_1527] {strides = array<i32>} : memref<128x64xf32, #tpu.memory_space<vmem>>, vector<16xf32>,
        %sub3A_1529 = arith.subf %get3A_1528, %gather3A_1505 : vector<16xf32>
        %mul3A_1530 = arith.mulf %gather3A_1515, %get3A_5 : vector<16xf32>
        %mul3A_1531 = arith.mulf %sub3A_1529, %mul3A_1530 : vector<16xf32>
        %add3A_1532 = arith.addf %mul3A_1531, %get3A_13 : vector<16xf32>
        %swap3A_1533 = arith.index_cast %add3A_1493 : i32 to index
        %swap3A_1534 = arith.constant 16 : index
        %swap3A_1535 = tpu.vector_load %arg10[%swap3A_1533, %swap3A_1534] {strides = array<i32>} : memref<128x64xf32, #tpu.memory_space<vmem>>, vector<16xf32>,
        tpu.vector_store %arg10[%swap3A_1533, %swap3A_1534], %add3A_1532 {strides = array<i32>} : memref<128x64xf32, #tpu.memory_space<vmem>>, vector<16xf32>,
        %get3A_1536 = arith.index_cast %add3A_1493 : i32 to index
        %get3A_1537 = arith.constant 32 : index
        %get3A_1538 = tpu.vector_load %arg8[%get3A_1536, %get3A_1537] {strides = array<i32>} : memref<128x64xf32, #tpu.memory_space<vmem>>, vector<16xf32>,
        %sub3A_1539 = arith.subf %get3A_1538, %gather3A_1505 : vector<16xf32>
        %mul3A_1540 = arith.mulf %gather3A_1515, %get3A_7 : vector<16xf32>
        %mul3A_1541 = arith.mulf %sub3A_1539, %mul3A_1540 : vector<16xf32>
        %add3A_1542 = arith.addf %mul3A_1541, %get3A_15 : vector<16xf32>
        %swap3A_1543 = arith.index_cast %add3A_1493 : i32 to index
        %swap3A_1544 = arith.constant 32 : index
        %swap3A_1545 = tpu.vector_load %arg10[%swap3A_1543, %swap3A_1544] {strides = array<i32>} : memref<128x64xf32, #tpu.memory_space<vmem>>, vector<16xf32>,
        tpu.vector_store %arg10[%swap3A_1543, %swap3A_1544], %add3A_1542 {strides = array<i32>} : memref<128x64xf32, #tpu.memory_space<vmem>>, vector<16xf32>,
        %get3A_1546 = arith.index_cast %add3A_1493 : i32 to index
        %get3A_1547 = arith.constant 48 : index
        %get3A_1548 = tpu.vector_load %arg8[%get3A_1546, %get3A_1547] {strides = array<i32>} : memref<128x64xf32, #tpu.memory_space<vmem>>, vector<16xf32>,
        %sub3A_1549 = arith.subf %get3A_1548, %gather3A_1505 : vector<16xf32>
        %mul3A_1550 = arith.mulf %gather3A_1515, %get3A_9 : vector<16xf32>
        %mul3A_1551 = arith.mulf %sub3A_1549, %mul3A_1550 : vector<16xf32>
        %add3A_1552 = arith.addf %mul3A_1551, %get3A_17 : vector<16xf32>
        %swap3A_1553 = arith.index_cast %add3A_1493 : i32 to index
        %swap3A_1554 = arith.constant 48 : index
        %swap3A_1555 = tpu.vector_load %arg10[%swap3A_1553, %swap3A_1554] {strides = array<i32>} : memref<128x64xf32, #tpu.memory_space<vmem>>, vector<16xf32>,
        tpu.vector_store %arg10[%swap3A_1553, %swap3A_1554], %add3A_1552 {strides = array<i32>} : memref<128x64xf32, #tpu.memory_space<vmem>>, vector<16xf32>,
        %add3A_1556 = arith.constant 12 : i32
        %add3A_1557 = arith.addi %mul3A_121, %add3A_1556 : i32
        %broadcast_in_dim3A_1558 = arith.constant 12 : i32
        %broadcast_in_dim3A_1559 = vector.broadcast %broadcast_in_dim3A_1558 : i32 to vector<16xi32>
        %lt3A_1560 = arith.constant 0 : i32
        %lt3A_1561 = vector.broadcast %lt3A_1560 : i32 to vector<16xi32>
        %lt3A_1562 = arith.cmpi slt, %broadcast_in_dim3A_1559, %lt3A_1561 : vector<16xi32>
        %add3A_1563 = arith.constant 16 : i32
        %add3A_1564 = vector.broadcast %add3A_1563 : i32 to vector<16xi32>
        %add3A_1565 = arith.addi %broadcast_in_dim3A_1559, %add3A_1564 : vector<16xi32>
        %select_n3A_1566 = arith.select %lt3A_1562, %add3A_1565, %broadcast_in_dim3A_1559 : vector<16xi1>, vector<16xi32>
        %broadcast_in_dim3A_1567 = vector.shape_cast %select_n3A_1566 : vector<16xi32> to vector<16x1xi32>
        %gather3A_1568 = vector.shape_cast %broadcast_in_dim3A_1567 : vector<16x1xi32> to vector<16xi32>
        %gather3A_1569 = tpu.dynamic_gather %mul3A_758[%gather3A_1568] in [0] : vector<16xf32>, vector<16xi32> -> vector<16xf32>
        %lt3A_1570 = arith.constant 0 : i32
        %lt3A_1571 = vector.broadcast %lt3A_1570 : i32 to vector<16xi32>
        %lt3A_1572 = arith.cmpi slt, %broadcast_in_dim3A_1559, %lt3A_1571 : vector<16xi32>
        %add3A_1573 = arith.constant 16 : i32
        %add3A_1574 = vector.broadcast %add3A_1573 : i32 to vector<16xi32>
        %add3A_1575 = arith.addi %broadcast_in_dim3A_1559, %add3A_1574 : vector<16xi32>
        %select_n3A_1576 = arith.select %lt3A_1572, %add3A_1575, %broadcast_in_dim3A_1559 : vector<16xi1>, vector<16xi32>
        %broadcast_in_dim3A_1577 = vector.shape_cast %select_n3A_1576 : vector<16xi32> to vector<16x1xi32>
        %gather3A_1578 = vector.shape_cast %broadcast_in_dim3A_1577 : vector<16x1xi32> to vector<16xi32>
        %gather3A_1579 = tpu.dynamic_gather %mul3A_788[%gather3A_1578] in [0] : vector<16xf32>, vector<16xi32> -> vector<16xf32>
        %get3A_1580 = arith.index_cast %add3A_1557 : i32 to index
        %get3A_1581 = arith.constant 0 : index
        %get3A_1582 = tpu.vector_load %arg8[%get3A_1580, %get3A_1581] {strides = array<i32>} : memref<128x64xf32, #tpu.memory_space<vmem>>, vector<16xf32>,
        %sub3A_1583 = arith.subf %get3A_1582, %gather3A_1569 : vector<16xf32>
        %mul3A_1584 = arith.mulf %gather3A_1579, %get3A_3 : vector<16xf32>
        %mul3A_1585 = arith.mulf %sub3A_1583, %mul3A_1584 : vector<16xf32>
        %add3A_1586 = arith.addf %mul3A_1585, %get3A_11 : vector<16xf32>
        %swap3A_1587 = arith.index_cast %add3A_1557 : i32 to index
        %swap3A_1588 = arith.constant 0 : index
        %swap3A_1589 = tpu.vector_load %arg10[%swap3A_1587, %swap3A_1588] {strides = array<i32>} : memref<128x64xf32, #tpu.memory_space<vmem>>, vector<16xf32>,
        tpu.vector_store %arg10[%swap3A_1587, %swap3A_1588], %add3A_1586 {strides = array<i32>} : memref<128x64xf32, #tpu.memory_space<vmem>>, vector<16xf32>,
        %get3A_1590 = arith.index_cast %add3A_1557 : i32 to index
        %get3A_1591 = arith.constant 16 : index
        %get3A_1592 = tpu.vector_load %arg8[%get3A_1590, %get3A_1591] {strides = array<i32>} : memref<128x64xf32, #tpu.memory_space<vmem>>, vector<16xf32>,
        %sub3A_1593 = arith.subf %get3A_1592, %gather3A_1569 : vector<16xf32>
        %mul3A_1594 = arith.mulf %gather3A_1579, %get3A_5 : vector<16xf32>
        %mul3A_1595 = arith.mulf %sub3A_1593, %mul3A_1594 : vector<16xf32>
        %add3A_1596 = arith.addf %mul3A_1595, %get3A_13 : vector<16xf32>
        %swap3A_1597 = arith.index_cast %add3A_1557 : i32 to index
        %swap3A_1598 = arith.constant 16 : index
        %swap3A_1599 = tpu.vector_load %arg10[%swap3A_1597, %swap3A_1598] {strides = array<i32>} : memref<128x64xf32, #tpu.memory_space<vmem>>, vector<16xf32>,
        tpu.vector_store %arg10[%swap3A_1597, %swap3A_1598], %add3A_1596 {strides = array<i32>} : memref<128x64xf32, #tpu.memory_space<vmem>>, vector<16xf32>,
        %get3A_1600 = arith.index_cast %add3A_1557 : i32 to index
        %get3A_1601 = arith.constant 32 : index
        %get3A_1602 = tpu.vector_load %arg8[%get3A_1600, %get3A_1601] {strides = array<i32>} : memref<128x64xf32, #tpu.memory_space<vmem>>, vector<16xf32>,
        %sub3A_1603 = arith.subf %get3A_1602, %gather3A_1569 : vector<16xf32>
        %mul3A_1604 = arith.mulf %gather3A_1579, %get3A_7 : vector<16xf32>
        %mul3A_1605 = arith.mulf %sub3A_1603, %mul3A_1604 : vector<16xf32>
        %add3A_1606 = arith.addf %mul3A_1605, %get3A_15 : vector<16xf32>
        %swap3A_1607 = arith.index_cast %add3A_1557 : i32 to index
        %swap3A_1608 = arith.constant 32 : index
        %swap3A_1609 = tpu.vector_load %arg10[%swap3A_1607, %swap3A_1608] {strides = array<i32>} : memref<128x64xf32, #tpu.memory_space<vmem>>, vector<16xf32>,
        tpu.vector_store %arg10[%swap3A_1607, %swap3A_1608], %add3A_1606 {strides = array<i32>} : memref<128x64xf32, #tpu.memory_space<vmem>>, vector<16xf32>,
        %get3A_1610 = arith.index_cast %add3A_1557 : i32 to index
        %get3A_1611 = arith.constant 48 : index
        %get3A_1612 = tpu.vector_load %arg8[%get3A_1610, %get3A_1611] {strides = array<i32>} : memref<128x64xf32, #tpu.memory_space<vmem>>, vector<16xf32>,
        %sub3A_1613 = arith.subf %get3A_1612, %gather3A_1569 : vector<16xf32>
        %mul3A_1614 = arith.mulf %gather3A_1579, %get3A_9 : vector<16xf32>
        %mul3A_1615 = arith.mulf %sub3A_1613, %mul3A_1614 : vector<16xf32>
        %add3A_1616 = arith.addf %mul3A_1615, %get3A_17 : vector<16xf32>
        %swap3A_1617 = arith.index_cast %add3A_1557 : i32 to index
        %swap3A_1618 = arith.constant 48 : index
        %swap3A_1619 = tpu.vector_load %arg10[%swap3A_1617, %swap3A_1618] {strides = array<i32>} : memref<128x64xf32, #tpu.memory_space<vmem>>, vector<16xf32>,
        tpu.vector_store %arg10[%swap3A_1617, %swap3A_1618], %add3A_1616 {strides = array<i32>} : memref<128x64xf32, #tpu.memory_space<vmem>>, vector<16xf32>,
        %add3A_1620 = arith.constant 13 : i32
        %add3A_1621 = arith.addi %mul3A_121, %add3A_1620 : i32
        %broadcast_in_dim3A_1622 = arith.constant 13 : i32
        %broadcast_in_dim3A_1623 = vector.broadcast %broadcast_in_dim3A_1622 : i32 to vector<16xi32>
        %lt3A_1624 = arith.constant 0 : i32
        %lt3A_1625 = vector.broadcast %lt3A_1624 : i32 to vector<16xi32>
        %lt3A_1626 = arith.cmpi slt, %broadcast_in_dim3A_1623, %lt3A_1625 : vector<16xi32>
        %add3A_1627 = arith.constant 16 : i32
        %add3A_1628 = vector.broadcast %add3A_1627 : i32 to vector<16xi32>
        %add3A_1629 = arith.addi %broadcast_in_dim3A_1623, %add3A_1628 : vector<16xi32>
        %select_n3A_1630 = arith.select %lt3A_1626, %add3A_1629, %broadcast_in_dim3A_1623 : vector<16xi1>, vector<16xi32>
        %broadcast_in_dim3A_1631 = vector.shape_cast %select_n3A_1630 : vector<16xi32> to vector<16x1xi32>
        %gather3A_1632 = vector.shape_cast %broadcast_in_dim3A_1631 : vector<16x1xi32> to vector<16xi32>
        %gather3A_1633 = tpu.dynamic_gather %mul3A_758[%gather3A_1632] in [0] : vector<16xf32>, vector<16xi32> -> vector<16xf32>
        %lt3A_1634 = arith.constant 0 : i32
        %lt3A_1635 = vector.broadcast %lt3A_1634 : i32 to vector<16xi32>
        %lt3A_1636 = arith.cmpi slt, %broadcast_in_dim3A_1623, %lt3A_1635 : vector<16xi32>
        %add3A_1637 = arith.constant 16 : i32
        %add3A_1638 = vector.broadcast %add3A_1637 : i32 to vector<16xi32>
        %add3A_1639 = arith.addi %broadcast_in_dim3A_1623, %add3A_1638 : vector<16xi32>
        %select_n3A_1640 = arith.select %lt3A_1636, %add3A_1639, %broadcast_in_dim3A_1623 : vector<16xi1>, vector<16xi32>
        %broadcast_in_dim3A_1641 = vector.shape_cast %select_n3A_1640 : vector<16xi32> to vector<16x1xi32>
        %gather3A_1642 = vector.shape_cast %broadcast_in_dim3A_1641 : vector<16x1xi32> to vector<16xi32>
        %gather3A_1643 = tpu.dynamic_gather %mul3A_788[%gather3A_1642] in [0] : vector<16xf32>, vector<16xi32> -> vector<16xf32>
        %get3A_1644 = arith.index_cast %add3A_1621 : i32 to index
        %get3A_1645 = arith.constant 0 : index
        %get3A_1646 = tpu.vector_load %arg8[%get3A_1644, %get3A_1645] {strides = array<i32>} : memref<128x64xf32, #tpu.memory_space<vmem>>, vector<16xf32>,
        %sub3A_1647 = arith.subf %get3A_1646, %gather3A_1633 : vector<16xf32>
        %mul3A_1648 = arith.mulf %gather3A_1643, %get3A_3 : vector<16xf32>
        %mul3A_1649 = arith.mulf %sub3A_1647, %mul3A_1648 : vector<16xf32>
        %add3A_1650 = arith.addf %mul3A_1649, %get3A_11 : vector<16xf32>
        %swap3A_1651 = arith.index_cast %add3A_1621 : i32 to index
        %swap3A_1652 = arith.constant 0 : index
        %swap3A_1653 = tpu.vector_load %arg10[%swap3A_1651, %swap3A_1652] {strides = array<i32>} : memref<128x64xf32, #tpu.memory_space<vmem>>, vector<16xf32>,
        tpu.vector_store %arg10[%swap3A_1651, %swap3A_1652], %add3A_1650 {strides = array<i32>} : memref<128x64xf32, #tpu.memory_space<vmem>>, vector<16xf32>,
        %get3A_1654 = arith.index_cast %add3A_1621 : i32 to index
        %get3A_1655 = arith.constant 16 : index
        %get3A_1656 = tpu.vector_load %arg8[%get3A_1654, %get3A_1655] {strides = array<i32>} : memref<128x64xf32, #tpu.memory_space<vmem>>, vector<16xf32>,
        %sub3A_1657 = arith.subf %get3A_1656, %gather3A_1633 : vector<16xf32>
        %mul3A_1658 = arith.mulf %gather3A_1643, %get3A_5 : vector<16xf32>
        %mul3A_1659 = arith.mulf %sub3A_1657, %mul3A_1658 : vector<16xf32>
        %add3A_1660 = arith.addf %mul3A_1659, %get3A_13 : vector<16xf32>
        %swap3A_1661 = arith.index_cast %add3A_1621 : i32 to index
        %swap3A_1662 = arith.constant 16 : index
        %swap3A_1663 = tpu.vector_load %arg10[%swap3A_1661, %swap3A_1662] {strides = array<i32>} : memref<128x64xf32, #tpu.memory_space<vmem>>, vector<16xf32>,
        tpu.vector_store %arg10[%swap3A_1661, %swap3A_1662], %add3A_1660 {strides = array<i32>} : memref<128x64xf32, #tpu.memory_space<vmem>>, vector<16xf32>,
        %get3A_1664 = arith.index_cast %add3A_1621 : i32 to index
        %get3A_1665 = arith.constant 32 : index
        %get3A_1666 = tpu.vector_load %arg8[%get3A_1664, %get3A_1665] {strides = array<i32>} : memref<128x64xf32, #tpu.memory_space<vmem>>, vector<16xf32>,
        %sub3A_1667 = arith.subf %get3A_1666, %gather3A_1633 : vector<16xf32>
        %mul3A_1668 = arith.mulf %gather3A_1643, %get3A_7 : vector<16xf32>
        %mul3A_1669 = arith.mulf %sub3A_1667, %mul3A_1668 : vector<16xf32>
        %add3A_1670 = arith.addf %mul3A_1669, %get3A_15 : vector<16xf32>
        %swap3A_1671 = arith.index_cast %add3A_1621 : i32 to index
        %swap3A_1672 = arith.constant 32 : index
        %swap3A_1673 = tpu.vector_load %arg10[%swap3A_1671, %swap3A_1672] {strides = array<i32>} : memref<128x64xf32, #tpu.memory_space<vmem>>, vector<16xf32>,
        tpu.vector_store %arg10[%swap3A_1671, %swap3A_1672], %add3A_1670 {strides = array<i32>} : memref<128x64xf32, #tpu.memory_space<vmem>>, vector<16xf32>,
        %get3A_1674 = arith.index_cast %add3A_1621 : i32 to index
        %get3A_1675 = arith.constant 48 : index
        %get3A_1676 = tpu.vector_load %arg8[%get3A_1674, %get3A_1675] {strides = array<i32>} : memref<128x64xf32, #tpu.memory_space<vmem>>, vector<16xf32>,
        %sub3A_1677 = arith.subf %get3A_1676, %gather3A_1633 : vector<16xf32>
        %mul3A_1678 = arith.mulf %gather3A_1643, %get3A_9 : vector<16xf32>
        %mul3A_1679 = arith.mulf %sub3A_1677, %mul3A_1678 : vector<16xf32>
        %add3A_1680 = arith.addf %mul3A_1679, %get3A_17 : vector<16xf32>
        %swap3A_1681 = arith.index_cast %add3A_1621 : i32 to index
        %swap3A_1682 = arith.constant 48 : index
        %swap3A_1683 = tpu.vector_load %arg10[%swap3A_1681, %swap3A_1682] {strides = array<i32>} : memref<128x64xf32, #tpu.memory_space<vmem>>, vector<16xf32>,
        tpu.vector_store %arg10[%swap3A_1681, %swap3A_1682], %add3A_1680 {strides = array<i32>} : memref<128x64xf32, #tpu.memory_space<vmem>>, vector<16xf32>,
        %add3A_1684 = arith.constant 14 : i32
        %add3A_1685 = arith.addi %mul3A_121, %add3A_1684 : i32
        %broadcast_in_dim3A_1686 = arith.constant 14 : i32
        %broadcast_in_dim3A_1687 = vector.broadcast %broadcast_in_dim3A_1686 : i32 to vector<16xi32>
        %lt3A_1688 = arith.constant 0 : i32
        %lt3A_1689 = vector.broadcast %lt3A_1688 : i32 to vector<16xi32>
        %lt3A_1690 = arith.cmpi slt, %broadcast_in_dim3A_1687, %lt3A_1689 : vector<16xi32>
        %add3A_1691 = arith.constant 16 : i32
        %add3A_1692 = vector.broadcast %add3A_1691 : i32 to vector<16xi32>
        %add3A_1693 = arith.addi %broadcast_in_dim3A_1687, %add3A_1692 : vector<16xi32>
        %select_n3A_1694 = arith.select %lt3A_1690, %add3A_1693, %broadcast_in_dim3A_1687 : vector<16xi1>, vector<16xi32>
        %broadcast_in_dim3A_1695 = vector.shape_cast %select_n3A_1694 : vector<16xi32> to vector<16x1xi32>
        %gather3A_1696 = vector.shape_cast %broadcast_in_dim3A_1695 : vector<16x1xi32> to vector<16xi32>
        %gather3A_1697 = tpu.dynamic_gather %mul3A_758[%gather3A_1696] in [0] : vector<16xf32>, vector<16xi32> -> vector<16xf32>
        %lt3A_1698 = arith.constant 0 : i32
        %lt3A_1699 = vector.broadcast %lt3A_1698 : i32 to vector<16xi32>
        %lt3A_1700 = arith.cmpi slt, %broadcast_in_dim3A_1687, %lt3A_1699 : vector<16xi32>
        %add3A_1701 = arith.constant 16 : i32
        %add3A_1702 = vector.broadcast %add3A_1701 : i32 to vector<16xi32>
        %add3A_1703 = arith.addi %broadcast_in_dim3A_1687, %add3A_1702 : vector<16xi32>
        %select_n3A_1704 = arith.select %lt3A_1700, %add3A_1703, %broadcast_in_dim3A_1687 : vector<16xi1>, vector<16xi32>
        %broadcast_in_dim3A_1705 = vector.shape_cast %select_n3A_1704 : vector<16xi32> to vector<16x1xi32>
        %gather3A_1706 = vector.shape_cast %broadcast_in_dim3A_1705 : vector<16x1xi32> to vector<16xi32>
        %gather3A_1707 = tpu.dynamic_gather %mul3A_788[%gather3A_1706] in [0] : vector<16xf32>, vector<16xi32> -> vector<16xf32>
        %get3A_1708 = arith.index_cast %add3A_1685 : i32 to index
        %get3A_1709 = arith.constant 0 : index
        %get3A_1710 = tpu.vector_load %arg8[%get3A_1708, %get3A_1709] {strides = array<i32>} : memref<128x64xf32, #tpu.memory_space<vmem>>, vector<16xf32>,
        %sub3A_1711 = arith.subf %get3A_1710, %gather3A_1697 : vector<16xf32>
        %mul3A_1712 = arith.mulf %gather3A_1707, %get3A_3 : vector<16xf32>
        %mul3A_1713 = arith.mulf %sub3A_1711, %mul3A_1712 : vector<16xf32>
        %add3A_1714 = arith.addf %mul3A_1713, %get3A_11 : vector<16xf32>
        %swap3A_1715 = arith.index_cast %add3A_1685 : i32 to index
        %swap3A_1716 = arith.constant 0 : index
        %swap3A_1717 = tpu.vector_load %arg10[%swap3A_1715, %swap3A_1716] {strides = array<i32>} : memref<128x64xf32, #tpu.memory_space<vmem>>, vector<16xf32>,
        tpu.vector_store %arg10[%swap3A_1715, %swap3A_1716], %add3A_1714 {strides = array<i32>} : memref<128x64xf32, #tpu.memory_space<vmem>>, vector<16xf32>,
        %get3A_1718 = arith.index_cast %add3A_1685 : i32 to index
        %get3A_1719 = arith.constant 16 : index
        %get3A_1720 = tpu.vector_load %arg8[%get3A_1718, %get3A_1719] {strides = array<i32>} : memref<128x64xf32, #tpu.memory_space<vmem>>, vector<16xf32>,
        %sub3A_1721 = arith.subf %get3A_1720, %gather3A_1697 : vector<16xf32>
        %mul3A_1722 = arith.mulf %gather3A_1707, %get3A_5 : vector<16xf32>
        %mul3A_1723 = arith.mulf %sub3A_1721, %mul3A_1722 : vector<16xf32>
        %add3A_1724 = arith.addf %mul3A_1723, %get3A_13 : vector<16xf32>
        %swap3A_1725 = arith.index_cast %add3A_1685 : i32 to index
        %swap3A_1726 = arith.constant 16 : index
        %swap3A_1727 = tpu.vector_load %arg10[%swap3A_1725, %swap3A_1726] {strides = array<i32>} : memref<128x64xf32, #tpu.memory_space<vmem>>, vector<16xf32>,
        tpu.vector_store %arg10[%swap3A_1725, %swap3A_1726], %add3A_1724 {strides = array<i32>} : memref<128x64xf32, #tpu.memory_space<vmem>>, vector<16xf32>,
        %get3A_1728 = arith.index_cast %add3A_1685 : i32 to index
        %get3A_1729 = arith.constant 32 : index
        %get3A_1730 = tpu.vector_load %arg8[%get3A_1728, %get3A_1729] {strides = array<i32>} : memref<128x64xf32, #tpu.memory_space<vmem>>, vector<16xf32>,
        %sub3A_1731 = arith.subf %get3A_1730, %gather3A_1697 : vector<16xf32>
        %mul3A_1732 = arith.mulf %gather3A_1707, %get3A_7 : vector<16xf32>
        %mul3A_1733 = arith.mulf %sub3A_1731, %mul3A_1732 : vector<16xf32>
        %add3A_1734 = arith.addf %mul3A_1733, %get3A_15 : vector<16xf32>
        %swap3A_1735 = arith.index_cast %add3A_1685 : i32 to index
        %swap3A_1736 = arith.constant 32 : index
        %swap3A_1737 = tpu.vector_load %arg10[%swap3A_1735, %swap3A_1736] {strides = array<i32>} : memref<128x64xf32, #tpu.memory_space<vmem>>, vector<16xf32>,
        tpu.vector_store %arg10[%swap3A_1735, %swap3A_1736], %add3A_1734 {strides = array<i32>} : memref<128x64xf32, #tpu.memory_space<vmem>>, vector<16xf32>,
        %get3A_1738 = arith.index_cast %add3A_1685 : i32 to index
        %get3A_1739 = arith.constant 48 : index
        %get3A_1740 = tpu.vector_load %arg8[%get3A_1738, %get3A_1739] {strides = array<i32>} : memref<128x64xf32, #tpu.memory_space<vmem>>, vector<16xf32>,
        %sub3A_1741 = arith.subf %get3A_1740, %gather3A_1697 : vector<16xf32>
        %mul3A_1742 = arith.mulf %gather3A_1707, %get3A_9 : vector<16xf32>
        %mul3A_1743 = arith.mulf %sub3A_1741, %mul3A_1742 : vector<16xf32>
        %add3A_1744 = arith.addf %mul3A_1743, %get3A_17 : vector<16xf32>
        %swap3A_1745 = arith.index_cast %add3A_1685 : i32 to index
        %swap3A_1746 = arith.constant 48 : index
        %swap3A_1747 = tpu.vector_load %arg10[%swap3A_1745, %swap3A_1746] {strides = array<i32>} : memref<128x64xf32, #tpu.memory_space<vmem>>, vector<16xf32>,
        tpu.vector_store %arg10[%swap3A_1745, %swap3A_1746], %add3A_1744 {strides = array<i32>} : memref<128x64xf32, #tpu.memory_space<vmem>>, vector<16xf32>,
        %add3A_1748 = arith.constant 15 : i32
        %add3A_1749 = arith.addi %mul3A_121, %add3A_1748 : i32
        %broadcast_in_dim3A_1750 = arith.constant 15 : i32
        %broadcast_in_dim3A_1751 = vector.broadcast %broadcast_in_dim3A_1750 : i32 to vector<16xi32>
        %lt3A_1752 = arith.constant 0 : i32
        %lt3A_1753 = vector.broadcast %lt3A_1752 : i32 to vector<16xi32>
        %lt3A_1754 = arith.cmpi slt, %broadcast_in_dim3A_1751, %lt3A_1753 : vector<16xi32>
        %add3A_1755 = arith.constant 16 : i32
        %add3A_1756 = vector.broadcast %add3A_1755 : i32 to vector<16xi32>
        %add3A_1757 = arith.addi %broadcast_in_dim3A_1751, %add3A_1756 : vector<16xi32>
        %select_n3A_1758 = arith.select %lt3A_1754, %add3A_1757, %broadcast_in_dim3A_1751 : vector<16xi1>, vector<16xi32>
        %broadcast_in_dim3A_1759 = vector.shape_cast %select_n3A_1758 : vector<16xi32> to vector<16x1xi32>
        %gather3A_1760 = vector.shape_cast %broadcast_in_dim3A_1759 : vector<16x1xi32> to vector<16xi32>
        %gather3A_1761 = tpu.dynamic_gather %mul3A_758[%gather3A_1760] in [0] : vector<16xf32>, vector<16xi32> -> vector<16xf32>
        %lt3A_1762 = arith.constant 0 : i32
        %lt3A_1763 = vector.broadcast %lt3A_1762 : i32 to vector<16xi32>
        %lt3A_1764 = arith.cmpi slt, %broadcast_in_dim3A_1751, %lt3A_1763 : vector<16xi32>
        %add3A_1765 = arith.constant 16 : i32
        %add3A_1766 = vector.broadcast %add3A_1765 : i32 to vector<16xi32>
        %add3A_1767 = arith.addi %broadcast_in_dim3A_1751, %add3A_1766 : vector<16xi32>
        %select_n3A_1768 = arith.select %lt3A_1764, %add3A_1767, %broadcast_in_dim3A_1751 : vector<16xi1>, vector<16xi32>
        %broadcast_in_dim3A_1769 = vector.shape_cast %select_n3A_1768 : vector<16xi32> to vector<16x1xi32>
        %gather3A_1770 = vector.shape_cast %broadcast_in_dim3A_1769 : vector<16x1xi32> to vector<16xi32>
        %gather3A_1771 = tpu.dynamic_gather %mul3A_788[%gather3A_1770] in [0] : vector<16xf32>, vector<16xi32> -> vector<16xf32>
        %get3A_1772 = arith.index_cast %add3A_1749 : i32 to index
        %get3A_1773 = arith.constant 0 : index
        %get3A_1774 = tpu.vector_load %arg8[%get3A_1772, %get3A_1773] {strides = array<i32>} : memref<128x64xf32, #tpu.memory_space<vmem>>, vector<16xf32>,
        %sub3A_1775 = arith.subf %get3A_1774, %gather3A_1761 : vector<16xf32>
        %mul3A_1776 = arith.mulf %gather3A_1771, %get3A_3 : vector<16xf32>
        %mul3A_1777 = arith.mulf %sub3A_1775, %mul3A_1776 : vector<16xf32>
        %add3A_1778 = arith.addf %mul3A_1777, %get3A_11 : vector<16xf32>
        %swap3A_1779 = arith.index_cast %add3A_1749 : i32 to index
        %swap3A_1780 = arith.constant 0 : index
        %swap3A_1781 = tpu.vector_load %arg10[%swap3A_1779, %swap3A_1780] {strides = array<i32>} : memref<128x64xf32, #tpu.memory_space<vmem>>, vector<16xf32>,
        tpu.vector_store %arg10[%swap3A_1779, %swap3A_1780], %add3A_1778 {strides = array<i32>} : memref<128x64xf32, #tpu.memory_space<vmem>>, vector<16xf32>,
        %get3A_1782 = arith.index_cast %add3A_1749 : i32 to index
        %get3A_1783 = arith.constant 16 : index
        %get3A_1784 = tpu.vector_load %arg8[%get3A_1782, %get3A_1783] {strides = array<i32>} : memref<128x64xf32, #tpu.memory_space<vmem>>, vector<16xf32>,
        %sub3A_1785 = arith.subf %get3A_1784, %gather3A_1761 : vector<16xf32>
        %mul3A_1786 = arith.mulf %gather3A_1771, %get3A_5 : vector<16xf32>
        %mul3A_1787 = arith.mulf %sub3A_1785, %mul3A_1786 : vector<16xf32>
        %add3A_1788 = arith.addf %mul3A_1787, %get3A_13 : vector<16xf32>
        %swap3A_1789 = arith.index_cast %add3A_1749 : i32 to index
        %swap3A_1790 = arith.constant 16 : index
        %swap3A_1791 = tpu.vector_load %arg10[%swap3A_1789, %swap3A_1790] {strides = array<i32>} : memref<128x64xf32, #tpu.memory_space<vmem>>, vector<16xf32>,
        tpu.vector_store %arg10[%swap3A_1789, %swap3A_1790], %add3A_1788 {strides = array<i32>} : memref<128x64xf32, #tpu.memory_space<vmem>>, vector<16xf32>,
        %get3A_1792 = arith.index_cast %add3A_1749 : i32 to index
        %get3A_1793 = arith.constant 32 : index
        %get3A_1794 = tpu.vector_load %arg8[%get3A_1792, %get3A_1793] {strides = array<i32>} : memref<128x64xf32, #tpu.memory_space<vmem>>, vector<16xf32>,
        %sub3A_1795 = arith.subf %get3A_1794, %gather3A_1761 : vector<16xf32>
        %mul3A_1796 = arith.mulf %gather3A_1771, %get3A_7 : vector<16xf32>
        %mul3A_1797 = arith.mulf %sub3A_1795, %mul3A_1796 : vector<16xf32>
        %add3A_1798 = arith.addf %mul3A_1797, %get3A_15 : vector<16xf32>
        %swap3A_1799 = arith.index_cast %add3A_1749 : i32 to index
        %swap3A_1800 = arith.constant 32 : index
        %swap3A_1801 = tpu.vector_load %arg10[%swap3A_1799, %swap3A_1800] {strides = array<i32>} : memref<128x64xf32, #tpu.memory_space<vmem>>, vector<16xf32>,
        tpu.vector_store %arg10[%swap3A_1799, %swap3A_1800], %add3A_1798 {strides = array<i32>} : memref<128x64xf32, #tpu.memory_space<vmem>>, vector<16xf32>,
        %get3A_1802 = arith.index_cast %add3A_1749 : i32 to index
        %get3A_1803 = arith.constant 48 : index
        %get3A_1804 = tpu.vector_load %arg8[%get3A_1802, %get3A_1803] {strides = array<i32>} : memref<128x64xf32, #tpu.memory_space<vmem>>, vector<16xf32>,
        %sub3A_1805 = arith.subf %get3A_1804, %gather3A_1761 : vector<16xf32>
        %mul3A_1806 = arith.mulf %gather3A_1771, %get3A_9 : vector<16xf32>
        %mul3A_1807 = arith.mulf %sub3A_1805, %mul3A_1806 : vector<16xf32>
        %add3A_1808 = arith.addf %mul3A_1807, %get3A_17 : vector<16xf32>
        %swap3A_1809 = arith.index_cast %add3A_1749 : i32 to index
        %swap3A_1810 = arith.constant 48 : index
        %swap3A_1811 = tpu.vector_load %arg10[%swap3A_1809, %swap3A_1810] {strides = array<i32>} : memref<128x64xf32, #tpu.memory_space<vmem>>, vector<16xf32>,
        tpu.vector_store %arg10[%swap3A_1809, %swap3A_1810], %add3A_1808 {strides = array<i32>} : memref<128x64xf32, #tpu.memory_space<vmem>>, vector<16xf32>,
        %scan3A_1812 = arith.constant 0 : i32
        scf.yield %scan3A_1812 : i32
      }
      %scan3A_69 = arith.constant 8 : i32
      %mul3A_70 = arith.constant 128 : i32
      %mul3A_71 = arith.muli %add3A_54, %mul3A_70 : i32
      %add3A_72 = arith.addi %mul3A_2, %mul3A_71 : i32
      %dma_start3A_73 = arith.constant 0 : i32
      %dma_start3A_74 = tpu.memref_slice %arg6[%add3A_72, %dma_start3A_73] : memref<819200x64xf32, #tpu.memory_space<hbm>> -> memref<128x64xf32, #tpu.memory_space<hbm>>
      %dma_start3A_75 = arith.constant 0 : i32
      %dma_start3A_76 = tpu.memref_slice %arg6[%add3A_72, %dma_start3A_75] : memref<819200x64xf32, #tpu.memory_space<hbm>> -> memref<128x64xf32, #tpu.memory_space<hbm>>
      tpu.enqueue_dma source(%arg10 : memref<128x64xf32, #tpu.memory_space<vmem>>) target(%dma_start3A_76 : memref<128x64xf32, #tpu.memory_space<hbm>>) target_semaphore(%arg18 : memref<!tpu.dma_semaphore, #tpu.memory_space<semaphore_mem>>)
      %add3A_77 = arith.constant 2 : i32
      %add3A_78 = arith.addi %add3A_54, %add3A_77 : i32
      %lt3A = arith.constant 200 : i32
      %lt3A_79 = arith.cmpi slt, %add3A_78, %lt3A : i32
      %convert_element_type3A_80 = arith.extui %lt3A_79 : i1 to i32
      %cond3A_81 = arith.constant 0 : i32
      %cond3A_82 = arith.cmpi ne, %convert_element_type3A_80, %cond3A_81 : i32
      scf.if %cond3A_82 {
        %add3A_118 = arith.constant 2 : i32
        %add3A_119 = arith.addi %add3A_54, %add3A_118 : i32
        %dma_start3A_120 = arith.constant 0 : i32
        %dma_start3A_121 = tpu.memref_slice %arg7[%add3A_119, %dma_start3A_120] : memref<200x128xi32, #tpu.memory_space<vmem>> -> memref<1x128xi32, #tpu.memory_space<vmem>>
        %dma_start3A_122 = tpu.memref_squeeze %dma_start3A_121 : memref<1x128xi32, #tpu.memory_space<vmem>> -> memref<128xi32, #tpu.memory_space<vmem>>
        %dma_start3A_123 = arith.constant 0 : i32
        %dma_start3A_124 = arith.constant 0 : i32
        %dma_start3A_125 = tpu.memref_slice %arg2[%dma_start3A_123, %dma_start3A_124] : memref<1000000x64xf32, #tpu.memory_space<hbm>> -> memref<1000000x64xf32, #tpu.memory_space<hbm>>
        tpu.enqueue_indirect_dma source(%dma_start3A_125 : memref<1000000x64xf32, #tpu.memory_space<hbm>>) target(%arg8 : memref<128x64xf32, #tpu.memory_space<vmem>>) offsets(%dma_start3A_122 : memref<128xi32, #tpu.memory_space<vmem>>) semaphore(%arg16 : memref<!tpu.dma_semaphore, #tpu.memory_space<semaphore_mem>>)
      } else {
      }
      %add3A_83 = arith.constant 1 : i32
      %add3A_84 = arith.addi %mul3A_52, %add3A_83 : i32
      %dma_wait3A_85 = arith.constant 0 : i32
      %dma_wait3A_86 = tpu.memref_slice %arg7[%add3A_84, %dma_wait3A_85] : memref<200x128xi32, #tpu.memory_space<vmem>> -> memref<1x128xi32, #tpu.memory_space<vmem>>
      %dma_wait3A_87 = tpu.memref_squeeze %dma_wait3A_86 : memref<1x128xi32, #tpu.memory_space<vmem>> -> memref<128xi32, #tpu.memory_space<vmem>>
      %dma_wait3A_88 = arith.constant 0 : i32
      %dma_wait3A_89 = arith.constant 0 : i32
      %dma_wait3A_90 = tpu.memref_slice %arg2[%dma_wait3A_88, %dma_wait3A_89] : memref<1000000x64xf32, #tpu.memory_space<hbm>> -> memref<1000000x64xf32, #tpu.memory_space<hbm>>
      tpu.wait_indirect_dma semaphore(%arg17 : memref<!tpu.dma_semaphore, #tpu.memory_space<semaphore_mem>>) src(%dma_wait3A_90 : memref<1000000x64xf32, #tpu.memory_space<hbm>>) dst(%arg9 : memref<128x64xf32, #tpu.memory_space<vmem>>)
      %ge3A_91 = arith.constant 2 : i32
      %ge3A_92 = arith.cmpi sge, %add3A_84, %ge3A_91 : i32
      %convert_element_type3A_93 = arith.extui %ge3A_92 : i1 to i32
      %cond3A_94 = arith.constant 0 : i32
      %cond3A_95 = arith.cmpi ne, %convert_element_type3A_93, %cond3A_94 : i32
      scf.if %cond3A_95 {
        %sub3A = arith.constant 2 : i32
        %sub3A_118 = arith.subi %add3A_84, %sub3A : i32
        %mul3A_119 = arith.constant 128 : i32
        %mul3A_120 = arith.muli %sub3A_118, %mul3A_119 : i32
        %add3A_121 = arith.addi %mul3A_2, %mul3A_120 : i32
        %dma_wait3A_122 = arith.constant 0 : i32
        %dma_wait3A_123 = tpu.memref_slice %arg6[%add3A_121, %dma_wait3A_122] : memref<819200x64xf32, #tpu.memory_space<hbm>> -> memref<128x64xf32, #tpu.memory_space<hbm>>
        %dma_wait3A_124 = arith.constant 0 : i32
        %dma_wait3A_125 = tpu.memref_slice %arg6[%add3A_121, %dma_wait3A_124] : memref<819200x64xf32, #tpu.memory_space<hbm>> -> memref<128x64xf32, #tpu.memory_space<hbm>>
        tpu.wait_dma2 semaphore(%arg19 : memref<!tpu.dma_semaphore, #tpu.memory_space<semaphore_mem>>) src(%arg11 : memref<128x64xf32, #tpu.memory_space<vmem>>) dst(%dma_wait3A_125 : memref<128x64xf32, #tpu.memory_space<hbm>>)
      } else {
      }
      %scan3A_96 = arith.constant 0 : i32
      %scan3A_97 = arith.constant 0 : i32
      %scan3A_98 = arith.constant 8 : i32
      %scan3A_99 = arith.addi %scan3A_97, %scan3A_98 : i32
      %scan3A_100 = arith.constant 1 : i32
      %scan3A_101 = scf.for %scan3A_118 = %scan3A_97 to %scan3A_99 step %scan3A_100 iter_args(%scan3A_119 = %scan3A_96) -> (i32)  : i32 {
        %mul3A_120 = arith.constant 16 : i32
        %mul3A_121 = arith.muli %scan3A_118, %mul3A_120 : i32
        %add3A_122 = arith.constant 0 : i32
        %add3A_123 = arith.addi %mul3A_121, %add3A_122 : i32
        %get3A_124 = arith.index_cast %add3A_123 : i32 to index
        %get3A_125 = arith.constant 0 : index
        %get3A_126 = tpu.vector_load %arg9[%get3A_124, %get3A_125] {strides = array<i32>} : memref<128x64xf32, #tpu.memory_space<vmem>>, vector<16xf32>,
        %get3A_127 = arith.index_cast %add3A_123 : i32 to index
        %get3A_128 = arith.constant 16 : index
        %get3A_129 = tpu.vector_load %arg9[%get3A_127, %get3A_128] {strides = array<i32>} : memref<128x64xf32, #tpu.memory_space<vmem>>, vector<16xf32>,
        %get3A_130 = arith.index_cast %add3A_123 : i32 to index
        %get3A_131 = arith.constant 32 : index
        %get3A_132 = tpu.vector_load %arg9[%get3A_130, %get3A_131] {strides = array<i32>} : memref<128x64xf32, #tpu.memory_space<vmem>>, vector<16xf32>,
        %get3A_133 = arith.index_cast %add3A_123 : i32 to index
        %get3A_134 = arith.constant 48 : index
        %get3A_135 = tpu.vector_load %arg9[%get3A_133, %get3A_134] {strides = array<i32>} : memref<128x64xf32, #tpu.memory_space<vmem>>, vector<16xf32>,
        %add3A_136 = arith.addf %get3A_126, %get3A_129 : vector<16xf32>
        %add3A_137 = arith.addf %get3A_132, %get3A_135 : vector<16xf32>
        %add3A_138 = arith.addf %add3A_136, %add3A_137 : vector<16xf32>
        %mul3A_139 = arith.mulf %get3A_126, %get3A_126 : vector<16xf32>
        %mul3A_140 = arith.mulf %get3A_129, %get3A_129 : vector<16xf32>
        %add3A_141 = arith.addf %mul3A_139, %mul3A_140 : vector<16xf32>
        %mul3A_142 = arith.mulf %get3A_132, %get3A_132 : vector<16xf32>
        %mul3A_143 = arith.mulf %get3A_135, %get3A_135 : vector<16xf32>
        %add3A_144 = arith.addf %mul3A_142, %mul3A_143 : vector<16xf32>
        %add3A_145 = arith.addf %add3A_141, %add3A_144 : vector<16xf32>
        %swap3A = arith.constant 0 : i32
        %swap3A_146 = arith.index_cast %swap3A : i32 to index
        %swap3A_147 = arith.constant 0 : index
        %swap3A_148 = tpu.vector_load %arg12[%swap3A_146, %swap3A_147] {strides = array<i32>} : memref<16x16xf32, #tpu.memory_space<vmem>>, vector<16xf32>,
        tpu.vector_store %arg12[%swap3A_146, %swap3A_147], %add3A_138 {strides = array<i32>} : memref<16x16xf32, #tpu.memory_space<vmem>>, vector<16xf32>,
        %swap3A_149 = arith.constant 0 : i32
        %swap3A_150 = arith.index_cast %swap3A_149 : i32 to index
        %swap3A_151 = arith.constant 0 : index
        %swap3A_152 = tpu.vector_load %arg13[%swap3A_150, %swap3A_151] {strides = array<i32>} : memref<16x16xf32, #tpu.memory_space<vmem>>, vector<16xf32>,
        tpu.vector_store %arg13[%swap3A_150, %swap3A_151], %add3A_145 {strides = array<i32>} : memref<16x16xf32, #tpu.memory_space<vmem>>, vector<16xf32>,
        %add3A_153 = arith.constant 1 : i32
        %add3A_154 = arith.addi %mul3A_121, %add3A_153 : i32
        %get3A_155 = arith.index_cast %add3A_154 : i32 to index
        %get3A_156 = arith.constant 0 : index
        %get3A_157 = tpu.vector_load %arg9[%get3A_155, %get3A_156] {strides = array<i32>} : memref<128x64xf32, #tpu.memory_space<vmem>>, vector<16xf32>,
        %get3A_158 = arith.index_cast %add3A_154 : i32 to index
        %get3A_159 = arith.constant 16 : index
        %get3A_160 = tpu.vector_load %arg9[%get3A_158, %get3A_159] {strides = array<i32>} : memref<128x64xf32, #tpu.memory_space<vmem>>, vector<16xf32>,
        %get3A_161 = arith.index_cast %add3A_154 : i32 to index
        %get3A_162 = arith.constant 32 : index
        %get3A_163 = tpu.vector_load %arg9[%get3A_161, %get3A_162] {strides = array<i32>} : memref<128x64xf32, #tpu.memory_space<vmem>>, vector<16xf32>,
        %get3A_164 = arith.index_cast %add3A_154 : i32 to index
        %get3A_165 = arith.constant 48 : index
        %get3A_166 = tpu.vector_load %arg9[%get3A_164, %get3A_165] {strides = array<i32>} : memref<128x64xf32, #tpu.memory_space<vmem>>, vector<16xf32>,
        %add3A_167 = arith.addf %get3A_157, %get3A_160 : vector<16xf32>
        %add3A_168 = arith.addf %get3A_163, %get3A_166 : vector<16xf32>
        %add3A_169 = arith.addf %add3A_167, %add3A_168 : vector<16xf32>
        %mul3A_170 = arith.mulf %get3A_157, %get3A_157 : vector<16xf32>
        %mul3A_171 = arith.mulf %get3A_160, %get3A_160 : vector<16xf32>
        %add3A_172 = arith.addf %mul3A_170, %mul3A_171 : vector<16xf32>
        %mul3A_173 = arith.mulf %get3A_163, %get3A_163 : vector<16xf32>
        %mul3A_174 = arith.mulf %get3A_166, %get3A_166 : vector<16xf32>
        %add3A_175 = arith.addf %mul3A_173, %mul3A_174 : vector<16xf32>
        %add3A_176 = arith.addf %add3A_172, %add3A_175 : vector<16xf32>
        %swap3A_177 = arith.constant 1 : i32
        %swap3A_178 = arith.index_cast %swap3A_177 : i32 to index
        %swap3A_179 = arith.constant 0 : index
        %swap3A_180 = tpu.vector_load %arg12[%swap3A_178, %swap3A_179] {strides = array<i32>} : memref<16x16xf32, #tpu.memory_space<vmem>>, vector<16xf32>,
        tpu.vector_store %arg12[%swap3A_178, %swap3A_179], %add3A_169 {strides = array<i32>} : memref<16x16xf32, #tpu.memory_space<vmem>>, vector<16xf32>,
        %swap3A_181 = arith.constant 1 : i32
        %swap3A_182 = arith.index_cast %swap3A_181 : i32 to index
        %swap3A_183 = arith.constant 0 : index
        %swap3A_184 = tpu.vector_load %arg13[%swap3A_182, %swap3A_183] {strides = array<i32>} : memref<16x16xf32, #tpu.memory_space<vmem>>, vector<16xf32>,
        tpu.vector_store %arg13[%swap3A_182, %swap3A_183], %add3A_176 {strides = array<i32>} : memref<16x16xf32, #tpu.memory_space<vmem>>, vector<16xf32>,
        %add3A_185 = arith.constant 2 : i32
        %add3A_186 = arith.addi %mul3A_121, %add3A_185 : i32
        %get3A_187 = arith.index_cast %add3A_186 : i32 to index
        %get3A_188 = arith.constant 0 : index
        %get3A_189 = tpu.vector_load %arg9[%get3A_187, %get3A_188] {strides = array<i32>} : memref<128x64xf32, #tpu.memory_space<vmem>>, vector<16xf32>,
        %get3A_190 = arith.index_cast %add3A_186 : i32 to index
        %get3A_191 = arith.constant 16 : index
        %get3A_192 = tpu.vector_load %arg9[%get3A_190, %get3A_191] {strides = array<i32>} : memref<128x64xf32, #tpu.memory_space<vmem>>, vector<16xf32>,
        %get3A_193 = arith.index_cast %add3A_186 : i32 to index
        %get3A_194 = arith.constant 32 : index
        %get3A_195 = tpu.vector_load %arg9[%get3A_193, %get3A_194] {strides = array<i32>} : memref<128x64xf32, #tpu.memory_space<vmem>>, vector<16xf32>,
        %get3A_196 = arith.index_cast %add3A_186 : i32 to index
        %get3A_197 = arith.constant 48 : index
        %get3A_198 = tpu.vector_load %arg9[%get3A_196, %get3A_197] {strides = array<i32>} : memref<128x64xf32, #tpu.memory_space<vmem>>, vector<16xf32>,
        %add3A_199 = arith.addf %get3A_189, %get3A_192 : vector<16xf32>
        %add3A_200 = arith.addf %get3A_195, %get3A_198 : vector<16xf32>
        %add3A_201 = arith.addf %add3A_199, %add3A_200 : vector<16xf32>
        %mul3A_202 = arith.mulf %get3A_189, %get3A_189 : vector<16xf32>
        %mul3A_203 = arith.mulf %get3A_192, %get3A_192 : vector<16xf32>
        %add3A_204 = arith.addf %mul3A_202, %mul3A_203 : vector<16xf32>
        %mul3A_205 = arith.mulf %get3A_195, %get3A_195 : vector<16xf32>
        %mul3A_206 = arith.mulf %get3A_198, %get3A_198 : vector<16xf32>
        %add3A_207 = arith.addf %mul3A_205, %mul3A_206 : vector<16xf32>
        %add3A_208 = arith.addf %add3A_204, %add3A_207 : vector<16xf32>
        %swap3A_209 = arith.constant 2 : i32
        %swap3A_210 = arith.index_cast %swap3A_209 : i32 to index
        %swap3A_211 = arith.constant 0 : index
        %swap3A_212 = tpu.vector_load %arg12[%swap3A_210, %swap3A_211] {strides = array<i32>} : memref<16x16xf32, #tpu.memory_space<vmem>>, vector<16xf32>,
        tpu.vector_store %arg12[%swap3A_210, %swap3A_211], %add3A_201 {strides = array<i32>} : memref<16x16xf32, #tpu.memory_space<vmem>>, vector<16xf32>,
        %swap3A_213 = arith.constant 2 : i32
        %swap3A_214 = arith.index_cast %swap3A_213 : i32 to index
        %swap3A_215 = arith.constant 0 : index
        %swap3A_216 = tpu.vector_load %arg13[%swap3A_214, %swap3A_215] {strides = array<i32>} : memref<16x16xf32, #tpu.memory_space<vmem>>, vector<16xf32>,
        tpu.vector_store %arg13[%swap3A_214, %swap3A_215], %add3A_208 {strides = array<i32>} : memref<16x16xf32, #tpu.memory_space<vmem>>, vector<16xf32>,
        %add3A_217 = arith.constant 3 : i32
        %add3A_218 = arith.addi %mul3A_121, %add3A_217 : i32
        %get3A_219 = arith.index_cast %add3A_218 : i32 to index
        %get3A_220 = arith.constant 0 : index
        %get3A_221 = tpu.vector_load %arg9[%get3A_219, %get3A_220] {strides = array<i32>} : memref<128x64xf32, #tpu.memory_space<vmem>>, vector<16xf32>,
        %get3A_222 = arith.index_cast %add3A_218 : i32 to index
        %get3A_223 = arith.constant 16 : index
        %get3A_224 = tpu.vector_load %arg9[%get3A_222, %get3A_223] {strides = array<i32>} : memref<128x64xf32, #tpu.memory_space<vmem>>, vector<16xf32>,
        %get3A_225 = arith.index_cast %add3A_218 : i32 to index
        %get3A_226 = arith.constant 32 : index
        %get3A_227 = tpu.vector_load %arg9[%get3A_225, %get3A_226] {strides = array<i32>} : memref<128x64xf32, #tpu.memory_space<vmem>>, vector<16xf32>,
        %get3A_228 = arith.index_cast %add3A_218 : i32 to index
        %get3A_229 = arith.constant 48 : index
        %get3A_230 = tpu.vector_load %arg9[%get3A_228, %get3A_229] {strides = array<i32>} : memref<128x64xf32, #tpu.memory_space<vmem>>, vector<16xf32>,
        %add3A_231 = arith.addf %get3A_221, %get3A_224 : vector<16xf32>
        %add3A_232 = arith.addf %get3A_227, %get3A_230 : vector<16xf32>
        %add3A_233 = arith.addf %add3A_231, %add3A_232 : vector<16xf32>
        %mul3A_234 = arith.mulf %get3A_221, %get3A_221 : vector<16xf32>
        %mul3A_235 = arith.mulf %get3A_224, %get3A_224 : vector<16xf32>
        %add3A_236 = arith.addf %mul3A_234, %mul3A_235 : vector<16xf32>
        %mul3A_237 = arith.mulf %get3A_227, %get3A_227 : vector<16xf32>
        %mul3A_238 = arith.mulf %get3A_230, %get3A_230 : vector<16xf32>
        %add3A_239 = arith.addf %mul3A_237, %mul3A_238 : vector<16xf32>
        %add3A_240 = arith.addf %add3A_236, %add3A_239 : vector<16xf32>
        %swap3A_241 = arith.constant 3 : i32
        %swap3A_242 = arith.index_cast %swap3A_241 : i32 to index
        %swap3A_243 = arith.constant 0 : index
        %swap3A_244 = tpu.vector_load %arg12[%swap3A_242, %swap3A_243] {strides = array<i32>} : memref<16x16xf32, #tpu.memory_space<vmem>>, vector<16xf32>,
        tpu.vector_store %arg12[%swap3A_242, %swap3A_243], %add3A_233 {strides = array<i32>} : memref<16x16xf32, #tpu.memory_space<vmem>>, vector<16xf32>,
        %swap3A_245 = arith.constant 3 : i32
        %swap3A_246 = arith.index_cast %swap3A_245 : i32 to index
        %swap3A_247 = arith.constant 0 : index
        %swap3A_248 = tpu.vector_load %arg13[%swap3A_246, %swap3A_247] {strides = array<i32>} : memref<16x16xf32, #tpu.memory_space<vmem>>, vector<16xf32>,
        tpu.vector_store %arg13[%swap3A_246, %swap3A_247], %add3A_240 {strides = array<i32>} : memref<16x16xf32, #tpu.memory_space<vmem>>, vector<16xf32>,
        %add3A_249 = arith.constant 4 : i32
        %add3A_250 = arith.addi %mul3A_121, %add3A_249 : i32
        %get3A_251 = arith.index_cast %add3A_250 : i32 to index
        %get3A_252 = arith.constant 0 : index
        %get3A_253 = tpu.vector_load %arg9[%get3A_251, %get3A_252] {strides = array<i32>} : memref<128x64xf32, #tpu.memory_space<vmem>>, vector<16xf32>,
        %get3A_254 = arith.index_cast %add3A_250 : i32 to index
        %get3A_255 = arith.constant 16 : index
        %get3A_256 = tpu.vector_load %arg9[%get3A_254, %get3A_255] {strides = array<i32>} : memref<128x64xf32, #tpu.memory_space<vmem>>, vector<16xf32>,
        %get3A_257 = arith.index_cast %add3A_250 : i32 to index
        %get3A_258 = arith.constant 32 : index
        %get3A_259 = tpu.vector_load %arg9[%get3A_257, %get3A_258] {strides = array<i32>} : memref<128x64xf32, #tpu.memory_space<vmem>>, vector<16xf32>,
        %get3A_260 = arith.index_cast %add3A_250 : i32 to index
        %get3A_261 = arith.constant 48 : index
        %get3A_262 = tpu.vector_load %arg9[%get3A_260, %get3A_261] {strides = array<i32>} : memref<128x64xf32, #tpu.memory_space<vmem>>, vector<16xf32>,
        %add3A_263 = arith.addf %get3A_253, %get3A_256 : vector<16xf32>
        %add3A_264 = arith.addf %get3A_259, %get3A_262 : vector<16xf32>
        %add3A_265 = arith.addf %add3A_263, %add3A_264 : vector<16xf32>
        %mul3A_266 = arith.mulf %get3A_253, %get3A_253 : vector<16xf32>
        %mul3A_267 = arith.mulf %get3A_256, %get3A_256 : vector<16xf32>
        %add3A_268 = arith.addf %mul3A_266, %mul3A_267 : vector<16xf32>
        %mul3A_269 = arith.mulf %get3A_259, %get3A_259 : vector<16xf32>
        %mul3A_270 = arith.mulf %get3A_262, %get3A_262 : vector<16xf32>
        %add3A_271 = arith.addf %mul3A_269, %mul3A_270 : vector<16xf32>
        %add3A_272 = arith.addf %add3A_268, %add3A_271 : vector<16xf32>
        %swap3A_273 = arith.constant 4 : i32
        %swap3A_274 = arith.index_cast %swap3A_273 : i32 to index
        %swap3A_275 = arith.constant 0 : index
        %swap3A_276 = tpu.vector_load %arg12[%swap3A_274, %swap3A_275] {strides = array<i32>} : memref<16x16xf32, #tpu.memory_space<vmem>>, vector<16xf32>,
        tpu.vector_store %arg12[%swap3A_274, %swap3A_275], %add3A_265 {strides = array<i32>} : memref<16x16xf32, #tpu.memory_space<vmem>>, vector<16xf32>,
        %swap3A_277 = arith.constant 4 : i32
        %swap3A_278 = arith.index_cast %swap3A_277 : i32 to index
        %swap3A_279 = arith.constant 0 : index
        %swap3A_280 = tpu.vector_load %arg13[%swap3A_278, %swap3A_279] {strides = array<i32>} : memref<16x16xf32, #tpu.memory_space<vmem>>, vector<16xf32>,
        tpu.vector_store %arg13[%swap3A_278, %swap3A_279], %add3A_272 {strides = array<i32>} : memref<16x16xf32, #tpu.memory_space<vmem>>, vector<16xf32>,
        %add3A_281 = arith.constant 5 : i32
        %add3A_282 = arith.addi %mul3A_121, %add3A_281 : i32
        %get3A_283 = arith.index_cast %add3A_282 : i32 to index
        %get3A_284 = arith.constant 0 : index
        %get3A_285 = tpu.vector_load %arg9[%get3A_283, %get3A_284] {strides = array<i32>} : memref<128x64xf32, #tpu.memory_space<vmem>>, vector<16xf32>,
        %get3A_286 = arith.index_cast %add3A_282 : i32 to index
        %get3A_287 = arith.constant 16 : index
        %get3A_288 = tpu.vector_load %arg9[%get3A_286, %get3A_287] {strides = array<i32>} : memref<128x64xf32, #tpu.memory_space<vmem>>, vector<16xf32>,
        %get3A_289 = arith.index_cast %add3A_282 : i32 to index
        %get3A_290 = arith.constant 32 : index
        %get3A_291 = tpu.vector_load %arg9[%get3A_289, %get3A_290] {strides = array<i32>} : memref<128x64xf32, #tpu.memory_space<vmem>>, vector<16xf32>,
        %get3A_292 = arith.index_cast %add3A_282 : i32 to index
        %get3A_293 = arith.constant 48 : index
        %get3A_294 = tpu.vector_load %arg9[%get3A_292, %get3A_293] {strides = array<i32>} : memref<128x64xf32, #tpu.memory_space<vmem>>, vector<16xf32>,
        %add3A_295 = arith.addf %get3A_285, %get3A_288 : vector<16xf32>
        %add3A_296 = arith.addf %get3A_291, %get3A_294 : vector<16xf32>
        %add3A_297 = arith.addf %add3A_295, %add3A_296 : vector<16xf32>
        %mul3A_298 = arith.mulf %get3A_285, %get3A_285 : vector<16xf32>
        %mul3A_299 = arith.mulf %get3A_288, %get3A_288 : vector<16xf32>
        %add3A_300 = arith.addf %mul3A_298, %mul3A_299 : vector<16xf32>
        %mul3A_301 = arith.mulf %get3A_291, %get3A_291 : vector<16xf32>
        %mul3A_302 = arith.mulf %get3A_294, %get3A_294 : vector<16xf32>
        %add3A_303 = arith.addf %mul3A_301, %mul3A_302 : vector<16xf32>
        %add3A_304 = arith.addf %add3A_300, %add3A_303 : vector<16xf32>
        %swap3A_305 = arith.constant 5 : i32
        %swap3A_306 = arith.index_cast %swap3A_305 : i32 to index
        %swap3A_307 = arith.constant 0 : index
        %swap3A_308 = tpu.vector_load %arg12[%swap3A_306, %swap3A_307] {strides = array<i32>} : memref<16x16xf32, #tpu.memory_space<vmem>>, vector<16xf32>,
        tpu.vector_store %arg12[%swap3A_306, %swap3A_307], %add3A_297 {strides = array<i32>} : memref<16x16xf32, #tpu.memory_space<vmem>>, vector<16xf32>,
        %swap3A_309 = arith.constant 5 : i32
        %swap3A_310 = arith.index_cast %swap3A_309 : i32 to index
        %swap3A_311 = arith.constant 0 : index
        %swap3A_312 = tpu.vector_load %arg13[%swap3A_310, %swap3A_311] {strides = array<i32>} : memref<16x16xf32, #tpu.memory_space<vmem>>, vector<16xf32>,
        tpu.vector_store %arg13[%swap3A_310, %swap3A_311], %add3A_304 {strides = array<i32>} : memref<16x16xf32, #tpu.memory_space<vmem>>, vector<16xf32>,
        %add3A_313 = arith.constant 6 : i32
        %add3A_314 = arith.addi %mul3A_121, %add3A_313 : i32
        %get3A_315 = arith.index_cast %add3A_314 : i32 to index
        %get3A_316 = arith.constant 0 : index
        %get3A_317 = tpu.vector_load %arg9[%get3A_315, %get3A_316] {strides = array<i32>} : memref<128x64xf32, #tpu.memory_space<vmem>>, vector<16xf32>,
        %get3A_318 = arith.index_cast %add3A_314 : i32 to index
        %get3A_319 = arith.constant 16 : index
        %get3A_320 = tpu.vector_load %arg9[%get3A_318, %get3A_319] {strides = array<i32>} : memref<128x64xf32, #tpu.memory_space<vmem>>, vector<16xf32>,
        %get3A_321 = arith.index_cast %add3A_314 : i32 to index
        %get3A_322 = arith.constant 32 : index
        %get3A_323 = tpu.vector_load %arg9[%get3A_321, %get3A_322] {strides = array<i32>} : memref<128x64xf32, #tpu.memory_space<vmem>>, vector<16xf32>,
        %get3A_324 = arith.index_cast %add3A_314 : i32 to index
        %get3A_325 = arith.constant 48 : index
        %get3A_326 = tpu.vector_load %arg9[%get3A_324, %get3A_325] {strides = array<i32>} : memref<128x64xf32, #tpu.memory_space<vmem>>, vector<16xf32>,
        %add3A_327 = arith.addf %get3A_317, %get3A_320 : vector<16xf32>
        %add3A_328 = arith.addf %get3A_323, %get3A_326 : vector<16xf32>
        %add3A_329 = arith.addf %add3A_327, %add3A_328 : vector<16xf32>
        %mul3A_330 = arith.mulf %get3A_317, %get3A_317 : vector<16xf32>
        %mul3A_331 = arith.mulf %get3A_320, %get3A_320 : vector<16xf32>
        %add3A_332 = arith.addf %mul3A_330, %mul3A_331 : vector<16xf32>
        %mul3A_333 = arith.mulf %get3A_323, %get3A_323 : vector<16xf32>
        %mul3A_334 = arith.mulf %get3A_326, %get3A_326 : vector<16xf32>
        %add3A_335 = arith.addf %mul3A_333, %mul3A_334 : vector<16xf32>
        %add3A_336 = arith.addf %add3A_332, %add3A_335 : vector<16xf32>
        %swap3A_337 = arith.constant 6 : i32
        %swap3A_338 = arith.index_cast %swap3A_337 : i32 to index
        %swap3A_339 = arith.constant 0 : index
        %swap3A_340 = tpu.vector_load %arg12[%swap3A_338, %swap3A_339] {strides = array<i32>} : memref<16x16xf32, #tpu.memory_space<vmem>>, vector<16xf32>,
        tpu.vector_store %arg12[%swap3A_338, %swap3A_339], %add3A_329 {strides = array<i32>} : memref<16x16xf32, #tpu.memory_space<vmem>>, vector<16xf32>,
        %swap3A_341 = arith.constant 6 : i32
        %swap3A_342 = arith.index_cast %swap3A_341 : i32 to index
        %swap3A_343 = arith.constant 0 : index
        %swap3A_344 = tpu.vector_load %arg13[%swap3A_342, %swap3A_343] {strides = array<i32>} : memref<16x16xf32, #tpu.memory_space<vmem>>, vector<16xf32>,
        tpu.vector_store %arg13[%swap3A_342, %swap3A_343], %add3A_336 {strides = array<i32>} : memref<16x16xf32, #tpu.memory_space<vmem>>, vector<16xf32>,
        %add3A_345 = arith.constant 7 : i32
        %add3A_346 = arith.addi %mul3A_121, %add3A_345 : i32
        %get3A_347 = arith.index_cast %add3A_346 : i32 to index
        %get3A_348 = arith.constant 0 : index
        %get3A_349 = tpu.vector_load %arg9[%get3A_347, %get3A_348] {strides = array<i32>} : memref<128x64xf32, #tpu.memory_space<vmem>>, vector<16xf32>,
        %get3A_350 = arith.index_cast %add3A_346 : i32 to index
        %get3A_351 = arith.constant 16 : index
        %get3A_352 = tpu.vector_load %arg9[%get3A_350, %get3A_351] {strides = array<i32>} : memref<128x64xf32, #tpu.memory_space<vmem>>, vector<16xf32>,
        %get3A_353 = arith.index_cast %add3A_346 : i32 to index
        %get3A_354 = arith.constant 32 : index
        %get3A_355 = tpu.vector_load %arg9[%get3A_353, %get3A_354] {strides = array<i32>} : memref<128x64xf32, #tpu.memory_space<vmem>>, vector<16xf32>,
        %get3A_356 = arith.index_cast %add3A_346 : i32 to index
        %get3A_357 = arith.constant 48 : index
        %get3A_358 = tpu.vector_load %arg9[%get3A_356, %get3A_357] {strides = array<i32>} : memref<128x64xf32, #tpu.memory_space<vmem>>, vector<16xf32>,
        %add3A_359 = arith.addf %get3A_349, %get3A_352 : vector<16xf32>
        %add3A_360 = arith.addf %get3A_355, %get3A_358 : vector<16xf32>
        %add3A_361 = arith.addf %add3A_359, %add3A_360 : vector<16xf32>
        %mul3A_362 = arith.mulf %get3A_349, %get3A_349 : vector<16xf32>
        %mul3A_363 = arith.mulf %get3A_352, %get3A_352 : vector<16xf32>
        %add3A_364 = arith.addf %mul3A_362, %mul3A_363 : vector<16xf32>
        %mul3A_365 = arith.mulf %get3A_355, %get3A_355 : vector<16xf32>
        %mul3A_366 = arith.mulf %get3A_358, %get3A_358 : vector<16xf32>
        %add3A_367 = arith.addf %mul3A_365, %mul3A_366 : vector<16xf32>
        %add3A_368 = arith.addf %add3A_364, %add3A_367 : vector<16xf32>
        %swap3A_369 = arith.constant 7 : i32
        %swap3A_370 = arith.index_cast %swap3A_369 : i32 to index
        %swap3A_371 = arith.constant 0 : index
        %swap3A_372 = tpu.vector_load %arg12[%swap3A_370, %swap3A_371] {strides = array<i32>} : memref<16x16xf32, #tpu.memory_space<vmem>>, vector<16xf32>,
        tpu.vector_store %arg12[%swap3A_370, %swap3A_371], %add3A_361 {strides = array<i32>} : memref<16x16xf32, #tpu.memory_space<vmem>>, vector<16xf32>,
        %swap3A_373 = arith.constant 7 : i32
        %swap3A_374 = arith.index_cast %swap3A_373 : i32 to index
        %swap3A_375 = arith.constant 0 : index
        %swap3A_376 = tpu.vector_load %arg13[%swap3A_374, %swap3A_375] {strides = array<i32>} : memref<16x16xf32, #tpu.memory_space<vmem>>, vector<16xf32>,
        tpu.vector_store %arg13[%swap3A_374, %swap3A_375], %add3A_368 {strides = array<i32>} : memref<16x16xf32, #tpu.memory_space<vmem>>, vector<16xf32>,
        %add3A_377 = arith.constant 8 : i32
        %add3A_378 = arith.addi %mul3A_121, %add3A_377 : i32
        %get3A_379 = arith.index_cast %add3A_378 : i32 to index
        %get3A_380 = arith.constant 0 : index
        %get3A_381 = tpu.vector_load %arg9[%get3A_379, %get3A_380] {strides = array<i32>} : memref<128x64xf32, #tpu.memory_space<vmem>>, vector<16xf32>,
        %get3A_382 = arith.index_cast %add3A_378 : i32 to index
        %get3A_383 = arith.constant 16 : index
        %get3A_384 = tpu.vector_load %arg9[%get3A_382, %get3A_383] {strides = array<i32>} : memref<128x64xf32, #tpu.memory_space<vmem>>, vector<16xf32>,
        %get3A_385 = arith.index_cast %add3A_378 : i32 to index
        %get3A_386 = arith.constant 32 : index
        %get3A_387 = tpu.vector_load %arg9[%get3A_385, %get3A_386] {strides = array<i32>} : memref<128x64xf32, #tpu.memory_space<vmem>>, vector<16xf32>,
        %get3A_388 = arith.index_cast %add3A_378 : i32 to index
        %get3A_389 = arith.constant 48 : index
        %get3A_390 = tpu.vector_load %arg9[%get3A_388, %get3A_389] {strides = array<i32>} : memref<128x64xf32, #tpu.memory_space<vmem>>, vector<16xf32>,
        %add3A_391 = arith.addf %get3A_381, %get3A_384 : vector<16xf32>
        %add3A_392 = arith.addf %get3A_387, %get3A_390 : vector<16xf32>
        %add3A_393 = arith.addf %add3A_391, %add3A_392 : vector<16xf32>
        %mul3A_394 = arith.mulf %get3A_381, %get3A_381 : vector<16xf32>
        %mul3A_395 = arith.mulf %get3A_384, %get3A_384 : vector<16xf32>
        %add3A_396 = arith.addf %mul3A_394, %mul3A_395 : vector<16xf32>
        %mul3A_397 = arith.mulf %get3A_387, %get3A_387 : vector<16xf32>
        %mul3A_398 = arith.mulf %get3A_390, %get3A_390 : vector<16xf32>
        %add3A_399 = arith.addf %mul3A_397, %mul3A_398 : vector<16xf32>
        %add3A_400 = arith.addf %add3A_396, %add3A_399 : vector<16xf32>
        %swap3A_401 = arith.constant 8 : i32
        %swap3A_402 = arith.index_cast %swap3A_401 : i32 to index
        %swap3A_403 = arith.constant 0 : index
        %swap3A_404 = tpu.vector_load %arg12[%swap3A_402, %swap3A_403] {strides = array<i32>} : memref<16x16xf32, #tpu.memory_space<vmem>>, vector<16xf32>,
        tpu.vector_store %arg12[%swap3A_402, %swap3A_403], %add3A_393 {strides = array<i32>} : memref<16x16xf32, #tpu.memory_space<vmem>>, vector<16xf32>,
        %swap3A_405 = arith.constant 8 : i32
        %swap3A_406 = arith.index_cast %swap3A_405 : i32 to index
        %swap3A_407 = arith.constant 0 : index
        %swap3A_408 = tpu.vector_load %arg13[%swap3A_406, %swap3A_407] {strides = array<i32>} : memref<16x16xf32, #tpu.memory_space<vmem>>, vector<16xf32>,
        tpu.vector_store %arg13[%swap3A_406, %swap3A_407], %add3A_400 {strides = array<i32>} : memref<16x16xf32, #tpu.memory_space<vmem>>, vector<16xf32>,
        %add3A_409 = arith.constant 9 : i32
        %add3A_410 = arith.addi %mul3A_121, %add3A_409 : i32
        %get3A_411 = arith.index_cast %add3A_410 : i32 to index
        %get3A_412 = arith.constant 0 : index
        %get3A_413 = tpu.vector_load %arg9[%get3A_411, %get3A_412] {strides = array<i32>} : memref<128x64xf32, #tpu.memory_space<vmem>>, vector<16xf32>,
        %get3A_414 = arith.index_cast %add3A_410 : i32 to index
        %get3A_415 = arith.constant 16 : index
        %get3A_416 = tpu.vector_load %arg9[%get3A_414, %get3A_415] {strides = array<i32>} : memref<128x64xf32, #tpu.memory_space<vmem>>, vector<16xf32>,
        %get3A_417 = arith.index_cast %add3A_410 : i32 to index
        %get3A_418 = arith.constant 32 : index
        %get3A_419 = tpu.vector_load %arg9[%get3A_417, %get3A_418] {strides = array<i32>} : memref<128x64xf32, #tpu.memory_space<vmem>>, vector<16xf32>,
        %get3A_420 = arith.index_cast %add3A_410 : i32 to index
        %get3A_421 = arith.constant 48 : index
        %get3A_422 = tpu.vector_load %arg9[%get3A_420, %get3A_421] {strides = array<i32>} : memref<128x64xf32, #tpu.memory_space<vmem>>, vector<16xf32>,
        %add3A_423 = arith.addf %get3A_413, %get3A_416 : vector<16xf32>
        %add3A_424 = arith.addf %get3A_419, %get3A_422 : vector<16xf32>
        %add3A_425 = arith.addf %add3A_423, %add3A_424 : vector<16xf32>
        %mul3A_426 = arith.mulf %get3A_413, %get3A_413 : vector<16xf32>
        %mul3A_427 = arith.mulf %get3A_416, %get3A_416 : vector<16xf32>
        %add3A_428 = arith.addf %mul3A_426, %mul3A_427 : vector<16xf32>
        %mul3A_429 = arith.mulf %get3A_419, %get3A_419 : vector<16xf32>
        %mul3A_430 = arith.mulf %get3A_422, %get3A_422 : vector<16xf32>
        %add3A_431 = arith.addf %mul3A_429, %mul3A_430 : vector<16xf32>
        %add3A_432 = arith.addf %add3A_428, %add3A_431 : vector<16xf32>
        %swap3A_433 = arith.constant 9 : i32
        %swap3A_434 = arith.index_cast %swap3A_433 : i32 to index
        %swap3A_435 = arith.constant 0 : index
        %swap3A_436 = tpu.vector_load %arg12[%swap3A_434, %swap3A_435] {strides = array<i32>} : memref<16x16xf32, #tpu.memory_space<vmem>>, vector<16xf32>,
        tpu.vector_store %arg12[%swap3A_434, %swap3A_435], %add3A_425 {strides = array<i32>} : memref<16x16xf32, #tpu.memory_space<vmem>>, vector<16xf32>,
        %swap3A_437 = arith.constant 9 : i32
        %swap3A_438 = arith.index_cast %swap3A_437 : i32 to index
        %swap3A_439 = arith.constant 0 : index
        %swap3A_440 = tpu.vector_load %arg13[%swap3A_438, %swap3A_439] {strides = array<i32>} : memref<16x16xf32, #tpu.memory_space<vmem>>, vector<16xf32>,
        tpu.vector_store %arg13[%swap3A_438, %swap3A_439], %add3A_432 {strides = array<i32>} : memref<16x16xf32, #tpu.memory_space<vmem>>, vector<16xf32>,
        %add3A_441 = arith.constant 10 : i32
        %add3A_442 = arith.addi %mul3A_121, %add3A_441 : i32
        %get3A_443 = arith.index_cast %add3A_442 : i32 to index
        %get3A_444 = arith.constant 0 : index
        %get3A_445 = tpu.vector_load %arg9[%get3A_443, %get3A_444] {strides = array<i32>} : memref<128x64xf32, #tpu.memory_space<vmem>>, vector<16xf32>,
        %get3A_446 = arith.index_cast %add3A_442 : i32 to index
        %get3A_447 = arith.constant 16 : index
        %get3A_448 = tpu.vector_load %arg9[%get3A_446, %get3A_447] {strides = array<i32>} : memref<128x64xf32, #tpu.memory_space<vmem>>, vector<16xf32>,
        %get3A_449 = arith.index_cast %add3A_442 : i32 to index
        %get3A_450 = arith.constant 32 : index
        %get3A_451 = tpu.vector_load %arg9[%get3A_449, %get3A_450] {strides = array<i32>} : memref<128x64xf32, #tpu.memory_space<vmem>>, vector<16xf32>,
        %get3A_452 = arith.index_cast %add3A_442 : i32 to index
        %get3A_453 = arith.constant 48 : index
        %get3A_454 = tpu.vector_load %arg9[%get3A_452, %get3A_453] {strides = array<i32>} : memref<128x64xf32, #tpu.memory_space<vmem>>, vector<16xf32>,
        %add3A_455 = arith.addf %get3A_445, %get3A_448 : vector<16xf32>
        %add3A_456 = arith.addf %get3A_451, %get3A_454 : vector<16xf32>
        %add3A_457 = arith.addf %add3A_455, %add3A_456 : vector<16xf32>
        %mul3A_458 = arith.mulf %get3A_445, %get3A_445 : vector<16xf32>
        %mul3A_459 = arith.mulf %get3A_448, %get3A_448 : vector<16xf32>
        %add3A_460 = arith.addf %mul3A_458, %mul3A_459 : vector<16xf32>
        %mul3A_461 = arith.mulf %get3A_451, %get3A_451 : vector<16xf32>
        %mul3A_462 = arith.mulf %get3A_454, %get3A_454 : vector<16xf32>
        %add3A_463 = arith.addf %mul3A_461, %mul3A_462 : vector<16xf32>
        %add3A_464 = arith.addf %add3A_460, %add3A_463 : vector<16xf32>
        %swap3A_465 = arith.constant 10 : i32
        %swap3A_466 = arith.index_cast %swap3A_465 : i32 to index
        %swap3A_467 = arith.constant 0 : index
        %swap3A_468 = tpu.vector_load %arg12[%swap3A_466, %swap3A_467] {strides = array<i32>} : memref<16x16xf32, #tpu.memory_space<vmem>>, vector<16xf32>,
        tpu.vector_store %arg12[%swap3A_466, %swap3A_467], %add3A_457 {strides = array<i32>} : memref<16x16xf32, #tpu.memory_space<vmem>>, vector<16xf32>,
        %swap3A_469 = arith.constant 10 : i32
        %swap3A_470 = arith.index_cast %swap3A_469 : i32 to index
        %swap3A_471 = arith.constant 0 : index
        %swap3A_472 = tpu.vector_load %arg13[%swap3A_470, %swap3A_471] {strides = array<i32>} : memref<16x16xf32, #tpu.memory_space<vmem>>, vector<16xf32>,
        tpu.vector_store %arg13[%swap3A_470, %swap3A_471], %add3A_464 {strides = array<i32>} : memref<16x16xf32, #tpu.memory_space<vmem>>, vector<16xf32>,
        %add3A_473 = arith.constant 11 : i32
        %add3A_474 = arith.addi %mul3A_121, %add3A_473 : i32
        %get3A_475 = arith.index_cast %add3A_474 : i32 to index
        %get3A_476 = arith.constant 0 : index
        %get3A_477 = tpu.vector_load %arg9[%get3A_475, %get3A_476] {strides = array<i32>} : memref<128x64xf32, #tpu.memory_space<vmem>>, vector<16xf32>,
        %get3A_478 = arith.index_cast %add3A_474 : i32 to index
        %get3A_479 = arith.constant 16 : index
        %get3A_480 = tpu.vector_load %arg9[%get3A_478, %get3A_479] {strides = array<i32>} : memref<128x64xf32, #tpu.memory_space<vmem>>, vector<16xf32>,
        %get3A_481 = arith.index_cast %add3A_474 : i32 to index
        %get3A_482 = arith.constant 32 : index
        %get3A_483 = tpu.vector_load %arg9[%get3A_481, %get3A_482] {strides = array<i32>} : memref<128x64xf32, #tpu.memory_space<vmem>>, vector<16xf32>,
        %get3A_484 = arith.index_cast %add3A_474 : i32 to index
        %get3A_485 = arith.constant 48 : index
        %get3A_486 = tpu.vector_load %arg9[%get3A_484, %get3A_485] {strides = array<i32>} : memref<128x64xf32, #tpu.memory_space<vmem>>, vector<16xf32>,
        %add3A_487 = arith.addf %get3A_477, %get3A_480 : vector<16xf32>
        %add3A_488 = arith.addf %get3A_483, %get3A_486 : vector<16xf32>
        %add3A_489 = arith.addf %add3A_487, %add3A_488 : vector<16xf32>
        %mul3A_490 = arith.mulf %get3A_477, %get3A_477 : vector<16xf32>
        %mul3A_491 = arith.mulf %get3A_480, %get3A_480 : vector<16xf32>
        %add3A_492 = arith.addf %mul3A_490, %mul3A_491 : vector<16xf32>
        %mul3A_493 = arith.mulf %get3A_483, %get3A_483 : vector<16xf32>
        %mul3A_494 = arith.mulf %get3A_486, %get3A_486 : vector<16xf32>
        %add3A_495 = arith.addf %mul3A_493, %mul3A_494 : vector<16xf32>
        %add3A_496 = arith.addf %add3A_492, %add3A_495 : vector<16xf32>
        %swap3A_497 = arith.constant 11 : i32
        %swap3A_498 = arith.index_cast %swap3A_497 : i32 to index
        %swap3A_499 = arith.constant 0 : index
        %swap3A_500 = tpu.vector_load %arg12[%swap3A_498, %swap3A_499] {strides = array<i32>} : memref<16x16xf32, #tpu.memory_space<vmem>>, vector<16xf32>,
        tpu.vector_store %arg12[%swap3A_498, %swap3A_499], %add3A_489 {strides = array<i32>} : memref<16x16xf32, #tpu.memory_space<vmem>>, vector<16xf32>,
        %swap3A_501 = arith.constant 11 : i32
        %swap3A_502 = arith.index_cast %swap3A_501 : i32 to index
        %swap3A_503 = arith.constant 0 : index
        %swap3A_504 = tpu.vector_load %arg13[%swap3A_502, %swap3A_503] {strides = array<i32>} : memref<16x16xf32, #tpu.memory_space<vmem>>, vector<16xf32>,
        tpu.vector_store %arg13[%swap3A_502, %swap3A_503], %add3A_496 {strides = array<i32>} : memref<16x16xf32, #tpu.memory_space<vmem>>, vector<16xf32>,
        %add3A_505 = arith.constant 12 : i32
        %add3A_506 = arith.addi %mul3A_121, %add3A_505 : i32
        %get3A_507 = arith.index_cast %add3A_506 : i32 to index
        %get3A_508 = arith.constant 0 : index
        %get3A_509 = tpu.vector_load %arg9[%get3A_507, %get3A_508] {strides = array<i32>} : memref<128x64xf32, #tpu.memory_space<vmem>>, vector<16xf32>,
        %get3A_510 = arith.index_cast %add3A_506 : i32 to index
        %get3A_511 = arith.constant 16 : index
        %get3A_512 = tpu.vector_load %arg9[%get3A_510, %get3A_511] {strides = array<i32>} : memref<128x64xf32, #tpu.memory_space<vmem>>, vector<16xf32>,
        %get3A_513 = arith.index_cast %add3A_506 : i32 to index
        %get3A_514 = arith.constant 32 : index
        %get3A_515 = tpu.vector_load %arg9[%get3A_513, %get3A_514] {strides = array<i32>} : memref<128x64xf32, #tpu.memory_space<vmem>>, vector<16xf32>,
        %get3A_516 = arith.index_cast %add3A_506 : i32 to index
        %get3A_517 = arith.constant 48 : index
        %get3A_518 = tpu.vector_load %arg9[%get3A_516, %get3A_517] {strides = array<i32>} : memref<128x64xf32, #tpu.memory_space<vmem>>, vector<16xf32>,
        %add3A_519 = arith.addf %get3A_509, %get3A_512 : vector<16xf32>
        %add3A_520 = arith.addf %get3A_515, %get3A_518 : vector<16xf32>
        %add3A_521 = arith.addf %add3A_519, %add3A_520 : vector<16xf32>
        %mul3A_522 = arith.mulf %get3A_509, %get3A_509 : vector<16xf32>
        %mul3A_523 = arith.mulf %get3A_512, %get3A_512 : vector<16xf32>
        %add3A_524 = arith.addf %mul3A_522, %mul3A_523 : vector<16xf32>
        %mul3A_525 = arith.mulf %get3A_515, %get3A_515 : vector<16xf32>
        %mul3A_526 = arith.mulf %get3A_518, %get3A_518 : vector<16xf32>
        %add3A_527 = arith.addf %mul3A_525, %mul3A_526 : vector<16xf32>
        %add3A_528 = arith.addf %add3A_524, %add3A_527 : vector<16xf32>
        %swap3A_529 = arith.constant 12 : i32
        %swap3A_530 = arith.index_cast %swap3A_529 : i32 to index
        %swap3A_531 = arith.constant 0 : index
        %swap3A_532 = tpu.vector_load %arg12[%swap3A_530, %swap3A_531] {strides = array<i32>} : memref<16x16xf32, #tpu.memory_space<vmem>>, vector<16xf32>,
        tpu.vector_store %arg12[%swap3A_530, %swap3A_531], %add3A_521 {strides = array<i32>} : memref<16x16xf32, #tpu.memory_space<vmem>>, vector<16xf32>,
        %swap3A_533 = arith.constant 12 : i32
        %swap3A_534 = arith.index_cast %swap3A_533 : i32 to index
        %swap3A_535 = arith.constant 0 : index
        %swap3A_536 = tpu.vector_load %arg13[%swap3A_534, %swap3A_535] {strides = array<i32>} : memref<16x16xf32, #tpu.memory_space<vmem>>, vector<16xf32>,
        tpu.vector_store %arg13[%swap3A_534, %swap3A_535], %add3A_528 {strides = array<i32>} : memref<16x16xf32, #tpu.memory_space<vmem>>, vector<16xf32>,
        %add3A_537 = arith.constant 13 : i32
        %add3A_538 = arith.addi %mul3A_121, %add3A_537 : i32
        %get3A_539 = arith.index_cast %add3A_538 : i32 to index
        %get3A_540 = arith.constant 0 : index
        %get3A_541 = tpu.vector_load %arg9[%get3A_539, %get3A_540] {strides = array<i32>} : memref<128x64xf32, #tpu.memory_space<vmem>>, vector<16xf32>,
        %get3A_542 = arith.index_cast %add3A_538 : i32 to index
        %get3A_543 = arith.constant 16 : index
        %get3A_544 = tpu.vector_load %arg9[%get3A_542, %get3A_543] {strides = array<i32>} : memref<128x64xf32, #tpu.memory_space<vmem>>, vector<16xf32>,
        %get3A_545 = arith.index_cast %add3A_538 : i32 to index
        %get3A_546 = arith.constant 32 : index
        %get3A_547 = tpu.vector_load %arg9[%get3A_545, %get3A_546] {strides = array<i32>} : memref<128x64xf32, #tpu.memory_space<vmem>>, vector<16xf32>,
        %get3A_548 = arith.index_cast %add3A_538 : i32 to index
        %get3A_549 = arith.constant 48 : index
        %get3A_550 = tpu.vector_load %arg9[%get3A_548, %get3A_549] {strides = array<i32>} : memref<128x64xf32, #tpu.memory_space<vmem>>, vector<16xf32>,
        %add3A_551 = arith.addf %get3A_541, %get3A_544 : vector<16xf32>
        %add3A_552 = arith.addf %get3A_547, %get3A_550 : vector<16xf32>
        %add3A_553 = arith.addf %add3A_551, %add3A_552 : vector<16xf32>
        %mul3A_554 = arith.mulf %get3A_541, %get3A_541 : vector<16xf32>
        %mul3A_555 = arith.mulf %get3A_544, %get3A_544 : vector<16xf32>
        %add3A_556 = arith.addf %mul3A_554, %mul3A_555 : vector<16xf32>
        %mul3A_557 = arith.mulf %get3A_547, %get3A_547 : vector<16xf32>
        %mul3A_558 = arith.mulf %get3A_550, %get3A_550 : vector<16xf32>
        %add3A_559 = arith.addf %mul3A_557, %mul3A_558 : vector<16xf32>
        %add3A_560 = arith.addf %add3A_556, %add3A_559 : vector<16xf32>
        %swap3A_561 = arith.constant 13 : i32
        %swap3A_562 = arith.index_cast %swap3A_561 : i32 to index
        %swap3A_563 = arith.constant 0 : index
        %swap3A_564 = tpu.vector_load %arg12[%swap3A_562, %swap3A_563] {strides = array<i32>} : memref<16x16xf32, #tpu.memory_space<vmem>>, vector<16xf32>,
        tpu.vector_store %arg12[%swap3A_562, %swap3A_563], %add3A_553 {strides = array<i32>} : memref<16x16xf32, #tpu.memory_space<vmem>>, vector<16xf32>,
        %swap3A_565 = arith.constant 13 : i32
        %swap3A_566 = arith.index_cast %swap3A_565 : i32 to index
        %swap3A_567 = arith.constant 0 : index
        %swap3A_568 = tpu.vector_load %arg13[%swap3A_566, %swap3A_567] {strides = array<i32>} : memref<16x16xf32, #tpu.memory_space<vmem>>, vector<16xf32>,
        tpu.vector_store %arg13[%swap3A_566, %swap3A_567], %add3A_560 {strides = array<i32>} : memref<16x16xf32, #tpu.memory_space<vmem>>, vector<16xf32>,
        %add3A_569 = arith.constant 14 : i32
        %add3A_570 = arith.addi %mul3A_121, %add3A_569 : i32
        %get3A_571 = arith.index_cast %add3A_570 : i32 to index
        %get3A_572 = arith.constant 0 : index
        %get3A_573 = tpu.vector_load %arg9[%get3A_571, %get3A_572] {strides = array<i32>} : memref<128x64xf32, #tpu.memory_space<vmem>>, vector<16xf32>,
        %get3A_574 = arith.index_cast %add3A_570 : i32 to index
        %get3A_575 = arith.constant 16 : index
        %get3A_576 = tpu.vector_load %arg9[%get3A_574, %get3A_575] {strides = array<i32>} : memref<128x64xf32, #tpu.memory_space<vmem>>, vector<16xf32>,
        %get3A_577 = arith.index_cast %add3A_570 : i32 to index
        %get3A_578 = arith.constant 32 : index
        %get3A_579 = tpu.vector_load %arg9[%get3A_577, %get3A_578] {strides = array<i32>} : memref<128x64xf32, #tpu.memory_space<vmem>>, vector<16xf32>,
        %get3A_580 = arith.index_cast %add3A_570 : i32 to index
        %get3A_581 = arith.constant 48 : index
        %get3A_582 = tpu.vector_load %arg9[%get3A_580, %get3A_581] {strides = array<i32>} : memref<128x64xf32, #tpu.memory_space<vmem>>, vector<16xf32>,
        %add3A_583 = arith.addf %get3A_573, %get3A_576 : vector<16xf32>
        %add3A_584 = arith.addf %get3A_579, %get3A_582 : vector<16xf32>
        %add3A_585 = arith.addf %add3A_583, %add3A_584 : vector<16xf32>
        %mul3A_586 = arith.mulf %get3A_573, %get3A_573 : vector<16xf32>
        %mul3A_587 = arith.mulf %get3A_576, %get3A_576 : vector<16xf32>
        %add3A_588 = arith.addf %mul3A_586, %mul3A_587 : vector<16xf32>
        %mul3A_589 = arith.mulf %get3A_579, %get3A_579 : vector<16xf32>
        %mul3A_590 = arith.mulf %get3A_582, %get3A_582 : vector<16xf32>
        %add3A_591 = arith.addf %mul3A_589, %mul3A_590 : vector<16xf32>
        %add3A_592 = arith.addf %add3A_588, %add3A_591 : vector<16xf32>
        %swap3A_593 = arith.constant 14 : i32
        %swap3A_594 = arith.index_cast %swap3A_593 : i32 to index
        %swap3A_595 = arith.constant 0 : index
        %swap3A_596 = tpu.vector_load %arg12[%swap3A_594, %swap3A_595] {strides = array<i32>} : memref<16x16xf32, #tpu.memory_space<vmem>>, vector<16xf32>,
        tpu.vector_store %arg12[%swap3A_594, %swap3A_595], %add3A_585 {strides = array<i32>} : memref<16x16xf32, #tpu.memory_space<vmem>>, vector<16xf32>,
        %swap3A_597 = arith.constant 14 : i32
        %swap3A_598 = arith.index_cast %swap3A_597 : i32 to index
        %swap3A_599 = arith.constant 0 : index
        %swap3A_600 = tpu.vector_load %arg13[%swap3A_598, %swap3A_599] {strides = array<i32>} : memref<16x16xf32, #tpu.memory_space<vmem>>, vector<16xf32>,
        tpu.vector_store %arg13[%swap3A_598, %swap3A_599], %add3A_592 {strides = array<i32>} : memref<16x16xf32, #tpu.memory_space<vmem>>, vector<16xf32>,
        %add3A_601 = arith.constant 15 : i32
        %add3A_602 = arith.addi %mul3A_121, %add3A_601 : i32
        %get3A_603 = arith.index_cast %add3A_602 : i32 to index
        %get3A_604 = arith.constant 0 : index
        %get3A_605 = tpu.vector_load %arg9[%get3A_603, %get3A_604] {strides = array<i32>} : memref<128x64xf32, #tpu.memory_space<vmem>>, vector<16xf32>,
        %get3A_606 = arith.index_cast %add3A_602 : i32 to index
        %get3A_607 = arith.constant 16 : index
        %get3A_608 = tpu.vector_load %arg9[%get3A_606, %get3A_607] {strides = array<i32>} : memref<128x64xf32, #tpu.memory_space<vmem>>, vector<16xf32>,
        %get3A_609 = arith.index_cast %add3A_602 : i32 to index
        %get3A_610 = arith.constant 32 : index
        %get3A_611 = tpu.vector_load %arg9[%get3A_609, %get3A_610] {strides = array<i32>} : memref<128x64xf32, #tpu.memory_space<vmem>>, vector<16xf32>,
        %get3A_612 = arith.index_cast %add3A_602 : i32 to index
        %get3A_613 = arith.constant 48 : index
        %get3A_614 = tpu.vector_load %arg9[%get3A_612, %get3A_613] {strides = array<i32>} : memref<128x64xf32, #tpu.memory_space<vmem>>, vector<16xf32>,
        %add3A_615 = arith.addf %get3A_605, %get3A_608 : vector<16xf32>
        %add3A_616 = arith.addf %get3A_611, %get3A_614 : vector<16xf32>
        %add3A_617 = arith.addf %add3A_615, %add3A_616 : vector<16xf32>
        %mul3A_618 = arith.mulf %get3A_605, %get3A_605 : vector<16xf32>
        %mul3A_619 = arith.mulf %get3A_608, %get3A_608 : vector<16xf32>
        %add3A_620 = arith.addf %mul3A_618, %mul3A_619 : vector<16xf32>
        %mul3A_621 = arith.mulf %get3A_611, %get3A_611 : vector<16xf32>
        %mul3A_622 = arith.mulf %get3A_614, %get3A_614 : vector<16xf32>
        %add3A_623 = arith.addf %mul3A_621, %mul3A_622 : vector<16xf32>
        %add3A_624 = arith.addf %add3A_620, %add3A_623 : vector<16xf32>
        %swap3A_625 = arith.constant 15 : i32
        %swap3A_626 = arith.index_cast %swap3A_625 : i32 to index
        %swap3A_627 = arith.constant 0 : index
        %swap3A_628 = tpu.vector_load %arg12[%swap3A_626, %swap3A_627] {strides = array<i32>} : memref<16x16xf32, #tpu.memory_space<vmem>>, vector<16xf32>,
        tpu.vector_store %arg12[%swap3A_626, %swap3A_627], %add3A_617 {strides = array<i32>} : memref<16x16xf32, #tpu.memory_space<vmem>>, vector<16xf32>,
        %swap3A_629 = arith.constant 15 : i32
        %swap3A_630 = arith.index_cast %swap3A_629 : i32 to index
        %swap3A_631 = arith.constant 0 : index
        %swap3A_632 = tpu.vector_load %arg13[%swap3A_630, %swap3A_631] {strides = array<i32>} : memref<16x16xf32, #tpu.memory_space<vmem>>, vector<16xf32>,
        tpu.vector_store %arg13[%swap3A_630, %swap3A_631], %add3A_624 {strides = array<i32>} : memref<16x16xf32, #tpu.memory_space<vmem>>, vector<16xf32>,
        %broadcast_in_dim3A = arith.constant 0 : i32
        %broadcast_in_dim3A_633 = vector.broadcast %broadcast_in_dim3A : i32 to vector<16xi32>
        %gather3A = tpu.vector_load_idx %arg12[%iota3A, %broadcast_in_dim3A_633] : memref<16x16xf32, #tpu.memory_space<vmem>>[vector<16xi32>, vector<16xi32>], vector<16xf32>,
        %broadcast_in_dim3A_634 = arith.constant 1 : i32
        %broadcast_in_dim3A_635 = vector.broadcast %broadcast_in_dim3A_634 : i32 to vector<16xi32>
        %gather3A_636 = tpu.vector_load_idx %arg12[%iota3A, %broadcast_in_dim3A_635] : memref<16x16xf32, #tpu.memory_space<vmem>>[vector<16xi32>, vector<16xi32>], vector<16xf32>,
        %broadcast_in_dim3A_637 = arith.constant 2 : i32
        %broadcast_in_dim3A_638 = vector.broadcast %broadcast_in_dim3A_637 : i32 to vector<16xi32>
        %gather3A_639 = tpu.vector_load_idx %arg12[%iota3A, %broadcast_in_dim3A_638] : memref<16x16xf32, #tpu.memory_space<vmem>>[vector<16xi32>, vector<16xi32>], vector<16xf32>,
        %broadcast_in_dim3A_640 = arith.constant 3 : i32
        %broadcast_in_dim3A_641 = vector.broadcast %broadcast_in_dim3A_640 : i32 to vector<16xi32>
        %gather3A_642 = tpu.vector_load_idx %arg12[%iota3A, %broadcast_in_dim3A_641] : memref<16x16xf32, #tpu.memory_space<vmem>>[vector<16xi32>, vector<16xi32>], vector<16xf32>,
        %broadcast_in_dim3A_643 = arith.constant 4 : i32
        %broadcast_in_dim3A_644 = vector.broadcast %broadcast_in_dim3A_643 : i32 to vector<16xi32>
        %gather3A_645 = tpu.vector_load_idx %arg12[%iota3A, %broadcast_in_dim3A_644] : memref<16x16xf32, #tpu.memory_space<vmem>>[vector<16xi32>, vector<16xi32>], vector<16xf32>,
        %broadcast_in_dim3A_646 = arith.constant 5 : i32
        %broadcast_in_dim3A_647 = vector.broadcast %broadcast_in_dim3A_646 : i32 to vector<16xi32>
        %gather3A_648 = tpu.vector_load_idx %arg12[%iota3A, %broadcast_in_dim3A_647] : memref<16x16xf32, #tpu.memory_space<vmem>>[vector<16xi32>, vector<16xi32>], vector<16xf32>,
        %broadcast_in_dim3A_649 = arith.constant 6 : i32
        %broadcast_in_dim3A_650 = vector.broadcast %broadcast_in_dim3A_649 : i32 to vector<16xi32>
        %gather3A_651 = tpu.vector_load_idx %arg12[%iota3A, %broadcast_in_dim3A_650] : memref<16x16xf32, #tpu.memory_space<vmem>>[vector<16xi32>, vector<16xi32>], vector<16xf32>,
        %broadcast_in_dim3A_652 = arith.constant 7 : i32
        %broadcast_in_dim3A_653 = vector.broadcast %broadcast_in_dim3A_652 : i32 to vector<16xi32>
        %gather3A_654 = tpu.vector_load_idx %arg12[%iota3A, %broadcast_in_dim3A_653] : memref<16x16xf32, #tpu.memory_space<vmem>>[vector<16xi32>, vector<16xi32>], vector<16xf32>,
        %broadcast_in_dim3A_655 = arith.constant 8 : i32
        %broadcast_in_dim3A_656 = vector.broadcast %broadcast_in_dim3A_655 : i32 to vector<16xi32>
        %gather3A_657 = tpu.vector_load_idx %arg12[%iota3A, %broadcast_in_dim3A_656] : memref<16x16xf32, #tpu.memory_space<vmem>>[vector<16xi32>, vector<16xi32>], vector<16xf32>,
        %broadcast_in_dim3A_658 = arith.constant 9 : i32
        %broadcast_in_dim3A_659 = vector.broadcast %broadcast_in_dim3A_658 : i32 to vector<16xi32>
        %gather3A_660 = tpu.vector_load_idx %arg12[%iota3A, %broadcast_in_dim3A_659] : memref<16x16xf32, #tpu.memory_space<vmem>>[vector<16xi32>, vector<16xi32>], vector<16xf32>,
        %broadcast_in_dim3A_661 = arith.constant 10 : i32
        %broadcast_in_dim3A_662 = vector.broadcast %broadcast_in_dim3A_661 : i32 to vector<16xi32>
        %gather3A_663 = tpu.vector_load_idx %arg12[%iota3A, %broadcast_in_dim3A_662] : memref<16x16xf32, #tpu.memory_space<vmem>>[vector<16xi32>, vector<16xi32>], vector<16xf32>,
        %broadcast_in_dim3A_664 = arith.constant 11 : i32
        %broadcast_in_dim3A_665 = vector.broadcast %broadcast_in_dim3A_664 : i32 to vector<16xi32>
        %gather3A_666 = tpu.vector_load_idx %arg12[%iota3A, %broadcast_in_dim3A_665] : memref<16x16xf32, #tpu.memory_space<vmem>>[vector<16xi32>, vector<16xi32>], vector<16xf32>,
        %broadcast_in_dim3A_667 = arith.constant 12 : i32
        %broadcast_in_dim3A_668 = vector.broadcast %broadcast_in_dim3A_667 : i32 to vector<16xi32>
        %gather3A_669 = tpu.vector_load_idx %arg12[%iota3A, %broadcast_in_dim3A_668] : memref<16x16xf32, #tpu.memory_space<vmem>>[vector<16xi32>, vector<16xi32>], vector<16xf32>,
        %broadcast_in_dim3A_670 = arith.constant 13 : i32
        %broadcast_in_dim3A_671 = vector.broadcast %broadcast_in_dim3A_670 : i32 to vector<16xi32>
        %gather3A_672 = tpu.vector_load_idx %arg12[%iota3A, %broadcast_in_dim3A_671] : memref<16x16xf32, #tpu.memory_space<vmem>>[vector<16xi32>, vector<16xi32>], vector<16xf32>,
        %broadcast_in_dim3A_673 = arith.constant 14 : i32
        %broadcast_in_dim3A_674 = vector.broadcast %broadcast_in_dim3A_673 : i32 to vector<16xi32>
        %gather3A_675 = tpu.vector_load_idx %arg12[%iota3A, %broadcast_in_dim3A_674] : memref<16x16xf32, #tpu.memory_space<vmem>>[vector<16xi32>, vector<16xi32>], vector<16xf32>,
        %broadcast_in_dim3A_676 = arith.constant 15 : i32
        %broadcast_in_dim3A_677 = vector.broadcast %broadcast_in_dim3A_676 : i32 to vector<16xi32>
        %gather3A_678 = tpu.vector_load_idx %arg12[%iota3A, %broadcast_in_dim3A_677] : memref<16x16xf32, #tpu.memory_space<vmem>>[vector<16xi32>, vector<16xi32>], vector<16xf32>,
        %broadcast_in_dim3A_679 = arith.constant 0 : i32
        %broadcast_in_dim3A_680 = vector.broadcast %broadcast_in_dim3A_679 : i32 to vector<16xi32>
        %gather3A_681 = tpu.vector_load_idx %arg13[%iota3A, %broadcast_in_dim3A_680] : memref<16x16xf32, #tpu.memory_space<vmem>>[vector<16xi32>, vector<16xi32>], vector<16xf32>,
        %broadcast_in_dim3A_682 = arith.constant 1 : i32
        %broadcast_in_dim3A_683 = vector.broadcast %broadcast_in_dim3A_682 : i32 to vector<16xi32>
        %gather3A_684 = tpu.vector_load_idx %arg13[%iota3A, %broadcast_in_dim3A_683] : memref<16x16xf32, #tpu.memory_space<vmem>>[vector<16xi32>, vector<16xi32>], vector<16xf32>,
        %broadcast_in_dim3A_685 = arith.constant 2 : i32
        %broadcast_in_dim3A_686 = vector.broadcast %broadcast_in_dim3A_685 : i32 to vector<16xi32>
        %gather3A_687 = tpu.vector_load_idx %arg13[%iota3A, %broadcast_in_dim3A_686] : memref<16x16xf32, #tpu.memory_space<vmem>>[vector<16xi32>, vector<16xi32>], vector<16xf32>,
        %broadcast_in_dim3A_688 = arith.constant 3 : i32
        %broadcast_in_dim3A_689 = vector.broadcast %broadcast_in_dim3A_688 : i32 to vector<16xi32>
        %gather3A_690 = tpu.vector_load_idx %arg13[%iota3A, %broadcast_in_dim3A_689] : memref<16x16xf32, #tpu.memory_space<vmem>>[vector<16xi32>, vector<16xi32>], vector<16xf32>,
        %broadcast_in_dim3A_691 = arith.constant 4 : i32
        %broadcast_in_dim3A_692 = vector.broadcast %broadcast_in_dim3A_691 : i32 to vector<16xi32>
        %gather3A_693 = tpu.vector_load_idx %arg13[%iota3A, %broadcast_in_dim3A_692] : memref<16x16xf32, #tpu.memory_space<vmem>>[vector<16xi32>, vector<16xi32>], vector<16xf32>,
        %broadcast_in_dim3A_694 = arith.constant 5 : i32
        %broadcast_in_dim3A_695 = vector.broadcast %broadcast_in_dim3A_694 : i32 to vector<16xi32>
        %gather3A_696 = tpu.vector_load_idx %arg13[%iota3A, %broadcast_in_dim3A_695] : memref<16x16xf32, #tpu.memory_space<vmem>>[vector<16xi32>, vector<16xi32>], vector<16xf32>,
        %broadcast_in_dim3A_697 = arith.constant 6 : i32
        %broadcast_in_dim3A_698 = vector.broadcast %broadcast_in_dim3A_697 : i32 to vector<16xi32>
        %gather3A_699 = tpu.vector_load_idx %arg13[%iota3A, %broadcast_in_dim3A_698] : memref<16x16xf32, #tpu.memory_space<vmem>>[vector<16xi32>, vector<16xi32>], vector<16xf32>,
        %broadcast_in_dim3A_700 = arith.constant 7 : i32
        %broadcast_in_dim3A_701 = vector.broadcast %broadcast_in_dim3A_700 : i32 to vector<16xi32>
        %gather3A_702 = tpu.vector_load_idx %arg13[%iota3A, %broadcast_in_dim3A_701] : memref<16x16xf32, #tpu.memory_space<vmem>>[vector<16xi32>, vector<16xi32>], vector<16xf32>,
        %broadcast_in_dim3A_703 = arith.constant 8 : i32
        %broadcast_in_dim3A_704 = vector.broadcast %broadcast_in_dim3A_703 : i32 to vector<16xi32>
        %gather3A_705 = tpu.vector_load_idx %arg13[%iota3A, %broadcast_in_dim3A_704] : memref<16x16xf32, #tpu.memory_space<vmem>>[vector<16xi32>, vector<16xi32>], vector<16xf32>,
        %broadcast_in_dim3A_706 = arith.constant 9 : i32
        %broadcast_in_dim3A_707 = vector.broadcast %broadcast_in_dim3A_706 : i32 to vector<16xi32>
        %gather3A_708 = tpu.vector_load_idx %arg13[%iota3A, %broadcast_in_dim3A_707] : memref<16x16xf32, #tpu.memory_space<vmem>>[vector<16xi32>, vector<16xi32>], vector<16xf32>,
        %broadcast_in_dim3A_709 = arith.constant 10 : i32
        %broadcast_in_dim3A_710 = vector.broadcast %broadcast_in_dim3A_709 : i32 to vector<16xi32>
        %gather3A_711 = tpu.vector_load_idx %arg13[%iota3A, %broadcast_in_dim3A_710] : memref<16x16xf32, #tpu.memory_space<vmem>>[vector<16xi32>, vector<16xi32>], vector<16xf32>,
        %broadcast_in_dim3A_712 = arith.constant 11 : i32
        %broadcast_in_dim3A_713 = vector.broadcast %broadcast_in_dim3A_712 : i32 to vector<16xi32>
        %gather3A_714 = tpu.vector_load_idx %arg13[%iota3A, %broadcast_in_dim3A_713] : memref<16x16xf32, #tpu.memory_space<vmem>>[vector<16xi32>, vector<16xi32>], vector<16xf32>,
        %broadcast_in_dim3A_715 = arith.constant 12 : i32
        %broadcast_in_dim3A_716 = vector.broadcast %broadcast_in_dim3A_715 : i32 to vector<16xi32>
        %gather3A_717 = tpu.vector_load_idx %arg13[%iota3A, %broadcast_in_dim3A_716] : memref<16x16xf32, #tpu.memory_space<vmem>>[vector<16xi32>, vector<16xi32>], vector<16xf32>,
        %broadcast_in_dim3A_718 = arith.constant 13 : i32
        %broadcast_in_dim3A_719 = vector.broadcast %broadcast_in_dim3A_718 : i32 to vector<16xi32>
        %gather3A_720 = tpu.vector_load_idx %arg13[%iota3A, %broadcast_in_dim3A_719] : memref<16x16xf32, #tpu.memory_space<vmem>>[vector<16xi32>, vector<16xi32>], vector<16xf32>,
        %broadcast_in_dim3A_721 = arith.constant 14 : i32
        %broadcast_in_dim3A_722 = vector.broadcast %broadcast_in_dim3A_721 : i32 to vector<16xi32>
        %gather3A_723 = tpu.vector_load_idx %arg13[%iota3A, %broadcast_in_dim3A_722] : memref<16x16xf32, #tpu.memory_space<vmem>>[vector<16xi32>, vector<16xi32>], vector<16xf32>,
        %broadcast_in_dim3A_724 = arith.constant 15 : i32
        %broadcast_in_dim3A_725 = vector.broadcast %broadcast_in_dim3A_724 : i32 to vector<16xi32>
        %gather3A_726 = tpu.vector_load_idx %arg13[%iota3A, %broadcast_in_dim3A_725] : memref<16x16xf32, #tpu.memory_space<vmem>>[vector<16xi32>, vector<16xi32>], vector<16xf32>,
        %add3A_727 = arith.addf %gather3A, %gather3A_636 : vector<16xf32>
        %add3A_728 = arith.addf %gather3A_639, %gather3A_642 : vector<16xf32>
        %add3A_729 = arith.addf %gather3A_645, %gather3A_648 : vector<16xf32>
        %add3A_730 = arith.addf %gather3A_651, %gather3A_654 : vector<16xf32>
        %add3A_731 = arith.addf %gather3A_657, %gather3A_660 : vector<16xf32>
        %add3A_732 = arith.addf %gather3A_663, %gather3A_666 : vector<16xf32>
        %add3A_733 = arith.addf %gather3A_669, %gather3A_672 : vector<16xf32>
        %add3A_734 = arith.addf %gather3A_675, %gather3A_678 : vector<16xf32>
        %add3A_735 = arith.addf %add3A_727, %add3A_728 : vector<16xf32>
        %add3A_736 = arith.addf %add3A_729, %add3A_730 : vector<16xf32>
        %add3A_737 = arith.addf %add3A_731, %add3A_732 : vector<16xf32>
        %add3A_738 = arith.addf %add3A_733, %add3A_734 : vector<16xf32>
        %add3A_739 = arith.addf %add3A_735, %add3A_736 : vector<16xf32>
        %add3A_740 = arith.addf %add3A_737, %add3A_738 : vector<16xf32>
        %add3A_741 = arith.addf %add3A_739, %add3A_740 : vector<16xf32>
        %add3A_742 = arith.addf %gather3A_681, %gather3A_684 : vector<16xf32>
        %add3A_743 = arith.addf %gather3A_687, %gather3A_690 : vector<16xf32>
        %add3A_744 = arith.addf %gather3A_693, %gather3A_696 : vector<16xf32>
        %add3A_745 = arith.addf %gather3A_699, %gather3A_702 : vector<16xf32>
        %add3A_746 = arith.addf %gather3A_705, %gather3A_708 : vector<16xf32>
        %add3A_747 = arith.addf %gather3A_711, %gather3A_714 : vector<16xf32>
        %add3A_748 = arith.addf %gather3A_717, %gather3A_720 : vector<16xf32>
        %add3A_749 = arith.addf %gather3A_723, %gather3A_726 : vector<16xf32>
        %add3A_750 = arith.addf %add3A_742, %add3A_743 : vector<16xf32>
        %add3A_751 = arith.addf %add3A_744, %add3A_745 : vector<16xf32>
        %add3A_752 = arith.addf %add3A_746, %add3A_747 : vector<16xf32>
        %add3A_753 = arith.addf %add3A_748, %add3A_749 : vector<16xf32>
        %add3A_754 = arith.addf %add3A_750, %add3A_751 : vector<16xf32>
        %add3A_755 = arith.addf %add3A_752, %add3A_753 : vector<16xf32>
        %add3A_756 = arith.addf %add3A_754, %add3A_755 : vector<16xf32>
        %mul3A_757 = vector.broadcast %scan3A : f32 to vector<16xf32>
        %mul3A_758 = arith.mulf %add3A_741, %mul3A_757 : vector<16xf32>
        %mul3A_759 = vector.broadcast %scan3A : f32 to vector<16xf32>
        %mul3A_760 = arith.mulf %add3A_756, %mul3A_759 : vector<16xf32>
        %mul3A_761 = arith.mulf %mul3A_758, %mul3A_758 : vector<16xf32>
        %sub3A = arith.subf %mul3A_760, %mul3A_761 : vector<16xf32>
        %add3A_762 = arith.constant 9.99999997E-7 : f32
        %add3A_763 = vector.broadcast %add3A_762 : f32 to vector<16xf32>
        %add3A_764 = arith.addf %sub3A, %add3A_763 : vector<16xf32>
        %bitcast_convert_type3A = tpu.bitcast %add3A_764 : vector<16xf32> -> vector<16xi32>
        %shift_right_arithmetic3A = arith.constant 1 : i32
        %shift_right_arithmetic3A_765 = vector.broadcast %shift_right_arithmetic3A : i32 to vector<16xi32>
        %shift_right_arithmetic3A_766 = arith.shrsi %bitcast_convert_type3A, %shift_right_arithmetic3A_765 : vector<16xi32>
        %sub3A_767 = arith.constant 1597463007 : i32
        %sub3A_768 = vector.broadcast %sub3A_767 : i32 to vector<16xi32>
        %sub3A_769 = arith.subi %sub3A_768, %shift_right_arithmetic3A_766 : vector<16xi32>
        %bitcast_convert_type3A_770 = tpu.bitcast %sub3A_769 : vector<16xi32> -> vector<16xf32>
        %mul3A_771 = arith.constant 5.000000e-01 : f32
        %mul3A_772 = vector.broadcast %mul3A_771 : f32 to vector<16xf32>
        %mul3A_773 = arith.mulf %mul3A_772, %add3A_764 : vector<16xf32>
        %mul3A_774 = arith.mulf %mul3A_773, %bitcast_convert_type3A_770 : vector<16xf32>
        %mul3A_775 = arith.mulf %mul3A_774, %bitcast_convert_type3A_770 : vector<16xf32>
        %sub3A_776 = arith.constant 1.500000e+00 : f32
        %sub3A_777 = vector.broadcast %sub3A_776 : f32 to vector<16xf32>
        %sub3A_778 = arith.subf %sub3A_777, %mul3A_775 : vector<16xf32>
        %mul3A_779 = arith.mulf %bitcast_convert_type3A_770, %sub3A_778 : vector<16xf32>
        %mul3A_780 = arith.constant 5.000000e-01 : f32
        %mul3A_781 = vector.broadcast %mul3A_780 : f32 to vector<16xf32>
        %mul3A_782 = arith.mulf %mul3A_781, %add3A_764 : vector<16xf32>
        %mul3A_783 = arith.mulf %mul3A_782, %mul3A_779 : vector<16xf32>
        %mul3A_784 = arith.mulf %mul3A_783, %mul3A_779 : vector<16xf32>
        %sub3A_785 = arith.constant 1.500000e+00 : f32
        %sub3A_786 = vector.broadcast %sub3A_785 : f32 to vector<16xf32>
        %sub3A_787 = arith.subf %sub3A_786, %mul3A_784 : vector<16xf32>
        %mul3A_788 = arith.mulf %mul3A_779, %sub3A_787 : vector<16xf32>
        %add3A_789 = arith.constant 0 : i32
        %add3A_790 = arith.addi %mul3A_121, %add3A_789 : i32
        %broadcast_in_dim3A_791 = arith.constant 0 : i32
        %broadcast_in_dim3A_792 = vector.broadcast %broadcast_in_dim3A_791 : i32 to vector<16xi32>
        %lt3A_793 = arith.constant 0 : i32
        %lt3A_794 = vector.broadcast %lt3A_793 : i32 to vector<16xi32>
        %lt3A_795 = arith.cmpi slt, %broadcast_in_dim3A_792, %lt3A_794 : vector<16xi32>
        %add3A_796 = arith.constant 16 : i32
        %add3A_797 = vector.broadcast %add3A_796 : i32 to vector<16xi32>
        %add3A_798 = arith.addi %broadcast_in_dim3A_792, %add3A_797 : vector<16xi32>
        %select_n3A = arith.select %lt3A_795, %add3A_798, %broadcast_in_dim3A_792 : vector<16xi1>, vector<16xi32>
        %broadcast_in_dim3A_799 = vector.shape_cast %select_n3A : vector<16xi32> to vector<16x1xi32>
        %gather3A_800 = vector.shape_cast %broadcast_in_dim3A_799 : vector<16x1xi32> to vector<16xi32>
        %gather3A_801 = tpu.dynamic_gather %mul3A_758[%gather3A_800] in [0] : vector<16xf32>, vector<16xi32> -> vector<16xf32>
        %lt3A_802 = arith.constant 0 : i32
        %lt3A_803 = vector.broadcast %lt3A_802 : i32 to vector<16xi32>
        %lt3A_804 = arith.cmpi slt, %broadcast_in_dim3A_792, %lt3A_803 : vector<16xi32>
        %add3A_805 = arith.constant 16 : i32
        %add3A_806 = vector.broadcast %add3A_805 : i32 to vector<16xi32>
        %add3A_807 = arith.addi %broadcast_in_dim3A_792, %add3A_806 : vector<16xi32>
        %select_n3A_808 = arith.select %lt3A_804, %add3A_807, %broadcast_in_dim3A_792 : vector<16xi1>, vector<16xi32>
        %broadcast_in_dim3A_809 = vector.shape_cast %select_n3A_808 : vector<16xi32> to vector<16x1xi32>
        %gather3A_810 = vector.shape_cast %broadcast_in_dim3A_809 : vector<16x1xi32> to vector<16xi32>
        %gather3A_811 = tpu.dynamic_gather %mul3A_788[%gather3A_810] in [0] : vector<16xf32>, vector<16xi32> -> vector<16xf32>
        %get3A_812 = arith.index_cast %add3A_790 : i32 to index
        %get3A_813 = arith.constant 0 : index
        %get3A_814 = tpu.vector_load %arg9[%get3A_812, %get3A_813] {strides = array<i32>} : memref<128x64xf32, #tpu.memory_space<vmem>>, vector<16xf32>,
        %sub3A_815 = arith.subf %get3A_814, %gather3A_801 : vector<16xf32>
        %mul3A_816 = arith.mulf %gather3A_811, %get3A_3 : vector<16xf32>
        %mul3A_817 = arith.mulf %sub3A_815, %mul3A_816 : vector<16xf32>
        %add3A_818 = arith.addf %mul3A_817, %get3A_11 : vector<16xf32>
        %swap3A_819 = arith.index_cast %add3A_790 : i32 to index
        %swap3A_820 = arith.constant 0 : index
        %swap3A_821 = tpu.vector_load %arg11[%swap3A_819, %swap3A_820] {strides = array<i32>} : memref<128x64xf32, #tpu.memory_space<vmem>>, vector<16xf32>,
        tpu.vector_store %arg11[%swap3A_819, %swap3A_820], %add3A_818 {strides = array<i32>} : memref<128x64xf32, #tpu.memory_space<vmem>>, vector<16xf32>,
        %get3A_822 = arith.index_cast %add3A_790 : i32 to index
        %get3A_823 = arith.constant 16 : index
        %get3A_824 = tpu.vector_load %arg9[%get3A_822, %get3A_823] {strides = array<i32>} : memref<128x64xf32, #tpu.memory_space<vmem>>, vector<16xf32>,
        %sub3A_825 = arith.subf %get3A_824, %gather3A_801 : vector<16xf32>
        %mul3A_826 = arith.mulf %gather3A_811, %get3A_5 : vector<16xf32>
        %mul3A_827 = arith.mulf %sub3A_825, %mul3A_826 : vector<16xf32>
        %add3A_828 = arith.addf %mul3A_827, %get3A_13 : vector<16xf32>
        %swap3A_829 = arith.index_cast %add3A_790 : i32 to index
        %swap3A_830 = arith.constant 16 : index
        %swap3A_831 = tpu.vector_load %arg11[%swap3A_829, %swap3A_830] {strides = array<i32>} : memref<128x64xf32, #tpu.memory_space<vmem>>, vector<16xf32>,
        tpu.vector_store %arg11[%swap3A_829, %swap3A_830], %add3A_828 {strides = array<i32>} : memref<128x64xf32, #tpu.memory_space<vmem>>, vector<16xf32>,
        %get3A_832 = arith.index_cast %add3A_790 : i32 to index
        %get3A_833 = arith.constant 32 : index
        %get3A_834 = tpu.vector_load %arg9[%get3A_832, %get3A_833] {strides = array<i32>} : memref<128x64xf32, #tpu.memory_space<vmem>>, vector<16xf32>,
        %sub3A_835 = arith.subf %get3A_834, %gather3A_801 : vector<16xf32>
        %mul3A_836 = arith.mulf %gather3A_811, %get3A_7 : vector<16xf32>
        %mul3A_837 = arith.mulf %sub3A_835, %mul3A_836 : vector<16xf32>
        %add3A_838 = arith.addf %mul3A_837, %get3A_15 : vector<16xf32>
        %swap3A_839 = arith.index_cast %add3A_790 : i32 to index
        %swap3A_840 = arith.constant 32 : index
        %swap3A_841 = tpu.vector_load %arg11[%swap3A_839, %swap3A_840] {strides = array<i32>} : memref<128x64xf32, #tpu.memory_space<vmem>>, vector<16xf32>,
        tpu.vector_store %arg11[%swap3A_839, %swap3A_840], %add3A_838 {strides = array<i32>} : memref<128x64xf32, #tpu.memory_space<vmem>>, vector<16xf32>,
        %get3A_842 = arith.index_cast %add3A_790 : i32 to index
        %get3A_843 = arith.constant 48 : index
        %get3A_844 = tpu.vector_load %arg9[%get3A_842, %get3A_843] {strides = array<i32>} : memref<128x64xf32, #tpu.memory_space<vmem>>, vector<16xf32>,
        %sub3A_845 = arith.subf %get3A_844, %gather3A_801 : vector<16xf32>
        %mul3A_846 = arith.mulf %gather3A_811, %get3A_9 : vector<16xf32>
        %mul3A_847 = arith.mulf %sub3A_845, %mul3A_846 : vector<16xf32>
        %add3A_848 = arith.addf %mul3A_847, %get3A_17 : vector<16xf32>
        %swap3A_849 = arith.index_cast %add3A_790 : i32 to index
        %swap3A_850 = arith.constant 48 : index
        %swap3A_851 = tpu.vector_load %arg11[%swap3A_849, %swap3A_850] {strides = array<i32>} : memref<128x64xf32, #tpu.memory_space<vmem>>, vector<16xf32>,
        tpu.vector_store %arg11[%swap3A_849, %swap3A_850], %add3A_848 {strides = array<i32>} : memref<128x64xf32, #tpu.memory_space<vmem>>, vector<16xf32>,
        %add3A_852 = arith.constant 1 : i32
        %add3A_853 = arith.addi %mul3A_121, %add3A_852 : i32
        %broadcast_in_dim3A_854 = arith.constant 1 : i32
        %broadcast_in_dim3A_855 = vector.broadcast %broadcast_in_dim3A_854 : i32 to vector<16xi32>
        %lt3A_856 = arith.constant 0 : i32
        %lt3A_857 = vector.broadcast %lt3A_856 : i32 to vector<16xi32>
        %lt3A_858 = arith.cmpi slt, %broadcast_in_dim3A_855, %lt3A_857 : vector<16xi32>
        %add3A_859 = arith.constant 16 : i32
        %add3A_860 = vector.broadcast %add3A_859 : i32 to vector<16xi32>
        %add3A_861 = arith.addi %broadcast_in_dim3A_855, %add3A_860 : vector<16xi32>
        %select_n3A_862 = arith.select %lt3A_858, %add3A_861, %broadcast_in_dim3A_855 : vector<16xi1>, vector<16xi32>
        %broadcast_in_dim3A_863 = vector.shape_cast %select_n3A_862 : vector<16xi32> to vector<16x1xi32>
        %gather3A_864 = vector.shape_cast %broadcast_in_dim3A_863 : vector<16x1xi32> to vector<16xi32>
        %gather3A_865 = tpu.dynamic_gather %mul3A_758[%gather3A_864] in [0] : vector<16xf32>, vector<16xi32> -> vector<16xf32>
        %lt3A_866 = arith.constant 0 : i32
        %lt3A_867 = vector.broadcast %lt3A_866 : i32 to vector<16xi32>
        %lt3A_868 = arith.cmpi slt, %broadcast_in_dim3A_855, %lt3A_867 : vector<16xi32>
        %add3A_869 = arith.constant 16 : i32
        %add3A_870 = vector.broadcast %add3A_869 : i32 to vector<16xi32>
        %add3A_871 = arith.addi %broadcast_in_dim3A_855, %add3A_870 : vector<16xi32>
        %select_n3A_872 = arith.select %lt3A_868, %add3A_871, %broadcast_in_dim3A_855 : vector<16xi1>, vector<16xi32>
        %broadcast_in_dim3A_873 = vector.shape_cast %select_n3A_872 : vector<16xi32> to vector<16x1xi32>
        %gather3A_874 = vector.shape_cast %broadcast_in_dim3A_873 : vector<16x1xi32> to vector<16xi32>
        %gather3A_875 = tpu.dynamic_gather %mul3A_788[%gather3A_874] in [0] : vector<16xf32>, vector<16xi32> -> vector<16xf32>
        %get3A_876 = arith.index_cast %add3A_853 : i32 to index
        %get3A_877 = arith.constant 0 : index
        %get3A_878 = tpu.vector_load %arg9[%get3A_876, %get3A_877] {strides = array<i32>} : memref<128x64xf32, #tpu.memory_space<vmem>>, vector<16xf32>,
        %sub3A_879 = arith.subf %get3A_878, %gather3A_865 : vector<16xf32>
        %mul3A_880 = arith.mulf %gather3A_875, %get3A_3 : vector<16xf32>
        %mul3A_881 = arith.mulf %sub3A_879, %mul3A_880 : vector<16xf32>
        %add3A_882 = arith.addf %mul3A_881, %get3A_11 : vector<16xf32>
        %swap3A_883 = arith.index_cast %add3A_853 : i32 to index
        %swap3A_884 = arith.constant 0 : index
        %swap3A_885 = tpu.vector_load %arg11[%swap3A_883, %swap3A_884] {strides = array<i32>} : memref<128x64xf32, #tpu.memory_space<vmem>>, vector<16xf32>,
        tpu.vector_store %arg11[%swap3A_883, %swap3A_884], %add3A_882 {strides = array<i32>} : memref<128x64xf32, #tpu.memory_space<vmem>>, vector<16xf32>,
        %get3A_886 = arith.index_cast %add3A_853 : i32 to index
        %get3A_887 = arith.constant 16 : index
        %get3A_888 = tpu.vector_load %arg9[%get3A_886, %get3A_887] {strides = array<i32>} : memref<128x64xf32, #tpu.memory_space<vmem>>, vector<16xf32>,
        %sub3A_889 = arith.subf %get3A_888, %gather3A_865 : vector<16xf32>
        %mul3A_890 = arith.mulf %gather3A_875, %get3A_5 : vector<16xf32>
        %mul3A_891 = arith.mulf %sub3A_889, %mul3A_890 : vector<16xf32>
        %add3A_892 = arith.addf %mul3A_891, %get3A_13 : vector<16xf32>
        %swap3A_893 = arith.index_cast %add3A_853 : i32 to index
        %swap3A_894 = arith.constant 16 : index
        %swap3A_895 = tpu.vector_load %arg11[%swap3A_893, %swap3A_894] {strides = array<i32>} : memref<128x64xf32, #tpu.memory_space<vmem>>, vector<16xf32>,
        tpu.vector_store %arg11[%swap3A_893, %swap3A_894], %add3A_892 {strides = array<i32>} : memref<128x64xf32, #tpu.memory_space<vmem>>, vector<16xf32>,
        %get3A_896 = arith.index_cast %add3A_853 : i32 to index
        %get3A_897 = arith.constant 32 : index
        %get3A_898 = tpu.vector_load %arg9[%get3A_896, %get3A_897] {strides = array<i32>} : memref<128x64xf32, #tpu.memory_space<vmem>>, vector<16xf32>,
        %sub3A_899 = arith.subf %get3A_898, %gather3A_865 : vector<16xf32>
        %mul3A_900 = arith.mulf %gather3A_875, %get3A_7 : vector<16xf32>
        %mul3A_901 = arith.mulf %sub3A_899, %mul3A_900 : vector<16xf32>
        %add3A_902 = arith.addf %mul3A_901, %get3A_15 : vector<16xf32>
        %swap3A_903 = arith.index_cast %add3A_853 : i32 to index
        %swap3A_904 = arith.constant 32 : index
        %swap3A_905 = tpu.vector_load %arg11[%swap3A_903, %swap3A_904] {strides = array<i32>} : memref<128x64xf32, #tpu.memory_space<vmem>>, vector<16xf32>,
        tpu.vector_store %arg11[%swap3A_903, %swap3A_904], %add3A_902 {strides = array<i32>} : memref<128x64xf32, #tpu.memory_space<vmem>>, vector<16xf32>,
        %get3A_906 = arith.index_cast %add3A_853 : i32 to index
        %get3A_907 = arith.constant 48 : index
        %get3A_908 = tpu.vector_load %arg9[%get3A_906, %get3A_907] {strides = array<i32>} : memref<128x64xf32, #tpu.memory_space<vmem>>, vector<16xf32>,
        %sub3A_909 = arith.subf %get3A_908, %gather3A_865 : vector<16xf32>
        %mul3A_910 = arith.mulf %gather3A_875, %get3A_9 : vector<16xf32>
        %mul3A_911 = arith.mulf %sub3A_909, %mul3A_910 : vector<16xf32>
        %add3A_912 = arith.addf %mul3A_911, %get3A_17 : vector<16xf32>
        %swap3A_913 = arith.index_cast %add3A_853 : i32 to index
        %swap3A_914 = arith.constant 48 : index
        %swap3A_915 = tpu.vector_load %arg11[%swap3A_913, %swap3A_914] {strides = array<i32>} : memref<128x64xf32, #tpu.memory_space<vmem>>, vector<16xf32>,
        tpu.vector_store %arg11[%swap3A_913, %swap3A_914], %add3A_912 {strides = array<i32>} : memref<128x64xf32, #tpu.memory_space<vmem>>, vector<16xf32>,
        %add3A_916 = arith.constant 2 : i32
        %add3A_917 = arith.addi %mul3A_121, %add3A_916 : i32
        %broadcast_in_dim3A_918 = arith.constant 2 : i32
        %broadcast_in_dim3A_919 = vector.broadcast %broadcast_in_dim3A_918 : i32 to vector<16xi32>
        %lt3A_920 = arith.constant 0 : i32
        %lt3A_921 = vector.broadcast %lt3A_920 : i32 to vector<16xi32>
        %lt3A_922 = arith.cmpi slt, %broadcast_in_dim3A_919, %lt3A_921 : vector<16xi32>
        %add3A_923 = arith.constant 16 : i32
        %add3A_924 = vector.broadcast %add3A_923 : i32 to vector<16xi32>
        %add3A_925 = arith.addi %broadcast_in_dim3A_919, %add3A_924 : vector<16xi32>
        %select_n3A_926 = arith.select %lt3A_922, %add3A_925, %broadcast_in_dim3A_919 : vector<16xi1>, vector<16xi32>
        %broadcast_in_dim3A_927 = vector.shape_cast %select_n3A_926 : vector<16xi32> to vector<16x1xi32>
        %gather3A_928 = vector.shape_cast %broadcast_in_dim3A_927 : vector<16x1xi32> to vector<16xi32>
        %gather3A_929 = tpu.dynamic_gather %mul3A_758[%gather3A_928] in [0] : vector<16xf32>, vector<16xi32> -> vector<16xf32>
        %lt3A_930 = arith.constant 0 : i32
        %lt3A_931 = vector.broadcast %lt3A_930 : i32 to vector<16xi32>
        %lt3A_932 = arith.cmpi slt, %broadcast_in_dim3A_919, %lt3A_931 : vector<16xi32>
        %add3A_933 = arith.constant 16 : i32
        %add3A_934 = vector.broadcast %add3A_933 : i32 to vector<16xi32>
        %add3A_935 = arith.addi %broadcast_in_dim3A_919, %add3A_934 : vector<16xi32>
        %select_n3A_936 = arith.select %lt3A_932, %add3A_935, %broadcast_in_dim3A_919 : vector<16xi1>, vector<16xi32>
        %broadcast_in_dim3A_937 = vector.shape_cast %select_n3A_936 : vector<16xi32> to vector<16x1xi32>
        %gather3A_938 = vector.shape_cast %broadcast_in_dim3A_937 : vector<16x1xi32> to vector<16xi32>
        %gather3A_939 = tpu.dynamic_gather %mul3A_788[%gather3A_938] in [0] : vector<16xf32>, vector<16xi32> -> vector<16xf32>
        %get3A_940 = arith.index_cast %add3A_917 : i32 to index
        %get3A_941 = arith.constant 0 : index
        %get3A_942 = tpu.vector_load %arg9[%get3A_940, %get3A_941] {strides = array<i32>} : memref<128x64xf32, #tpu.memory_space<vmem>>, vector<16xf32>,
        %sub3A_943 = arith.subf %get3A_942, %gather3A_929 : vector<16xf32>
        %mul3A_944 = arith.mulf %gather3A_939, %get3A_3 : vector<16xf32>
        %mul3A_945 = arith.mulf %sub3A_943, %mul3A_944 : vector<16xf32>
        %add3A_946 = arith.addf %mul3A_945, %get3A_11 : vector<16xf32>
        %swap3A_947 = arith.index_cast %add3A_917 : i32 to index
        %swap3A_948 = arith.constant 0 : index
        %swap3A_949 = tpu.vector_load %arg11[%swap3A_947, %swap3A_948] {strides = array<i32>} : memref<128x64xf32, #tpu.memory_space<vmem>>, vector<16xf32>,
        tpu.vector_store %arg11[%swap3A_947, %swap3A_948], %add3A_946 {strides = array<i32>} : memref<128x64xf32, #tpu.memory_space<vmem>>, vector<16xf32>,
        %get3A_950 = arith.index_cast %add3A_917 : i32 to index
        %get3A_951 = arith.constant 16 : index
        %get3A_952 = tpu.vector_load %arg9[%get3A_950, %get3A_951] {strides = array<i32>} : memref<128x64xf32, #tpu.memory_space<vmem>>, vector<16xf32>,
        %sub3A_953 = arith.subf %get3A_952, %gather3A_929 : vector<16xf32>
        %mul3A_954 = arith.mulf %gather3A_939, %get3A_5 : vector<16xf32>
        %mul3A_955 = arith.mulf %sub3A_953, %mul3A_954 : vector<16xf32>
        %add3A_956 = arith.addf %mul3A_955, %get3A_13 : vector<16xf32>
        %swap3A_957 = arith.index_cast %add3A_917 : i32 to index
        %swap3A_958 = arith.constant 16 : index
        %swap3A_959 = tpu.vector_load %arg11[%swap3A_957, %swap3A_958] {strides = array<i32>} : memref<128x64xf32, #tpu.memory_space<vmem>>, vector<16xf32>,
        tpu.vector_store %arg11[%swap3A_957, %swap3A_958], %add3A_956 {strides = array<i32>} : memref<128x64xf32, #tpu.memory_space<vmem>>, vector<16xf32>,
        %get3A_960 = arith.index_cast %add3A_917 : i32 to index
        %get3A_961 = arith.constant 32 : index
        %get3A_962 = tpu.vector_load %arg9[%get3A_960, %get3A_961] {strides = array<i32>} : memref<128x64xf32, #tpu.memory_space<vmem>>, vector<16xf32>,
        %sub3A_963 = arith.subf %get3A_962, %gather3A_929 : vector<16xf32>
        %mul3A_964 = arith.mulf %gather3A_939, %get3A_7 : vector<16xf32>
        %mul3A_965 = arith.mulf %sub3A_963, %mul3A_964 : vector<16xf32>
        %add3A_966 = arith.addf %mul3A_965, %get3A_15 : vector<16xf32>
        %swap3A_967 = arith.index_cast %add3A_917 : i32 to index
        %swap3A_968 = arith.constant 32 : index
        %swap3A_969 = tpu.vector_load %arg11[%swap3A_967, %swap3A_968] {strides = array<i32>} : memref<128x64xf32, #tpu.memory_space<vmem>>, vector<16xf32>,
        tpu.vector_store %arg11[%swap3A_967, %swap3A_968], %add3A_966 {strides = array<i32>} : memref<128x64xf32, #tpu.memory_space<vmem>>, vector<16xf32>,
        %get3A_970 = arith.index_cast %add3A_917 : i32 to index
        %get3A_971 = arith.constant 48 : index
        %get3A_972 = tpu.vector_load %arg9[%get3A_970, %get3A_971] {strides = array<i32>} : memref<128x64xf32, #tpu.memory_space<vmem>>, vector<16xf32>,
        %sub3A_973 = arith.subf %get3A_972, %gather3A_929 : vector<16xf32>
        %mul3A_974 = arith.mulf %gather3A_939, %get3A_9 : vector<16xf32>
        %mul3A_975 = arith.mulf %sub3A_973, %mul3A_974 : vector<16xf32>
        %add3A_976 = arith.addf %mul3A_975, %get3A_17 : vector<16xf32>
        %swap3A_977 = arith.index_cast %add3A_917 : i32 to index
        %swap3A_978 = arith.constant 48 : index
        %swap3A_979 = tpu.vector_load %arg11[%swap3A_977, %swap3A_978] {strides = array<i32>} : memref<128x64xf32, #tpu.memory_space<vmem>>, vector<16xf32>,
        tpu.vector_store %arg11[%swap3A_977, %swap3A_978], %add3A_976 {strides = array<i32>} : memref<128x64xf32, #tpu.memory_space<vmem>>, vector<16xf32>,
        %add3A_980 = arith.constant 3 : i32
        %add3A_981 = arith.addi %mul3A_121, %add3A_980 : i32
        %broadcast_in_dim3A_982 = arith.constant 3 : i32
        %broadcast_in_dim3A_983 = vector.broadcast %broadcast_in_dim3A_982 : i32 to vector<16xi32>
        %lt3A_984 = arith.constant 0 : i32
        %lt3A_985 = vector.broadcast %lt3A_984 : i32 to vector<16xi32>
        %lt3A_986 = arith.cmpi slt, %broadcast_in_dim3A_983, %lt3A_985 : vector<16xi32>
        %add3A_987 = arith.constant 16 : i32
        %add3A_988 = vector.broadcast %add3A_987 : i32 to vector<16xi32>
        %add3A_989 = arith.addi %broadcast_in_dim3A_983, %add3A_988 : vector<16xi32>
        %select_n3A_990 = arith.select %lt3A_986, %add3A_989, %broadcast_in_dim3A_983 : vector<16xi1>, vector<16xi32>
        %broadcast_in_dim3A_991 = vector.shape_cast %select_n3A_990 : vector<16xi32> to vector<16x1xi32>
        %gather3A_992 = vector.shape_cast %broadcast_in_dim3A_991 : vector<16x1xi32> to vector<16xi32>
        %gather3A_993 = tpu.dynamic_gather %mul3A_758[%gather3A_992] in [0] : vector<16xf32>, vector<16xi32> -> vector<16xf32>
        %lt3A_994 = arith.constant 0 : i32
        %lt3A_995 = vector.broadcast %lt3A_994 : i32 to vector<16xi32>
        %lt3A_996 = arith.cmpi slt, %broadcast_in_dim3A_983, %lt3A_995 : vector<16xi32>
        %add3A_997 = arith.constant 16 : i32
        %add3A_998 = vector.broadcast %add3A_997 : i32 to vector<16xi32>
        %add3A_999 = arith.addi %broadcast_in_dim3A_983, %add3A_998 : vector<16xi32>
        %select_n3A_1000 = arith.select %lt3A_996, %add3A_999, %broadcast_in_dim3A_983 : vector<16xi1>, vector<16xi32>
        %broadcast_in_dim3A_1001 = vector.shape_cast %select_n3A_1000 : vector<16xi32> to vector<16x1xi32>
        %gather3A_1002 = vector.shape_cast %broadcast_in_dim3A_1001 : vector<16x1xi32> to vector<16xi32>
        %gather3A_1003 = tpu.dynamic_gather %mul3A_788[%gather3A_1002] in [0] : vector<16xf32>, vector<16xi32> -> vector<16xf32>
        %get3A_1004 = arith.index_cast %add3A_981 : i32 to index
        %get3A_1005 = arith.constant 0 : index
        %get3A_1006 = tpu.vector_load %arg9[%get3A_1004, %get3A_1005] {strides = array<i32>} : memref<128x64xf32, #tpu.memory_space<vmem>>, vector<16xf32>,
        %sub3A_1007 = arith.subf %get3A_1006, %gather3A_993 : vector<16xf32>
        %mul3A_1008 = arith.mulf %gather3A_1003, %get3A_3 : vector<16xf32>
        %mul3A_1009 = arith.mulf %sub3A_1007, %mul3A_1008 : vector<16xf32>
        %add3A_1010 = arith.addf %mul3A_1009, %get3A_11 : vector<16xf32>
        %swap3A_1011 = arith.index_cast %add3A_981 : i32 to index
        %swap3A_1012 = arith.constant 0 : index
        %swap3A_1013 = tpu.vector_load %arg11[%swap3A_1011, %swap3A_1012] {strides = array<i32>} : memref<128x64xf32, #tpu.memory_space<vmem>>, vector<16xf32>,
        tpu.vector_store %arg11[%swap3A_1011, %swap3A_1012], %add3A_1010 {strides = array<i32>} : memref<128x64xf32, #tpu.memory_space<vmem>>, vector<16xf32>,
        %get3A_1014 = arith.index_cast %add3A_981 : i32 to index
        %get3A_1015 = arith.constant 16 : index
        %get3A_1016 = tpu.vector_load %arg9[%get3A_1014, %get3A_1015] {strides = array<i32>} : memref<128x64xf32, #tpu.memory_space<vmem>>, vector<16xf32>,
        %sub3A_1017 = arith.subf %get3A_1016, %gather3A_993 : vector<16xf32>
        %mul3A_1018 = arith.mulf %gather3A_1003, %get3A_5 : vector<16xf32>
        %mul3A_1019 = arith.mulf %sub3A_1017, %mul3A_1018 : vector<16xf32>
        %add3A_1020 = arith.addf %mul3A_1019, %get3A_13 : vector<16xf32>
        %swap3A_1021 = arith.index_cast %add3A_981 : i32 to index
        %swap3A_1022 = arith.constant 16 : index
        %swap3A_1023 = tpu.vector_load %arg11[%swap3A_1021, %swap3A_1022] {strides = array<i32>} : memref<128x64xf32, #tpu.memory_space<vmem>>, vector<16xf32>,
        tpu.vector_store %arg11[%swap3A_1021, %swap3A_1022], %add3A_1020 {strides = array<i32>} : memref<128x64xf32, #tpu.memory_space<vmem>>, vector<16xf32>,
        %get3A_1024 = arith.index_cast %add3A_981 : i32 to index
        %get3A_1025 = arith.constant 32 : index
        %get3A_1026 = tpu.vector_load %arg9[%get3A_1024, %get3A_1025] {strides = array<i32>} : memref<128x64xf32, #tpu.memory_space<vmem>>, vector<16xf32>,
        %sub3A_1027 = arith.subf %get3A_1026, %gather3A_993 : vector<16xf32>
        %mul3A_1028 = arith.mulf %gather3A_1003, %get3A_7 : vector<16xf32>
        %mul3A_1029 = arith.mulf %sub3A_1027, %mul3A_1028 : vector<16xf32>
        %add3A_1030 = arith.addf %mul3A_1029, %get3A_15 : vector<16xf32>
        %swap3A_1031 = arith.index_cast %add3A_981 : i32 to index
        %swap3A_1032 = arith.constant 32 : index
        %swap3A_1033 = tpu.vector_load %arg11[%swap3A_1031, %swap3A_1032] {strides = array<i32>} : memref<128x64xf32, #tpu.memory_space<vmem>>, vector<16xf32>,
        tpu.vector_store %arg11[%swap3A_1031, %swap3A_1032], %add3A_1030 {strides = array<i32>} : memref<128x64xf32, #tpu.memory_space<vmem>>, vector<16xf32>,
        %get3A_1034 = arith.index_cast %add3A_981 : i32 to index
        %get3A_1035 = arith.constant 48 : index
        %get3A_1036 = tpu.vector_load %arg9[%get3A_1034, %get3A_1035] {strides = array<i32>} : memref<128x64xf32, #tpu.memory_space<vmem>>, vector<16xf32>,
        %sub3A_1037 = arith.subf %get3A_1036, %gather3A_993 : vector<16xf32>
        %mul3A_1038 = arith.mulf %gather3A_1003, %get3A_9 : vector<16xf32>
        %mul3A_1039 = arith.mulf %sub3A_1037, %mul3A_1038 : vector<16xf32>
        %add3A_1040 = arith.addf %mul3A_1039, %get3A_17 : vector<16xf32>
        %swap3A_1041 = arith.index_cast %add3A_981 : i32 to index
        %swap3A_1042 = arith.constant 48 : index
        %swap3A_1043 = tpu.vector_load %arg11[%swap3A_1041, %swap3A_1042] {strides = array<i32>} : memref<128x64xf32, #tpu.memory_space<vmem>>, vector<16xf32>,
        tpu.vector_store %arg11[%swap3A_1041, %swap3A_1042], %add3A_1040 {strides = array<i32>} : memref<128x64xf32, #tpu.memory_space<vmem>>, vector<16xf32>,
        %add3A_1044 = arith.constant 4 : i32
        %add3A_1045 = arith.addi %mul3A_121, %add3A_1044 : i32
        %broadcast_in_dim3A_1046 = arith.constant 4 : i32
        %broadcast_in_dim3A_1047 = vector.broadcast %broadcast_in_dim3A_1046 : i32 to vector<16xi32>
        %lt3A_1048 = arith.constant 0 : i32
        %lt3A_1049 = vector.broadcast %lt3A_1048 : i32 to vector<16xi32>
        %lt3A_1050 = arith.cmpi slt, %broadcast_in_dim3A_1047, %lt3A_1049 : vector<16xi32>
        %add3A_1051 = arith.constant 16 : i32
        %add3A_1052 = vector.broadcast %add3A_1051 : i32 to vector<16xi32>
        %add3A_1053 = arith.addi %broadcast_in_dim3A_1047, %add3A_1052 : vector<16xi32>
        %select_n3A_1054 = arith.select %lt3A_1050, %add3A_1053, %broadcast_in_dim3A_1047 : vector<16xi1>, vector<16xi32>
        %broadcast_in_dim3A_1055 = vector.shape_cast %select_n3A_1054 : vector<16xi32> to vector<16x1xi32>
        %gather3A_1056 = vector.shape_cast %broadcast_in_dim3A_1055 : vector<16x1xi32> to vector<16xi32>
        %gather3A_1057 = tpu.dynamic_gather %mul3A_758[%gather3A_1056] in [0] : vector<16xf32>, vector<16xi32> -> vector<16xf32>
        %lt3A_1058 = arith.constant 0 : i32
        %lt3A_1059 = vector.broadcast %lt3A_1058 : i32 to vector<16xi32>
        %lt3A_1060 = arith.cmpi slt, %broadcast_in_dim3A_1047, %lt3A_1059 : vector<16xi32>
        %add3A_1061 = arith.constant 16 : i32
        %add3A_1062 = vector.broadcast %add3A_1061 : i32 to vector<16xi32>
        %add3A_1063 = arith.addi %broadcast_in_dim3A_1047, %add3A_1062 : vector<16xi32>
        %select_n3A_1064 = arith.select %lt3A_1060, %add3A_1063, %broadcast_in_dim3A_1047 : vector<16xi1>, vector<16xi32>
        %broadcast_in_dim3A_1065 = vector.shape_cast %select_n3A_1064 : vector<16xi32> to vector<16x1xi32>
        %gather3A_1066 = vector.shape_cast %broadcast_in_dim3A_1065 : vector<16x1xi32> to vector<16xi32>
        %gather3A_1067 = tpu.dynamic_gather %mul3A_788[%gather3A_1066] in [0] : vector<16xf32>, vector<16xi32> -> vector<16xf32>
        %get3A_1068 = arith.index_cast %add3A_1045 : i32 to index
        %get3A_1069 = arith.constant 0 : index
        %get3A_1070 = tpu.vector_load %arg9[%get3A_1068, %get3A_1069] {strides = array<i32>} : memref<128x64xf32, #tpu.memory_space<vmem>>, vector<16xf32>,
        %sub3A_1071 = arith.subf %get3A_1070, %gather3A_1057 : vector<16xf32>
        %mul3A_1072 = arith.mulf %gather3A_1067, %get3A_3 : vector<16xf32>
        %mul3A_1073 = arith.mulf %sub3A_1071, %mul3A_1072 : vector<16xf32>
        %add3A_1074 = arith.addf %mul3A_1073, %get3A_11 : vector<16xf32>
        %swap3A_1075 = arith.index_cast %add3A_1045 : i32 to index
        %swap3A_1076 = arith.constant 0 : index
        %swap3A_1077 = tpu.vector_load %arg11[%swap3A_1075, %swap3A_1076] {strides = array<i32>} : memref<128x64xf32, #tpu.memory_space<vmem>>, vector<16xf32>,
        tpu.vector_store %arg11[%swap3A_1075, %swap3A_1076], %add3A_1074 {strides = array<i32>} : memref<128x64xf32, #tpu.memory_space<vmem>>, vector<16xf32>,
        %get3A_1078 = arith.index_cast %add3A_1045 : i32 to index
        %get3A_1079 = arith.constant 16 : index
        %get3A_1080 = tpu.vector_load %arg9[%get3A_1078, %get3A_1079] {strides = array<i32>} : memref<128x64xf32, #tpu.memory_space<vmem>>, vector<16xf32>,
        %sub3A_1081 = arith.subf %get3A_1080, %gather3A_1057 : vector<16xf32>
        %mul3A_1082 = arith.mulf %gather3A_1067, %get3A_5 : vector<16xf32>
        %mul3A_1083 = arith.mulf %sub3A_1081, %mul3A_1082 : vector<16xf32>
        %add3A_1084 = arith.addf %mul3A_1083, %get3A_13 : vector<16xf32>
        %swap3A_1085 = arith.index_cast %add3A_1045 : i32 to index
        %swap3A_1086 = arith.constant 16 : index
        %swap3A_1087 = tpu.vector_load %arg11[%swap3A_1085, %swap3A_1086] {strides = array<i32>} : memref<128x64xf32, #tpu.memory_space<vmem>>, vector<16xf32>,
        tpu.vector_store %arg11[%swap3A_1085, %swap3A_1086], %add3A_1084 {strides = array<i32>} : memref<128x64xf32, #tpu.memory_space<vmem>>, vector<16xf32>,
        %get3A_1088 = arith.index_cast %add3A_1045 : i32 to index
        %get3A_1089 = arith.constant 32 : index
        %get3A_1090 = tpu.vector_load %arg9[%get3A_1088, %get3A_1089] {strides = array<i32>} : memref<128x64xf32, #tpu.memory_space<vmem>>, vector<16xf32>,
        %sub3A_1091 = arith.subf %get3A_1090, %gather3A_1057 : vector<16xf32>
        %mul3A_1092 = arith.mulf %gather3A_1067, %get3A_7 : vector<16xf32>
        %mul3A_1093 = arith.mulf %sub3A_1091, %mul3A_1092 : vector<16xf32>
        %add3A_1094 = arith.addf %mul3A_1093, %get3A_15 : vector<16xf32>
        %swap3A_1095 = arith.index_cast %add3A_1045 : i32 to index
        %swap3A_1096 = arith.constant 32 : index
        %swap3A_1097 = tpu.vector_load %arg11[%swap3A_1095, %swap3A_1096] {strides = array<i32>} : memref<128x64xf32, #tpu.memory_space<vmem>>, vector<16xf32>,
        tpu.vector_store %arg11[%swap3A_1095, %swap3A_1096], %add3A_1094 {strides = array<i32>} : memref<128x64xf32, #tpu.memory_space<vmem>>, vector<16xf32>,
        %get3A_1098 = arith.index_cast %add3A_1045 : i32 to index
        %get3A_1099 = arith.constant 48 : index
        %get3A_1100 = tpu.vector_load %arg9[%get3A_1098, %get3A_1099] {strides = array<i32>} : memref<128x64xf32, #tpu.memory_space<vmem>>, vector<16xf32>,
        %sub3A_1101 = arith.subf %get3A_1100, %gather3A_1057 : vector<16xf32>
        %mul3A_1102 = arith.mulf %gather3A_1067, %get3A_9 : vector<16xf32>
        %mul3A_1103 = arith.mulf %sub3A_1101, %mul3A_1102 : vector<16xf32>
        %add3A_1104 = arith.addf %mul3A_1103, %get3A_17 : vector<16xf32>
        %swap3A_1105 = arith.index_cast %add3A_1045 : i32 to index
        %swap3A_1106 = arith.constant 48 : index
        %swap3A_1107 = tpu.vector_load %arg11[%swap3A_1105, %swap3A_1106] {strides = array<i32>} : memref<128x64xf32, #tpu.memory_space<vmem>>, vector<16xf32>,
        tpu.vector_store %arg11[%swap3A_1105, %swap3A_1106], %add3A_1104 {strides = array<i32>} : memref<128x64xf32, #tpu.memory_space<vmem>>, vector<16xf32>,
        %add3A_1108 = arith.constant 5 : i32
        %add3A_1109 = arith.addi %mul3A_121, %add3A_1108 : i32
        %broadcast_in_dim3A_1110 = arith.constant 5 : i32
        %broadcast_in_dim3A_1111 = vector.broadcast %broadcast_in_dim3A_1110 : i32 to vector<16xi32>
        %lt3A_1112 = arith.constant 0 : i32
        %lt3A_1113 = vector.broadcast %lt3A_1112 : i32 to vector<16xi32>
        %lt3A_1114 = arith.cmpi slt, %broadcast_in_dim3A_1111, %lt3A_1113 : vector<16xi32>
        %add3A_1115 = arith.constant 16 : i32
        %add3A_1116 = vector.broadcast %add3A_1115 : i32 to vector<16xi32>
        %add3A_1117 = arith.addi %broadcast_in_dim3A_1111, %add3A_1116 : vector<16xi32>
        %select_n3A_1118 = arith.select %lt3A_1114, %add3A_1117, %broadcast_in_dim3A_1111 : vector<16xi1>, vector<16xi32>
        %broadcast_in_dim3A_1119 = vector.shape_cast %select_n3A_1118 : vector<16xi32> to vector<16x1xi32>
        %gather3A_1120 = vector.shape_cast %broadcast_in_dim3A_1119 : vector<16x1xi32> to vector<16xi32>
        %gather3A_1121 = tpu.dynamic_gather %mul3A_758[%gather3A_1120] in [0] : vector<16xf32>, vector<16xi32> -> vector<16xf32>
        %lt3A_1122 = arith.constant 0 : i32
        %lt3A_1123 = vector.broadcast %lt3A_1122 : i32 to vector<16xi32>
        %lt3A_1124 = arith.cmpi slt, %broadcast_in_dim3A_1111, %lt3A_1123 : vector<16xi32>
        %add3A_1125 = arith.constant 16 : i32
        %add3A_1126 = vector.broadcast %add3A_1125 : i32 to vector<16xi32>
        %add3A_1127 = arith.addi %broadcast_in_dim3A_1111, %add3A_1126 : vector<16xi32>
        %select_n3A_1128 = arith.select %lt3A_1124, %add3A_1127, %broadcast_in_dim3A_1111 : vector<16xi1>, vector<16xi32>
        %broadcast_in_dim3A_1129 = vector.shape_cast %select_n3A_1128 : vector<16xi32> to vector<16x1xi32>
        %gather3A_1130 = vector.shape_cast %broadcast_in_dim3A_1129 : vector<16x1xi32> to vector<16xi32>
        %gather3A_1131 = tpu.dynamic_gather %mul3A_788[%gather3A_1130] in [0] : vector<16xf32>, vector<16xi32> -> vector<16xf32>
        %get3A_1132 = arith.index_cast %add3A_1109 : i32 to index
        %get3A_1133 = arith.constant 0 : index
        %get3A_1134 = tpu.vector_load %arg9[%get3A_1132, %get3A_1133] {strides = array<i32>} : memref<128x64xf32, #tpu.memory_space<vmem>>, vector<16xf32>,
        %sub3A_1135 = arith.subf %get3A_1134, %gather3A_1121 : vector<16xf32>
        %mul3A_1136 = arith.mulf %gather3A_1131, %get3A_3 : vector<16xf32>
        %mul3A_1137 = arith.mulf %sub3A_1135, %mul3A_1136 : vector<16xf32>
        %add3A_1138 = arith.addf %mul3A_1137, %get3A_11 : vector<16xf32>
        %swap3A_1139 = arith.index_cast %add3A_1109 : i32 to index
        %swap3A_1140 = arith.constant 0 : index
        %swap3A_1141 = tpu.vector_load %arg11[%swap3A_1139, %swap3A_1140] {strides = array<i32>} : memref<128x64xf32, #tpu.memory_space<vmem>>, vector<16xf32>,
        tpu.vector_store %arg11[%swap3A_1139, %swap3A_1140], %add3A_1138 {strides = array<i32>} : memref<128x64xf32, #tpu.memory_space<vmem>>, vector<16xf32>,
        %get3A_1142 = arith.index_cast %add3A_1109 : i32 to index
        %get3A_1143 = arith.constant 16 : index
        %get3A_1144 = tpu.vector_load %arg9[%get3A_1142, %get3A_1143] {strides = array<i32>} : memref<128x64xf32, #tpu.memory_space<vmem>>, vector<16xf32>,
        %sub3A_1145 = arith.subf %get3A_1144, %gather3A_1121 : vector<16xf32>
        %mul3A_1146 = arith.mulf %gather3A_1131, %get3A_5 : vector<16xf32>
        %mul3A_1147 = arith.mulf %sub3A_1145, %mul3A_1146 : vector<16xf32>
        %add3A_1148 = arith.addf %mul3A_1147, %get3A_13 : vector<16xf32>
        %swap3A_1149 = arith.index_cast %add3A_1109 : i32 to index
        %swap3A_1150 = arith.constant 16 : index
        %swap3A_1151 = tpu.vector_load %arg11[%swap3A_1149, %swap3A_1150] {strides = array<i32>} : memref<128x64xf32, #tpu.memory_space<vmem>>, vector<16xf32>,
        tpu.vector_store %arg11[%swap3A_1149, %swap3A_1150], %add3A_1148 {strides = array<i32>} : memref<128x64xf32, #tpu.memory_space<vmem>>, vector<16xf32>,
        %get3A_1152 = arith.index_cast %add3A_1109 : i32 to index
        %get3A_1153 = arith.constant 32 : index
        %get3A_1154 = tpu.vector_load %arg9[%get3A_1152, %get3A_1153] {strides = array<i32>} : memref<128x64xf32, #tpu.memory_space<vmem>>, vector<16xf32>,
        %sub3A_1155 = arith.subf %get3A_1154, %gather3A_1121 : vector<16xf32>
        %mul3A_1156 = arith.mulf %gather3A_1131, %get3A_7 : vector<16xf32>
        %mul3A_1157 = arith.mulf %sub3A_1155, %mul3A_1156 : vector<16xf32>
        %add3A_1158 = arith.addf %mul3A_1157, %get3A_15 : vector<16xf32>
        %swap3A_1159 = arith.index_cast %add3A_1109 : i32 to index
        %swap3A_1160 = arith.constant 32 : index
        %swap3A_1161 = tpu.vector_load %arg11[%swap3A_1159, %swap3A_1160] {strides = array<i32>} : memref<128x64xf32, #tpu.memory_space<vmem>>, vector<16xf32>,
        tpu.vector_store %arg11[%swap3A_1159, %swap3A_1160], %add3A_1158 {strides = array<i32>} : memref<128x64xf32, #tpu.memory_space<vmem>>, vector<16xf32>,
        %get3A_1162 = arith.index_cast %add3A_1109 : i32 to index
        %get3A_1163 = arith.constant 48 : index
        %get3A_1164 = tpu.vector_load %arg9[%get3A_1162, %get3A_1163] {strides = array<i32>} : memref<128x64xf32, #tpu.memory_space<vmem>>, vector<16xf32>,
        %sub3A_1165 = arith.subf %get3A_1164, %gather3A_1121 : vector<16xf32>
        %mul3A_1166 = arith.mulf %gather3A_1131, %get3A_9 : vector<16xf32>
        %mul3A_1167 = arith.mulf %sub3A_1165, %mul3A_1166 : vector<16xf32>
        %add3A_1168 = arith.addf %mul3A_1167, %get3A_17 : vector<16xf32>
        %swap3A_1169 = arith.index_cast %add3A_1109 : i32 to index
        %swap3A_1170 = arith.constant 48 : index
        %swap3A_1171 = tpu.vector_load %arg11[%swap3A_1169, %swap3A_1170] {strides = array<i32>} : memref<128x64xf32, #tpu.memory_space<vmem>>, vector<16xf32>,
        tpu.vector_store %arg11[%swap3A_1169, %swap3A_1170], %add3A_1168 {strides = array<i32>} : memref<128x64xf32, #tpu.memory_space<vmem>>, vector<16xf32>,
        %add3A_1172 = arith.constant 6 : i32
        %add3A_1173 = arith.addi %mul3A_121, %add3A_1172 : i32
        %broadcast_in_dim3A_1174 = arith.constant 6 : i32
        %broadcast_in_dim3A_1175 = vector.broadcast %broadcast_in_dim3A_1174 : i32 to vector<16xi32>
        %lt3A_1176 = arith.constant 0 : i32
        %lt3A_1177 = vector.broadcast %lt3A_1176 : i32 to vector<16xi32>
        %lt3A_1178 = arith.cmpi slt, %broadcast_in_dim3A_1175, %lt3A_1177 : vector<16xi32>
        %add3A_1179 = arith.constant 16 : i32
        %add3A_1180 = vector.broadcast %add3A_1179 : i32 to vector<16xi32>
        %add3A_1181 = arith.addi %broadcast_in_dim3A_1175, %add3A_1180 : vector<16xi32>
        %select_n3A_1182 = arith.select %lt3A_1178, %add3A_1181, %broadcast_in_dim3A_1175 : vector<16xi1>, vector<16xi32>
        %broadcast_in_dim3A_1183 = vector.shape_cast %select_n3A_1182 : vector<16xi32> to vector<16x1xi32>
        %gather3A_1184 = vector.shape_cast %broadcast_in_dim3A_1183 : vector<16x1xi32> to vector<16xi32>
        %gather3A_1185 = tpu.dynamic_gather %mul3A_758[%gather3A_1184] in [0] : vector<16xf32>, vector<16xi32> -> vector<16xf32>
        %lt3A_1186 = arith.constant 0 : i32
        %lt3A_1187 = vector.broadcast %lt3A_1186 : i32 to vector<16xi32>
        %lt3A_1188 = arith.cmpi slt, %broadcast_in_dim3A_1175, %lt3A_1187 : vector<16xi32>
        %add3A_1189 = arith.constant 16 : i32
        %add3A_1190 = vector.broadcast %add3A_1189 : i32 to vector<16xi32>
        %add3A_1191 = arith.addi %broadcast_in_dim3A_1175, %add3A_1190 : vector<16xi32>
        %select_n3A_1192 = arith.select %lt3A_1188, %add3A_1191, %broadcast_in_dim3A_1175 : vector<16xi1>, vector<16xi32>
        %broadcast_in_dim3A_1193 = vector.shape_cast %select_n3A_1192 : vector<16xi32> to vector<16x1xi32>
        %gather3A_1194 = vector.shape_cast %broadcast_in_dim3A_1193 : vector<16x1xi32> to vector<16xi32>
        %gather3A_1195 = tpu.dynamic_gather %mul3A_788[%gather3A_1194] in [0] : vector<16xf32>, vector<16xi32> -> vector<16xf32>
        %get3A_1196 = arith.index_cast %add3A_1173 : i32 to index
        %get3A_1197 = arith.constant 0 : index
        %get3A_1198 = tpu.vector_load %arg9[%get3A_1196, %get3A_1197] {strides = array<i32>} : memref<128x64xf32, #tpu.memory_space<vmem>>, vector<16xf32>,
        %sub3A_1199 = arith.subf %get3A_1198, %gather3A_1185 : vector<16xf32>
        %mul3A_1200 = arith.mulf %gather3A_1195, %get3A_3 : vector<16xf32>
        %mul3A_1201 = arith.mulf %sub3A_1199, %mul3A_1200 : vector<16xf32>
        %add3A_1202 = arith.addf %mul3A_1201, %get3A_11 : vector<16xf32>
        %swap3A_1203 = arith.index_cast %add3A_1173 : i32 to index
        %swap3A_1204 = arith.constant 0 : index
        %swap3A_1205 = tpu.vector_load %arg11[%swap3A_1203, %swap3A_1204] {strides = array<i32>} : memref<128x64xf32, #tpu.memory_space<vmem>>, vector<16xf32>,
        tpu.vector_store %arg11[%swap3A_1203, %swap3A_1204], %add3A_1202 {strides = array<i32>} : memref<128x64xf32, #tpu.memory_space<vmem>>, vector<16xf32>,
        %get3A_1206 = arith.index_cast %add3A_1173 : i32 to index
        %get3A_1207 = arith.constant 16 : index
        %get3A_1208 = tpu.vector_load %arg9[%get3A_1206, %get3A_1207] {strides = array<i32>} : memref<128x64xf32, #tpu.memory_space<vmem>>, vector<16xf32>,
        %sub3A_1209 = arith.subf %get3A_1208, %gather3A_1185 : vector<16xf32>
        %mul3A_1210 = arith.mulf %gather3A_1195, %get3A_5 : vector<16xf32>
        %mul3A_1211 = arith.mulf %sub3A_1209, %mul3A_1210 : vector<16xf32>
        %add3A_1212 = arith.addf %mul3A_1211, %get3A_13 : vector<16xf32>
        %swap3A_1213 = arith.index_cast %add3A_1173 : i32 to index
        %swap3A_1214 = arith.constant 16 : index
        %swap3A_1215 = tpu.vector_load %arg11[%swap3A_1213, %swap3A_1214] {strides = array<i32>} : memref<128x64xf32, #tpu.memory_space<vmem>>, vector<16xf32>,
        tpu.vector_store %arg11[%swap3A_1213, %swap3A_1214], %add3A_1212 {strides = array<i32>} : memref<128x64xf32, #tpu.memory_space<vmem>>, vector<16xf32>,
        %get3A_1216 = arith.index_cast %add3A_1173 : i32 to index
        %get3A_1217 = arith.constant 32 : index
        %get3A_1218 = tpu.vector_load %arg9[%get3A_1216, %get3A_1217] {strides = array<i32>} : memref<128x64xf32, #tpu.memory_space<vmem>>, vector<16xf32>,
        %sub3A_1219 = arith.subf %get3A_1218, %gather3A_1185 : vector<16xf32>
        %mul3A_1220 = arith.mulf %gather3A_1195, %get3A_7 : vector<16xf32>
        %mul3A_1221 = arith.mulf %sub3A_1219, %mul3A_1220 : vector<16xf32>
        %add3A_1222 = arith.addf %mul3A_1221, %get3A_15 : vector<16xf32>
        %swap3A_1223 = arith.index_cast %add3A_1173 : i32 to index
        %swap3A_1224 = arith.constant 32 : index
        %swap3A_1225 = tpu.vector_load %arg11[%swap3A_1223, %swap3A_1224] {strides = array<i32>} : memref<128x64xf32, #tpu.memory_space<vmem>>, vector<16xf32>,
        tpu.vector_store %arg11[%swap3A_1223, %swap3A_1224], %add3A_1222 {strides = array<i32>} : memref<128x64xf32, #tpu.memory_space<vmem>>, vector<16xf32>,
        %get3A_1226 = arith.index_cast %add3A_1173 : i32 to index
        %get3A_1227 = arith.constant 48 : index
        %get3A_1228 = tpu.vector_load %arg9[%get3A_1226, %get3A_1227] {strides = array<i32>} : memref<128x64xf32, #tpu.memory_space<vmem>>, vector<16xf32>,
        %sub3A_1229 = arith.subf %get3A_1228, %gather3A_1185 : vector<16xf32>
        %mul3A_1230 = arith.mulf %gather3A_1195, %get3A_9 : vector<16xf32>
        %mul3A_1231 = arith.mulf %sub3A_1229, %mul3A_1230 : vector<16xf32>
        %add3A_1232 = arith.addf %mul3A_1231, %get3A_17 : vector<16xf32>
        %swap3A_1233 = arith.index_cast %add3A_1173 : i32 to index
        %swap3A_1234 = arith.constant 48 : index
        %swap3A_1235 = tpu.vector_load %arg11[%swap3A_1233, %swap3A_1234] {strides = array<i32>} : memref<128x64xf32, #tpu.memory_space<vmem>>, vector<16xf32>,
        tpu.vector_store %arg11[%swap3A_1233, %swap3A_1234], %add3A_1232 {strides = array<i32>} : memref<128x64xf32, #tpu.memory_space<vmem>>, vector<16xf32>,
        %add3A_1236 = arith.constant 7 : i32
        %add3A_1237 = arith.addi %mul3A_121, %add3A_1236 : i32
        %broadcast_in_dim3A_1238 = arith.constant 7 : i32
        %broadcast_in_dim3A_1239 = vector.broadcast %broadcast_in_dim3A_1238 : i32 to vector<16xi32>
        %lt3A_1240 = arith.constant 0 : i32
        %lt3A_1241 = vector.broadcast %lt3A_1240 : i32 to vector<16xi32>
        %lt3A_1242 = arith.cmpi slt, %broadcast_in_dim3A_1239, %lt3A_1241 : vector<16xi32>
        %add3A_1243 = arith.constant 16 : i32
        %add3A_1244 = vector.broadcast %add3A_1243 : i32 to vector<16xi32>
        %add3A_1245 = arith.addi %broadcast_in_dim3A_1239, %add3A_1244 : vector<16xi32>
        %select_n3A_1246 = arith.select %lt3A_1242, %add3A_1245, %broadcast_in_dim3A_1239 : vector<16xi1>, vector<16xi32>
        %broadcast_in_dim3A_1247 = vector.shape_cast %select_n3A_1246 : vector<16xi32> to vector<16x1xi32>
        %gather3A_1248 = vector.shape_cast %broadcast_in_dim3A_1247 : vector<16x1xi32> to vector<16xi32>
        %gather3A_1249 = tpu.dynamic_gather %mul3A_758[%gather3A_1248] in [0] : vector<16xf32>, vector<16xi32> -> vector<16xf32>
        %lt3A_1250 = arith.constant 0 : i32
        %lt3A_1251 = vector.broadcast %lt3A_1250 : i32 to vector<16xi32>
        %lt3A_1252 = arith.cmpi slt, %broadcast_in_dim3A_1239, %lt3A_1251 : vector<16xi32>
        %add3A_1253 = arith.constant 16 : i32
        %add3A_1254 = vector.broadcast %add3A_1253 : i32 to vector<16xi32>
        %add3A_1255 = arith.addi %broadcast_in_dim3A_1239, %add3A_1254 : vector<16xi32>
        %select_n3A_1256 = arith.select %lt3A_1252, %add3A_1255, %broadcast_in_dim3A_1239 : vector<16xi1>, vector<16xi32>
        %broadcast_in_dim3A_1257 = vector.shape_cast %select_n3A_1256 : vector<16xi32> to vector<16x1xi32>
        %gather3A_1258 = vector.shape_cast %broadcast_in_dim3A_1257 : vector<16x1xi32> to vector<16xi32>
        %gather3A_1259 = tpu.dynamic_gather %mul3A_788[%gather3A_1258] in [0] : vector<16xf32>, vector<16xi32> -> vector<16xf32>
        %get3A_1260 = arith.index_cast %add3A_1237 : i32 to index
        %get3A_1261 = arith.constant 0 : index
        %get3A_1262 = tpu.vector_load %arg9[%get3A_1260, %get3A_1261] {strides = array<i32>} : memref<128x64xf32, #tpu.memory_space<vmem>>, vector<16xf32>,
        %sub3A_1263 = arith.subf %get3A_1262, %gather3A_1249 : vector<16xf32>
        %mul3A_1264 = arith.mulf %gather3A_1259, %get3A_3 : vector<16xf32>
        %mul3A_1265 = arith.mulf %sub3A_1263, %mul3A_1264 : vector<16xf32>
        %add3A_1266 = arith.addf %mul3A_1265, %get3A_11 : vector<16xf32>
        %swap3A_1267 = arith.index_cast %add3A_1237 : i32 to index
        %swap3A_1268 = arith.constant 0 : index
        %swap3A_1269 = tpu.vector_load %arg11[%swap3A_1267, %swap3A_1268] {strides = array<i32>} : memref<128x64xf32, #tpu.memory_space<vmem>>, vector<16xf32>,
        tpu.vector_store %arg11[%swap3A_1267, %swap3A_1268], %add3A_1266 {strides = array<i32>} : memref<128x64xf32, #tpu.memory_space<vmem>>, vector<16xf32>,
        %get3A_1270 = arith.index_cast %add3A_1237 : i32 to index
        %get3A_1271 = arith.constant 16 : index
        %get3A_1272 = tpu.vector_load %arg9[%get3A_1270, %get3A_1271] {strides = array<i32>} : memref<128x64xf32, #tpu.memory_space<vmem>>, vector<16xf32>,
        %sub3A_1273 = arith.subf %get3A_1272, %gather3A_1249 : vector<16xf32>
        %mul3A_1274 = arith.mulf %gather3A_1259, %get3A_5 : vector<16xf32>
        %mul3A_1275 = arith.mulf %sub3A_1273, %mul3A_1274 : vector<16xf32>
        %add3A_1276 = arith.addf %mul3A_1275, %get3A_13 : vector<16xf32>
        %swap3A_1277 = arith.index_cast %add3A_1237 : i32 to index
        %swap3A_1278 = arith.constant 16 : index
        %swap3A_1279 = tpu.vector_load %arg11[%swap3A_1277, %swap3A_1278] {strides = array<i32>} : memref<128x64xf32, #tpu.memory_space<vmem>>, vector<16xf32>,
        tpu.vector_store %arg11[%swap3A_1277, %swap3A_1278], %add3A_1276 {strides = array<i32>} : memref<128x64xf32, #tpu.memory_space<vmem>>, vector<16xf32>,
        %get3A_1280 = arith.index_cast %add3A_1237 : i32 to index
        %get3A_1281 = arith.constant 32 : index
        %get3A_1282 = tpu.vector_load %arg9[%get3A_1280, %get3A_1281] {strides = array<i32>} : memref<128x64xf32, #tpu.memory_space<vmem>>, vector<16xf32>,
        %sub3A_1283 = arith.subf %get3A_1282, %gather3A_1249 : vector<16xf32>
        %mul3A_1284 = arith.mulf %gather3A_1259, %get3A_7 : vector<16xf32>
        %mul3A_1285 = arith.mulf %sub3A_1283, %mul3A_1284 : vector<16xf32>
        %add3A_1286 = arith.addf %mul3A_1285, %get3A_15 : vector<16xf32>
        %swap3A_1287 = arith.index_cast %add3A_1237 : i32 to index
        %swap3A_1288 = arith.constant 32 : index
        %swap3A_1289 = tpu.vector_load %arg11[%swap3A_1287, %swap3A_1288] {strides = array<i32>} : memref<128x64xf32, #tpu.memory_space<vmem>>, vector<16xf32>,
        tpu.vector_store %arg11[%swap3A_1287, %swap3A_1288], %add3A_1286 {strides = array<i32>} : memref<128x64xf32, #tpu.memory_space<vmem>>, vector<16xf32>,
        %get3A_1290 = arith.index_cast %add3A_1237 : i32 to index
        %get3A_1291 = arith.constant 48 : index
        %get3A_1292 = tpu.vector_load %arg9[%get3A_1290, %get3A_1291] {strides = array<i32>} : memref<128x64xf32, #tpu.memory_space<vmem>>, vector<16xf32>,
        %sub3A_1293 = arith.subf %get3A_1292, %gather3A_1249 : vector<16xf32>
        %mul3A_1294 = arith.mulf %gather3A_1259, %get3A_9 : vector<16xf32>
        %mul3A_1295 = arith.mulf %sub3A_1293, %mul3A_1294 : vector<16xf32>
        %add3A_1296 = arith.addf %mul3A_1295, %get3A_17 : vector<16xf32>
        %swap3A_1297 = arith.index_cast %add3A_1237 : i32 to index
        %swap3A_1298 = arith.constant 48 : index
        %swap3A_1299 = tpu.vector_load %arg11[%swap3A_1297, %swap3A_1298] {strides = array<i32>} : memref<128x64xf32, #tpu.memory_space<vmem>>, vector<16xf32>,
        tpu.vector_store %arg11[%swap3A_1297, %swap3A_1298], %add3A_1296 {strides = array<i32>} : memref<128x64xf32, #tpu.memory_space<vmem>>, vector<16xf32>,
        %add3A_1300 = arith.constant 8 : i32
        %add3A_1301 = arith.addi %mul3A_121, %add3A_1300 : i32
        %broadcast_in_dim3A_1302 = arith.constant 8 : i32
        %broadcast_in_dim3A_1303 = vector.broadcast %broadcast_in_dim3A_1302 : i32 to vector<16xi32>
        %lt3A_1304 = arith.constant 0 : i32
        %lt3A_1305 = vector.broadcast %lt3A_1304 : i32 to vector<16xi32>
        %lt3A_1306 = arith.cmpi slt, %broadcast_in_dim3A_1303, %lt3A_1305 : vector<16xi32>
        %add3A_1307 = arith.constant 16 : i32
        %add3A_1308 = vector.broadcast %add3A_1307 : i32 to vector<16xi32>
        %add3A_1309 = arith.addi %broadcast_in_dim3A_1303, %add3A_1308 : vector<16xi32>
        %select_n3A_1310 = arith.select %lt3A_1306, %add3A_1309, %broadcast_in_dim3A_1303 : vector<16xi1>, vector<16xi32>
        %broadcast_in_dim3A_1311 = vector.shape_cast %select_n3A_1310 : vector<16xi32> to vector<16x1xi32>
        %gather3A_1312 = vector.shape_cast %broadcast_in_dim3A_1311 : vector<16x1xi32> to vector<16xi32>
        %gather3A_1313 = tpu.dynamic_gather %mul3A_758[%gather3A_1312] in [0] : vector<16xf32>, vector<16xi32> -> vector<16xf32>
        %lt3A_1314 = arith.constant 0 : i32
        %lt3A_1315 = vector.broadcast %lt3A_1314 : i32 to vector<16xi32>
        %lt3A_1316 = arith.cmpi slt, %broadcast_in_dim3A_1303, %lt3A_1315 : vector<16xi32>
        %add3A_1317 = arith.constant 16 : i32
        %add3A_1318 = vector.broadcast %add3A_1317 : i32 to vector<16xi32>
        %add3A_1319 = arith.addi %broadcast_in_dim3A_1303, %add3A_1318 : vector<16xi32>
        %select_n3A_1320 = arith.select %lt3A_1316, %add3A_1319, %broadcast_in_dim3A_1303 : vector<16xi1>, vector<16xi32>
        %broadcast_in_dim3A_1321 = vector.shape_cast %select_n3A_1320 : vector<16xi32> to vector<16x1xi32>
        %gather3A_1322 = vector.shape_cast %broadcast_in_dim3A_1321 : vector<16x1xi32> to vector<16xi32>
        %gather3A_1323 = tpu.dynamic_gather %mul3A_788[%gather3A_1322] in [0] : vector<16xf32>, vector<16xi32> -> vector<16xf32>
        %get3A_1324 = arith.index_cast %add3A_1301 : i32 to index
        %get3A_1325 = arith.constant 0 : index
        %get3A_1326 = tpu.vector_load %arg9[%get3A_1324, %get3A_1325] {strides = array<i32>} : memref<128x64xf32, #tpu.memory_space<vmem>>, vector<16xf32>,
        %sub3A_1327 = arith.subf %get3A_1326, %gather3A_1313 : vector<16xf32>
        %mul3A_1328 = arith.mulf %gather3A_1323, %get3A_3 : vector<16xf32>
        %mul3A_1329 = arith.mulf %sub3A_1327, %mul3A_1328 : vector<16xf32>
        %add3A_1330 = arith.addf %mul3A_1329, %get3A_11 : vector<16xf32>
        %swap3A_1331 = arith.index_cast %add3A_1301 : i32 to index
        %swap3A_1332 = arith.constant 0 : index
        %swap3A_1333 = tpu.vector_load %arg11[%swap3A_1331, %swap3A_1332] {strides = array<i32>} : memref<128x64xf32, #tpu.memory_space<vmem>>, vector<16xf32>,
        tpu.vector_store %arg11[%swap3A_1331, %swap3A_1332], %add3A_1330 {strides = array<i32>} : memref<128x64xf32, #tpu.memory_space<vmem>>, vector<16xf32>,
        %get3A_1334 = arith.index_cast %add3A_1301 : i32 to index
        %get3A_1335 = arith.constant 16 : index
        %get3A_1336 = tpu.vector_load %arg9[%get3A_1334, %get3A_1335] {strides = array<i32>} : memref<128x64xf32, #tpu.memory_space<vmem>>, vector<16xf32>,
        %sub3A_1337 = arith.subf %get3A_1336, %gather3A_1313 : vector<16xf32>
        %mul3A_1338 = arith.mulf %gather3A_1323, %get3A_5 : vector<16xf32>
        %mul3A_1339 = arith.mulf %sub3A_1337, %mul3A_1338 : vector<16xf32>
        %add3A_1340 = arith.addf %mul3A_1339, %get3A_13 : vector<16xf32>
        %swap3A_1341 = arith.index_cast %add3A_1301 : i32 to index
        %swap3A_1342 = arith.constant 16 : index
        %swap3A_1343 = tpu.vector_load %arg11[%swap3A_1341, %swap3A_1342] {strides = array<i32>} : memref<128x64xf32, #tpu.memory_space<vmem>>, vector<16xf32>,
        tpu.vector_store %arg11[%swap3A_1341, %swap3A_1342], %add3A_1340 {strides = array<i32>} : memref<128x64xf32, #tpu.memory_space<vmem>>, vector<16xf32>,
        %get3A_1344 = arith.index_cast %add3A_1301 : i32 to index
        %get3A_1345 = arith.constant 32 : index
        %get3A_1346 = tpu.vector_load %arg9[%get3A_1344, %get3A_1345] {strides = array<i32>} : memref<128x64xf32, #tpu.memory_space<vmem>>, vector<16xf32>,
        %sub3A_1347 = arith.subf %get3A_1346, %gather3A_1313 : vector<16xf32>
        %mul3A_1348 = arith.mulf %gather3A_1323, %get3A_7 : vector<16xf32>
        %mul3A_1349 = arith.mulf %sub3A_1347, %mul3A_1348 : vector<16xf32>
        %add3A_1350 = arith.addf %mul3A_1349, %get3A_15 : vector<16xf32>
        %swap3A_1351 = arith.index_cast %add3A_1301 : i32 to index
        %swap3A_1352 = arith.constant 32 : index
        %swap3A_1353 = tpu.vector_load %arg11[%swap3A_1351, %swap3A_1352] {strides = array<i32>} : memref<128x64xf32, #tpu.memory_space<vmem>>, vector<16xf32>,
        tpu.vector_store %arg11[%swap3A_1351, %swap3A_1352], %add3A_1350 {strides = array<i32>} : memref<128x64xf32, #tpu.memory_space<vmem>>, vector<16xf32>,
        %get3A_1354 = arith.index_cast %add3A_1301 : i32 to index
        %get3A_1355 = arith.constant 48 : index
        %get3A_1356 = tpu.vector_load %arg9[%get3A_1354, %get3A_1355] {strides = array<i32>} : memref<128x64xf32, #tpu.memory_space<vmem>>, vector<16xf32>,
        %sub3A_1357 = arith.subf %get3A_1356, %gather3A_1313 : vector<16xf32>
        %mul3A_1358 = arith.mulf %gather3A_1323, %get3A_9 : vector<16xf32>
        %mul3A_1359 = arith.mulf %sub3A_1357, %mul3A_1358 : vector<16xf32>
        %add3A_1360 = arith.addf %mul3A_1359, %get3A_17 : vector<16xf32>
        %swap3A_1361 = arith.index_cast %add3A_1301 : i32 to index
        %swap3A_1362 = arith.constant 48 : index
        %swap3A_1363 = tpu.vector_load %arg11[%swap3A_1361, %swap3A_1362] {strides = array<i32>} : memref<128x64xf32, #tpu.memory_space<vmem>>, vector<16xf32>,
        tpu.vector_store %arg11[%swap3A_1361, %swap3A_1362], %add3A_1360 {strides = array<i32>} : memref<128x64xf32, #tpu.memory_space<vmem>>, vector<16xf32>,
        %add3A_1364 = arith.constant 9 : i32
        %add3A_1365 = arith.addi %mul3A_121, %add3A_1364 : i32
        %broadcast_in_dim3A_1366 = arith.constant 9 : i32
        %broadcast_in_dim3A_1367 = vector.broadcast %broadcast_in_dim3A_1366 : i32 to vector<16xi32>
        %lt3A_1368 = arith.constant 0 : i32
        %lt3A_1369 = vector.broadcast %lt3A_1368 : i32 to vector<16xi32>
        %lt3A_1370 = arith.cmpi slt, %broadcast_in_dim3A_1367, %lt3A_1369 : vector<16xi32>
        %add3A_1371 = arith.constant 16 : i32
        %add3A_1372 = vector.broadcast %add3A_1371 : i32 to vector<16xi32>
        %add3A_1373 = arith.addi %broadcast_in_dim3A_1367, %add3A_1372 : vector<16xi32>
        %select_n3A_1374 = arith.select %lt3A_1370, %add3A_1373, %broadcast_in_dim3A_1367 : vector<16xi1>, vector<16xi32>
        %broadcast_in_dim3A_1375 = vector.shape_cast %select_n3A_1374 : vector<16xi32> to vector<16x1xi32>
        %gather3A_1376 = vector.shape_cast %broadcast_in_dim3A_1375 : vector<16x1xi32> to vector<16xi32>
        %gather3A_1377 = tpu.dynamic_gather %mul3A_758[%gather3A_1376] in [0] : vector<16xf32>, vector<16xi32> -> vector<16xf32>
        %lt3A_1378 = arith.constant 0 : i32
        %lt3A_1379 = vector.broadcast %lt3A_1378 : i32 to vector<16xi32>
        %lt3A_1380 = arith.cmpi slt, %broadcast_in_dim3A_1367, %lt3A_1379 : vector<16xi32>
        %add3A_1381 = arith.constant 16 : i32
        %add3A_1382 = vector.broadcast %add3A_1381 : i32 to vector<16xi32>
        %add3A_1383 = arith.addi %broadcast_in_dim3A_1367, %add3A_1382 : vector<16xi32>
        %select_n3A_1384 = arith.select %lt3A_1380, %add3A_1383, %broadcast_in_dim3A_1367 : vector<16xi1>, vector<16xi32>
        %broadcast_in_dim3A_1385 = vector.shape_cast %select_n3A_1384 : vector<16xi32> to vector<16x1xi32>
        %gather3A_1386 = vector.shape_cast %broadcast_in_dim3A_1385 : vector<16x1xi32> to vector<16xi32>
        %gather3A_1387 = tpu.dynamic_gather %mul3A_788[%gather3A_1386] in [0] : vector<16xf32>, vector<16xi32> -> vector<16xf32>
        %get3A_1388 = arith.index_cast %add3A_1365 : i32 to index
        %get3A_1389 = arith.constant 0 : index
        %get3A_1390 = tpu.vector_load %arg9[%get3A_1388, %get3A_1389] {strides = array<i32>} : memref<128x64xf32, #tpu.memory_space<vmem>>, vector<16xf32>,
        %sub3A_1391 = arith.subf %get3A_1390, %gather3A_1377 : vector<16xf32>
        %mul3A_1392 = arith.mulf %gather3A_1387, %get3A_3 : vector<16xf32>
        %mul3A_1393 = arith.mulf %sub3A_1391, %mul3A_1392 : vector<16xf32>
        %add3A_1394 = arith.addf %mul3A_1393, %get3A_11 : vector<16xf32>
        %swap3A_1395 = arith.index_cast %add3A_1365 : i32 to index
        %swap3A_1396 = arith.constant 0 : index
        %swap3A_1397 = tpu.vector_load %arg11[%swap3A_1395, %swap3A_1396] {strides = array<i32>} : memref<128x64xf32, #tpu.memory_space<vmem>>, vector<16xf32>,
        tpu.vector_store %arg11[%swap3A_1395, %swap3A_1396], %add3A_1394 {strides = array<i32>} : memref<128x64xf32, #tpu.memory_space<vmem>>, vector<16xf32>,
        %get3A_1398 = arith.index_cast %add3A_1365 : i32 to index
        %get3A_1399 = arith.constant 16 : index
        %get3A_1400 = tpu.vector_load %arg9[%get3A_1398, %get3A_1399] {strides = array<i32>} : memref<128x64xf32, #tpu.memory_space<vmem>>, vector<16xf32>,
        %sub3A_1401 = arith.subf %get3A_1400, %gather3A_1377 : vector<16xf32>
        %mul3A_1402 = arith.mulf %gather3A_1387, %get3A_5 : vector<16xf32>
        %mul3A_1403 = arith.mulf %sub3A_1401, %mul3A_1402 : vector<16xf32>
        %add3A_1404 = arith.addf %mul3A_1403, %get3A_13 : vector<16xf32>
        %swap3A_1405 = arith.index_cast %add3A_1365 : i32 to index
        %swap3A_1406 = arith.constant 16 : index
        %swap3A_1407 = tpu.vector_load %arg11[%swap3A_1405, %swap3A_1406] {strides = array<i32>} : memref<128x64xf32, #tpu.memory_space<vmem>>, vector<16xf32>,
        tpu.vector_store %arg11[%swap3A_1405, %swap3A_1406], %add3A_1404 {strides = array<i32>} : memref<128x64xf32, #tpu.memory_space<vmem>>, vector<16xf32>,
        %get3A_1408 = arith.index_cast %add3A_1365 : i32 to index
        %get3A_1409 = arith.constant 32 : index
        %get3A_1410 = tpu.vector_load %arg9[%get3A_1408, %get3A_1409] {strides = array<i32>} : memref<128x64xf32, #tpu.memory_space<vmem>>, vector<16xf32>,
        %sub3A_1411 = arith.subf %get3A_1410, %gather3A_1377 : vector<16xf32>
        %mul3A_1412 = arith.mulf %gather3A_1387, %get3A_7 : vector<16xf32>
        %mul3A_1413 = arith.mulf %sub3A_1411, %mul3A_1412 : vector<16xf32>
        %add3A_1414 = arith.addf %mul3A_1413, %get3A_15 : vector<16xf32>
        %swap3A_1415 = arith.index_cast %add3A_1365 : i32 to index
        %swap3A_1416 = arith.constant 32 : index
        %swap3A_1417 = tpu.vector_load %arg11[%swap3A_1415, %swap3A_1416] {strides = array<i32>} : memref<128x64xf32, #tpu.memory_space<vmem>>, vector<16xf32>,
        tpu.vector_store %arg11[%swap3A_1415, %swap3A_1416], %add3A_1414 {strides = array<i32>} : memref<128x64xf32, #tpu.memory_space<vmem>>, vector<16xf32>,
        %get3A_1418 = arith.index_cast %add3A_1365 : i32 to index
        %get3A_1419 = arith.constant 48 : index
        %get3A_1420 = tpu.vector_load %arg9[%get3A_1418, %get3A_1419] {strides = array<i32>} : memref<128x64xf32, #tpu.memory_space<vmem>>, vector<16xf32>,
        %sub3A_1421 = arith.subf %get3A_1420, %gather3A_1377 : vector<16xf32>
        %mul3A_1422 = arith.mulf %gather3A_1387, %get3A_9 : vector<16xf32>
        %mul3A_1423 = arith.mulf %sub3A_1421, %mul3A_1422 : vector<16xf32>
        %add3A_1424 = arith.addf %mul3A_1423, %get3A_17 : vector<16xf32>
        %swap3A_1425 = arith.index_cast %add3A_1365 : i32 to index
        %swap3A_1426 = arith.constant 48 : index
        %swap3A_1427 = tpu.vector_load %arg11[%swap3A_1425, %swap3A_1426] {strides = array<i32>} : memref<128x64xf32, #tpu.memory_space<vmem>>, vector<16xf32>,
        tpu.vector_store %arg11[%swap3A_1425, %swap3A_1426], %add3A_1424 {strides = array<i32>} : memref<128x64xf32, #tpu.memory_space<vmem>>, vector<16xf32>,
        %add3A_1428 = arith.constant 10 : i32
        %add3A_1429 = arith.addi %mul3A_121, %add3A_1428 : i32
        %broadcast_in_dim3A_1430 = arith.constant 10 : i32
        %broadcast_in_dim3A_1431 = vector.broadcast %broadcast_in_dim3A_1430 : i32 to vector<16xi32>
        %lt3A_1432 = arith.constant 0 : i32
        %lt3A_1433 = vector.broadcast %lt3A_1432 : i32 to vector<16xi32>
        %lt3A_1434 = arith.cmpi slt, %broadcast_in_dim3A_1431, %lt3A_1433 : vector<16xi32>
        %add3A_1435 = arith.constant 16 : i32
        %add3A_1436 = vector.broadcast %add3A_1435 : i32 to vector<16xi32>
        %add3A_1437 = arith.addi %broadcast_in_dim3A_1431, %add3A_1436 : vector<16xi32>
        %select_n3A_1438 = arith.select %lt3A_1434, %add3A_1437, %broadcast_in_dim3A_1431 : vector<16xi1>, vector<16xi32>
        %broadcast_in_dim3A_1439 = vector.shape_cast %select_n3A_1438 : vector<16xi32> to vector<16x1xi32>
        %gather3A_1440 = vector.shape_cast %broadcast_in_dim3A_1439 : vector<16x1xi32> to vector<16xi32>
        %gather3A_1441 = tpu.dynamic_gather %mul3A_758[%gather3A_1440] in [0] : vector<16xf32>, vector<16xi32> -> vector<16xf32>
        %lt3A_1442 = arith.constant 0 : i32
        %lt3A_1443 = vector.broadcast %lt3A_1442 : i32 to vector<16xi32>
        %lt3A_1444 = arith.cmpi slt, %broadcast_in_dim3A_1431, %lt3A_1443 : vector<16xi32>
        %add3A_1445 = arith.constant 16 : i32
        %add3A_1446 = vector.broadcast %add3A_1445 : i32 to vector<16xi32>
        %add3A_1447 = arith.addi %broadcast_in_dim3A_1431, %add3A_1446 : vector<16xi32>
        %select_n3A_1448 = arith.select %lt3A_1444, %add3A_1447, %broadcast_in_dim3A_1431 : vector<16xi1>, vector<16xi32>
        %broadcast_in_dim3A_1449 = vector.shape_cast %select_n3A_1448 : vector<16xi32> to vector<16x1xi32>
        %gather3A_1450 = vector.shape_cast %broadcast_in_dim3A_1449 : vector<16x1xi32> to vector<16xi32>
        %gather3A_1451 = tpu.dynamic_gather %mul3A_788[%gather3A_1450] in [0] : vector<16xf32>, vector<16xi32> -> vector<16xf32>
        %get3A_1452 = arith.index_cast %add3A_1429 : i32 to index
        %get3A_1453 = arith.constant 0 : index
        %get3A_1454 = tpu.vector_load %arg9[%get3A_1452, %get3A_1453] {strides = array<i32>} : memref<128x64xf32, #tpu.memory_space<vmem>>, vector<16xf32>,
        %sub3A_1455 = arith.subf %get3A_1454, %gather3A_1441 : vector<16xf32>
        %mul3A_1456 = arith.mulf %gather3A_1451, %get3A_3 : vector<16xf32>
        %mul3A_1457 = arith.mulf %sub3A_1455, %mul3A_1456 : vector<16xf32>
        %add3A_1458 = arith.addf %mul3A_1457, %get3A_11 : vector<16xf32>
        %swap3A_1459 = arith.index_cast %add3A_1429 : i32 to index
        %swap3A_1460 = arith.constant 0 : index
        %swap3A_1461 = tpu.vector_load %arg11[%swap3A_1459, %swap3A_1460] {strides = array<i32>} : memref<128x64xf32, #tpu.memory_space<vmem>>, vector<16xf32>,
        tpu.vector_store %arg11[%swap3A_1459, %swap3A_1460], %add3A_1458 {strides = array<i32>} : memref<128x64xf32, #tpu.memory_space<vmem>>, vector<16xf32>,
        %get3A_1462 = arith.index_cast %add3A_1429 : i32 to index
        %get3A_1463 = arith.constant 16 : index
        %get3A_1464 = tpu.vector_load %arg9[%get3A_1462, %get3A_1463] {strides = array<i32>} : memref<128x64xf32, #tpu.memory_space<vmem>>, vector<16xf32>,
        %sub3A_1465 = arith.subf %get3A_1464, %gather3A_1441 : vector<16xf32>
        %mul3A_1466 = arith.mulf %gather3A_1451, %get3A_5 : vector<16xf32>
        %mul3A_1467 = arith.mulf %sub3A_1465, %mul3A_1466 : vector<16xf32>
        %add3A_1468 = arith.addf %mul3A_1467, %get3A_13 : vector<16xf32>
        %swap3A_1469 = arith.index_cast %add3A_1429 : i32 to index
        %swap3A_1470 = arith.constant 16 : index
        %swap3A_1471 = tpu.vector_load %arg11[%swap3A_1469, %swap3A_1470] {strides = array<i32>} : memref<128x64xf32, #tpu.memory_space<vmem>>, vector<16xf32>,
        tpu.vector_store %arg11[%swap3A_1469, %swap3A_1470], %add3A_1468 {strides = array<i32>} : memref<128x64xf32, #tpu.memory_space<vmem>>, vector<16xf32>,
        %get3A_1472 = arith.index_cast %add3A_1429 : i32 to index
        %get3A_1473 = arith.constant 32 : index
        %get3A_1474 = tpu.vector_load %arg9[%get3A_1472, %get3A_1473] {strides = array<i32>} : memref<128x64xf32, #tpu.memory_space<vmem>>, vector<16xf32>,
        %sub3A_1475 = arith.subf %get3A_1474, %gather3A_1441 : vector<16xf32>
        %mul3A_1476 = arith.mulf %gather3A_1451, %get3A_7 : vector<16xf32>
        %mul3A_1477 = arith.mulf %sub3A_1475, %mul3A_1476 : vector<16xf32>
        %add3A_1478 = arith.addf %mul3A_1477, %get3A_15 : vector<16xf32>
        %swap3A_1479 = arith.index_cast %add3A_1429 : i32 to index
        %swap3A_1480 = arith.constant 32 : index
        %swap3A_1481 = tpu.vector_load %arg11[%swap3A_1479, %swap3A_1480] {strides = array<i32>} : memref<128x64xf32, #tpu.memory_space<vmem>>, vector<16xf32>,
        tpu.vector_store %arg11[%swap3A_1479, %swap3A_1480], %add3A_1478 {strides = array<i32>} : memref<128x64xf32, #tpu.memory_space<vmem>>, vector<16xf32>,
        %get3A_1482 = arith.index_cast %add3A_1429 : i32 to index
        %get3A_1483 = arith.constant 48 : index
        %get3A_1484 = tpu.vector_load %arg9[%get3A_1482, %get3A_1483] {strides = array<i32>} : memref<128x64xf32, #tpu.memory_space<vmem>>, vector<16xf32>,
        %sub3A_1485 = arith.subf %get3A_1484, %gather3A_1441 : vector<16xf32>
        %mul3A_1486 = arith.mulf %gather3A_1451, %get3A_9 : vector<16xf32>
        %mul3A_1487 = arith.mulf %sub3A_1485, %mul3A_1486 : vector<16xf32>
        %add3A_1488 = arith.addf %mul3A_1487, %get3A_17 : vector<16xf32>
        %swap3A_1489 = arith.index_cast %add3A_1429 : i32 to index
        %swap3A_1490 = arith.constant 48 : index
        %swap3A_1491 = tpu.vector_load %arg11[%swap3A_1489, %swap3A_1490] {strides = array<i32>} : memref<128x64xf32, #tpu.memory_space<vmem>>, vector<16xf32>,
        tpu.vector_store %arg11[%swap3A_1489, %swap3A_1490], %add3A_1488 {strides = array<i32>} : memref<128x64xf32, #tpu.memory_space<vmem>>, vector<16xf32>,
        %add3A_1492 = arith.constant 11 : i32
        %add3A_1493 = arith.addi %mul3A_121, %add3A_1492 : i32
        %broadcast_in_dim3A_1494 = arith.constant 11 : i32
        %broadcast_in_dim3A_1495 = vector.broadcast %broadcast_in_dim3A_1494 : i32 to vector<16xi32>
        %lt3A_1496 = arith.constant 0 : i32
        %lt3A_1497 = vector.broadcast %lt3A_1496 : i32 to vector<16xi32>
        %lt3A_1498 = arith.cmpi slt, %broadcast_in_dim3A_1495, %lt3A_1497 : vector<16xi32>
        %add3A_1499 = arith.constant 16 : i32
        %add3A_1500 = vector.broadcast %add3A_1499 : i32 to vector<16xi32>
        %add3A_1501 = arith.addi %broadcast_in_dim3A_1495, %add3A_1500 : vector<16xi32>
        %select_n3A_1502 = arith.select %lt3A_1498, %add3A_1501, %broadcast_in_dim3A_1495 : vector<16xi1>, vector<16xi32>
        %broadcast_in_dim3A_1503 = vector.shape_cast %select_n3A_1502 : vector<16xi32> to vector<16x1xi32>
        %gather3A_1504 = vector.shape_cast %broadcast_in_dim3A_1503 : vector<16x1xi32> to vector<16xi32>
        %gather3A_1505 = tpu.dynamic_gather %mul3A_758[%gather3A_1504] in [0] : vector<16xf32>, vector<16xi32> -> vector<16xf32>
        %lt3A_1506 = arith.constant 0 : i32
        %lt3A_1507 = vector.broadcast %lt3A_1506 : i32 to vector<16xi32>
        %lt3A_1508 = arith.cmpi slt, %broadcast_in_dim3A_1495, %lt3A_1507 : vector<16xi32>
        %add3A_1509 = arith.constant 16 : i32
        %add3A_1510 = vector.broadcast %add3A_1509 : i32 to vector<16xi32>
        %add3A_1511 = arith.addi %broadcast_in_dim3A_1495, %add3A_1510 : vector<16xi32>
        %select_n3A_1512 = arith.select %lt3A_1508, %add3A_1511, %broadcast_in_dim3A_1495 : vector<16xi1>, vector<16xi32>
        %broadcast_in_dim3A_1513 = vector.shape_cast %select_n3A_1512 : vector<16xi32> to vector<16x1xi32>
        %gather3A_1514 = vector.shape_cast %broadcast_in_dim3A_1513 : vector<16x1xi32> to vector<16xi32>
        %gather3A_1515 = tpu.dynamic_gather %mul3A_788[%gather3A_1514] in [0] : vector<16xf32>, vector<16xi32> -> vector<16xf32>
        %get3A_1516 = arith.index_cast %add3A_1493 : i32 to index
        %get3A_1517 = arith.constant 0 : index
        %get3A_1518 = tpu.vector_load %arg9[%get3A_1516, %get3A_1517] {strides = array<i32>} : memref<128x64xf32, #tpu.memory_space<vmem>>, vector<16xf32>,
        %sub3A_1519 = arith.subf %get3A_1518, %gather3A_1505 : vector<16xf32>
        %mul3A_1520 = arith.mulf %gather3A_1515, %get3A_3 : vector<16xf32>
        %mul3A_1521 = arith.mulf %sub3A_1519, %mul3A_1520 : vector<16xf32>
        %add3A_1522 = arith.addf %mul3A_1521, %get3A_11 : vector<16xf32>
        %swap3A_1523 = arith.index_cast %add3A_1493 : i32 to index
        %swap3A_1524 = arith.constant 0 : index
        %swap3A_1525 = tpu.vector_load %arg11[%swap3A_1523, %swap3A_1524] {strides = array<i32>} : memref<128x64xf32, #tpu.memory_space<vmem>>, vector<16xf32>,
        tpu.vector_store %arg11[%swap3A_1523, %swap3A_1524], %add3A_1522 {strides = array<i32>} : memref<128x64xf32, #tpu.memory_space<vmem>>, vector<16xf32>,
        %get3A_1526 = arith.index_cast %add3A_1493 : i32 to index
        %get3A_1527 = arith.constant 16 : index
        %get3A_1528 = tpu.vector_load %arg9[%get3A_1526, %get3A_1527] {strides = array<i32>} : memref<128x64xf32, #tpu.memory_space<vmem>>, vector<16xf32>,
        %sub3A_1529 = arith.subf %get3A_1528, %gather3A_1505 : vector<16xf32>
        %mul3A_1530 = arith.mulf %gather3A_1515, %get3A_5 : vector<16xf32>
        %mul3A_1531 = arith.mulf %sub3A_1529, %mul3A_1530 : vector<16xf32>
        %add3A_1532 = arith.addf %mul3A_1531, %get3A_13 : vector<16xf32>
        %swap3A_1533 = arith.index_cast %add3A_1493 : i32 to index
        %swap3A_1534 = arith.constant 16 : index
        %swap3A_1535 = tpu.vector_load %arg11[%swap3A_1533, %swap3A_1534] {strides = array<i32>} : memref<128x64xf32, #tpu.memory_space<vmem>>, vector<16xf32>,
        tpu.vector_store %arg11[%swap3A_1533, %swap3A_1534], %add3A_1532 {strides = array<i32>} : memref<128x64xf32, #tpu.memory_space<vmem>>, vector<16xf32>,
        %get3A_1536 = arith.index_cast %add3A_1493 : i32 to index
        %get3A_1537 = arith.constant 32 : index
        %get3A_1538 = tpu.vector_load %arg9[%get3A_1536, %get3A_1537] {strides = array<i32>} : memref<128x64xf32, #tpu.memory_space<vmem>>, vector<16xf32>,
        %sub3A_1539 = arith.subf %get3A_1538, %gather3A_1505 : vector<16xf32>
        %mul3A_1540 = arith.mulf %gather3A_1515, %get3A_7 : vector<16xf32>
        %mul3A_1541 = arith.mulf %sub3A_1539, %mul3A_1540 : vector<16xf32>
        %add3A_1542 = arith.addf %mul3A_1541, %get3A_15 : vector<16xf32>
        %swap3A_1543 = arith.index_cast %add3A_1493 : i32 to index
        %swap3A_1544 = arith.constant 32 : index
        %swap3A_1545 = tpu.vector_load %arg11[%swap3A_1543, %swap3A_1544] {strides = array<i32>} : memref<128x64xf32, #tpu.memory_space<vmem>>, vector<16xf32>,
        tpu.vector_store %arg11[%swap3A_1543, %swap3A_1544], %add3A_1542 {strides = array<i32>} : memref<128x64xf32, #tpu.memory_space<vmem>>, vector<16xf32>,
        %get3A_1546 = arith.index_cast %add3A_1493 : i32 to index
        %get3A_1547 = arith.constant 48 : index
        %get3A_1548 = tpu.vector_load %arg9[%get3A_1546, %get3A_1547] {strides = array<i32>} : memref<128x64xf32, #tpu.memory_space<vmem>>, vector<16xf32>,
        %sub3A_1549 = arith.subf %get3A_1548, %gather3A_1505 : vector<16xf32>
        %mul3A_1550 = arith.mulf %gather3A_1515, %get3A_9 : vector<16xf32>
        %mul3A_1551 = arith.mulf %sub3A_1549, %mul3A_1550 : vector<16xf32>
        %add3A_1552 = arith.addf %mul3A_1551, %get3A_17 : vector<16xf32>
        %swap3A_1553 = arith.index_cast %add3A_1493 : i32 to index
        %swap3A_1554 = arith.constant 48 : index
        %swap3A_1555 = tpu.vector_load %arg11[%swap3A_1553, %swap3A_1554] {strides = array<i32>} : memref<128x64xf32, #tpu.memory_space<vmem>>, vector<16xf32>,
        tpu.vector_store %arg11[%swap3A_1553, %swap3A_1554], %add3A_1552 {strides = array<i32>} : memref<128x64xf32, #tpu.memory_space<vmem>>, vector<16xf32>,
        %add3A_1556 = arith.constant 12 : i32
        %add3A_1557 = arith.addi %mul3A_121, %add3A_1556 : i32
        %broadcast_in_dim3A_1558 = arith.constant 12 : i32
        %broadcast_in_dim3A_1559 = vector.broadcast %broadcast_in_dim3A_1558 : i32 to vector<16xi32>
        %lt3A_1560 = arith.constant 0 : i32
        %lt3A_1561 = vector.broadcast %lt3A_1560 : i32 to vector<16xi32>
        %lt3A_1562 = arith.cmpi slt, %broadcast_in_dim3A_1559, %lt3A_1561 : vector<16xi32>
        %add3A_1563 = arith.constant 16 : i32
        %add3A_1564 = vector.broadcast %add3A_1563 : i32 to vector<16xi32>
        %add3A_1565 = arith.addi %broadcast_in_dim3A_1559, %add3A_1564 : vector<16xi32>
        %select_n3A_1566 = arith.select %lt3A_1562, %add3A_1565, %broadcast_in_dim3A_1559 : vector<16xi1>, vector<16xi32>
        %broadcast_in_dim3A_1567 = vector.shape_cast %select_n3A_1566 : vector<16xi32> to vector<16x1xi32>
        %gather3A_1568 = vector.shape_cast %broadcast_in_dim3A_1567 : vector<16x1xi32> to vector<16xi32>
        %gather3A_1569 = tpu.dynamic_gather %mul3A_758[%gather3A_1568] in [0] : vector<16xf32>, vector<16xi32> -> vector<16xf32>
        %lt3A_1570 = arith.constant 0 : i32
        %lt3A_1571 = vector.broadcast %lt3A_1570 : i32 to vector<16xi32>
        %lt3A_1572 = arith.cmpi slt, %broadcast_in_dim3A_1559, %lt3A_1571 : vector<16xi32>
        %add3A_1573 = arith.constant 16 : i32
        %add3A_1574 = vector.broadcast %add3A_1573 : i32 to vector<16xi32>
        %add3A_1575 = arith.addi %broadcast_in_dim3A_1559, %add3A_1574 : vector<16xi32>
        %select_n3A_1576 = arith.select %lt3A_1572, %add3A_1575, %broadcast_in_dim3A_1559 : vector<16xi1>, vector<16xi32>
        %broadcast_in_dim3A_1577 = vector.shape_cast %select_n3A_1576 : vector<16xi32> to vector<16x1xi32>
        %gather3A_1578 = vector.shape_cast %broadcast_in_dim3A_1577 : vector<16x1xi32> to vector<16xi32>
        %gather3A_1579 = tpu.dynamic_gather %mul3A_788[%gather3A_1578] in [0] : vector<16xf32>, vector<16xi32> -> vector<16xf32>
        %get3A_1580 = arith.index_cast %add3A_1557 : i32 to index
        %get3A_1581 = arith.constant 0 : index
        %get3A_1582 = tpu.vector_load %arg9[%get3A_1580, %get3A_1581] {strides = array<i32>} : memref<128x64xf32, #tpu.memory_space<vmem>>, vector<16xf32>,
        %sub3A_1583 = arith.subf %get3A_1582, %gather3A_1569 : vector<16xf32>
        %mul3A_1584 = arith.mulf %gather3A_1579, %get3A_3 : vector<16xf32>
        %mul3A_1585 = arith.mulf %sub3A_1583, %mul3A_1584 : vector<16xf32>
        %add3A_1586 = arith.addf %mul3A_1585, %get3A_11 : vector<16xf32>
        %swap3A_1587 = arith.index_cast %add3A_1557 : i32 to index
        %swap3A_1588 = arith.constant 0 : index
        %swap3A_1589 = tpu.vector_load %arg11[%swap3A_1587, %swap3A_1588] {strides = array<i32>} : memref<128x64xf32, #tpu.memory_space<vmem>>, vector<16xf32>,
        tpu.vector_store %arg11[%swap3A_1587, %swap3A_1588], %add3A_1586 {strides = array<i32>} : memref<128x64xf32, #tpu.memory_space<vmem>>, vector<16xf32>,
        %get3A_1590 = arith.index_cast %add3A_1557 : i32 to index
        %get3A_1591 = arith.constant 16 : index
        %get3A_1592 = tpu.vector_load %arg9[%get3A_1590, %get3A_1591] {strides = array<i32>} : memref<128x64xf32, #tpu.memory_space<vmem>>, vector<16xf32>,
        %sub3A_1593 = arith.subf %get3A_1592, %gather3A_1569 : vector<16xf32>
        %mul3A_1594 = arith.mulf %gather3A_1579, %get3A_5 : vector<16xf32>
        %mul3A_1595 = arith.mulf %sub3A_1593, %mul3A_1594 : vector<16xf32>
        %add3A_1596 = arith.addf %mul3A_1595, %get3A_13 : vector<16xf32>
        %swap3A_1597 = arith.index_cast %add3A_1557 : i32 to index
        %swap3A_1598 = arith.constant 16 : index
        %swap3A_1599 = tpu.vector_load %arg11[%swap3A_1597, %swap3A_1598] {strides = array<i32>} : memref<128x64xf32, #tpu.memory_space<vmem>>, vector<16xf32>,
        tpu.vector_store %arg11[%swap3A_1597, %swap3A_1598], %add3A_1596 {strides = array<i32>} : memref<128x64xf32, #tpu.memory_space<vmem>>, vector<16xf32>,
        %get3A_1600 = arith.index_cast %add3A_1557 : i32 to index
        %get3A_1601 = arith.constant 32 : index
        %get3A_1602 = tpu.vector_load %arg9[%get3A_1600, %get3A_1601] {strides = array<i32>} : memref<128x64xf32, #tpu.memory_space<vmem>>, vector<16xf32>,
        %sub3A_1603 = arith.subf %get3A_1602, %gather3A_1569 : vector<16xf32>
        %mul3A_1604 = arith.mulf %gather3A_1579, %get3A_7 : vector<16xf32>
        %mul3A_1605 = arith.mulf %sub3A_1603, %mul3A_1604 : vector<16xf32>
        %add3A_1606 = arith.addf %mul3A_1605, %get3A_15 : vector<16xf32>
        %swap3A_1607 = arith.index_cast %add3A_1557 : i32 to index
        %swap3A_1608 = arith.constant 32 : index
        %swap3A_1609 = tpu.vector_load %arg11[%swap3A_1607, %swap3A_1608] {strides = array<i32>} : memref<128x64xf32, #tpu.memory_space<vmem>>, vector<16xf32>,
        tpu.vector_store %arg11[%swap3A_1607, %swap3A_1608], %add3A_1606 {strides = array<i32>} : memref<128x64xf32, #tpu.memory_space<vmem>>, vector<16xf32>,
        %get3A_1610 = arith.index_cast %add3A_1557 : i32 to index
        %get3A_1611 = arith.constant 48 : index
        %get3A_1612 = tpu.vector_load %arg9[%get3A_1610, %get3A_1611] {strides = array<i32>} : memref<128x64xf32, #tpu.memory_space<vmem>>, vector<16xf32>,
        %sub3A_1613 = arith.subf %get3A_1612, %gather3A_1569 : vector<16xf32>
        %mul3A_1614 = arith.mulf %gather3A_1579, %get3A_9 : vector<16xf32>
        %mul3A_1615 = arith.mulf %sub3A_1613, %mul3A_1614 : vector<16xf32>
        %add3A_1616 = arith.addf %mul3A_1615, %get3A_17 : vector<16xf32>
        %swap3A_1617 = arith.index_cast %add3A_1557 : i32 to index
        %swap3A_1618 = arith.constant 48 : index
        %swap3A_1619 = tpu.vector_load %arg11[%swap3A_1617, %swap3A_1618] {strides = array<i32>} : memref<128x64xf32, #tpu.memory_space<vmem>>, vector<16xf32>,
        tpu.vector_store %arg11[%swap3A_1617, %swap3A_1618], %add3A_1616 {strides = array<i32>} : memref<128x64xf32, #tpu.memory_space<vmem>>, vector<16xf32>,
        %add3A_1620 = arith.constant 13 : i32
        %add3A_1621 = arith.addi %mul3A_121, %add3A_1620 : i32
        %broadcast_in_dim3A_1622 = arith.constant 13 : i32
        %broadcast_in_dim3A_1623 = vector.broadcast %broadcast_in_dim3A_1622 : i32 to vector<16xi32>
        %lt3A_1624 = arith.constant 0 : i32
        %lt3A_1625 = vector.broadcast %lt3A_1624 : i32 to vector<16xi32>
        %lt3A_1626 = arith.cmpi slt, %broadcast_in_dim3A_1623, %lt3A_1625 : vector<16xi32>
        %add3A_1627 = arith.constant 16 : i32
        %add3A_1628 = vector.broadcast %add3A_1627 : i32 to vector<16xi32>
        %add3A_1629 = arith.addi %broadcast_in_dim3A_1623, %add3A_1628 : vector<16xi32>
        %select_n3A_1630 = arith.select %lt3A_1626, %add3A_1629, %broadcast_in_dim3A_1623 : vector<16xi1>, vector<16xi32>
        %broadcast_in_dim3A_1631 = vector.shape_cast %select_n3A_1630 : vector<16xi32> to vector<16x1xi32>
        %gather3A_1632 = vector.shape_cast %broadcast_in_dim3A_1631 : vector<16x1xi32> to vector<16xi32>
        %gather3A_1633 = tpu.dynamic_gather %mul3A_758[%gather3A_1632] in [0] : vector<16xf32>, vector<16xi32> -> vector<16xf32>
        %lt3A_1634 = arith.constant 0 : i32
        %lt3A_1635 = vector.broadcast %lt3A_1634 : i32 to vector<16xi32>
        %lt3A_1636 = arith.cmpi slt, %broadcast_in_dim3A_1623, %lt3A_1635 : vector<16xi32>
        %add3A_1637 = arith.constant 16 : i32
        %add3A_1638 = vector.broadcast %add3A_1637 : i32 to vector<16xi32>
        %add3A_1639 = arith.addi %broadcast_in_dim3A_1623, %add3A_1638 : vector<16xi32>
        %select_n3A_1640 = arith.select %lt3A_1636, %add3A_1639, %broadcast_in_dim3A_1623 : vector<16xi1>, vector<16xi32>
        %broadcast_in_dim3A_1641 = vector.shape_cast %select_n3A_1640 : vector<16xi32> to vector<16x1xi32>
        %gather3A_1642 = vector.shape_cast %broadcast_in_dim3A_1641 : vector<16x1xi32> to vector<16xi32>
        %gather3A_1643 = tpu.dynamic_gather %mul3A_788[%gather3A_1642] in [0] : vector<16xf32>, vector<16xi32> -> vector<16xf32>
        %get3A_1644 = arith.index_cast %add3A_1621 : i32 to index
        %get3A_1645 = arith.constant 0 : index
        %get3A_1646 = tpu.vector_load %arg9[%get3A_1644, %get3A_1645] {strides = array<i32>} : memref<128x64xf32, #tpu.memory_space<vmem>>, vector<16xf32>,
        %sub3A_1647 = arith.subf %get3A_1646, %gather3A_1633 : vector<16xf32>
        %mul3A_1648 = arith.mulf %gather3A_1643, %get3A_3 : vector<16xf32>
        %mul3A_1649 = arith.mulf %sub3A_1647, %mul3A_1648 : vector<16xf32>
        %add3A_1650 = arith.addf %mul3A_1649, %get3A_11 : vector<16xf32>
        %swap3A_1651 = arith.index_cast %add3A_1621 : i32 to index
        %swap3A_1652 = arith.constant 0 : index
        %swap3A_1653 = tpu.vector_load %arg11[%swap3A_1651, %swap3A_1652] {strides = array<i32>} : memref<128x64xf32, #tpu.memory_space<vmem>>, vector<16xf32>,
        tpu.vector_store %arg11[%swap3A_1651, %swap3A_1652], %add3A_1650 {strides = array<i32>} : memref<128x64xf32, #tpu.memory_space<vmem>>, vector<16xf32>,
        %get3A_1654 = arith.index_cast %add3A_1621 : i32 to index
        %get3A_1655 = arith.constant 16 : index
        %get3A_1656 = tpu.vector_load %arg9[%get3A_1654, %get3A_1655] {strides = array<i32>} : memref<128x64xf32, #tpu.memory_space<vmem>>, vector<16xf32>,
        %sub3A_1657 = arith.subf %get3A_1656, %gather3A_1633 : vector<16xf32>
        %mul3A_1658 = arith.mulf %gather3A_1643, %get3A_5 : vector<16xf32>
        %mul3A_1659 = arith.mulf %sub3A_1657, %mul3A_1658 : vector<16xf32>
        %add3A_1660 = arith.addf %mul3A_1659, %get3A_13 : vector<16xf32>
        %swap3A_1661 = arith.index_cast %add3A_1621 : i32 to index
        %swap3A_1662 = arith.constant 16 : index
        %swap3A_1663 = tpu.vector_load %arg11[%swap3A_1661, %swap3A_1662] {strides = array<i32>} : memref<128x64xf32, #tpu.memory_space<vmem>>, vector<16xf32>,
        tpu.vector_store %arg11[%swap3A_1661, %swap3A_1662], %add3A_1660 {strides = array<i32>} : memref<128x64xf32, #tpu.memory_space<vmem>>, vector<16xf32>,
        %get3A_1664 = arith.index_cast %add3A_1621 : i32 to index
        %get3A_1665 = arith.constant 32 : index
        %get3A_1666 = tpu.vector_load %arg9[%get3A_1664, %get3A_1665] {strides = array<i32>} : memref<128x64xf32, #tpu.memory_space<vmem>>, vector<16xf32>,
        %sub3A_1667 = arith.subf %get3A_1666, %gather3A_1633 : vector<16xf32>
        %mul3A_1668 = arith.mulf %gather3A_1643, %get3A_7 : vector<16xf32>
        %mul3A_1669 = arith.mulf %sub3A_1667, %mul3A_1668 : vector<16xf32>
        %add3A_1670 = arith.addf %mul3A_1669, %get3A_15 : vector<16xf32>
        %swap3A_1671 = arith.index_cast %add3A_1621 : i32 to index
        %swap3A_1672 = arith.constant 32 : index
        %swap3A_1673 = tpu.vector_load %arg11[%swap3A_1671, %swap3A_1672] {strides = array<i32>} : memref<128x64xf32, #tpu.memory_space<vmem>>, vector<16xf32>,
        tpu.vector_store %arg11[%swap3A_1671, %swap3A_1672], %add3A_1670 {strides = array<i32>} : memref<128x64xf32, #tpu.memory_space<vmem>>, vector<16xf32>,
        %get3A_1674 = arith.index_cast %add3A_1621 : i32 to index
        %get3A_1675 = arith.constant 48 : index
        %get3A_1676 = tpu.vector_load %arg9[%get3A_1674, %get3A_1675] {strides = array<i32>} : memref<128x64xf32, #tpu.memory_space<vmem>>, vector<16xf32>,
        %sub3A_1677 = arith.subf %get3A_1676, %gather3A_1633 : vector<16xf32>
        %mul3A_1678 = arith.mulf %gather3A_1643, %get3A_9 : vector<16xf32>
        %mul3A_1679 = arith.mulf %sub3A_1677, %mul3A_1678 : vector<16xf32>
        %add3A_1680 = arith.addf %mul3A_1679, %get3A_17 : vector<16xf32>
        %swap3A_1681 = arith.index_cast %add3A_1621 : i32 to index
        %swap3A_1682 = arith.constant 48 : index
        %swap3A_1683 = tpu.vector_load %arg11[%swap3A_1681, %swap3A_1682] {strides = array<i32>} : memref<128x64xf32, #tpu.memory_space<vmem>>, vector<16xf32>,
        tpu.vector_store %arg11[%swap3A_1681, %swap3A_1682], %add3A_1680 {strides = array<i32>} : memref<128x64xf32, #tpu.memory_space<vmem>>, vector<16xf32>,
        %add3A_1684 = arith.constant 14 : i32
        %add3A_1685 = arith.addi %mul3A_121, %add3A_1684 : i32
        %broadcast_in_dim3A_1686 = arith.constant 14 : i32
        %broadcast_in_dim3A_1687 = vector.broadcast %broadcast_in_dim3A_1686 : i32 to vector<16xi32>
        %lt3A_1688 = arith.constant 0 : i32
        %lt3A_1689 = vector.broadcast %lt3A_1688 : i32 to vector<16xi32>
        %lt3A_1690 = arith.cmpi slt, %broadcast_in_dim3A_1687, %lt3A_1689 : vector<16xi32>
        %add3A_1691 = arith.constant 16 : i32
        %add3A_1692 = vector.broadcast %add3A_1691 : i32 to vector<16xi32>
        %add3A_1693 = arith.addi %broadcast_in_dim3A_1687, %add3A_1692 : vector<16xi32>
        %select_n3A_1694 = arith.select %lt3A_1690, %add3A_1693, %broadcast_in_dim3A_1687 : vector<16xi1>, vector<16xi32>
        %broadcast_in_dim3A_1695 = vector.shape_cast %select_n3A_1694 : vector<16xi32> to vector<16x1xi32>
        %gather3A_1696 = vector.shape_cast %broadcast_in_dim3A_1695 : vector<16x1xi32> to vector<16xi32>
        %gather3A_1697 = tpu.dynamic_gather %mul3A_758[%gather3A_1696] in [0] : vector<16xf32>, vector<16xi32> -> vector<16xf32>
        %lt3A_1698 = arith.constant 0 : i32
        %lt3A_1699 = vector.broadcast %lt3A_1698 : i32 to vector<16xi32>
        %lt3A_1700 = arith.cmpi slt, %broadcast_in_dim3A_1687, %lt3A_1699 : vector<16xi32>
        %add3A_1701 = arith.constant 16 : i32
        %add3A_1702 = vector.broadcast %add3A_1701 : i32 to vector<16xi32>
        %add3A_1703 = arith.addi %broadcast_in_dim3A_1687, %add3A_1702 : vector<16xi32>
        %select_n3A_1704 = arith.select %lt3A_1700, %add3A_1703, %broadcast_in_dim3A_1687 : vector<16xi1>, vector<16xi32>
        %broadcast_in_dim3A_1705 = vector.shape_cast %select_n3A_1704 : vector<16xi32> to vector<16x1xi32>
        %gather3A_1706 = vector.shape_cast %broadcast_in_dim3A_1705 : vector<16x1xi32> to vector<16xi32>
        %gather3A_1707 = tpu.dynamic_gather %mul3A_788[%gather3A_1706] in [0] : vector<16xf32>, vector<16xi32> -> vector<16xf32>
        %get3A_1708 = arith.index_cast %add3A_1685 : i32 to index
        %get3A_1709 = arith.constant 0 : index
        %get3A_1710 = tpu.vector_load %arg9[%get3A_1708, %get3A_1709] {strides = array<i32>} : memref<128x64xf32, #tpu.memory_space<vmem>>, vector<16xf32>,
        %sub3A_1711 = arith.subf %get3A_1710, %gather3A_1697 : vector<16xf32>
        %mul3A_1712 = arith.mulf %gather3A_1707, %get3A_3 : vector<16xf32>
        %mul3A_1713 = arith.mulf %sub3A_1711, %mul3A_1712 : vector<16xf32>
        %add3A_1714 = arith.addf %mul3A_1713, %get3A_11 : vector<16xf32>
        %swap3A_1715 = arith.index_cast %add3A_1685 : i32 to index
        %swap3A_1716 = arith.constant 0 : index
        %swap3A_1717 = tpu.vector_load %arg11[%swap3A_1715, %swap3A_1716] {strides = array<i32>} : memref<128x64xf32, #tpu.memory_space<vmem>>, vector<16xf32>,
        tpu.vector_store %arg11[%swap3A_1715, %swap3A_1716], %add3A_1714 {strides = array<i32>} : memref<128x64xf32, #tpu.memory_space<vmem>>, vector<16xf32>,
        %get3A_1718 = arith.index_cast %add3A_1685 : i32 to index
        %get3A_1719 = arith.constant 16 : index
        %get3A_1720 = tpu.vector_load %arg9[%get3A_1718, %get3A_1719] {strides = array<i32>} : memref<128x64xf32, #tpu.memory_space<vmem>>, vector<16xf32>,
        %sub3A_1721 = arith.subf %get3A_1720, %gather3A_1697 : vector<16xf32>
        %mul3A_1722 = arith.mulf %gather3A_1707, %get3A_5 : vector<16xf32>
        %mul3A_1723 = arith.mulf %sub3A_1721, %mul3A_1722 : vector<16xf32>
        %add3A_1724 = arith.addf %mul3A_1723, %get3A_13 : vector<16xf32>
        %swap3A_1725 = arith.index_cast %add3A_1685 : i32 to index
        %swap3A_1726 = arith.constant 16 : index
        %swap3A_1727 = tpu.vector_load %arg11[%swap3A_1725, %swap3A_1726] {strides = array<i32>} : memref<128x64xf32, #tpu.memory_space<vmem>>, vector<16xf32>,
        tpu.vector_store %arg11[%swap3A_1725, %swap3A_1726], %add3A_1724 {strides = array<i32>} : memref<128x64xf32, #tpu.memory_space<vmem>>, vector<16xf32>,
        %get3A_1728 = arith.index_cast %add3A_1685 : i32 to index
        %get3A_1729 = arith.constant 32 : index
        %get3A_1730 = tpu.vector_load %arg9[%get3A_1728, %get3A_1729] {strides = array<i32>} : memref<128x64xf32, #tpu.memory_space<vmem>>, vector<16xf32>,
        %sub3A_1731 = arith.subf %get3A_1730, %gather3A_1697 : vector<16xf32>
        %mul3A_1732 = arith.mulf %gather3A_1707, %get3A_7 : vector<16xf32>
        %mul3A_1733 = arith.mulf %sub3A_1731, %mul3A_1732 : vector<16xf32>
        %add3A_1734 = arith.addf %mul3A_1733, %get3A_15 : vector<16xf32>
        %swap3A_1735 = arith.index_cast %add3A_1685 : i32 to index
        %swap3A_1736 = arith.constant 32 : index
        %swap3A_1737 = tpu.vector_load %arg11[%swap3A_1735, %swap3A_1736] {strides = array<i32>} : memref<128x64xf32, #tpu.memory_space<vmem>>, vector<16xf32>,
        tpu.vector_store %arg11[%swap3A_1735, %swap3A_1736], %add3A_1734 {strides = array<i32>} : memref<128x64xf32, #tpu.memory_space<vmem>>, vector<16xf32>,
        %get3A_1738 = arith.index_cast %add3A_1685 : i32 to index
        %get3A_1739 = arith.constant 48 : index
        %get3A_1740 = tpu.vector_load %arg9[%get3A_1738, %get3A_1739] {strides = array<i32>} : memref<128x64xf32, #tpu.memory_space<vmem>>, vector<16xf32>,
        %sub3A_1741 = arith.subf %get3A_1740, %gather3A_1697 : vector<16xf32>
        %mul3A_1742 = arith.mulf %gather3A_1707, %get3A_9 : vector<16xf32>
        %mul3A_1743 = arith.mulf %sub3A_1741, %mul3A_1742 : vector<16xf32>
        %add3A_1744 = arith.addf %mul3A_1743, %get3A_17 : vector<16xf32>
        %swap3A_1745 = arith.index_cast %add3A_1685 : i32 to index
        %swap3A_1746 = arith.constant 48 : index
        %swap3A_1747 = tpu.vector_load %arg11[%swap3A_1745, %swap3A_1746] {strides = array<i32>} : memref<128x64xf32, #tpu.memory_space<vmem>>, vector<16xf32>,
        tpu.vector_store %arg11[%swap3A_1745, %swap3A_1746], %add3A_1744 {strides = array<i32>} : memref<128x64xf32, #tpu.memory_space<vmem>>, vector<16xf32>,
        %add3A_1748 = arith.constant 15 : i32
        %add3A_1749 = arith.addi %mul3A_121, %add3A_1748 : i32
        %broadcast_in_dim3A_1750 = arith.constant 15 : i32
        %broadcast_in_dim3A_1751 = vector.broadcast %broadcast_in_dim3A_1750 : i32 to vector<16xi32>
        %lt3A_1752 = arith.constant 0 : i32
        %lt3A_1753 = vector.broadcast %lt3A_1752 : i32 to vector<16xi32>
        %lt3A_1754 = arith.cmpi slt, %broadcast_in_dim3A_1751, %lt3A_1753 : vector<16xi32>
        %add3A_1755 = arith.constant 16 : i32
        %add3A_1756 = vector.broadcast %add3A_1755 : i32 to vector<16xi32>
        %add3A_1757 = arith.addi %broadcast_in_dim3A_1751, %add3A_1756 : vector<16xi32>
        %select_n3A_1758 = arith.select %lt3A_1754, %add3A_1757, %broadcast_in_dim3A_1751 : vector<16xi1>, vector<16xi32>
        %broadcast_in_dim3A_1759 = vector.shape_cast %select_n3A_1758 : vector<16xi32> to vector<16x1xi32>
        %gather3A_1760 = vector.shape_cast %broadcast_in_dim3A_1759 : vector<16x1xi32> to vector<16xi32>
        %gather3A_1761 = tpu.dynamic_gather %mul3A_758[%gather3A_1760] in [0] : vector<16xf32>, vector<16xi32> -> vector<16xf32>
        %lt3A_1762 = arith.constant 0 : i32
        %lt3A_1763 = vector.broadcast %lt3A_1762 : i32 to vector<16xi32>
        %lt3A_1764 = arith.cmpi slt, %broadcast_in_dim3A_1751, %lt3A_1763 : vector<16xi32>
        %add3A_1765 = arith.constant 16 : i32
        %add3A_1766 = vector.broadcast %add3A_1765 : i32 to vector<16xi32>
        %add3A_1767 = arith.addi %broadcast_in_dim3A_1751, %add3A_1766 : vector<16xi32>
        %select_n3A_1768 = arith.select %lt3A_1764, %add3A_1767, %broadcast_in_dim3A_1751 : vector<16xi1>, vector<16xi32>
        %broadcast_in_dim3A_1769 = vector.shape_cast %select_n3A_1768 : vector<16xi32> to vector<16x1xi32>
        %gather3A_1770 = vector.shape_cast %broadcast_in_dim3A_1769 : vector<16x1xi32> to vector<16xi32>
        %gather3A_1771 = tpu.dynamic_gather %mul3A_788[%gather3A_1770] in [0] : vector<16xf32>, vector<16xi32> -> vector<16xf32>
        %get3A_1772 = arith.index_cast %add3A_1749 : i32 to index
        %get3A_1773 = arith.constant 0 : index
        %get3A_1774 = tpu.vector_load %arg9[%get3A_1772, %get3A_1773] {strides = array<i32>} : memref<128x64xf32, #tpu.memory_space<vmem>>, vector<16xf32>,
        %sub3A_1775 = arith.subf %get3A_1774, %gather3A_1761 : vector<16xf32>
        %mul3A_1776 = arith.mulf %gather3A_1771, %get3A_3 : vector<16xf32>
        %mul3A_1777 = arith.mulf %sub3A_1775, %mul3A_1776 : vector<16xf32>
        %add3A_1778 = arith.addf %mul3A_1777, %get3A_11 : vector<16xf32>
        %swap3A_1779 = arith.index_cast %add3A_1749 : i32 to index
        %swap3A_1780 = arith.constant 0 : index
        %swap3A_1781 = tpu.vector_load %arg11[%swap3A_1779, %swap3A_1780] {strides = array<i32>} : memref<128x64xf32, #tpu.memory_space<vmem>>, vector<16xf32>,
        tpu.vector_store %arg11[%swap3A_1779, %swap3A_1780], %add3A_1778 {strides = array<i32>} : memref<128x64xf32, #tpu.memory_space<vmem>>, vector<16xf32>,
        %get3A_1782 = arith.index_cast %add3A_1749 : i32 to index
        %get3A_1783 = arith.constant 16 : index
        %get3A_1784 = tpu.vector_load %arg9[%get3A_1782, %get3A_1783] {strides = array<i32>} : memref<128x64xf32, #tpu.memory_space<vmem>>, vector<16xf32>,
        %sub3A_1785 = arith.subf %get3A_1784, %gather3A_1761 : vector<16xf32>
        %mul3A_1786 = arith.mulf %gather3A_1771, %get3A_5 : vector<16xf32>
        %mul3A_1787 = arith.mulf %sub3A_1785, %mul3A_1786 : vector<16xf32>
        %add3A_1788 = arith.addf %mul3A_1787, %get3A_13 : vector<16xf32>
        %swap3A_1789 = arith.index_cast %add3A_1749 : i32 to index
        %swap3A_1790 = arith.constant 16 : index
        %swap3A_1791 = tpu.vector_load %arg11[%swap3A_1789, %swap3A_1790] {strides = array<i32>} : memref<128x64xf32, #tpu.memory_space<vmem>>, vector<16xf32>,
        tpu.vector_store %arg11[%swap3A_1789, %swap3A_1790], %add3A_1788 {strides = array<i32>} : memref<128x64xf32, #tpu.memory_space<vmem>>, vector<16xf32>,
        %get3A_1792 = arith.index_cast %add3A_1749 : i32 to index
        %get3A_1793 = arith.constant 32 : index
        %get3A_1794 = tpu.vector_load %arg9[%get3A_1792, %get3A_1793] {strides = array<i32>} : memref<128x64xf32, #tpu.memory_space<vmem>>, vector<16xf32>,
        %sub3A_1795 = arith.subf %get3A_1794, %gather3A_1761 : vector<16xf32>
        %mul3A_1796 = arith.mulf %gather3A_1771, %get3A_7 : vector<16xf32>
        %mul3A_1797 = arith.mulf %sub3A_1795, %mul3A_1796 : vector<16xf32>
        %add3A_1798 = arith.addf %mul3A_1797, %get3A_15 : vector<16xf32>
        %swap3A_1799 = arith.index_cast %add3A_1749 : i32 to index
        %swap3A_1800 = arith.constant 32 : index
        %swap3A_1801 = tpu.vector_load %arg11[%swap3A_1799, %swap3A_1800] {strides = array<i32>} : memref<128x64xf32, #tpu.memory_space<vmem>>, vector<16xf32>,
        tpu.vector_store %arg11[%swap3A_1799, %swap3A_1800], %add3A_1798 {strides = array<i32>} : memref<128x64xf32, #tpu.memory_space<vmem>>, vector<16xf32>,
        %get3A_1802 = arith.index_cast %add3A_1749 : i32 to index
        %get3A_1803 = arith.constant 48 : index
        %get3A_1804 = tpu.vector_load %arg9[%get3A_1802, %get3A_1803] {strides = array<i32>} : memref<128x64xf32, #tpu.memory_space<vmem>>, vector<16xf32>,
        %sub3A_1805 = arith.subf %get3A_1804, %gather3A_1761 : vector<16xf32>
        %mul3A_1806 = arith.mulf %gather3A_1771, %get3A_9 : vector<16xf32>
        %mul3A_1807 = arith.mulf %sub3A_1805, %mul3A_1806 : vector<16xf32>
        %add3A_1808 = arith.addf %mul3A_1807, %get3A_17 : vector<16xf32>
        %swap3A_1809 = arith.index_cast %add3A_1749 : i32 to index
        %swap3A_1810 = arith.constant 48 : index
        %swap3A_1811 = tpu.vector_load %arg11[%swap3A_1809, %swap3A_1810] {strides = array<i32>} : memref<128x64xf32, #tpu.memory_space<vmem>>, vector<16xf32>,
        tpu.vector_store %arg11[%swap3A_1809, %swap3A_1810], %add3A_1808 {strides = array<i32>} : memref<128x64xf32, #tpu.memory_space<vmem>>, vector<16xf32>,
        %scan3A_1812 = arith.constant 0 : i32
        scf.yield %scan3A_1812 : i32
      }
      %scan3A_102 = arith.constant 8 : i32
      %mul3A_103 = arith.constant 128 : i32
      %mul3A_104 = arith.muli %add3A_84, %mul3A_103 : i32
      %add3A_105 = arith.addi %mul3A_2, %mul3A_104 : i32
      %dma_start3A_106 = arith.constant 0 : i32
      %dma_start3A_107 = tpu.memref_slice %arg6[%add3A_105, %dma_start3A_106] : memref<819200x64xf32, #tpu.memory_space<hbm>> -> memref<128x64xf32, #tpu.memory_space<hbm>>
      %dma_start3A_108 = arith.constant 0 : i32
      %dma_start3A_109 = tpu.memref_slice %arg6[%add3A_105, %dma_start3A_108] : memref<819200x64xf32, #tpu.memory_space<hbm>> -> memref<128x64xf32, #tpu.memory_space<hbm>>
      tpu.enqueue_dma source(%arg11 : memref<128x64xf32, #tpu.memory_space<vmem>>) target(%dma_start3A_109 : memref<128x64xf32, #tpu.memory_space<hbm>>) target_semaphore(%arg19 : memref<!tpu.dma_semaphore, #tpu.memory_space<semaphore_mem>>)
      %add3A_110 = arith.constant 2 : i32
      %add3A_111 = arith.addi %add3A_84, %add3A_110 : i32
      %lt3A_112 = arith.constant 200 : i32
      %lt3A_113 = arith.cmpi slt, %add3A_111, %lt3A_112 : i32
      %convert_element_type3A_114 = arith.extui %lt3A_113 : i1 to i32
      %cond3A_115 = arith.constant 0 : i32
      %cond3A_116 = arith.cmpi ne, %convert_element_type3A_114, %cond3A_115 : i32
      scf.if %cond3A_116 {
        %add3A_118 = arith.constant 2 : i32
        %add3A_119 = arith.addi %add3A_84, %add3A_118 : i32
        %dma_start3A_120 = arith.constant 0 : i32
        %dma_start3A_121 = tpu.memref_slice %arg7[%add3A_119, %dma_start3A_120] : memref<200x128xi32, #tpu.memory_space<vmem>> -> memref<1x128xi32, #tpu.memory_space<vmem>>
        %dma_start3A_122 = tpu.memref_squeeze %dma_start3A_121 : memref<1x128xi32, #tpu.memory_space<vmem>> -> memref<128xi32, #tpu.memory_space<vmem>>
        %dma_start3A_123 = arith.constant 0 : i32
        %dma_start3A_124 = arith.constant 0 : i32
        %dma_start3A_125 = tpu.memref_slice %arg2[%dma_start3A_123, %dma_start3A_124] : memref<1000000x64xf32, #tpu.memory_space<hbm>> -> memref<1000000x64xf32, #tpu.memory_space<hbm>>
        tpu.enqueue_indirect_dma source(%dma_start3A_125 : memref<1000000x64xf32, #tpu.memory_space<hbm>>) target(%arg9 : memref<128x64xf32, #tpu.memory_space<vmem>>) offsets(%dma_start3A_122 : memref<128xi32, #tpu.memory_space<vmem>>) semaphore(%arg17 : memref<!tpu.dma_semaphore, #tpu.memory_space<semaphore_mem>>)
      } else {
      }
      %scan3A_117 = arith.constant 0 : i32
      scf.yield %scan3A_117 : i32
    }
    %scan3A_37 = arith.constant 100 : i32
    %add3A_38 = arith.constant 25344 : i32
    %add3A_39 = arith.addi %mul3A_2, %add3A_38 : i32
    %dma_wait3A = arith.constant 0 : i32
    %dma_wait3A_40 = tpu.memref_slice %arg6[%add3A_39, %dma_wait3A] : memref<819200x64xf32, #tpu.memory_space<hbm>> -> memref<128x64xf32, #tpu.memory_space<hbm>>
    %dma_wait3A_41 = arith.constant 0 : i32
    %dma_wait3A_42 = tpu.memref_slice %arg6[%add3A_39, %dma_wait3A_41] : memref<819200x64xf32, #tpu.memory_space<hbm>> -> memref<128x64xf32, #tpu.memory_space<hbm>>
    tpu.wait_dma2 semaphore(%arg18 : memref<!tpu.dma_semaphore, #tpu.memory_space<semaphore_mem>>) src(%arg10 : memref<128x64xf32, #tpu.memory_space<vmem>>) dst(%dma_wait3A_42 : memref<128x64xf32, #tpu.memory_space<hbm>>)
    %add3A_43 = arith.constant 25472 : i32
    %add3A_44 = arith.addi %mul3A_2, %add3A_43 : i32
    %dma_wait3A_45 = arith.constant 0 : i32
    %dma_wait3A_46 = tpu.memref_slice %arg6[%add3A_44, %dma_wait3A_45] : memref<819200x64xf32, #tpu.memory_space<hbm>> -> memref<128x64xf32, #tpu.memory_space<hbm>>
    %dma_wait3A_47 = arith.constant 0 : i32
    %dma_wait3A_48 = tpu.memref_slice %arg6[%add3A_44, %dma_wait3A_47] : memref<819200x64xf32, #tpu.memory_space<hbm>> -> memref<128x64xf32, #tpu.memory_space<hbm>>
    tpu.wait_dma2 semaphore(%arg19 : memref<!tpu.dma_semaphore, #tpu.memory_space<semaphore_mem>>) src(%arg11 : memref<128x64xf32, #tpu.memory_space<vmem>>) dst(%dma_wait3A_48 : memref<128x64xf32, #tpu.memory_space<hbm>>)
    return
  }
}

</mosaic_0001>

<sc_bundles>
// kernel: kernel.3.cloned.1.call-start
scs
__scs_entry_jumppad:
0x0: {  	(pc) =	sbr.rel $0x88, $3  }
0x1: {  	(tag) =	ssettag $0x0;
	lr =	simm.s32 $0x1  }
0x2: {  	[smem:$0x3F9D] =	sst lr;
	_ =	strace $0xD0000000  }
0x3: {  	_ = 	snop  }
0x4: {  	_ = 	snop  }
0x5: {  	_ = 	snop  }
0x6: {  	_ = 	snop  }
0x7: {  	_ = 	snop  }
__scs_overlays_trampoline_lowered:
0x8: {  	[smem:$0x3FAC] =	sst s0  }
0x9: {  	[smem:$0x3FAD] =	sst s1  }
0xa: {  	[smem:$0x3FAE] =	sst s2  }
0xb: {  	[smem:$0x3FAF] =	sst s3  }
0xc: {  	[smem:$0x3FB0] =	sst s4  }
0xd: {  	[smem:$0x3FB1] =	sst s5  }
0xe: {  	[smem:$0x3FB2] =	sst s6  }
0xf: {  	[smem:$0x3FB3] =	sst s7  }
0x10: {  	[smem:$0x3FB4] =	sst s8  }
0x11: {  	[smem:$0x3FB5] =	sst s9;
	s0 =	simm.s32 @!p0 $0x0  }
0x12: {  	s1 =	sld [smem:$0x3F9B];
	s0 =	simm.s32 @p0 $0x1  }
0x13: {  	[smem:$0x3FB6] =	sst s0;
	s0 =	simm.s32 @!p1 $0x0  }
0x14: {  	s2 =	sld [smem:$0x3F9A];
	s0 =	simm.s32 @p1 $0x1  }
0x15: {  	[smem:$0x3FB7] =	sst s0;
	s0 =	simm.s32 @!p2 $0x0  }
0x16: {  	s3 =	sld [smem:$0x3FDB];
	s0 =	simm.s32 @p2 $0x1  }
0x17: {  	s4 =	simm.s32 $0x1BF5;
	[smem:$0x3FB9] =	sst s0  }
0x18: {  	s0 =	sld [smem:$0x3F9C];
	_ =	swait.ge [sflag:s4], $0x0  }
0x19: {  	s7 =	sld [smem:$0x3F9D]  }
0x1a: {  	s8 =	sadd.s32 $0xFFFFE003, lr  }
0x1b: {  	s9 =	sadd.s32 $0xFFFFFEF7, lr;
	s5 =	simm.s32 $0xFFFFFFFF;
	p2 =	slt.u32 s8, $0xFFFFF086  }
0x1c: {  	p1 =	slt.u32 s9, $0xF7A;
	s5 =	simm.s32 @!p2 $0x0  }
0x1d: {  	s5 =	simm.s32 @p1 $0x1;
	p0 =	seq.s32 s7, s2  }
0x1e: {  	s7 =	smul.u32 @!p0 $0xF7A, s2;
	p2 =	seq.s32 @!p0 s5, $0x0  }
0x1f: {  	s9 =	smul.u32 $0xF7A, s1;
	s8 =	simm.s32 @!p0 $0x1BF5;
	p2 =	por !p2, p0  }
0x20: {  	[sflag:s8] =	ssyncset.s32 @!p0 $0xFFFFF086;
	s6 =	sadd.s32 @!p0 s3, s7;
	s7 =	simm.s32 @!p0 $0x108  }
0x21: {  	s3 =	sadd.s32 s3, s9;
	s6 =	sadd.s32 @!p0 $0x88, s6;
	s7 =	simm.s32 @p2 $0x1082  }
0x22: {  	[simem:s7], [sflag:s8] =	dma.local @!p0 [hbm:s6], $0xF7A  }
0x23: {  	s9 =	sor.u32 $0xD0000000, s2;
	s6 =	simm.s32 $0x108;
	_ =	swait.ge @!p0 [sflag:s8], $0x0  }
0x24: {  	s3 =	sadd.s32 $0x88, s3;
	s6 =	simm.s32 @!p1 $0x1082;
	[sflag:s4] =	ssyncset.s32 $0xFFFFF086  }
0x25: {  	[simem:s6], [sflag:s4] =	dma.local [hbm:s3], $0xF7A  }
0x26: {  	[smem:$0x3F9D] =	sst s1;
	(tag) =	ssettag s2;
	_ =	strace s9  }
0x27: {  	s1 =	sld [smem:$0x3FAD]  }
0x28: {  	s2 =	sld [smem:$0x3FAE]  }
0x29: {  	s4 =	sld [smem:$0x3FB0]  }
0x2a: {  	p0 =	seq.s32 s5, $0x0;
	s5 =	sld [smem:$0x3FB1]  }
0x2b: {  	s6 =	sld [smem:$0x3FB2]  }
0x2c: {  	s7 =	sld [smem:$0x3FB3]  }
0x2d: {  	s3 =	simm.s32 $0x108;
	s8 =	sld [smem:$0x3FB4]  }
0x2e: {  	s3 =	simm.s32 @!p0 $0x1082;
	s9 =	sld [smem:$0x3FB5]  }
0x2f: {  	lr =	sadd.s32 s0, s3;
	s0 =	sld [smem:$0x3FAC]  }
0x30: {  	s3 =	sld [smem:$0x3FAF]  }
0x31: {  	[smem:$0x3FB8] =	sst s10  }
0x32: {  	s10 =	sld [smem:$0x3FB6];
	_ =	sdelay $0x3  }
0x33: {  	p0 =	seq.s32 s10, $0x1;
	s10 =	sld [smem:$0x3FB8];
	_ =	sdelay $0x3  }
0x34: {  	[smem:$0x3FB8] =	sst s10  }
0x35: {  	s10 =	sld [smem:$0x3FB7];
	_ =	sdelay $0x3  }
0x36: {  	p1 =	seq.s32 s10, $0x1;
	s10 =	sld [smem:$0x3FB8];
	_ =	sdelay $0x3  }
0x37: {  	[smem:$0x3FB8] =	sst s10  }
0x38: {  	s10 =	sld [smem:$0x3FB9]  }
0x39: {  	_ = 	snop;
	(pc) =	sbr.ind lr, $3  }
0x3a: {  	_ = 	snop  }
0x3b: {  	_ = 	snop  }
0x3c: {  	p2 =	seq.s32 s10, $0x1;
	s10 =	sld [smem:$0x3FB8]  }
0x3d: {  	_ =	shalt  }
0x3e: {  	_ =	shalt  }
0x3f: {  	_ =	shalt  }
0x40: {  	_ =	shalt  }
0x41: {  	_ =	shalt  }
0x42: {  	_ =	shalt  }
0x43: {  	_ =	shalt  }
0x44: {  	_ =	shalt  }
0x45: {  	_ =	shalt  }
0x46: {  	_ =	shalt  }
0x47: {  	_ =	shalt  }
0x48: {  	_ =	shalt  }
0x49: {  	_ =	shalt  }
0x4a: {  	_ =	shalt  }
0x4b: {  	_ =	shalt  }
0x4c: {  	_ =	shalt  }
0x4d: {  	_ =	shalt  }
0x4e: {  	_ =	shalt  }
0x4f: {  	_ =	shalt  }
0x50: {  	_ =	shalt  }
0x51: {  	_ =	shalt  }
0x52: {  	_ =	shalt  }
0x53: {  	_ =	shalt  }
0x54: {  	_ =	shalt  }
0x55: {  	_ =	shalt  }
0x56: {  	_ =	shalt  }
0x57: {  	_ =	shalt  }
0x58: {  	_ =	shalt  }
0x59: {  	_ =	shalt  }
0x5a: {  	_ =	shalt  }
0x5b: {  	_ =	shalt  }
0x5c: {  	_ =	shalt  }
0x5d: {  	_ =	shalt  }
0x5e: {  	_ =	shalt  }
0x5f: {  	_ =	shalt  }
0x60: {  	_ =	shalt  }
0x61: {  	_ =	shalt  }
0x62: {  	_ =	shalt  }
0x63: {  	_ =	shalt  }
0x64: {  	_ =	shalt  }
0x65: {  	_ =	shalt  }
0x66: {  	_ =	shalt  }
0x67: {  	_ =	shalt  }
0x68: {  	_ =	shalt  }
0x69: {  	_ =	shalt  }
0x6a: {  	_ =	shalt  }
0x6b: {  	_ =	shalt  }
0x6c: {  	_ =	shalt  }
0x6d: {  	_ =	shalt  }
0x6e: {  	_ =	shalt  }
0x6f: {  	_ =	shalt  }
0x70: {  	_ =	shalt  }
0x71: {  	_ =	shalt  }
0x72: {  	_ =	shalt  }
0x73: {  	_ =	shalt  }
0x74: {  	_ =	shalt  }
0x75: {  	_ =	shalt  }
0x76: {  	_ =	shalt  }
0x77: {  	_ =	shalt  }
0x78: {  	_ =	shalt  }
0x79: {  	_ =	shalt  }
0x7a: {  	_ =	shalt  }
0x7b: {  	_ =	shalt  }
0x7c: {  	_ =	shalt  }
0x7d: {  	_ =	shalt  }
0x7e: {  	_ =	shalt  }
0x7f: {  	_ =	shalt  }
0x80: {  	_ =	shalt  }
0x81: {  	_ =	shalt  }
0x82: {  	_ =	shalt  }
0x83: {  	_ =	shalt  }
0x84: {  	_ =	shalt  }
0x85: {  	_ =	shalt  }
0x86: {  	_ =	shalt  }
0x87: {  	_ =	shalt  }
.Lfunc_end0:
.L_simem_size_0:
called_computation.1_lowered:
.L_overlay_start_0:
0x88: {  	s2 =	sld [smem:$0x3FD9]  }
0x89: {  	s3 =	sld [smem:$0x3FFE];
	_ =	sdelay $0x1  }
0x8a: {  	s1 =	srdreg.scid  }
0x8b: {  	s0 =	sand.u32 $0x1, s1  }
0x8c: {  	s17 =	sshll.u32 s0, $0xA;
	s2 =	sadd.s32 s3, s2  }
0x8d: {  	s2 =	sadd.s32 s2, s17  }
0x8e: {  	[smem:$0x3FC4] =	sst s2  }
0x8f: {  	_ = 	snop  }
0x90: {  	s2 =	sld [smem:$0x3FC7]  }
0x91: {  	s18 =	sld [smem:$0x3FC6]  }
0x92: {  	s4 =	sld [smem:$0x3FD0];
	(tm) =	ssettm $0x1  }
0x93: {  	s5 =	sld [smem:$0x3FFB];
	_ =	sdelay $0x3  }
0x94: {  	_ =	strace s5  }
0x95: {  	s5 =	sld [smem:$0x3FFC];
	_ =	sdelay $0x3  }
0x96: {  	_ =	strace s5  }
0x97: {  	s5 =	sld [smem:$0x3FFD];
	_ =	sdelay $0x3  }
0x98: {  	_ =	strace s5  }
0x99: {  	_ =	strace $0x8FFFFFFF  }
0x9a: {  	s19 =	sld [smem:$0x3FDB];
	_ =	sdelay $0x1  }
0x9b: {  	s6 =	simm.s32 $_scs_section_size  }
0x9c: {  	s7 =	simm.s32 $_size__tile_overlayer_lowered;
	s8 =	simm.s32 $_tile_overlayer_lowered  }
0x9d: {  	s22 =	simm.s32 $0x1BFF;
	s21 =	sshll.u32 s8, $0x1;
	s5 =	sadd.s32 s6, s19  }
0x9e: {  	s9 =	simm.s32 $0x0;
	s20 =	sshll.u32 s7, $0x1;
	s7 =	sadd.s32 s21, s5  }
0x9f: {  	[timem:s9], [sflag:s22] =	dma.local [hbm:s7], s20  }
0xa0: {  	_ =	swait.ge [sflag:s22], s20  }
0xa1: {  	s6 =	ssub.s32 $0x0, s20;
	[sflag:s22] =	ssyncset.done $0x0  }
0xa2: {  	[sflag:s22] =	ssyncadd.s32 s6;
	_ =	sdelay $0x1  }
0xa3: {  	s23 =	simm.s32 $0x1B8B  }
0xa4: {  	_ =	swait.ge [sflag:s23], $0x1  }
0xa5: {  	[sflag:s23] =	ssyncset.done $0x0  }
0xa6: {  	s25 =	simm.s32 $0x1B8E;
	s24 =	sld [smem:$0x3FFE];
	[sflag:s23] =	ssyncadd.s32 $0xFFFFFFFF  }
0xa7: {  	s26 =	simm.s32 $execute0_lowered;
	[smem:$0x3FD2] =	sst s25  }
0xa8: {  	s7 =	sshll.u32 s26, $0x1;
	_ =	strace $0x80000046;
	[dreg:$0x1] =	wrdreg $0xFFFFFFFF  }
0xa9: {  	s28 =	simm.s32 $_size_execute0_lowered;
	s5 =	sadd.s32 s5, s7;
	[dreg:$0x0] =	wrdreg $0x0  }
0xaa: {  	s7 =	sshll.u32 s28, $0x1;
	[dreg:$0x2] =	wrdreg s5  }
0xab: {  	[dreg:$0x3] =	wrdreg s7  }
0xac: {  	[dreg:$0x4] =	wrdreg $0xC0  }
0xad: {  	_ =	task [dreg:s9], $0x5FFFF  }
0xae: {  	[dreg:$0x1] =	wrdreg $0xFFFFFFFF  }
0xaf: {  	[dreg:$0x0] =	wrdreg $0x60  }
0xb0: {  	[dreg:$0x2] =	wrdreg s24  }
0xb1: {  	[dreg:$0x3] =	wrdreg s2  }
0xb2: {  	[dreg:$0x4] =	wrdreg s18  }
0xb3: {  	[dreg:$0x5] =	wrdreg s4  }
0xb4: {  	[dreg:$0x6] =	wrdreg $0x9  }
0xb5: {  	_ =	task.clear_ibuf [dreg:s9], $0x7FFFF;
	_ =	strace $0x90000046  }
0xb6: {  	s29 =	simm.s32 $0x9;
	_ =	strace $0x80000048  }
0xb7: {  	_ =	swait.ge [sflag:s29], $0x1  }
0xb8: {  	[sflag:s29] =	ssyncadd.s32 $0xFFFFFFFF  }
0xb9: {  	_ =	strace $0x90000048  }
0xba: {  	_ =	sfence  }
0xbb: {  	s30 =	sld [smem:$0x0];
	_ =	sdelay $0x2  }
0xbc: {  	s31 =	sshll.u32 s1, $0xD;
	s1 =	sshrl.u32 s1, $0x2  }
0xbd: {  	s3 =	sand.u32 $0x4000, s31;
	s1 =	sadd.s32 s1, s30  }
0xbe: {  	s0 =	sor.u32 s3, s0;
	s1 =	sshll.u32 s1, $0x11  }
0xbf: {  	s0 =	sor.u32 s1, s0  }
0xc0: {  	s0 =	sadd.s32 $0x8F2B, s0  }
0xc1: {  	[sflag:s0] =	ssyncadd.remote.s32 $0x1  }
0xc2: {  	_ =	sfence.sel $0xFFFF  }
0xc3: {  	[dreg:$0x0] =	wrdreg $0xFFFFFFFF;
	(pc) =	sbr.abs _section_cstart, $3  }
0xc4: {  	[dreg:$0x1] =	wrdreg $0xFFFFFFFF  }
0xc5: {  	_ =	task.clear_ibuf [dreg:s9], $0x2FFFF;
	_ =	strace $0x9FFFFFFF  }
0xc6: {  	(tm) =	ssettm $0x7FFFFFFF  }
0xc7: {  	_ =	shalt  }
tec
execute0_lowered:
.L_overlay_start_1:
0x0: {  	(tag) =	ssettag $0x1  }
0x1: {  	s7 =	rddreg [dreg:$0x0]  }
0x2: {  	s1 =	rddreg [dreg:$0x1]  }
0x3: {  	s2 =	rddreg [dreg:$0x2]  }
0x4: {  	s3 =	srdreg.scid;
	s0 =	stileid.u32  }
0x5: {  	s4 =	rddreg [dreg:$0x3];
	s5 =	simm.s32 $0x0;
	s12 =	simm.s32 $0xE600  }
0x6: {  	s13 =	simm.s32 $0xE640;
	s14 =	simm.s32 $0x80;
	s15 =	simm.s32 $0x6400  }
0x7: {  	s16 =	simm.s32 $0x8400;
	s17 =	simm.s32 $0x1;
	s18 =	simm.s32 $0xE400  }
0x8: {  	s19 =	simm.s32 $0xE500;
	s20 =	simm.s32 $0xA400;
	s21 =	simm.s32 $0x2  }
0x9: {  	v0 =	vlaneseq.u32;
	v18 =	vimm.s32 $0x1;
	v26 =	vimm.s32 $0x0;
	s22 =	simm.s32 $0x4;
	s6 =	sand.u32 $0x1, s3;
	s8 =	sshll.u32 s0, $0x1  }
0xa: {  	v27 =	vimm.s32 $0x2;
	v28 =	vimm.s32 $0x3;
	s23 =	simm.s32 $0xC400;
	s24 =	simm.s32 $0x3;
	v0 =	vmul.u32 $0x10, v0;
	s8 =	sor.u32 s6, s8  }
0xb: {  	v29 =	vimm.s32 $0x4;
	v30 =	vimm.s32 $0x5;
	v31 =	vimm.s32 $0x6;
	s25 =	simm.s32 $0x0;
	[smem:$0x7FF] =	sst s5;
	s9 =	smul.u32 $0xC80, s8  }
.Ltmp0:
0xc: {  	s3 =	rddreg [dreg:$0x4];
	_ =	strace $0x80000047;
	v1 =	vor.u32 $0x1, v0;
	v2 =	vor.u32 $0x2, v0;
	v3 =	vor.u32 $0x3, v0;
	(pc) =	sbr.rel .LBB2_1-.Ltmp0, $4  }
0xd: {  	s10 =	ssub.s32 $0x2, s6;
	s6 =	sadd.s32 $0xF42E00, s7;
	v4 =	vor.u32 $0x4, v0;
	s11 =	smul.u32 $0x32000, s8;
	v5 =	vor.u32 $0x5, v0;
	v6 =	vor.u32 $0x6, v0  }
0xe: {  	v7 =	vor.u32 $0x7, v0;
	s30 =	sshrl.u32 s10, $0x1;
	v8 =	vor.u32 $0x8, v0;
	v9 =	vor.u32 $0x9, v0;
	s8 =	smul.u32 $0x190000, s8;
	s7 =	sadd.s32 s9, s7  }
0xf: {  	v10 =	vor.u32 $0xA, v0;
	v11 =	vor.u32 $0xB, v0;
	v12 =	vor.u32 $0xC, v0;
	s9 =	ssub.s32 s10, s30;
	s31 =	sadd.s32 s11, s4;
	s11 =	simm.s32 $0x5  }
0x10: {  	v13 =	vor.u32 $0xD, v0;
	v14 =	vor.u32 $0xE, v0;
	v15 =	vor.u32 $0xF, v0;
	s7 =	sadd.s32 $0xA00, s7;
	s9 =	smax.u32 s9, $0x1;
	s10 =	sadd.s32 $0x400, s31  }
.LBB2_12:
0x11: {  	s25 =	sadd.s32 $0x1, s25  }
0x12: {  	_ =	swait.ge [sflag:s24], $0x2000;
	p0 =	sne.s32 s25, s9  }
.Ltmp1:
0x13: {  	[sflag:s24] =	ssyncset.done $0x0;
	(pc) =	sbr.rel @!p0 .LBB2_13-.Ltmp1, $4  }
0x14: {  	[sflag:s24] =	ssyncadd.s32 $0xFFFFE000  }
0x15: {  	v18 =	vimm.s32 $0x1;
	_ =	swait.ge [sflag:s22], $0x2000  }
0x16: {  	v26 =	vimm.s32 $0x0;
	v27 =	vimm.s32 $0x2;
	v28 =	vimm.s32 $0x3;
	[sflag:s22] =	ssyncset.done $0x0  }
0x17: {  	v29 =	vimm.s32 $0x4;
	v30 =	vimm.s32 $0x5;
	v31 =	vimm.s32 $0x6;
	[sflag:s22] =	ssyncadd.s32 $0xFFFFE000  }
.LBB2_1:
0x18: {  	[tilespmem:s5], [sflag:$0x5] =	stream.linear.gather [hbm4b:s7+s5], $0x6400, $0x38;
	[tilespmem:$0xE680] =	vst v63  }
0x19: {  	_ =	swait.ge [sflag:s11], $0x6400  }
0x1a: {  	[sflag:s11] =	ssyncset.done $0x0  }
0x1b: {  	[sflag:s11] =	ssyncadd.s32 $0xFFFF9C00  }
0x1c: {  	[tilespmem:s12], [sflag:$0x5] =	stream.linear.gather [hbm4b:s1+s5], $0x40, $0x38;
	[tilespmem:$0xE680] =	vst v63  }
0x1d: {  	_ =	swait.ge [sflag:s11], $0x40  }
0x1e: {  	[sflag:s11] =	ssyncset.done $0x0  }
0x1f: {  	[sflag:s11] =	ssyncadd.s32 $0xFFFFFFC0  }
0x20: {  	[tilespmem:s13], [sflag:$0x5] =	stream.linear.gather [hbm4b:s2+s5], $0x40, $0x38;
	[tilespmem:$0xE680] =	vst v63  }
0x21: {  	_ =	swait.ge [sflag:s11], $0x40  }
0x22: {  	[sflag:s11] =	ssyncset.done $0x0  }
0x23: {  	[sflag:s11] =	ssyncadd.s32 $0xFFFFFFC0  }
0x24: {  	v32 =	vld [tilespmem:$0xE600]  }
0x25: {  	v33 =	vld [tilespmem:$0xE610]  }
0x26: {  	v34 =	vld [tilespmem:$0xE620]  }
0x27: {  	v35 =	vld [tilespmem:$0xE630]  }
0x28: {  	v36 =	vld [tilespmem:$0xE640]  }
0x29: {  	v37 =	vld [tilespmem:$0xE650]  }
0x2a: {  	v38 =	vld [tilespmem:$0xE660]  }
0x2b: {  	v39 =	vld [tilespmem:$0xE670];
	[tilespmem:s15], [sflag:$0x1] =	stream.indirect.gather [hbm4b:s6+s14], $0x40, s5, s14, $0xb8  }
0x2c: {  	s26 =	simm.s32 $0x0  }
0x2d: {  	[tilespmem:s16], [sflag:$0x2] =	stream.indirect.gather [hbm4b:s6+s14], $0x40, s14, s14, $0xb8;
	[tilespmem:$0xE680] =	vst v63  }
.LBB2_2:
0x2e: {  	_ =	swait.ge [sflag:s17], $0x2000  }
0x2f: {  	p0 =	seq.s32 s26, $0x0;
	[sflag:s17] =	ssyncset.done $0x0  }
0x30: {  	s29 =	simm.s32 @!p0 $0x3;
	[sflag:s17] =	ssyncadd.s32 $0xFFFFE000  }
0x31: {  	_ =	swait.ge @!p0 [sflag:s29], $0x2000  }
0x32: {  	[sflag:s29] =	ssyncset.done @!p0 $0x0  }
0x33: {  	s28 =	sshll.u32 s26, $0xA;
	[sflag:s29] =	ssyncadd.s32 @!p0 $0xFFFFE000;
	s29 =	simm.s32 $0x0  }
.LBB2_3:
0x34: {  	s30 =	sshra.s32 s29, $0x2  }
0x35: {  	v40 =	vld [tilespmem:s30+$0x6400]  }
0x36: {  	v41 =	vld [tilespmem:s30+$0x6410]  }
0x37: {  	v42 =	vld [tilespmem:s30+$0x6420]  }
0x38: {  	v43 =	vld [tilespmem:s30+$0x6430];
	_ =	sdelay $0x3  }
0x39: {  	v44 =	vmul.f32 v40, v40;
	v45 =	vmul.f32 v41, v41  }
0x3a: {  	v46 =	vmul.f32 v42, v42;
	v47 =	vmul.f32 v43, v43  }
0x3b: {  	v40 =	vadd.f32 v41, v40;
	v23 =	vadd.f32 v43, v42  }
0x3c: {  	v45 =	vadd.f32 v45, v44;
	v48 =	vadd.f32 v47, v46  }
0x3d: {  	v40 =	vadd.f32 v23, v40  }
0x3e: {  	v49 =	vadd.f32 v48, v45  }
0x3f: {  	[tilespmem:$0xE400] =	vst v40  }
0x40: {  	[tilespmem:$0xE500] =	vst v49  }
0x41: {  	v40 =	vld [tilespmem:s30+$0x6440]  }
0x42: {  	v41 =	vld [tilespmem:s30+$0x6450]  }
0x43: {  	v50 =	vld [tilespmem:s30+$0x6460]  }
0x44: {  	v51 =	vld [tilespmem:s30+$0x6470];
	_ =	sdelay $0x3  }
0x45: {  	v52 =	vmul.f32 v40, v40;
	v53 =	vmul.f32 v41, v41  }
0x46: {  	v54 =	vmul.f32 v50, v50;
	v55 =	vmul.f32 v51, v51  }
0x47: {  	v40 =	vadd.f32 v41, v40;
	v56 =	vadd.f32 v51, v50  }
0x48: {  	v57 =	vadd.f32 v53, v52;
	v58 =	vadd.f32 v55, v54  }
0x49: {  	v40 =	vadd.f32 v56, v40  }
0x4a: {  	v59 =	vadd.f32 v58, v57  }
0x4b: {  	[tilespmem:$0xE410] =	vst v40  }
0x4c: {  	[tilespmem:$0xE510] =	vst v59  }
0x4d: {  	v40 =	vld [tilespmem:s30+$0x6480]  }
0x4e: {  	v41 =	vld [tilespmem:s30+$0x6490]  }
0x4f: {  	v60 =	vld [tilespmem:s30+$0x64A0]  }
0x50: {  	v61 =	vld [tilespmem:s30+$0x64B0];
	_ =	sdelay $0x3  }
0x51: {  	v62 =	vmul.f32 v40, v40;
	v63 =	vmul.f32 v41, v41  }
0x52: {  	v21 =	vmul.f32 v60, v60;
	v22 =	vmul.f32 v61, v61  }
0x53: {  	v40 =	vadd.f32 v41, v40;
	v23 =	vadd.f32 v61, v60  }
0x54: {  	v45 =	vadd.f32 v63, v62;
	v48 =	vadd.f32 v22, v21  }
0x55: {  	v40 =	vadd.f32 v23, v40  }
0x56: {  	v49 =	vadd.f32 v48, v45  }
0x57: {  	[tilespmem:$0xE420] =	vst v40  }
0x58: {  	[tilespmem:$0xE520] =	vst v49  }
0x59: {  	v40 =	vld [tilespmem:s30+$0x64C0]  }
0x5a: {  	v41 =	vld [tilespmem:s30+$0x64D0]  }
0x5b: {  	v50 =	vld [tilespmem:s30+$0x64E0]  }
0x5c: {  	v51 =	vld [tilespmem:s30+$0x64F0];
	_ =	sdelay $0x3  }
0x5d: {  	v52 =	vmul.f32 v40, v40;
	v53 =	vmul.f32 v41, v41  }
0x5e: {  	v54 =	vmul.f32 v50, v50;
	v55 =	vmul.f32 v51, v51  }
0x5f: {  	v40 =	vadd.f32 v41, v40;
	v56 =	vadd.f32 v51, v50  }
0x60: {  	v57 =	vadd.f32 v53, v52;
	v58 =	vadd.f32 v55, v54  }
0x61: {  	v40 =	vadd.f32 v56, v40  }
0x62: {  	v59 =	vadd.f32 v58, v57  }
0x63: {  	[tilespmem:$0xE430] =	vst v40  }
0x64: {  	[tilespmem:$0xE530] =	vst v59  }
0x65: {  	v40 =	vld [tilespmem:s30+$0x6500]  }
0x66: {  	v41 =	vld [tilespmem:s30+$0x6510]  }
0x67: {  	v60 =	vld [tilespmem:s30+$0x6520]  }
0x68: {  	v61 =	vld [tilespmem:s30+$0x6530];
	_ =	sdelay $0x3  }
0x69: {  	v62 =	vmul.f32 v40, v40;
	v63 =	vmul.f32 v41, v41  }
0x6a: {  	v21 =	vmul.f32 v60, v60;
	v22 =	vmul.f32 v61, v61  }
0x6b: {  	v40 =	vadd.f32 v41, v40;
	v23 =	vadd.f32 v61, v60  }
0x6c: {  	v45 =	vadd.f32 v63, v62;
	v48 =	vadd.f32 v22, v21  }
0x6d: {  	v40 =	vadd.f32 v23, v40  }
0x6e: {  	v49 =	vadd.f32 v48, v45  }
0x6f: {  	[tilespmem:$0xE440] =	vst v40  }
0x70: {  	[tilespmem:$0xE540] =	vst v49  }
0x71: {  	v40 =	vld [tilespmem:s30+$0x6540]  }
0x72: {  	v41 =	vld [tilespmem:s30+$0x6550]  }
0x73: {  	v50 =	vld [tilespmem:s30+$0x6560]  }
0x74: {  	v51 =	vld [tilespmem:s30+$0x6570];
	_ =	sdelay $0x3  }
0x75: {  	v52 =	vmul.f32 v40, v40;
	v53 =	vmul.f32 v41, v41  }
0x76: {  	v54 =	vmul.f32 v50, v50;
	v55 =	vmul.f32 v51, v51  }
0x77: {  	v40 =	vadd.f32 v41, v40;
	v56 =	vadd.f32 v51, v50  }
0x78: {  	v57 =	vadd.f32 v53, v52;
	v58 =	vadd.f32 v55, v54  }
0x79: {  	v40 =	vadd.f32 v56, v40  }
0x7a: {  	v59 =	vadd.f32 v58, v57  }
0x7b: {  	[tilespmem:$0xE450] =	vst v40  }
0x7c: {  	[tilespmem:$0xE550] =	vst v59  }
0x7d: {  	v40 =	vld [tilespmem:s30+$0x6580]  }
0x7e: {  	v41 =	vld [tilespmem:s30+$0x6590]  }
0x7f: {  	v60 =	vld [tilespmem:s30+$0x65A0]  }
0x80: {  	v61 =	vld [tilespmem:s30+$0x65B0];
	_ =	sdelay $0x3  }
0x81: {  	v62 =	vmul.f32 v40, v40;
	v63 =	vmul.f32 v41, v41  }
0x82: {  	v21 =	vmul.f32 v60, v60;
	v22 =	vmul.f32 v61, v61  }
0x83: {  	v40 =	vadd.f32 v41, v40;
	v23 =	vadd.f32 v61, v60  }
0x84: {  	v48 =	vadd.f32 v63, v62;
	v49 =	vadd.f32 v22, v21  }
0x85: {  	v40 =	vadd.f32 v23, v40  }
0x86: {  	v50 =	vadd.f32 v49, v48  }
0x87: {  	[tilespmem:$0xE460] =	vst v40  }
0x88: {  	[tilespmem:$0xE560] =	vst v50  }
0x89: {  	v40 =	vld [tilespmem:s30+$0x65C0]  }
0x8a: {  	v41 =	vld [tilespmem:s30+$0x65D0]  }
0x8b: {  	v51 =	vld [tilespmem:s30+$0x65E0]  }
0x8c: {  	v52 =	vld [tilespmem:s30+$0x65F0];
	_ =	sdelay $0x3  }
0x8d: {  	v53 =	vmul.f32 v40, v40;
	v54 =	vmul.f32 v41, v41  }
0x8e: {  	v55 =	vmul.f32 v51, v51;
	v56 =	vmul.f32 v52, v52  }
0x8f: {  	v40 =	vadd.f32 v41, v40;
	v57 =	vadd.f32 v52, v51  }
0x90: {  	v58 =	vadd.f32 v54, v53;
	v59 =	vadd.f32 v56, v55  }
0x91: {  	v40 =	vadd.f32 v57, v40  }
0x92: {  	v60 =	vadd.f32 v59, v58  }
0x93: {  	[tilespmem:$0xE470] =	vst v40  }
0x94: {  	[tilespmem:$0xE570] =	vst v60  }
0x95: {  	v40 =	vld [tilespmem:s30+$0x6600]  }
0x96: {  	v41 =	vld [tilespmem:s30+$0x6610]  }
0x97: {  	v61 =	vld [tilespmem:s30+$0x6620]  }
0x98: {  	v62 =	vld [tilespmem:s30+$0x6630];
	_ =	sdelay $0x3  }
0x99: {  	v63 =	vmul.f32 v40, v40;
	v21 =	vmul.f32 v41, v41  }
0x9a: {  	v22 =	vmul.f32 v61, v61;
	v23 =	vmul.f32 v62, v62  }
0x9b: {  	v40 =	vadd.f32 v41, v40;
	v48 =	vadd.f32 v62, v61  }
0x9c: {  	v49 =	vadd.f32 v21, v63;
	v50 =	vadd.f32 v23, v22  }
0x9d: {  	v40 =	vadd.f32 v48, v40  }
0x9e: {  	v51 =	vadd.f32 v50, v49  }
0x9f: {  	[tilespmem:$0xE480] =	vst v40  }
0xa0: {  	[tilespmem:$0xE580] =	vst v51  }
0xa1: {  	v40 =	vld [tilespmem:s30+$0x6640]  }
0xa2: {  	v41 =	vld [tilespmem:s30+$0x6650]  }
0xa3: {  	v52 =	vld [tilespmem:s30+$0x6660]  }
0xa4: {  	v53 =	vld [tilespmem:s30+$0x6670];
	_ =	sdelay $0x3  }
0xa5: {  	v54 =	vmul.f32 v40, v40;
	v55 =	vmul.f32 v41, v41  }
0xa6: {  	v56 =	vmul.f32 v52, v52;
	v57 =	vmul.f32 v53, v53  }
0xa7: {  	v40 =	vadd.f32 v41, v40;
	v58 =	vadd.f32 v53, v52  }
0xa8: {  	v59 =	vadd.f32 v55, v54;
	v60 =	vadd.f32 v57, v56  }
0xa9: {  	v40 =	vadd.f32 v58, v40  }
0xaa: {  	v61 =	vadd.f32 v60, v59  }
0xab: {  	[tilespmem:$0xE490] =	vst v40  }
0xac: {  	[tilespmem:$0xE590] =	vst v61  }
0xad: {  	v40 =	vld [tilespmem:s30+$0x6680]  }
0xae: {  	v41 =	vld [tilespmem:s30+$0x6690]  }
0xaf: {  	v62 =	vld [tilespmem:s30+$0x66A0]  }
0xb0: {  	v63 =	vld [tilespmem:s30+$0x66B0];
	_ =	sdelay $0x3  }
0xb1: {  	v21 =	vmul.f32 v40, v40;
	v22 =	vmul.f32 v41, v41  }
0xb2: {  	v23 =	vmul.f32 v62, v62;
	v48 =	vmul.f32 v63, v63  }
0xb3: {  	v40 =	vadd.f32 v41, v40;
	v49 =	vadd.f32 v63, v62  }
0xb4: {  	v50 =	vadd.f32 v22, v21;
	v51 =	vadd.f32 v48, v23  }
0xb5: {  	v40 =	vadd.f32 v49, v40  }
0xb6: {  	v52 =	vadd.f32 v51, v50  }
0xb7: {  	[tilespmem:$0xE4A0] =	vst v40  }
0xb8: {  	[tilespmem:$0xE5A0] =	vst v52  }
0xb9: {  	v40 =	vld [tilespmem:s30+$0x66C0]  }
0xba: {  	v41 =	vld [tilespmem:s30+$0x66D0]  }
0xbb: {  	v53 =	vld [tilespmem:s30+$0x66E0]  }
0xbc: {  	v54 =	vld [tilespmem:s30+$0x66F0];
	_ =	sdelay $0x3  }
0xbd: {  	v55 =	vmul.f32 v40, v40;
	v56 =	vmul.f32 v41, v41  }
0xbe: {  	v57 =	vmul.f32 v53, v53;
	v58 =	vmul.f32 v54, v54  }
0xbf: {  	v40 =	vadd.f32 v41, v40;
	v59 =	vadd.f32 v54, v53  }
0xc0: {  	v60 =	vadd.f32 v56, v55;
	v61 =	vadd.f32 v58, v57  }
0xc1: {  	v40 =	vadd.f32 v59, v40  }
0xc2: {  	v62 =	vadd.f32 v61, v60  }
0xc3: {  	[tilespmem:$0xE4B0] =	vst v40  }
0xc4: {  	[tilespmem:$0xE5B0] =	vst v62  }
0xc5: {  	v40 =	vld [tilespmem:s30+$0x6700]  }
0xc6: {  	v41 =	vld [tilespmem:s30+$0x6710]  }
0xc7: {  	v63 =	vld [tilespmem:s30+$0x6720]  }
0xc8: {  	v21 =	vld [tilespmem:s30+$0x6730];
	_ =	sdelay $0x3  }
0xc9: {  	v22 =	vmul.f32 v40, v40;
	v23 =	vmul.f32 v41, v41  }
0xca: {  	v48 =	vmul.f32 v63, v63;
	v49 =	vmul.f32 v21, v21  }
0xcb: {  	v40 =	vadd.f32 v41, v40;
	v50 =	vadd.f32 v21, v63  }
0xcc: {  	v51 =	vadd.f32 v23, v22;
	v52 =	vadd.f32 v49, v48  }
0xcd: {  	v40 =	vadd.f32 v50, v40  }
0xce: {  	v53 =	vadd.f32 v52, v51  }
0xcf: {  	[tilespmem:$0xE4C0] =	vst v40  }
0xd0: {  	[tilespmem:$0xE5C0] =	vst v53  }
0xd1: {  	v40 =	vld [tilespmem:s30+$0x6740]  }
0xd2: {  	v41 =	vld [tilespmem:s30+$0x6750]  }
0xd3: {  	v54 =	vld [tilespmem:s30+$0x6760]  }
0xd4: {  	v55 =	vld [tilespmem:s30+$0x6770];
	_ =	sdelay $0x3  }
0xd5: {  	v56 =	vmul.f32 v40, v40;
	v57 =	vmul.f32 v41, v41  }
0xd6: {  	v58 =	vmul.f32 v54, v54;
	v59 =	vmul.f32 v55, v55  }
0xd7: {  	v40 =	vadd.f32 v41, v40;
	v60 =	vadd.f32 v55, v54  }
0xd8: {  	v61 =	vadd.f32 v57, v56;
	v62 =	vadd.f32 v59, v58  }
0xd9: {  	v40 =	vadd.f32 v60, v40  }
0xda: {  	v63 =	vadd.f32 v62, v61  }
0xdb: {  	[tilespmem:$0xE4D0] =	vst v40  }
0xdc: {  	[tilespmem:$0xE5D0] =	vst v63  }
0xdd: {  	v40 =	vld [tilespmem:s30+$0x6780]  }
0xde: {  	v41 =	vld [tilespmem:s30+$0x6790]  }
0xdf: {  	v21 =	vld [tilespmem:s30+$0x67A0]  }
0xe0: {  	v22 =	vld [tilespmem:s30+$0x67B0];
	_ =	sdelay $0x3  }
0xe1: {  	v23 =	vmul.f32 v40, v40;
	v48 =	vmul.f32 v41, v41  }
0xe2: {  	v49 =	vmul.f32 v21, v21;
	v50 =	vmul.f32 v22, v22  }
0xe3: {  	v40 =	vadd.f32 v41, v40;
	v51 =	vadd.f32 v22, v21  }
0xe4: {  	v52 =	vadd.f32 v48, v23;
	v53 =	vadd.f32 v50, v49  }
0xe5: {  	v40 =	vadd.f32 v51, v40  }
0xe6: {  	v54 =	vadd.f32 v53, v52  }
0xe7: {  	[tilespmem:$0xE4E0] =	vst v40  }
0xe8: {  	[tilespmem:$0xE5E0] =	vst v54  }
0xe9: {  	v40 =	vld [tilespmem:s30+$0x67C0]  }
0xea: {  	v41 =	vld [tilespmem:s30+$0x67D0]  }
0xeb: {  	v55 =	vld [tilespmem:s30+$0x67E0]  }
0xec: {  	v56 =	vld [tilespmem:s30+$0x67F0];
	_ =	sdelay $0x3  }
0xed: {  	v57 =	vmul.f32 v40, v40;
	v58 =	vmul.f32 v41, v41  }
0xee: {  	v59 =	vmul.f32 v55, v55;
	v60 =	vmul.f32 v56, v56  }
0xef: {  	v40 =	vadd.f32 v41, v40;
	v61 =	vadd.f32 v56, v55  }
0xf0: {  	v62 =	vadd.f32 v58, v57;
	v63 =	vadd.f32 v60, v59  }
0xf1: {  	v40 =	vadd.f32 v61, v40  }
0xf2: {  	v21 =	vadd.f32 v63, v62  }
0xf3: {  	[tilespmem:$0xE4F0] =	vst v40  }
0xf4: {  	[tilespmem:$0xE5F0] =	vst v21  }
0xf5: {  	v40 =	vld.idx.msk [tilespmem:v0+s18+$0x0], $0xffff  }
0xf6: {  	v41 =	vld.idx.msk [tilespmem:v1+s18+$0x0], $0xffff  }
0xf7: {  	v42 =	vld.idx.msk [tilespmem:v2+s18+$0x0], $0xffff  }
0xf8: {  	v43 =	vld.idx.msk [tilespmem:v3+s18+$0x0], $0xffff  }
0xf9: {  	v44 =	vld.idx.msk [tilespmem:v4+s18+$0x0], $0xffff  }
0xfa: {  	v22 =	vld.idx.msk [tilespmem:v5+s18+$0x0], $0xffff  }
0xfb: {  	v23 =	vld.idx.msk [tilespmem:v6+s18+$0x0], $0xffff  }
0xfc: {  	v21 =	vld.idx.msk [tilespmem:v7+s18+$0x0], $0xffff  }
0xfd: {  	v48 =	vld.idx.msk [tilespmem:v8+s18+$0x0], $0xffff  }
0xfe: {  	v49 =	vld.idx.msk [tilespmem:v9+s18+$0x0], $0xffff  }
0xff: {  	v50 =	vld.idx.msk [tilespmem:v10+s18+$0x0], $0xffff  }
0x100: {  	v51 =	vld.idx.msk [tilespmem:v11+s18+$0x0], $0xffff  }
0x101: {  	v52 =	vld.idx.msk [tilespmem:v12+s18+$0x0], $0xffff  }
0x102: {  	v53 =	vld.idx.msk [tilespmem:v13+s18+$0x0], $0xffff  }
0x103: {  	v54 =	vld.idx.msk [tilespmem:v14+s18+$0x0], $0xffff  }
0x104: {  	v55 =	vld.idx.msk [tilespmem:v15+s18+$0x0], $0xffff  }
0x105: {  	v56 =	vld.idx.msk [tilespmem:v0+s19+$0x0], $0xffff  }
0x106: {  	v57 =	vld.idx.msk [tilespmem:v1+s19+$0x0], $0xffff  }
0x107: {  	v58 =	vld.idx.msk [tilespmem:v2+s19+$0x0], $0xffff  }
0x108: {  	v59 =	vld.idx.msk [tilespmem:v3+s19+$0x0], $0xffff  }
0x109: {  	v60 =	vld.idx.msk [tilespmem:v4+s19+$0x0], $0xffff  }
0x10a: {  	v61 =	vld.idx.msk [tilespmem:v5+s19+$0x0], $0xffff  }
0x10b: {  	v62 =	vld.idx.msk [tilespmem:v6+s19+$0x0], $0xffff  }
0x10c: {  	v63 =	vld.idx.msk [tilespmem:v7+s19+$0x0], $0xffff  }
0x10d: {  	v16 =	vld.idx.msk [tilespmem:v8+s19+$0x0], $0xffff  }
0x10e: {  	v17 =	vld.idx.msk [tilespmem:v9+s19+$0x0], $0xffff  }
0x10f: {  	v45 =	vld.idx.msk [tilespmem:v11+s19+$0x0], $0xffff;
	v40 =	vadd.f32 v41, v40;
	v41 =	vadd.f32 v43, v42  }
0x110: {  	v42 =	vld.idx.msk [tilespmem:v10+s19+$0x0], $0xffff;
	v22 =	vadd.f32 v22, v44;
	v23 =	vadd.f32 v21, v23  }
0x111: {  	v46 =	vadd.f32 v49, v48;
	v47 =	vadd.f32 v51, v50;
	v48 =	vld.idx.msk [tilespmem:v12+s19+$0x0], $0xffff  }
0x112: {  	v49 =	vadd.f32 v53, v52;
	v55 =	vadd.f32 v55, v54;
	v21 =	vld.idx.msk [tilespmem:v13+s19+$0x0], $0xffff  }
0x113: {  	v54 =	vld.idx.msk [tilespmem:v15+s19+$0x0], $0xffff;
	v57 =	vadd.f32 v57, v56;
	v58 =	vadd.f32 v59, v58  }
0x114: {  	v59 =	vadd.f32 v61, v60;
	v22 =	vadd.f32 v23, v22;
	v23 =	vld.idx.msk [tilespmem:v14+s19+$0x0], $0xffff  }
0x115: {  	v60 =	vadd.f32 v63, v62;
	v16 =	vadd.f32 v17, v16  }
0x116: {  	v40 =	vadd.f32 v41, v40;
	v52 =	vadd.f32 v47, v46  }
0x117: {  	v53 =	vadd.f32 v55, v49;
	v44 =	vadd.f32 v58, v57  }
0x118: {  	v62 =	vadd.f32 v60, v59;
	v17 =	vadd.f32 v45, v42  }
0x119: {  	v61 =	vadd.f32 v21, v48;
	v43 =	vadd.f32 v54, v23  }
0x11a: {  	v40 =	vadd.f32 v22, v40;
	v55 =	vadd.f32 v53, v52  }
0x11b: {  	v16 =	vadd.f32 v17, v16;
	v17 =	vadd.f32 v43, v61  }
0x11c: {  	v63 =	vadd.f32 v62, v44  }
0x11d: {  	v40 =	vadd.f32 v55, v40;
	v16 =	vadd.f32 v17, v16;
	_ =	sdelay $0x1  }
0x11e: {  	v40 =	vmul.f32 $1.562500000e-02, v40;
	v16 =	vadd.f32 v16, v63;
	_ =	sdelay $0x1  }
0x11f: {  	v17 =	vmul.f32 v40, v40;
	v16 =	vmul.f32 $1.562500000e-02, v16;
	_ =	sdelay $0x1  }
0x120: {  	v16 =	vsub.f32 v16, v17;
	_ =	sdelay $0x1  }
0x121: {  	v16 =	vadd.f32 $9.999999970e-07, v16;
	_ =	sdelay $0x1  }
0x122: {  	v17 =	vshra.s32 v16, $0x1;
	v16 =	vmul.f32 $5.000000000e-01, v16  }
0x123: {  	v17 =	vsub.s32 $0x5F3759DF, v17  }
0x124: {  	v21 =	vmul.f32 v17, v16;
	_ =	sdelay $0x1  }
0x125: {  	v41 =	vmul.f32 v17, v21;
	_ =	sdelay $0x1  }
0x126: {  	v41 =	vsub.f32 $1.500000000e+00, v41;
	_ =	sdelay $0x1  }
0x127: {  	v17 =	vmul.f32 v17, v41;
	_ =	sdelay $0x1  }
0x128: {  	v16 =	vmul.f32 v17, v16;
	_ =	sdelay $0x1  }
0x129: {  	v16 =	vmul.f32 v16, v17  }
0x12a: {  	v60 =	vld [tilespmem:s30+$0x6450]  }
0x12b: {  	v63 =	vld [tilespmem:s30+$0x6460];
	v16 =	vsub.f32 $1.500000000e+00, v16  }
0x12c: {  	v22 =	vld [tilespmem:s30+$0x6400];
	v50 =	vperm.xlane v40, v18  }
0x12d: {  	v56 =	vld [tilespmem:s30+$0x6420];
	v52 =	vperm.xlane v40, v27;
	v41 =	vmul.f32 v16, v17  }
0x12e: {  	v59 =	vld [tilespmem:s30+$0x6440];
	v24 =	vperm.xlane v40, v31;
	v17 =	vperm.xlane v40, v26  }
0x12f: {  	v45 =	vsub.f32 v60, v50;
	v16 =	vld [tilespmem:s30+$0x6410];
	v23 =	vperm.xlane v41, v26;
	v51 =	vperm.xlane v41, v18  }
0x130: {  	v58 =	vld [tilespmem:s30+$0x6430];
	v60 =	vsub.f32 v63, v50;
	v54 =	vperm.xlane v41, v27;
	v19 =	vperm.xlane v41, v30  }
0x131: {  	v42 =	vsub.f32 v22, v17;
	v25 =	vperm.xlane v41, v31;
	v57 =	vmul.f32 v23, v32  }
0x132: {  	v63 =	vld [tilespmem:s30+$0x64A0];
	v44 =	vsub.f32 v56, v17;
	v61 =	vmul.f32 v23, v33;
	v62 =	vmul.f32 v23, v34  }
0x133: {  	v21 =	vsub.f32 v59, v50;
	v43 =	vmul.f32 v23, v35;
	v22 =	vmul.f32 v51, v32  }
0x134: {  	v16 =	vsub.f32 v16, v17;
	v42 =	vmul.f32 v42, v57;
	v44 =	vmul.f32 v44, v62  }
0x135: {  	v23 =	vld [tilespmem:s30+$0x6470];
	v17 =	vsub.f32 v58, v17;
	v57 =	vmul.f32 v51, v33;
	v59 =	vmul.f32 v21, v22  }
0x136: {  	v58 =	vld [tilespmem:s30+$0x6480];
	v22 =	vmul.f32 v51, v35;
	v16 =	vmul.f32 v16, v61  }
0x137: {  	v55 =	vsub.f32 v63, v52;
	v17 =	vmul.f32 v17, v43;
	v61 =	vmul.f32 v51, v34  }
0x138: {  	v62 =	vld [tilespmem:s30+$0x6490];
	v42 =	vadd.f32 v42, v36;
	v44 =	vadd.f32 v44, v38;
	v45 =	vmul.f32 v45, v57  }
0x139: {  	v43 =	vadd.f32 v59, v36;
	v59 =	vmul.f32 v54, v32;
	v57 =	vperm.xlane v41, v28  }
0x13a: {  	v16 =	vadd.f32 v16, v37;
	v46 =	vmul.f32 v60, v61;
	v21 =	vsub.f32 v23, v50;
	v23 =	vld [tilespmem:s30+$0x64B0]  }
0x13b: {  	v17 =	vadd.f32 v17, v39;
	v61 =	vmul.f32 v54, v33;
	v58 =	vsub.f32 v58, v52  }
0x13c: {  	v60 =	vld [tilespmem:s30+$0x64C0];
	v45 =	vadd.f32 v45, v37;
	v46 =	vadd.f32 v46, v38;
	v47 =	vmul.f32 v21, v22  }
0x13d: {  	v63 =	vld [tilespmem:s30+$0x64D0];
	v49 =	vsub.f32 v62, v52;
	v62 =	vmul.f32 v54, v34;
	v54 =	vmul.f32 v54, v35  }
0x13e: {  	v22 =	vmul.f32 v57, v32;
	v51 =	vmul.f32 v58, v59;
	v59 =	vld [tilespmem:s30+$0x6500];
	v47 =	vadd.f32 v47, v39  }
0x13f: {  	v21 =	vmul.f32 v55, v62;
	v55 =	vld [tilespmem:s30+$0x64E0];
	v50 =	vsub.f32 v23, v52;
	v52 =	vperm.xlane v40, v28  }
0x140: {  	v49 =	vmul.f32 v49, v61;
	v61 =	vld [tilespmem:s30+$0x6510];
	v62 =	vperm.xlane v40, v29;
	v51 =	vadd.f32 v51, v36  }
0x141: {  	v18 =	vld [tilespmem:s30+$0x6520];
	v53 =	vadd.f32 v21, v38;
	v21 =	vmul.f32 v57, v33;
	v48 =	vsub.f32 v60, v52  }
0x142: {  	v56 =	vld [tilespmem:s30+$0x64F0];
	v50 =	vmul.f32 v50, v54;
	v23 =	vsub.f32 v63, v52;
	v63 =	vperm.xlane v41, v29  }
0x143: {  	v49 =	vadd.f32 v49, v37;
	v60 =	vld [tilespmem:s30+$0x6540];
	v48 =	vmul.f32 v48, v22;
	v22 =	vmul.f32 v57, v34  }
0x144: {  	v55 =	vsub.f32 v55, v52;
	v54 =	vmul.f32 v23, v21;
	v23 =	vmul.f32 v57, v35;
	v57 =	vld [tilespmem:s30+$0x6530]  }
0x145: {  	v21 =	vsub.f32 v59, v62;
	v59 =	vsub.f32 v61, v62;
	v61 =	vperm.xlane v40, v30  }
0x146: {  	v18 =	vsub.f32 v18, v62;
	v55 =	vmul.f32 v55, v22;
	v22 =	vmul.f32 v63, v32  }
0x147: {  	v50 =	vadd.f32 v50, v39;
	v52 =	vsub.f32 v56, v52;
	v58 =	vmul.f32 v63, v33  }
0x148: {  	v20 =	vmul.f32 v63, v34;
	v60 =	vsub.f32 v60, v61;
	v56 =	vmul.f32 v21, v22  }
0x149: {  	v21 =	vld [tilespmem:s30+$0x6550];
	v57 =	vsub.f32 v57, v62;
	v62 =	vmul.f32 v63, v35;
	v63 =	vmul.f32 v19, v32  }
0x14a: {  	v48 =	vadd.f32 v48, v36;
	v52 =	vmul.f32 v52, v23;
	v18 =	vmul.f32 v18, v20;
	v20 =	vld [tilespmem:s30+$0x6560]  }
0x14b: {  	v54 =	vadd.f32 v54, v37;
	v58 =	vmul.f32 v59, v58;
	v23 =	vmul.f32 v60, v63;
	v60 =	vld [tilespmem:s30+$0x6570]  }
0x14c: {  	v55 =	vadd.f32 v55, v38;
	v52 =	vadd.f32 v52, v39;
	v57 =	vmul.f32 v57, v62;
	v62 =	vld [tilespmem:s30+$0x6580]  }
0x14d: {  	[tilespmem:s30+$0xA400] =	vst v42;
	v42 =	vmul.f32 v25, v33;
	v58 =	vadd.f32 v58, v37;
	v18 =	vadd.f32 v18, v38;
	v63 =	vld [tilespmem:s30+$0x6590]  }
0x14e: {  	v22 =	vmul.f32 v19, v33;
	v56 =	vadd.f32 v56, v36;
	v21 =	vsub.f32 v21, v61  }
0x14f: {  	v20 =	vsub.f32 v20, v61;
	v59 =	vadd.f32 v23, v36;
	v23 =	vmul.f32 v19, v34  }
0x150: {  	v19 =	vmul.f32 v19, v35;
	v21 =	vmul.f32 v21, v22;
	v22 =	vsub.f32 v60, v61;
	v60 =	vld [tilespmem:s30+$0x65A0]  }
0x151: {  	v20 =	vmul.f32 v20, v23;
	v23 =	vsub.f32 v62, v24;
	v61 =	vmul.f32 v25, v32;
	v62 =	vld [tilespmem:s30+$0x65B0]  }
0x152: {  	[tilespmem:s30+$0xA440] =	vst v43;
	v57 =	vadd.f32 v57, v39;
	v19 =	vmul.f32 v22, v19;
	v22 =	vsub.f32 v63, v24  }
0x153: {  	v43 =	vld [tilespmem:s30+$0x65E0];
	[tilespmem:s30+$0xA410] =	vst v16;
	v16 =	vadd.f32 v21, v37;
	v20 =	vadd.f32 v20, v38;
	v21 =	vmul.f32 v23, v61  }
0x154: {  	v63 =	vld [tilespmem:s30+$0x65C0];
	v19 =	vadd.f32 v19, v39;
	v22 =	vmul.f32 v22, v42;
	v42 =	vmul.f32 v25, v34  }
0x155: {  	[tilespmem:s30+$0xA430] =	vst v17;
	v23 =	vld [tilespmem:s30+$0x65D0];
	v25 =	vmul.f32 v25, v35;
	v17 =	vsub.f32 v60, v24;
	v60 =	vimm.s32 $0x7  }
0x156: {  	[tilespmem:s30+$0xA420] =	vst v44;
	v61 =	vld [tilespmem:s30+$0x65F0];
	v24 =	vsub.f32 v62, v24;
	v62 =	vimm.s32 $0x8;
	v44 =	vperm.xlane v40, v60  }
0x157: {  	[tilespmem:s30+$0xA470] =	vst v47;
	v21 =	vadd.f32 v21, v36;
	v60 =	vperm.xlane v41, v60;
	v47 =	vperm.xlane v40, v62  }
0x158: {  	[tilespmem:s30+$0xA490] =	vst v49;
	v22 =	vadd.f32 v22, v37;
	v49 =	vperm.xlane v41, v62;
	v17 =	vmul.f32 v17, v42  }
0x159: {  	[tilespmem:s30+$0xA450] =	vst v45;
	v24 =	vmul.f32 v24, v25;
	v42 =	vsub.f32 v63, v44;
	v45 =	vmul.f32 v60, v32  }
0x15a: {  	[tilespmem:s30+$0xA460] =	vst v46;
	v46 =	vld [tilespmem:s30+$0x6600];
	v23 =	vsub.f32 v23, v44;
	v25 =	vmul.f32 v60, v33;
	v43 =	vsub.f32 v43, v44  }
0x15b: {  	[tilespmem:s30+$0xA480] =	vst v51;
	v44 =	vsub.f32 v61, v44;
	v51 =	vmul.f32 v60, v35;
	v42 =	vmul.f32 v42, v45;
	v45 =	vld [tilespmem:s30+$0x6610]  }
0x15c: {  	[tilespmem:s30+$0xA4A0] =	vst v53;
	v63 =	vmul.f32 v49, v32;
	v61 =	vmul.f32 v49, v33;
	v17 =	vadd.f32 v17, v38  }
0x15d: {  	v53 =	vld [tilespmem:s30+$0x6620];
	[tilespmem:s30+$0xA4B0] =	vst v50;
	v23 =	vmul.f32 v23, v25;
	v25 =	vmul.f32 v60, v34;
	v60 =	vimm.s32 $0x9  }
0x15e: {  	v50 =	vld [tilespmem:s30+$0x6630];
	[tilespmem:s30+$0xA4D0] =	vst v54;
	v24 =	vadd.f32 v24, v39;
	v44 =	vmul.f32 v44, v51;
	v54 =	vperm.xlane v41, v60  }
0x15f: {  	v62 =	vld [tilespmem:s30+$0x6640];
	v42 =	vadd.f32 v42, v36;
	v25 =	vmul.f32 v43, v25;
	v43 =	vsub.f32 v46, v47  }
0x160: {  	[tilespmem:s30+$0xA510] =	vst v58;
	v23 =	vadd.f32 v23, v37;
	v46 =	vld [tilespmem:s30+$0x6650];
	v58 =	vmul.f32 v54, v35;
	v45 =	vsub.f32 v45, v47  }
0x161: {  	v44 =	vadd.f32 v44, v39;
	v43 =	vmul.f32 v43, v63;
	v63 =	vmul.f32 v49, v34  }
0x162: {  	[tilespmem:s30+$0xA4E0] =	vst v55;
	v55 =	vld [tilespmem:s30+$0x6670];
	v45 =	vmul.f32 v45, v61;
	v61 =	vsub.f32 v53, v47;
	v53 =	vperm.xlane v40, v60  }
0x163: {  	[tilespmem:s30+$0xA4C0] =	vst v48;
	v25 =	vadd.f32 v25, v38;
	v49 =	vmul.f32 v49, v35;
	v47 =	vsub.f32 v50, v47  }
0x164: {  	[tilespmem:s30+$0xA520] =	vst v18;
	v43 =	vadd.f32 v43, v36;
	v50 =	vld [tilespmem:s30+$0x6660];
	v48 =	vmul.f32 v61, v63;
	v51 =	vsub.f32 v62, v53  }
0x165: {  	[tilespmem:s30+$0xA500] =	vst v56;
	v62 =	vmul.f32 v54, v32;
	v18 =	vmul.f32 v47, v49;
	v46 =	vsub.f32 v46, v53  }
0x166: {  	[tilespmem:s30+$0xA530] =	vst v57;
	v63 =	vmul.f32 v54, v33;
	v61 =	vimm.s32 $0xA;
	v45 =	vadd.f32 v45, v37  }
0x167: {  	[tilespmem:s30+$0xA540] =	vst v59;
	v60 =	vld [tilespmem:s30+$0x6680];
	v57 =	vsub.f32 v55, v53;
	v56 =	vperm.xlane v41, v61;
	v51 =	vmul.f32 v51, v62  }
0x168: {  	[tilespmem:s30+$0xA550] =	vst v16;
	v48 =	vadd.f32 v48, v38;
	v62 =	vld [tilespmem:s30+$0x6690];
	v46 =	vmul.f32 v46, v63;
	v63 =	vmul.f32 v54, v34  }
0x169: {  	[tilespmem:s30+$0xA560] =	vst v20;
	v54 =	vld [tilespmem:s30+$0x66A0];
	v16 =	vsub.f32 v50, v53;
	v50 =	vperm.xlane v40, v61;
	v59 =	vmul.f32 v56, v32  }
0x16a: {  	[tilespmem:s30+$0xA570] =	vst v19;
	v18 =	vadd.f32 v18, v39;
	v61 =	vmul.f32 v57, v58;
	v58 =	vmul.f32 v56, v34  }
0x16b: {  	[tilespmem:s30+$0xA590] =	vst v22;
	v57 =	vld [tilespmem:s30+$0x66C0];
	v20 =	vadd.f32 v51, v36;
	v22 =	vadd.f32 v46, v37;
	v16 =	vmul.f32 v16, v63  }
0x16c: {  	[tilespmem:s30+$0xA5A0] =	vst v17;
	v19 =	vsub.f32 v60, v50;
	v60 =	vld [tilespmem:s30+$0x66B0];
	v63 =	vmul.f32 v56, v33;
	v17 =	vadd.f32 v61, v39  }
0x16d: {  	v46 =	vld [tilespmem:s30+$0x66D0];
	v61 =	vmul.f32 v56, v35;
	v62 =	vsub.f32 v62, v50;
	v16 =	vadd.f32 v16, v38  }
0x16e: {  	[tilespmem:s30+$0xA5B0] =	vst v24;
	v19 =	vmul.f32 v19, v59;
	v24 =	vsub.f32 v54, v50;
	v59 =	vimm.s32 $0xB  }
0x16f: {  	[tilespmem:s30+$0xA4F0] =	vst v52;
	v54 =	vimm.s32 $0xC;
	v51 =	vperm.xlane v40, v59;
	v52 =	vperm.xlane v41, v59  }
0x170: {  	[tilespmem:s30+$0xA580] =	vst v21;
	v47 =	vperm.xlane v41, v54;
	v21 =	vmul.f32 v62, v63;
	v19 =	vadd.f32 v19, v36;
	v62 =	vld [tilespmem:s30+$0x66E0]  }
0x171: {  	[tilespmem:s30+$0xA5F0] =	vst v44;
	v44 =	vld [tilespmem:s30+$0x6710];
	v63 =	vmul.f32 v24, v58;
	v60 =	vsub.f32 v60, v50;
	v24 =	vsub.f32 v57, v51  }
0x172: {  	[tilespmem:s30+$0xA5C0] =	vst v42;
	v56 =	vmul.f32 v52, v32;
	v57 =	vld [tilespmem:s30+$0x66F0];
	v58 =	vsub.f32 v46, v51;
	v59 =	vmul.f32 v52, v33  }
0x173: {  	[tilespmem:s30+$0xA5D0] =	vst v23;
	v46 =	vperm.xlane v40, v54;
	v55 =	vmul.f32 v47, v34;
	v21 =	vadd.f32 v21, v37  }
0x174: {  	[tilespmem:s30+$0xA5E0] =	vst v25;
	v23 =	vadd.f32 v63, v38;
	v25 =	vmul.f32 v60, v61;
	v24 =	vmul.f32 v24, v56  }
0x175: {  	[tilespmem:s30+$0xA600] =	vst v43;
	v60 =	vld [tilespmem:s30+$0x6700];
	v42 =	vmul.f32 v58, v59;
	v61 =	vmul.f32 v52, v34;
	v62 =	vsub.f32 v62, v51  }
0x176: {  	[tilespmem:s30+$0xA610] =	vst v45;
	v56 =	vmul.f32 v52, v35;
	v58 =	vld [tilespmem:s30+$0x6720];
	v44 =	vsub.f32 v44, v46;
	v25 =	vadd.f32 v25, v39  }
0x177: {  	[tilespmem:s30+$0xA630] =	vst v18;
	v54 =	vld [tilespmem:s30+$0x6750];
	v63 =	vsub.f32 v57, v51;
	v57 =	vimm.s32 $0xD;
	v18 =	vmul.f32 v62, v61  }
0x178: {  	[tilespmem:s30+$0xA620] =	vst v48;
	v24 =	vadd.f32 v24, v36;
	v62 =	vmul.f32 v47, v33;
	v45 =	vperm.xlane v40, v57  }
0x179: {  	[tilespmem:s30+$0xA650] =	vst v22;
	v22 =	vadd.f32 v42, v37;
	v48 =	vperm.xlane v41, v57;
	v57 =	vmul.f32 v47, v35  }
0x17a: {  	[tilespmem:s30+$0xA640] =	vst v20;
	v61 =	vld [tilespmem:s30+$0x6730];
	v59 =	vsub.f32 v60, v46;
	v60 =	vmul.f32 v47, v32;
	v20 =	vmul.f32 v63, v56  }
0x17b: {  	[tilespmem:s30+$0xA670] =	vst v17;
	v63 =	vld [tilespmem:s30+$0x6740];
	v17 =	vsub.f32 v58, v46;
	v18 =	vadd.f32 v18, v38;
	v52 =	vmul.f32 v48, v33  }
0x17c: {  	[tilespmem:s30+$0xA660] =	vst v16;
	v58 =	vld [tilespmem:s30+$0x6760];
	v51 =	vsub.f32 v54, v45;
	v54 =	vmul.f32 v48, v34;
	v53 =	vmul.f32 v59, v60  }
0x17d: {  	[tilespmem:s30+$0xA680] =	vst v19;
	v16 =	vadd.f32 v20, v39;
	v20 =	vmul.f32 v44, v62;
	v17 =	vmul.f32 v17, v55  }
0x17e: {  	[tilespmem:s30+$0xA6C0] =	vst v24;
	v60 =	vimm.s32 $0xE;
	v62 =	vld [tilespmem:s30+$0x6770];
	v24 =	vmul.f32 v51, v52;
	v19 =	vadd.f32 v53, v36  }
0x17f: {  	[tilespmem:s30+$0xA6B0] =	vst v25;
	v25 =	vld [tilespmem:s30+$0x6790];
	v52 =	vimm.s32 $0xF;
	v56 =	vsub.f32 v61, v46;
	v20 =	vadd.f32 v20, v37  }
0x180: {  	[tilespmem:s30+$0xA690] =	vst v21;
	v61 =	vmul.f32 v48, v32;
	v53 =	vld [tilespmem:s30+$0x6780];
	v17 =	vadd.f32 v17, v38;
	v59 =	vsub.f32 v63, v45  }
0x181: {  	[tilespmem:s30+$0xA6A0] =	vst v23;
	v55 =	vsub.f32 v58, v45;
	v63 =	vmul.f32 v56, v57;
	v56 =	vperm.xlane v40, v60  }
0x182: {  	v57 =	vperm.xlane v41, v60;
	[tilespmem:s30+$0xA710] =	vst v20;
	v20 =	vadd.f32 v24, v37;
	v21 =	vmul.f32 v59, v61  }
0x183: {  	[tilespmem:s30+$0xA6F0] =	vst v16;
	v60 =	vld [tilespmem:s30+$0x67A0];
	v58 =	vsub.f32 v62, v45;
	v59 =	vmul.f32 v48, v35;
	v16 =	vmul.f32 v55, v54  }
0x184: {  	[tilespmem:s30+$0xA6D0] =	vst v22;
	v23 =	vadd.f32 v63, v39;
	v62 =	vmul.f32 v57, v32;
	v63 =	vld [tilespmem:s30+$0x67B0];
	v48 =	vsub.f32 v25, v56  }
0x185: {  	v49 =	vld [tilespmem:s30+$0x67C0];
	[tilespmem:s30+$0xA700] =	vst v19;
	v25 =	vmul.f32 v57, v33;
	v61 =	vsub.f32 v53, v56;
	v19 =	vmul.f32 v58, v59  }
0x186: {  	[tilespmem:s30+$0xA6E0] =	vst v18;
	v24 =	vld [tilespmem:s30+$0x67D0];
	v50 =	vmul.f32 v57, v34;
	v18 =	vadd.f32 v21, v36;
	v16 =	vadd.f32 v16, v38  }
0x187: {  	[tilespmem:s30+$0xA720] =	vst v17;
	v54 =	vld [tilespmem:s30+$0x67E0];
	v53 =	vperm.xlane v41, v52;
	v22 =	vmul.f32 v61, v62;
	v17 =	vadd.f32 v19, v39  }
0x188: {  	[tilespmem:s30+$0xA750] =	vst v20;
	v19 =	vmul.f32 v48, v25;
	v51 =	vsub.f32 v60, v56;
	v25 =	vperm.xlane v40, v52  }
0x189: {  	[tilespmem:s30+$0xA730] =	vst v23;
	v59 =	vmul.f32 v53, v32;
	v55 =	vsub.f32 v63, v56;
	v56 =	vmul.f32 v57, v35;
	v57 =	vld [tilespmem:s30+$0x67F0]  }
0x18a: {  	[tilespmem:s30+$0xA740] =	vst v18;
	v62 =	vmul.f32 v53, v34;
	v18 =	vadd.f32 v22, v36;
	v20 =	vmul.f32 v51, v50  }
0x18b: {  	[tilespmem:s30+$0xA760] =	vst v16;
	v58 =	vsub.f32 v49, v25;
	v60 =	vsub.f32 v24, v25;
	v24 =	vmul.f32 v53, v33  }
0x18c: {  	[tilespmem:s30+$0xA770] =	vst v17;
	v19 =	vadd.f32 v19, v37;
	v61 =	vsub.f32 v54, v25;
	v16 =	vmul.f32 v55, v56  }
0x18d: {  	v63 =	vmul.f32 v53, v35;
	v17 =	vmul.f32 v58, v59;
	v20 =	vadd.f32 v20, v38;
	[tilespmem:s30+$0xA780] =	vst v18  }
0x18e: {  	v18 =	vmul.f32 v60, v24;
	[tilespmem:s30+$0xA790] =	vst v19;
	v16 =	vadd.f32 v16, v39;
	v19 =	vsub.f32 v57, v25  }
0x18f: {  	p1 =	sne.s32 s29, $0x7000;
	[tilespmem:s30+$0xA7A0] =	vst v20;
	v20 =	vmul.f32 v61, v62;
	v17 =	vadd.f32 v17, v36  }
.Ltmp2:
0x190: {  	v18 =	vadd.f32 v18, v37;
	[tilespmem:s30+$0xA7B0] =	vst v16;
	v16 =	vmul.f32 v19, v63;
	(pc) =	sbr.rel @p1 .LBB2_3-.Ltmp2, $4  }
0x191: {  	[tilespmem:s30+$0xA7C0] =	vst v17;
	v17 =	vadd.f32 v20, v38  }
0x192: {  	[tilespmem:s30+$0xA7D0] =	vst v18;
	v16 =	vadd.f32 v16, v39  }
0x193: {  	[tilespmem:s30+$0xA7E0] =	vst v17  }
0x194: {  	s29 =	sadd.s32 $0x1000, s29;
	v18 =	vimm.s32 $0x1;
	[tilespmem:s30+$0xA7F0] =	vst v16  }
0x195: {  	p1 =	sne.s32 s26, $0x63  }
.Ltmp3:
0x196: {  	s29 =	sshll.u32 s26, $0xE;
	(pc) =	sbr.rel @p1 .LBB2_6-.Ltmp3, $4  }
0x197: {  	s29 =	sadd.s32 s8, s29  }
0x198: {  	s29 =	sshrl.u32 s29, $0x3  }
0x199: {  	s29 =	sadd.s32 s4, s29  }
0x19a: {  	[hbm4b:s29+s5] =	stream.linear.scatter [tilespmem:s20], [sflag:$0x3], $0x2000, $0x38;
	[tilespmem:$0xE680] =	vst v63  }
.Ltmp4:
0x19b: {  	(pc) =	sbr.rel .LBB2_7-.Ltmp4, $4  }
0x19c: {  	_ = 	snop  }
0x19d: {  	_ =	swait.ge [sflag:s21], $0x2000  }
0x19e: {  	[sflag:s21] =	ssyncset.done $0x0  }
0x19f: {  	[sflag:s21] =	ssyncadd.s32 $0xFFFFE000  }
.LBB2_6:
0x1a0: {  	s29 =	sshrl.u32 s28, $0x2  }
.Ltmp5:
0x1a1: {  	s29 =	sadd.s32 $0x100, s29;
	(pc) =	sbr.rel @p0 .LBB2_8-.Ltmp5, $4  }
0x1a2: {  	[tilespmem:s15], [sflag:$0x1] =	stream.indirect.gather [hbm4b:s6+s14], $0x40, s29, s14, $0xb8;
	[tilespmem:$0xE680] =	vst v63  }
0x1a3: {  	_ =	swait.ge [sflag:s21], $0x2000  }
0x1a4: {  	[sflag:s21] =	ssyncset.done $0x0  }
0x1a5: {  	[sflag:s21] =	ssyncadd.s32 $0xFFFFE000  }
.LBB2_7:
0x1a6: {  	_ =	swait.ge [sflag:s22], $0x2000  }
0x1a7: {  	[sflag:s22] =	ssyncset.done $0x0  }
0x1a8: {  	[sflag:s22] =	ssyncadd.s32 $0xFFFFE000  }
.LBB2_8:
0x1a9: {  	v28 =	vimm.s32 $0x2;
	v29 =	vimm.s32 $0x3;
	v30 =	vimm.s32 $0x4  }
0x1aa: {  	s29 =	simm.s32 $0x0;
	v31 =	vimm.s32 $0x5;
	v26 =	vimm.s32 $0x6;
	v27 =	vimm.s32 $0x7  }
.LBB2_9:
0x1ab: {  	s30 =	sshra.s32 s29, $0x2  }
0x1ac: {  	v16 =	vld [tilespmem:s30+$0x8400]  }
0x1ad: {  	v17 =	vld [tilespmem:s30+$0x8410]  }
0x1ae: {  	v18 =	vld [tilespmem:s30+$0x8420]  }
0x1af: {  	v19 =	vld [tilespmem:s30+$0x8430];
	_ =	sdelay $0x3  }
0x1b0: {  	v20 =	vmul.f32 v16, v16;
	v21 =	vmul.f32 v17, v17  }
0x1b1: {  	v22 =	vmul.f32 v18, v18;
	v23 =	vmul.f32 v19, v19  }
0x1b2: {  	v16 =	vadd.f32 v17, v16;
	v17 =	vadd.f32 v19, v18  }
0x1b3: {  	v56 =	vadd.f32 v21, v20;
	v57 =	vadd.f32 v23, v22  }
0x1b4: {  	v16 =	vadd.f32 v17, v16  }
0x1b5: {  	v17 =	vadd.f32 v57, v56  }
0x1b6: {  	[tilespmem:$0xE400] =	vst v16  }
0x1b7: {  	[tilespmem:$0xE500] =	vst v17  }
0x1b8: {  	v16 =	vld [tilespmem:s30+$0x8440]  }
0x1b9: {  	v17 =	vld [tilespmem:s30+$0x8450]  }
0x1ba: {  	v58 =	vld [tilespmem:s30+$0x8460]  }
0x1bb: {  	v59 =	vld [tilespmem:s30+$0x8470];
	_ =	sdelay $0x3  }
0x1bc: {  	v60 =	vmul.f32 v16, v16;
	v61 =	vmul.f32 v17, v17  }
0x1bd: {  	v62 =	vmul.f32 v58, v58;
	v63 =	vmul.f32 v59, v59  }
0x1be: {  	v16 =	vadd.f32 v17, v16;
	v17 =	vadd.f32 v59, v58  }
0x1bf: {  	v40 =	vadd.f32 v61, v60;
	v41 =	vadd.f32 v63, v62  }
0x1c0: {  	v16 =	vadd.f32 v17, v16  }
0x1c1: {  	v17 =	vadd.f32 v41, v40  }
0x1c2: {  	[tilespmem:$0xE410] =	vst v16  }
0x1c3: {  	[tilespmem:$0xE510] =	vst v17  }
0x1c4: {  	v16 =	vld [tilespmem:s30+$0x8480]  }
0x1c5: {  	v17 =	vld [tilespmem:s30+$0x8490]  }
0x1c6: {  	v42 =	vld [tilespmem:s30+$0x84A0]  }
0x1c7: {  	v43 =	vld [tilespmem:s30+$0x84B0];
	_ =	sdelay $0x3  }
0x1c8: {  	v44 =	vmul.f32 v16, v16;
	v45 =	vmul.f32 v17, v17  }
0x1c9: {  	v46 =	vmul.f32 v42, v42;
	v47 =	vmul.f32 v43, v43  }
0x1ca: {  	v16 =	vadd.f32 v17, v16;
	v17 =	vadd.f32 v43, v42  }
0x1cb: {  	v48 =	vadd.f32 v45, v44;
	v49 =	vadd.f32 v47, v46  }
0x1cc: {  	v16 =	vadd.f32 v17, v16  }
0x1cd: {  	v17 =	vadd.f32 v49, v48  }
0x1ce: {  	[tilespmem:$0xE420] =	vst v16  }
0x1cf: {  	[tilespmem:$0xE520] =	vst v17  }
0x1d0: {  	v16 =	vld [tilespmem:s30+$0x84C0]  }
0x1d1: {  	v17 =	vld [tilespmem:s30+$0x84D0]  }
0x1d2: {  	v50 =	vld [tilespmem:s30+$0x84E0]  }
0x1d3: {  	v51 =	vld [tilespmem:s30+$0x84F0];
	_ =	sdelay $0x3  }
0x1d4: {  	v52 =	vmul.f32 v16, v16;
	v53 =	vmul.f32 v17, v17  }
0x1d5: {  	v54 =	vmul.f32 v50, v50;
	v55 =	vmul.f32 v51, v51  }
0x1d6: {  	v16 =	vadd.f32 v17, v16;
	v17 =	vadd.f32 v51, v50  }
0x1d7: {  	v56 =	vadd.f32 v53, v52;
	v57 =	vadd.f32 v55, v54  }
0x1d8: {  	v16 =	vadd.f32 v17, v16  }
0x1d9: {  	v17 =	vadd.f32 v57, v56  }
0x1da: {  	[tilespmem:$0xE430] =	vst v16  }
0x1db: {  	[tilespmem:$0xE530] =	vst v17  }
0x1dc: {  	v16 =	vld [tilespmem:s30+$0x8500]  }
0x1dd: {  	v17 =	vld [tilespmem:s30+$0x8510]  }
0x1de: {  	v58 =	vld [tilespmem:s30+$0x8520]  }
0x1df: {  	v59 =	vld [tilespmem:s30+$0x8530];
	_ =	sdelay $0x3  }
0x1e0: {  	v60 =	vmul.f32 v16, v16;
	v61 =	vmul.f32 v17, v17  }
0x1e1: {  	v62 =	vmul.f32 v58, v58;
	v63 =	vmul.f32 v59, v59  }
0x1e2: {  	v16 =	vadd.f32 v17, v16;
	v17 =	vadd.f32 v59, v58  }
0x1e3: {  	v40 =	vadd.f32 v61, v60;
	v41 =	vadd.f32 v63, v62  }
0x1e4: {  	v16 =	vadd.f32 v17, v16  }
0x1e5: {  	v17 =	vadd.f32 v41, v40  }
0x1e6: {  	[tilespmem:$0xE440] =	vst v16  }
0x1e7: {  	[tilespmem:$0xE540] =	vst v17  }
0x1e8: {  	v16 =	vld [tilespmem:s30+$0x8540]  }
0x1e9: {  	v17 =	vld [tilespmem:s30+$0x8550]  }
0x1ea: {  	v42 =	vld [tilespmem:s30+$0x8560]  }
0x1eb: {  	v43 =	vld [tilespmem:s30+$0x8570];
	_ =	sdelay $0x3  }
0x1ec: {  	v44 =	vmul.f32 v16, v16;
	v45 =	vmul.f32 v17, v17  }
0x1ed: {  	v46 =	vmul.f32 v42, v42;
	v47 =	vmul.f32 v43, v43  }
0x1ee: {  	v16 =	vadd.f32 v17, v16;
	v17 =	vadd.f32 v43, v42  }
0x1ef: {  	v48 =	vadd.f32 v45, v44;
	v49 =	vadd.f32 v47, v46  }
0x1f0: {  	v16 =	vadd.f32 v17, v16  }
0x1f1: {  	v17 =	vadd.f32 v49, v48  }
0x1f2: {  	[tilespmem:$0xE450] =	vst v16  }
0x1f3: {  	[tilespmem:$0xE550] =	vst v17  }
0x1f4: {  	v16 =	vld [tilespmem:s30+$0x8580]  }
0x1f5: {  	v17 =	vld [tilespmem:s30+$0x8590]  }
0x1f6: {  	v50 =	vld [tilespmem:s30+$0x85A0]  }
0x1f7: {  	v51 =	vld [tilespmem:s30+$0x85B0];
	_ =	sdelay $0x3  }
0x1f8: {  	v52 =	vmul.f32 v16, v16;
	v53 =	vmul.f32 v17, v17  }
0x1f9: {  	v54 =	vmul.f32 v50, v50;
	v55 =	vmul.f32 v51, v51  }
0x1fa: {  	v16 =	vadd.f32 v17, v16;
	v17 =	vadd.f32 v51, v50  }
0x1fb: {  	v56 =	vadd.f32 v53, v52;
	v57 =	vadd.f32 v55, v54  }
0x1fc: {  	v16 =	vadd.f32 v17, v16  }
0x1fd: {  	v17 =	vadd.f32 v57, v56  }
0x1fe: {  	[tilespmem:$0xE460] =	vst v16  }
0x1ff: {  	[tilespmem:$0xE560] =	vst v17  }
0x200: {  	v16 =	vld [tilespmem:s30+$0x85C0]  }
0x201: {  	v17 =	vld [tilespmem:s30+$0x85D0]  }
0x202: {  	v58 =	vld [tilespmem:s30+$0x85E0]  }
0x203: {  	v59 =	vld [tilespmem:s30+$0x85F0];
	_ =	sdelay $0x3  }
0x204: {  	v60 =	vmul.f32 v16, v16;
	v61 =	vmul.f32 v17, v17  }
0x205: {  	v62 =	vmul.f32 v58, v58;
	v63 =	vmul.f32 v59, v59  }
0x206: {  	v16 =	vadd.f32 v17, v16;
	v17 =	vadd.f32 v59, v58  }
0x207: {  	v40 =	vadd.f32 v61, v60;
	v41 =	vadd.f32 v63, v62  }
0x208: {  	v16 =	vadd.f32 v17, v16  }
0x209: {  	v17 =	vadd.f32 v41, v40  }
0x20a: {  	[tilespmem:$0xE470] =	vst v16  }
0x20b: {  	[tilespmem:$0xE570] =	vst v17  }
0x20c: {  	v16 =	vld [tilespmem:s30+$0x8600]  }
0x20d: {  	v17 =	vld [tilespmem:s30+$0x8610]  }
0x20e: {  	v42 =	vld [tilespmem:s30+$0x8620]  }
0x20f: {  	v43 =	vld [tilespmem:s30+$0x8630];
	_ =	sdelay $0x3  }
0x210: {  	v44 =	vmul.f32 v16, v16;
	v45 =	vmul.f32 v17, v17  }
0x211: {  	v46 =	vmul.f32 v42, v42;
	v47 =	vmul.f32 v43, v43  }
0x212: {  	v16 =	vadd.f32 v17, v16;
	v17 =	vadd.f32 v43, v42  }
0x213: {  	v48 =	vadd.f32 v45, v44;
	v49 =	vadd.f32 v47, v46  }
0x214: {  	v16 =	vadd.f32 v17, v16  }
0x215: {  	v17 =	vadd.f32 v49, v48  }
0x216: {  	[tilespmem:$0xE480] =	vst v16  }
0x217: {  	[tilespmem:$0xE580] =	vst v17  }
0x218: {  	v16 =	vld [tilespmem:s30+$0x8640]  }
0x219: {  	v17 =	vld [tilespmem:s30+$0x8650]  }
0x21a: {  	v50 =	vld [tilespmem:s30+$0x8660]  }
0x21b: {  	v51 =	vld [tilespmem:s30+$0x8670];
	_ =	sdelay $0x3  }
0x21c: {  	v52 =	vmul.f32 v16, v16;
	v53 =	vmul.f32 v17, v17  }
0x21d: {  	v54 =	vmul.f32 v50, v50;
	v55 =	vmul.f32 v51, v51  }
0x21e: {  	v16 =	vadd.f32 v17, v16;
	v17 =	vadd.f32 v51, v50  }
0x21f: {  	v56 =	vadd.f32 v53, v52;
	v57 =	vadd.f32 v55, v54  }
0x220: {  	v16 =	vadd.f32 v17, v16  }
0x221: {  	v17 =	vadd.f32 v57, v56  }
0x222: {  	[tilespmem:$0xE490] =	vst v16  }
0x223: {  	[tilespmem:$0xE590] =	vst v17  }
0x224: {  	v16 =	vld [tilespmem:s30+$0x8680]  }
0x225: {  	v17 =	vld [tilespmem:s30+$0x8690]  }
0x226: {  	v58 =	vld [tilespmem:s30+$0x86A0]  }
0x227: {  	v59 =	vld [tilespmem:s30+$0x86B0];
	_ =	sdelay $0x3  }
0x228: {  	v60 =	vmul.f32 v16, v16;
	v61 =	vmul.f32 v17, v17  }
0x229: {  	v62 =	vmul.f32 v58, v58;
	v63 =	vmul.f32 v59, v59  }
0x22a: {  	v16 =	vadd.f32 v17, v16;
	v17 =	vadd.f32 v59, v58  }
0x22b: {  	v40 =	vadd.f32 v61, v60;
	v41 =	vadd.f32 v63, v62  }
0x22c: {  	v16 =	vadd.f32 v17, v16  }
0x22d: {  	v17 =	vadd.f32 v41, v40  }
0x22e: {  	[tilespmem:$0xE4A0] =	vst v16  }
0x22f: {  	[tilespmem:$0xE5A0] =	vst v17  }
0x230: {  	v16 =	vld [tilespmem:s30+$0x86C0]  }
0x231: {  	v17 =	vld [tilespmem:s30+$0x86D0]  }
0x232: {  	v42 =	vld [tilespmem:s30+$0x86E0]  }
0x233: {  	v43 =	vld [tilespmem:s30+$0x86F0];
	_ =	sdelay $0x3  }
0x234: {  	v44 =	vmul.f32 v16, v16;
	v45 =	vmul.f32 v17, v17  }
0x235: {  	v46 =	vmul.f32 v42, v42;
	v47 =	vmul.f32 v43, v43  }
0x236: {  	v16 =	vadd.f32 v17, v16;
	v17 =	vadd.f32 v43, v42  }
0x237: {  	v48 =	vadd.f32 v45, v44;
	v49 =	vadd.f32 v47, v46  }
0x238: {  	v16 =	vadd.f32 v17, v16  }
0x239: {  	v17 =	vadd.f32 v49, v48  }
0x23a: {  	[tilespmem:$0xE4B0] =	vst v16  }
0x23b: {  	[tilespmem:$0xE5B0] =	vst v17  }
0x23c: {  	v16 =	vld [tilespmem:s30+$0x8700]  }
0x23d: {  	v17 =	vld [tilespmem:s30+$0x8710]  }
0x23e: {  	v50 =	vld [tilespmem:s30+$0x8720]  }
0x23f: {  	v51 =	vld [tilespmem:s30+$0x8730];
	_ =	sdelay $0x3  }
0x240: {  	v52 =	vmul.f32 v16, v16;
	v53 =	vmul.f32 v17, v17  }
0x241: {  	v54 =	vmul.f32 v50, v50;
	v55 =	vmul.f32 v51, v51  }
0x242: {  	v16 =	vadd.f32 v17, v16;
	v17 =	vadd.f32 v51, v50  }
0x243: {  	v56 =	vadd.f32 v53, v52;
	v57 =	vadd.f32 v55, v54  }
0x244: {  	v16 =	vadd.f32 v17, v16  }
0x245: {  	v17 =	vadd.f32 v57, v56  }
0x246: {  	[tilespmem:$0xE4C0] =	vst v16  }
0x247: {  	[tilespmem:$0xE5C0] =	vst v17  }
0x248: {  	v16 =	vld [tilespmem:s30+$0x8740]  }
0x249: {  	v17 =	vld [tilespmem:s30+$0x8750]  }
0x24a: {  	v58 =	vld [tilespmem:s30+$0x8760]  }
0x24b: {  	v59 =	vld [tilespmem:s30+$0x8770];
	_ =	sdelay $0x3  }
0x24c: {  	v60 =	vmul.f32 v16, v16;
	v61 =	vmul.f32 v17, v17  }
0x24d: {  	v62 =	vmul.f32 v58, v58;
	v63 =	vmul.f32 v59, v59  }
0x24e: {  	v16 =	vadd.f32 v17, v16;
	v17 =	vadd.f32 v59, v58  }
0x24f: {  	v40 =	vadd.f32 v61, v60;
	v41 =	vadd.f32 v63, v62  }
0x250: {  	v16 =	vadd.f32 v17, v16  }
0x251: {  	v17 =	vadd.f32 v41, v40  }
0x252: {  	[tilespmem:$0xE4D0] =	vst v16  }
0x253: {  	[tilespmem:$0xE5D0] =	vst v17  }
0x254: {  	v16 =	vld [tilespmem:s30+$0x8780]  }
0x255: {  	v17 =	vld [tilespmem:s30+$0x8790]  }
0x256: {  	v42 =	vld [tilespmem:s30+$0x87A0]  }
0x257: {  	v43 =	vld [tilespmem:s30+$0x87B0];
	_ =	sdelay $0x3  }
0x258: {  	v44 =	vmul.f32 v16, v16;
	v45 =	vmul.f32 v17, v17  }
0x259: {  	v46 =	vmul.f32 v42, v42;
	v47 =	vmul.f32 v43, v43  }
0x25a: {  	v16 =	vadd.f32 v17, v16;
	v17 =	vadd.f32 v43, v42  }
0x25b: {  	v48 =	vadd.f32 v45, v44;
	v49 =	vadd.f32 v47, v46  }
0x25c: {  	v16 =	vadd.f32 v17, v16  }
0x25d: {  	v17 =	vadd.f32 v49, v48  }
0x25e: {  	[tilespmem:$0xE4E0] =	vst v16  }
0x25f: {  	[tilespmem:$0xE5E0] =	vst v17  }
0x260: {  	v16 =	vld [tilespmem:s30+$0x87C0]  }
0x261: {  	v17 =	vld [tilespmem:s30+$0x87D0]  }
0x262: {  	v50 =	vld [tilespmem:s30+$0x87E0]  }
0x263: {  	v51 =	vld [tilespmem:s30+$0x87F0];
	_ =	sdelay $0x3  }
0x264: {  	v52 =	vmul.f32 v16, v16;
	v53 =	vmul.f32 v17, v17  }
0x265: {  	v54 =	vmul.f32 v50, v50;
	v55 =	vmul.f32 v51, v51  }
0x266: {  	v16 =	vadd.f32 v17, v16;
	v17 =	vadd.f32 v51, v50  }
0x267: {  	v56 =	vadd.f32 v53, v52;
	v57 =	vadd.f32 v55, v54  }
0x268: {  	v16 =	vadd.f32 v17, v16  }
0x269: {  	v17 =	vadd.f32 v57, v56  }
0x26a: {  	[tilespmem:$0xE4F0] =	vst v16  }
0x26b: {  	[tilespmem:$0xE5F0] =	vst v17  }
0x26c: {  	v16 =	vld.idx.msk [tilespmem:v0+s18+$0x0], $0xffff  }
0x26d: {  	v17 =	vld.idx.msk [tilespmem:v1+s18+$0x0], $0xffff  }
0x26e: {  	v58 =	vld.idx.msk [tilespmem:v2+s18+$0x0], $0xffff  }
0x26f: {  	v59 =	vld.idx.msk [tilespmem:v3+s18+$0x0], $0xffff  }
0x270: {  	v60 =	vld.idx.msk [tilespmem:v4+s18+$0x0], $0xffff  }
0x271: {  	v61 =	vld.idx.msk [tilespmem:v5+s18+$0x0], $0xffff  }
0x272: {  	v62 =	vld.idx.msk [tilespmem:v6+s18+$0x0], $0xffff  }
0x273: {  	v63 =	vld.idx.msk [tilespmem:v7+s18+$0x0], $0xffff  }
0x274: {  	v24 =	vld.idx.msk [tilespmem:v8+s18+$0x0], $0xffff  }
0x275: {  	v25 =	vld.idx.msk [tilespmem:v9+s18+$0x0], $0xffff  }
0x276: {  	v40 =	vld.idx.msk [tilespmem:v10+s18+$0x0], $0xffff  }
0x277: {  	v41 =	vld.idx.msk [tilespmem:v11+s18+$0x0], $0xffff  }
0x278: {  	v42 =	vld.idx.msk [tilespmem:v12+s18+$0x0], $0xffff  }
0x279: {  	v43 =	vld.idx.msk [tilespmem:v13+s18+$0x0], $0xffff  }
0x27a: {  	v44 =	vld.idx.msk [tilespmem:v14+s18+$0x0], $0xffff  }
0x27b: {  	v45 =	vld.idx.msk [tilespmem:v15+s18+$0x0], $0xffff  }
0x27c: {  	v46 =	vld.idx.msk [tilespmem:v0+s19+$0x0], $0xffff  }
0x27d: {  	v47 =	vld.idx.msk [tilespmem:v1+s19+$0x0], $0xffff  }
0x27e: {  	v48 =	vld.idx.msk [tilespmem:v2+s19+$0x0], $0xffff  }
0x27f: {  	v49 =	vld.idx.msk [tilespmem:v3+s19+$0x0], $0xffff  }
0x280: {  	v50 =	vld.idx.msk [tilespmem:v4+s19+$0x0], $0xffff  }
0x281: {  	v51 =	vld.idx.msk [tilespmem:v5+s19+$0x0], $0xffff  }
0x282: {  	v52 =	vld.idx.msk [tilespmem:v6+s19+$0x0], $0xffff  }
0x283: {  	v53 =	vld.idx.msk [tilespmem:v7+s19+$0x0], $0xffff  }
0x284: {  	v54 =	vld.idx.msk [tilespmem:v8+s19+$0x0], $0xffff  }
0x285: {  	v55 =	vld.idx.msk [tilespmem:v9+s19+$0x0], $0xffff  }
0x286: {  	v18 =	vld.idx.msk [tilespmem:v10+s19+$0x0], $0xffff;
	v16 =	vadd.f32 v17, v16;
	v17 =	vadd.f32 v59, v58  }
0x287: {  	v56 =	vadd.f32 v61, v60;
	v57 =	vadd.f32 v63, v62;
	v58 =	vld.idx.msk [tilespmem:v11+s19+$0x0], $0xffff  }
0x288: {  	v59 =	vadd.f32 v25, v24;
	v60 =	vadd.f32 v41, v40;
	v24 =	vld.idx.msk [tilespmem:v12+s19+$0x0], $0xffff  }
0x289: {  	v25 =	vadd.f32 v43, v42;
	v61 =	vadd.f32 v45, v44;
	v62 =	vld.idx.msk [tilespmem:v13+s19+$0x0], $0xffff  }
0x28a: {  	v63 =	vld.idx.msk [tilespmem:v14+s19+$0x0], $0xffff;
	v47 =	vadd.f32 v47, v46;
	v49 =	vadd.f32 v49, v48  }
0x28b: {  	v45 =	vld.idx.msk [tilespmem:v15+s19+$0x0], $0xffff;
	v53 =	vadd.f32 v53, v52;
	v55 =	vadd.f32 v55, v54  }
0x28c: {  	v16 =	vadd.f32 v17, v16;
	v17 =	vadd.f32 v57, v56  }
0x28d: {  	v43 =	vadd.f32 v60, v59;
	v44 =	vadd.f32 v61, v25  }
0x28e: {  	v25 =	vadd.f32 v51, v50;
	v20 =	vadd.f32 v49, v47  }
0x28f: {  	v16 =	vadd.f32 v17, v16;
	v18 =	vadd.f32 v58, v18  }
0x290: {  	v56 =	vadd.f32 v62, v24;
	v19 =	vadd.f32 v45, v63  }
0x291: {  	v17 =	vadd.f32 v44, v43;
	v57 =	vadd.f32 v53, v25  }
0x292: {  	v18 =	vadd.f32 v18, v55;
	v19 =	vadd.f32 v19, v56  }
0x293: {  	v16 =	vadd.f32 v17, v16  }
0x294: {  	v17 =	vadd.f32 v57, v20;
	v18 =	vadd.f32 v19, v18;
	_ =	sdelay $0x1  }
0x295: {  	v40 =	vmul.f32 $1.562500000e-02, v16;
	v17 =	vadd.f32 v18, v17;
	_ =	sdelay $0x1  }
0x296: {  	v16 =	vmul.f32 $1.562500000e-02, v17;
	v17 =	vmul.f32 v40, v40;
	_ =	sdelay $0x1  }
0x297: {  	v16 =	vsub.f32 v16, v17;
	_ =	sdelay $0x1  }
0x298: {  	v16 =	vadd.f32 $9.999999970e-07, v16;
	_ =	sdelay $0x1  }
0x299: {  	v17 =	vshra.s32 v16, $0x1;
	v16 =	vmul.f32 $5.000000000e-01, v16  }
0x29a: {  	v17 =	vsub.s32 $0x5F3759DF, v17  }
0x29b: {  	v58 =	vmul.f32 v17, v16;
	_ =	sdelay $0x1  }
0x29c: {  	v18 =	vmul.f32 v17, v58;
	_ =	sdelay $0x1  }
0x29d: {  	v18 =	vsub.f32 $1.500000000e+00, v18;
	_ =	sdelay $0x1  }
0x29e: {  	v17 =	vmul.f32 v17, v18;
	_ =	sdelay $0x1  }
0x29f: {  	v16 =	vmul.f32 v17, v16;
	_ =	sdelay $0x1  }
0x2a0: {  	v16 =	vmul.f32 v16, v17;
	_ =	sdelay $0x1  }
0x2a1: {  	v59 =	vld [tilespmem:s30+$0x8400];
	v16 =	vsub.f32 $1.500000000e+00, v16  }
0x2a2: {  	v49 =	vld [tilespmem:s30+$0x8450]  }
0x2a3: {  	v48 =	vld [tilespmem:s30+$0x8440];
	v60 =	vimm.s32 $0x0;
	v50 =	vimm.s32 $0x1;
	v41 =	vmul.f32 v16, v17  }
0x2a4: {  	v52 =	vld [tilespmem:s30+$0x8460];
	v51 =	vperm.xlane v40, v50;
	v17 =	vperm.xlane v40, v60  }
0x2a5: {  	v61 =	vld [tilespmem:s30+$0x8420];
	v44 =	vperm.xlane v40, v29;
	v19 =	vperm.xlane v41, v60  }
0x2a6: {  	v55 =	vld [tilespmem:s30+$0x8480];
	v18 =	vsub.f32 v59, v17;
	v43 =	vperm.xlane v41, v50;
	v59 =	vperm.xlane v40, v28  }
0x2a7: {  	v21 =	vsub.f32 v49, v51;
	v60 =	vperm.xlane v41, v28;
	v49 =	vperm.xlane v41, v29  }
0x2a8: {  	v53 =	vsub.f32 v48, v51;
	v16 =	vld [tilespmem:s30+$0x8410];
	v62 =	vmul.f32 v19, v32;
	v24 =	vmul.f32 v19, v33  }
0x2a9: {  	v63 =	vld [tilespmem:s30+$0x8430];
	v57 =	vsub.f32 v52, v51;
	v25 =	vmul.f32 v19, v34;
	v19 =	vmul.f32 v19, v35  }
0x2aa: {  	v20 =	vsub.f32 v61, v17;
	v61 =	vld [tilespmem:s30+$0x84A0];
	v54 =	vmul.f32 v43, v32;
	v58 =	vmul.f32 v43, v34  }
0x2ab: {  	v52 =	vsub.f32 v55, v59;
	v55 =	vmul.f32 v60, v34;
	v46 =	vmul.f32 v60, v35  }
0x2ac: {  	v18 =	vmul.f32 v18, v62;
	v20 =	vmul.f32 v20, v25  }
0x2ad: {  	v16 =	vsub.f32 v16, v17;
	v25 =	vmul.f32 v43, v33;
	v56 =	vmul.f32 v53, v54  }
0x2ae: {  	v17 =	vsub.f32 v63, v17;
	v63 =	vld [tilespmem:s30+$0x84B0];
	v22 =	vmul.f32 v57, v58;
	v53 =	vmul.f32 v60, v32  }
0x2af: {  	v54 =	vmul.f32 v60, v33;
	v58 =	vld [tilespmem:s30+$0x84E0];
	v16 =	vmul.f32 v16, v24;
	v47 =	vsub.f32 v61, v59  }
0x2b0: {  	v24 =	vld [tilespmem:s30+$0x8470];
	v17 =	vmul.f32 v17, v19;
	v18 =	vadd.f32 v18, v36;
	v20 =	vadd.f32 v20, v38  }
0x2b1: {  	v21 =	vmul.f32 v21, v25;
	v25 =	vld [tilespmem:s30+$0x8490];
	v19 =	vadd.f32 v56, v36;
	v57 =	vmul.f32 v47, v55  }
0x2b2: {  	v61 =	vmul.f32 v49, v33;
	v22 =	vadd.f32 v22, v38;
	v56 =	vld [tilespmem:s30+$0x84D0];
	v16 =	vadd.f32 v16, v37  }
0x2b3: {  	v55 =	vperm.xlane v41, v30;
	v42 =	vsub.f32 v63, v59;
	v45 =	vadd.f32 v57, v38  }
0x2b4: {  	v47 =	vsub.f32 v58, v44;
	v58 =	vmul.f32 v49, v35;
	v57 =	vperm.xlane v41, v31  }
0x2b5: {  	v62 =	vsub.f32 v24, v51;
	v24 =	vmul.f32 v43, v35;
	v43 =	vmul.f32 v52, v53  }
0x2b6: {  	v17 =	vadd.f32 v17, v39;
	v63 =	vld [tilespmem:s30+$0x8510];
	v42 =	vmul.f32 v42, v46;
	v53 =	vperm.xlane v40, v31  }
0x2b7: {  	v25 =	vsub.f32 v25, v59;
	v60 =	vsub.f32 v56, v44;
	v23 =	vmul.f32 v62, v24;
	v24 =	vld [tilespmem:s30+$0x84C0]  }
0x2b8: {  	v48 =	vld [tilespmem:s30+$0x84F0];
	v21 =	vadd.f32 v21, v37;
	v59 =	vmul.f32 v49, v32;
	v62 =	vmul.f32 v49, v34  }
0x2b9: {  	v51 =	vld [tilespmem:s30+$0x8500];
	v43 =	vadd.f32 v43, v36;
	v25 =	vmul.f32 v25, v54;
	v46 =	vmul.f32 v60, v61  }
0x2ba: {  	v56 =	vld [tilespmem:s30+$0x8520];
	v42 =	vadd.f32 v42, v39;
	v54 =	vperm.xlane v40, v30;
	v23 =	vadd.f32 v23, v39  }
0x2bb: {  	v61 =	vld [tilespmem:s30+$0x8540];
	v47 =	vmul.f32 v47, v62;
	v25 =	vadd.f32 v25, v37;
	v46 =	vadd.f32 v46, v37  }
0x2bc: {  	v49 =	vld [tilespmem:s30+$0x8530];
	v62 =	vmul.f32 v55, v33;
	v63 =	vsub.f32 v63, v54;
	v24 =	vsub.f32 v24, v44  }
0x2bd: {  	v60 =	vmul.f32 v55, v32;
	v47 =	vadd.f32 v47, v38;
	v44 =	vsub.f32 v48, v44  }
0x2be: {  	v50 =	vmul.f32 v63, v62;
	v24 =	vmul.f32 v24, v59;
	v59 =	vsub.f32 v51, v54  }
0x2bf: {  	v56 =	vsub.f32 v56, v54;
	v44 =	vmul.f32 v44, v58;
	v58 =	vmul.f32 v55, v34  }
0x2c0: {  	v52 =	vsub.f32 v61, v53;
	v61 =	vmul.f32 v57, v32;
	v48 =	vmul.f32 v59, v60;
	v59 =	vld [tilespmem:s30+$0x8550]  }
0x2c1: {  	v49 =	vsub.f32 v49, v54;
	v63 =	vperm.xlane v41, v26;
	v62 =	vmul.f32 v56, v58;
	v56 =	vld [tilespmem:s30+$0x8560]  }
0x2c2: {  	v54 =	vld [tilespmem:s30+$0x8570];
	v50 =	vadd.f32 v50, v37;
	v52 =	vmul.f32 v52, v61;
	v60 =	vmul.f32 v55, v35  }
0x2c3: {  	v61 =	vmul.f32 v57, v34;
	v24 =	vadd.f32 v24, v36;
	v44 =	vadd.f32 v44, v39;
	v55 =	vld [tilespmem:s30+$0x8580]  }
0x2c4: {  	v58 =	vld [tilespmem:s30+$0x8590];
	v52 =	vadd.f32 v52, v36;
	v48 =	vadd.f32 v48, v36;
	v49 =	vmul.f32 v49, v60  }
0x2c5: {  	v51 =	vadd.f32 v62, v38;
	v60 =	vmul.f32 v57, v33;
	v59 =	vsub.f32 v59, v53  }
0x2c6: {  	v62 =	vperm.xlane v40, v26;
	v49 =	vadd.f32 v49, v39;
	v56 =	vsub.f32 v56, v53  }
0x2c7: {  	v53 =	vsub.f32 v54, v53;
	v54 =	vmul.f32 v57, v35;
	v57 =	vld [tilespmem:s30+$0x85A0];
	v59 =	vmul.f32 v59, v60  }
0x2c8: {  	[tilespmem:s30+$0xC400] =	vst v18;
	v55 =	vsub.f32 v55, v62;
	v56 =	vmul.f32 v56, v61;
	v60 =	vmul.f32 v63, v32;
	v61 =	vld [tilespmem:s30+$0x85B0]  }
0x2c9: {  	[tilespmem:s30+$0xC420] =	vst v20;
	v18 =	vmul.f32 v53, v54;
	v53 =	vsub.f32 v58, v62;
	v54 =	vmul.f32 v63, v33;
	v58 =	vld [tilespmem:s30+$0x85C0]  }
0x2ca: {  	[tilespmem:s30+$0xC410] =	vst v16;
	v16 =	vadd.f32 v59, v37;
	v56 =	vadd.f32 v56, v38;
	v55 =	vmul.f32 v55, v60;
	v59 =	vld [tilespmem:s30+$0x85D0]  }
0x2cb: {  	[tilespmem:s30+$0xC440] =	vst v19;
	v18 =	vadd.f32 v18, v39;
	v20 =	vmul.f32 v53, v54;
	v53 =	vmul.f32 v63, v34  }
0x2cc: {  	[tilespmem:s30+$0xC430] =	vst v17;
	v54 =	vperm.xlane v40, v27;
	v17 =	vsub.f32 v57, v62;
	v57 =	vperm.xlane v41, v27  }
0x2cd: {  	[tilespmem:s30+$0xC460] =	vst v22;
	v60 =	vmul.f32 v63, v35;
	v19 =	vadd.f32 v55, v36;
	v55 =	vsub.f32 v61, v62;
	v61 =	vld [tilespmem:s30+$0x85E0]  }
0x2ce: {  	[tilespmem:s30+$0xC450] =	vst v21;
	v17 =	vmul.f32 v17, v53;
	v21 =	vsub.f32 v58, v54;
	v53 =	vmul.f32 v57, v32;
	v58 =	vld [tilespmem:s30+$0x85F0]  }
0x2cf: {  	[tilespmem:s30+$0xC470] =	vst v23;
	v23 =	vld [tilespmem:s30+$0x8610];
	v22 =	vmul.f32 v55, v60;
	v55 =	vsub.f32 v59, v54;
	v59 =	vmul.f32 v57, v33  }
0x2d0: {  	[tilespmem:s30+$0xC4A0] =	vst v45;
	v20 =	vadd.f32 v20, v37;
	v62 =	vimm.s32 $0x8;
	v63 =	vmul.f32 v57, v34;
	v60 =	vld [tilespmem:s30+$0x8600]  }
0x2d1: {  	[tilespmem:s30+$0xC480] =	vst v43;
	v17 =	vadd.f32 v17, v38;
	v21 =	vmul.f32 v21, v53;
	v43 =	vmul.f32 v55, v59  }
0x2d2: {  	[tilespmem:s30+$0xC490] =	vst v25;
	v22 =	vadd.f32 v22, v39;
	v55 =	vperm.xlane v40, v62;
	v59 =	vperm.xlane v41, v62  }
0x2d3: {  	[tilespmem:s30+$0xC4D0] =	vst v46;
	v46 =	vld [tilespmem:s30+$0x8650];
	v25 =	vsub.f32 v61, v54;
	v45 =	vsub.f32 v58, v54;
	v54 =	vmul.f32 v57, v35  }
0x2d4: {  	[tilespmem:s30+$0xC4B0] =	vst v42;
	v21 =	vadd.f32 v21, v36;
	v62 =	vld [tilespmem:s30+$0x8630];
	v61 =	vmul.f32 v59, v32;
	v23 =	vsub.f32 v23, v55  }
0x2d5: {  	[tilespmem:s30+$0xC4C0] =	vst v24;
	v57 =	vld [tilespmem:s30+$0x8620];
	v25 =	vmul.f32 v25, v63;
	v42 =	vsub.f32 v60, v55;
	v24 =	vmul.f32 v45, v54  }
0x2d6: {  	v60 =	vimm.s32 $0x9;
	v63 =	vmul.f32 v59, v33;
	v45 =	vmul.f32 v59, v34  }
0x2d7: {  	[tilespmem:s30+$0xC4E0] =	vst v47;
	v43 =	vadd.f32 v43, v37;
	v54 =	vld [tilespmem:s30+$0x8640];
	v47 =	vperm.xlane v40, v60;
	v53 =	vperm.xlane v41, v60  }
0x2d8: {  	v25 =	vadd.f32 v25, v38;
	v42 =	vmul.f32 v42, v61;
	v24 =	vadd.f32 v24, v39  }
0x2d9: {  	v23 =	vmul.f32 v23, v63;
	v62 =	vsub.f32 v62, v55;
	v63 =	vmul.f32 v59, v35  }
0x2da: {  	[tilespmem:s30+$0xC4F0] =	vst v44;
	v61 =	vsub.f32 v57, v55;
	v57 =	vld [tilespmem:s30+$0x8660];
	v59 =	vmul.f32 v53, v32;
	v46 =	vsub.f32 v46, v47  }
0x2db: {  	[tilespmem:s30+$0xC500] =	vst v48;
	v60 =	vld [tilespmem:s30+$0x8670];
	v42 =	vadd.f32 v42, v36;
	v48 =	vmul.f32 v62, v63;
	v23 =	vadd.f32 v23, v37  }
0x2dc: {  	[tilespmem:s30+$0xC540] =	vst v52;
	v62 =	vld [tilespmem:s30+$0x8680];
	v63 =	vmul.f32 v53, v34;
	v44 =	vmul.f32 v61, v45;
	v58 =	vsub.f32 v54, v47  }
0x2dd: {  	[tilespmem:s30+$0xC530] =	vst v49;
	v49 =	vld [tilespmem:s30+$0x8690];
	v61 =	vmul.f32 v53, v33;
	v53 =	vmul.f32 v53, v35;
	v48 =	vadd.f32 v48, v39  }
0x2de: {  	[tilespmem:s30+$0xC520] =	vst v51;
	v44 =	vadd.f32 v44, v38;
	v45 =	vmul.f32 v58, v59;
	v58 =	vimm.s32 $0xA  }
0x2df: {  	[tilespmem:s30+$0xC550] =	vst v16;
	v16 =	vsub.f32 v57, v47;
	v51 =	vperm.xlane v40, v58;
	v52 =	vperm.xlane v41, v58  }
0x2e0: {  	[tilespmem:s30+$0xC560] =	vst v56;
	v54 =	vld [tilespmem:s30+$0x86A0];
	v46 =	vmul.f32 v46, v61;
	v47 =	vsub.f32 v60, v47;
	v45 =	vadd.f32 v45, v36  }
0x2e1: {  	[tilespmem:s30+$0xC570] =	vst v18;
	v61 =	vld [tilespmem:s30+$0x86B0];
	v16 =	vmul.f32 v16, v63;
	v59 =	vsub.f32 v62, v51;
	v60 =	vmul.f32 v52, v32  }
0x2e2: {  	[tilespmem:s30+$0xC580] =	vst v19;
	v62 =	vmul.f32 v47, v53;
	v63 =	vsub.f32 v49, v51;
	v56 =	vmul.f32 v52, v33  }
0x2e3: {  	[tilespmem:s30+$0xC590] =	vst v20;
	v20 =	vadd.f32 v46, v37;
	v58 =	vmul.f32 v52, v34;
	v16 =	vadd.f32 v16, v38  }
0x2e4: {  	[tilespmem:s30+$0xC5A0] =	vst v17;
	v18 =	vmul.f32 v59, v60;
	v17 =	vadd.f32 v62, v39;
	v19 =	vmul.f32 v63, v56  }
0x2e5: {  	v57 =	vld [tilespmem:s30+$0x86C0];
	v59 =	vsub.f32 v54, v51;
	v54 =	vimm.s32 $0xC;
	v60 =	vimm.s32 $0xB  }
0x2e6: {  	[tilespmem:s30+$0xC510] =	vst v50;
	v46 =	vld [tilespmem:s30+$0x86D0];
	v61 =	vsub.f32 v61, v51;
	v62 =	vmul.f32 v52, v35;
	v49 =	vperm.xlane v40, v60  }
0x2e7: {  	[tilespmem:s30+$0xC5B0] =	vst v22;
	v52 =	vimm.s32 $0xD;
	v50 =	vperm.xlane v41, v60;
	v47 =	vperm.xlane v41, v54  }
0x2e8: {  	[tilespmem:s30+$0xC640] =	vst v45;
	v45 =	vperm.xlane v40, v52;
	v52 =	vperm.xlane v41, v52;
	v18 =	vadd.f32 v18, v36  }
0x2e9: {  	[tilespmem:s30+$0xC5C0] =	vst v21;
	v63 =	vld [tilespmem:s30+$0x86E0];
	v22 =	vmul.f32 v59, v58;
	v21 =	vmul.f32 v61, v62;
	v19 =	vadd.f32 v19, v37  }
0x2ea: {  	[tilespmem:s30+$0xC5D0] =	vst v43;
	v60 =	vld [tilespmem:s30+$0x8700];
	v56 =	vsub.f32 v57, v49;
	v57 =	vmul.f32 v50, v32;
	v59 =	vmul.f32 v50, v33  }
0x2eb: {  	[tilespmem:s30+$0xC5E0] =	vst v25;
	v58 =	vld [tilespmem:s30+$0x86F0];
	v25 =	vsub.f32 v46, v49;
	v62 =	vmul.f32 v50, v34;
	v46 =	vperm.xlane v40, v54  }
0x2ec: {  	[tilespmem:s30+$0xC5F0] =	vst v24;
	v61 =	vld [tilespmem:s30+$0x8710];
	v55 =	vmul.f32 v50, v35;
	v50 =	vimm.s32 $0xE;
	v53 =	vmul.f32 v47, v35  }
0x2ed: {  	[tilespmem:s30+$0xC600] =	vst v42;
	v22 =	vadd.f32 v22, v38;
	v21 =	vadd.f32 v21, v39;
	v24 =	vmul.f32 v56, v57  }
0x2ee: {  	[tilespmem:s30+$0xC610] =	vst v23;
	v42 =	vperm.xlane v40, v50;
	v25 =	vmul.f32 v25, v59;
	v63 =	vsub.f32 v63, v49  }
0x2ef: {  	[tilespmem:s30+$0xC630] =	vst v48;
	v56 =	vld [tilespmem:s30+$0x8720];
	v57 =	vsub.f32 v60, v46;
	v60 =	vmul.f32 v47, v33;
	v24 =	vadd.f32 v24, v36  }
0x2f0: {  	[tilespmem:s30+$0xC620] =	vst v44;
	v59 =	vld [tilespmem:s30+$0x8730];
	v54 =	vsub.f32 v58, v49;
	v23 =	vmul.f32 v63, v62;
	v58 =	vmul.f32 v47, v32  }
0x2f1: {  	[tilespmem:s30+$0xC650] =	vst v20;
	v43 =	vsub.f32 v61, v46;
	v61 =	vld [tilespmem:s30+$0x8740];
	v63 =	vmul.f32 v47, v34;
	v47 =	vimm.s32 $0xF  }
0x2f2: {  	[tilespmem:s30+$0xC660] =	vst v16;
	v20 =	vadd.f32 v25, v37;
	v62 =	vld [tilespmem:s30+$0x8750];
	v48 =	vperm.xlane v41, v47;
	v44 =	vmul.f32 v54, v55  }
0x2f3: {  	[tilespmem:s30+$0xC670] =	vst v17;
	v23 =	vadd.f32 v23, v38;
	v25 =	vmul.f32 v57, v58;
	v43 =	vmul.f32 v43, v60;
	v54 =	vld [tilespmem:s30+$0x8760]  }
0x2f4: {  	[tilespmem:s30+$0xC680] =	vst v18;
	v57 =	vld [tilespmem:s30+$0x8770];
	v17 =	vsub.f32 v56, v46;
	v56 =	vmul.f32 v52, v32;
	v16 =	vadd.f32 v44, v39  }
0x2f5: {  	[tilespmem:s30+$0xC690] =	vst v19;
	v60 =	vld [tilespmem:s30+$0x8780];
	v18 =	vadd.f32 v25, v36;
	v25 =	vsub.f32 v59, v46;
	v59 =	vmul.f32 v52, v33  }
0x2f6: {  	[tilespmem:s30+$0xC6A0] =	vst v22;
	v44 =	vperm.xlane v41, v50;
	v17 =	vmul.f32 v17, v63;
	v55 =	vsub.f32 v61, v45  }
0x2f7: {  	[tilespmem:s30+$0xC6B0] =	vst v21;
	v61 =	vadd.f32 v43, v37;
	v58 =	vmul.f32 v25, v53;
	v25 =	vsub.f32 v62, v45  }
0x2f8: {  	[tilespmem:s30+$0xC6C0] =	vst v24;
	v62 =	vld [tilespmem:s30+$0x8790];
	v17 =	vadd.f32 v17, v38;
	v19 =	vmul.f32 v55, v56;
	v63 =	vsub.f32 v54, v45  }
0x2f9: {  	[tilespmem:s30+$0xC6D0] =	vst v20;
	v53 =	vld [tilespmem:s30+$0x87A0];
	v51 =	vsub.f32 v57, v45;
	v24 =	vmul.f32 v25, v59;
	v25 =	vmul.f32 v52, v34  }
0x2fa: {  	[tilespmem:s30+$0xC6E0] =	vst v23;
	v54 =	vsub.f32 v60, v42;
	v22 =	vadd.f32 v58, v39;
	v52 =	vmul.f32 v52, v35  }
0x2fb: {  	[tilespmem:s30+$0xC6F0] =	vst v16;
	v55 =	vld [tilespmem:s30+$0x87B0];
	v58 =	vmul.f32 v44, v33;
	v19 =	vadd.f32 v19, v36;
	v16 =	vmul.f32 v63, v25  }
0x2fc: {  	[tilespmem:s30+$0xC700] =	vst v18;
	v25 =	vmul.f32 v44, v32;
	v56 =	vmul.f32 v51, v52;
	v60 =	vadd.f32 v24, v37  }
0x2fd: {  	[tilespmem:s30+$0xC710] =	vst v61;
	v59 =	vld [tilespmem:s30+$0x87C0];
	v52 =	vmul.f32 v44, v35;
	v57 =	vsub.f32 v62, v42;
	v62 =	vmul.f32 v44, v34  }
0x2fe: {  	[tilespmem:s30+$0xC720] =	vst v17;
	v24 =	vld [tilespmem:s30+$0x87D0];
	v63 =	vsub.f32 v53, v42;
	v16 =	vadd.f32 v16, v38;
	v20 =	vmul.f32 v54, v25  }
0x2ff: {  	v49 =	vld [tilespmem:s30+$0x87E0];
	[tilespmem:s30+$0xC730] =	vst v22;
	v17 =	vadd.f32 v56, v39;
	v25 =	vperm.xlane v40, v47;
	v56 =	vmul.f32 v48, v32  }
0x300: {  	v53 =	vld [tilespmem:s30+$0x87F0];
	v51 =	vsub.f32 v55, v42;
	[tilespmem:s30+$0xC750] =	vst v60;
	v60 =	vmul.f32 v48, v34;
	v61 =	vmul.f32 v57, v58  }
0x301: {  	[tilespmem:s30+$0xC740] =	vst v19;
	v54 =	vmul.f32 v63, v62;
	v62 =	vmul.f32 v48, v35  }
0x302: {  	v50 =	vadd.f32 v20, v36;
	v55 =	vsub.f32 v59, v25;
	[tilespmem:s30+$0xC760] =	vst v16;
	v16 =	vmul.f32 v51, v52  }
0x303: {  	[tilespmem:s30+$0xC770] =	vst v17;
	v57 =	vsub.f32 v24, v25;
	v24 =	vmul.f32 v48, v33;
	v18 =	vadd.f32 v61, v37  }
0x304: {  	v59 =	vsub.f32 v49, v25;
	v21 =	vadd.f32 v54, v38;
	v17 =	vmul.f32 v55, v56;
	[tilespmem:s30+$0xC780] =	vst v50  }
0x305: {  	v61 =	vsub.f32 v53, v25;
	v16 =	vadd.f32 v16, v39;
	v58 =	vmul.f32 v57, v24;
	[tilespmem:s30+$0xC790] =	vst v18  }
0x306: {  	p0 =	sne.s32 s29, $0x7000;
	v20 =	vmul.f32 v59, v60;
	[tilespmem:s30+$0xC7A0] =	vst v21;
	v17 =	vadd.f32 v17, v36  }
.Ltmp6:
0x307: {  	[tilespmem:s30+$0xC7B0] =	vst v16;
	v16 =	vmul.f32 v61, v62;
	v63 =	vadd.f32 v58, v37;
	(pc) =	sbr.rel @p0 .LBB2_9-.Ltmp6, $4  }
0x308: {  	[tilespmem:s30+$0xC7C0] =	vst v17;
	v17 =	vadd.f32 v20, v38  }
0x309: {  	v16 =	vadd.f32 v16, v39;
	[tilespmem:s30+$0xC7D0] =	vst v63  }
0x30a: {  	[tilespmem:s30+$0xC7E0] =	vst v17  }
0x30b: {  	s29 =	sadd.s32 $0x1000, s29;
	[tilespmem:s30+$0xC7F0] =	vst v16  }
0x30c: {  	p0 =	seq.s32 s26, $0x63  }
.Ltmp7:
0x30d: {  	_ = 	snop;
	(pc) =	sbr.rel @p0 .LBB2_12-.Ltmp7, $4  }
0x30e: {  	_ = 	snop  }
0x30f: {  	s29 =	sshll.u32 s26, $0xB  }
0x310: {  	s29 =	sadd.s32 s10, s29  }
0x311: {  	[hbm4b:s29+s5] =	stream.linear.scatter [tilespmem:s23], [sflag:$0x4], $0x2000, $0x38;
	[tilespmem:$0xE680] =	vst v63  }
.Ltmp8:
0x312: {  	(pc) =	sbr.rel .LBB2_2-.Ltmp8, $4  }
0x313: {  	_ = 	snop  }
0x314: {  	s28 =	sshrl.u32 s28, $0x2;
	v18 =	vimm.s32 $0x1  }
0x315: {  	s26 =	sadd.s32 $0x1, s26;
	v26 =	vimm.s32 $0x0;
	v27 =	vimm.s32 $0x2;
	v28 =	vimm.s32 $0x3;
	s28 =	sadd.s32 $0x180, s28  }
0x316: {  	v29 =	vimm.s32 $0x4;
	v30 =	vimm.s32 $0x5;
	v31 =	vimm.s32 $0x6;
	[tilespmem:s16], [sflag:$0x2] =	stream.indirect.gather [hbm4b:s6+s14], $0x40, s28, s14, $0xb8;
	[tilespmem:$0xE680] =	vst v63  }
.LBB2_13:
0x317: {  	_ =	sfence.sel $0x180000  }
0x318: {  	[bflag:$0x0] =	sbarrier.arrive $0xFFFF  }
0x319: {  	p0 =	sne.s32 s0, $0x0;
	_ =	strace $0x90000047  }
0x31a: {  	s0 =	sadd.s32 @!p0 $0x100000, s3;
	[bflag:$0x2] =	sbarrier.arrive $0xFFFF  }
0x31b: {  	[sflag:s0] =	ssyncadd.tile.s32 @!p0 $0x1;
	_ =	shalt  }
.Lfunc_end2:
_tile_overlayer_lowered:
.L_overlay_start_2:
0x31c: {  	(tag) =	ssettag $0x2  }
0x31d: {  	s0 =	rddreg [dreg:$0x0];
	s2 =	stileid.u32  }
0x31e: {  	s1 =	rddreg [dreg:$0x1];
	p0 =	sne.s32 s2, $0x0  }
0x31f: {  	s3 =	rddreg [dreg:$0x2];
	[bflag:$0x3] =	sbarrier.arrive $0xFFFF;
	s2 =	simm.s32 @!p0 $0x1C05  }
0x320: {  	[timem:s3], [sflag:s2] =	dma.local @!p0 [hbm:s0], s1  }
0x321: {  	s0 =	simm.s32 @!p0 $0x5  }
0x322: {  	_ =	swait.ge @!p0 [sflag:s0], s1  }
0x323: {  	s1 =	ssub.s32 @!p0 $0x0, s1;
	[sflag:s0] =	ssyncset.done @!p0 $0x0  }
0x324: {  	[sflag:s0] =	ssyncadd.s32 @!p0 s1  }
0x325: {  	[bflag:$0x3] =	sbarrier.arrive $0xFFFF  }
0x326: {  	_ =	shalt  }

// kernel: sparse-core-data-format-call.cloned.1.call-start
scs
called_computation_lowered:
.L_overlay_start_0:
0x0: {  	s2 =	sld [smem:$0x3FD9]  }
0x1: {  	s3 =	sld [smem:$0x3FFE];
	_ =	sdelay $0x1  }
0x2: {  	s1 =	srdreg.scid  }
0x3: {  	s0 =	sand.u32 $0x1, s1  }
0x4: {  	s18 =	sshll.u32 s0, $0xA;
	s2 =	sadd.s32 s3, s2  }
0x5: {  	s2 =	sadd.s32 s2, s18  }
0x6: {  	[smem:$0x3FC4] =	sst s2  }
0x7: {  	_ = 	snop  }
0x8: {  	s2 =	sld [smem:$0x3FD0];
	(tm) =	ssettm $0x1  }
0x9: {  	s19 =	sld [smem:$0x3FFB];
	_ =	sdelay $0x3  }
0xa: {  	_ =	strace s19  }
0xb: {  	s3 =	sld [smem:$0x3FFC];
	_ =	sdelay $0x3  }
0xc: {  	_ =	strace s3  }
0xd: {  	s3 =	sld [smem:$0x3FFD];
	_ =	sdelay $0x3  }
0xe: {  	_ =	strace s3  }
0xf: {  	_ =	strace $0x8FFFFFFF  }
0x10: {  	s20 =	sld [smem:$0x3FDB];
	_ =	sdelay $0x1  }
0x11: {  	s4 =	simm.s32 $_scs_section_size  }
0x12: {  	s5 =	simm.s32 $_size__tile_overlayer_lowered;
	s6 =	simm.s32 $_tile_overlayer_lowered  }
0x13: {  	s23 =	simm.s32 $0x1BFF;
	s22 =	sshll.u32 s6, $0x1;
	s3 =	sadd.s32 s4, s20  }
0x14: {  	s7 =	simm.s32 $0x0;
	s21 =	sshll.u32 s5, $0x1;
	s5 =	sadd.s32 s22, s3  }
0x15: {  	[timem:s7], [sflag:s23] =	dma.local [hbm:s5], s21  }
0x16: {  	_ =	swait.ge [sflag:s23], s21  }
0x17: {  	s4 =	ssub.s32 $0x0, s21;
	[sflag:s23] =	ssyncset.done $0x0  }
0x18: {  	[sflag:s23] =	ssyncadd.s32 s4;
	_ =	sdelay $0x1  }
0x19: {  	s24 =	simm.s32 $0x1B8B  }
0x1a: {  	_ =	swait.ge [sflag:s24], $0x1  }
0x1b: {  	[sflag:s24] =	ssyncset.done $0x0  }
0x1c: {  	s26 =	simm.s32 $0x1B8E;
	s25 =	sld [smem:$0x3FFE];
	[sflag:s24] =	ssyncadd.s32 $0xFFFFFFFF  }
0x1d: {  	s27 =	simm.s32 $execute0_lowered;
	[smem:$0x3FD2] =	sst s26  }
0x1e: {  	s5 =	sshll.u32 s27, $0x1;
	_ =	strace $0x80000049;
	[dreg:$0x1] =	wrdreg $0xFFFFFFFF  }
0x1f: {  	s28 =	simm.s32 $_size_execute0_lowered;
	s3 =	sadd.s32 s3, s5;
	[dreg:$0x0] =	wrdreg $0x0  }
0x20: {  	s5 =	sshll.u32 s28, $0x1;
	[dreg:$0x2] =	wrdreg s3  }
0x21: {  	[dreg:$0x3] =	wrdreg s5  }
0x22: {  	[dreg:$0x4] =	wrdreg $0xC0  }
0x23: {  	_ =	task [dreg:s7], $0x5FFFF  }
0x24: {  	[dreg:$0x1] =	wrdreg $0xFFFFFFFF  }
0x25: {  	[dreg:$0x0] =	wrdreg $0x60  }
0x26: {  	[dreg:$0x2] =	wrdreg s25  }
0x27: {  	[dreg:$0x3] =	wrdreg s2  }
0x28: {  	[dreg:$0x4] =	wrdreg $0x9  }
0x29: {  	_ =	task.clear_ibuf [dreg:s7], $0x5FFFF;
	_ =	strace $0x90000049  }
0x2a: {  	s29 =	simm.s32 $0x9;
	_ =	strace $0x8000004B  }
0x2b: {  	_ =	swait.ge [sflag:s29], $0x1  }
0x2c: {  	[sflag:s29] =	ssyncadd.s32 $0xFFFFFFFF  }
0x2d: {  	_ =	strace $0x9000004B  }
0x2e: {  	_ =	sfence  }
0x2f: {  	s30 =	sld [smem:$0x0];
	_ =	sdelay $0x2  }
0x30: {  	s31 =	sshll.u32 s1, $0xD;
	s1 =	sshrl.u32 s1, $0x2  }
0x31: {  	s3 =	sand.u32 $0x4000, s31;
	s1 =	sadd.s32 s1, s30  }
0x32: {  	s0 =	sor.u32 s3, s0;
	s1 =	sshll.u32 s1, $0x11  }
0x33: {  	s0 =	sor.u32 s1, s0  }
0x34: {  	s0 =	sadd.s32 $0x8F2B, s0  }
0x35: {  	[sflag:s0] =	ssyncadd.remote.s32 $0x1  }
0x36: {  	_ =	sfence.sel $0xFFFF  }
0x37: {  	[dreg:$0x0] =	wrdreg $0xFFFFFFFF;
	(pc) =	sbr.abs _section_cstart, $3  }
0x38: {  	[dreg:$0x1] =	wrdreg $0xFFFFFFFF  }
0x39: {  	_ =	task.clear_ibuf [dreg:s7], $0x2FFFF;
	_ =	strace $0x9FFFFFFF  }
0x3a: {  	(tm) =	ssettm $0x7FFFFFFF  }
0x3b: {  	_ =	shalt  }
tec
execute0_lowered:
.L_overlay_start_1:
0x0: {  	(tag) =	ssettag $0x1  }
0x1: {  	s0 =	srdreg.scid  }
0x2: {  	s1 =	sshll.u32 s0, $0x4  }
0x3: {  	s0 =	stileid.u32;
	s1 =	sand.u32 $0x10, s1  }
0x4: {  	s1 =	sor.u32 s0, s1  }
0x5: {  	s6 =	rddreg [dreg:$0x0];
	s4 =	simm.s32 $0x1;
	s2 =	sshll.u32 s1, $0x7  }
0x6: {  	s7 =	simm.s32 $0x2;
	s12 =	simm.s32 $0x0;
	s1 =	ssub.s32 $0x1000, s2  }
0x7: {  	s8 =	simm.s32 $0x8000;
	s13 =	simm.s32 $0x0;
	s3 =	sand.u32 $0xF80, s1  }
0x8: {  	s9 =	simm.s32 $0x0;
	s5 =	sshrl.u32 s1, $0xC;
	p0 =	sne.s32 s3, $0x0  }
.Ltmp0:
0x9: {  	s1 =	rddreg [dreg:$0x2];
	s4 =	simm.s32 @!p0 $0x0;
	(pc) =	sbr.rel .LBB1_1-.Ltmp0, $4  }
0xa: {  	s11 =	simm.s32 $0x0;
	s3 =	rddreg [dreg:$0x1];
	s5 =	sadd.s32 s4, s5  }
0xb: {  	_ =	strace $0x8000004A;
	s4 =	simm.s32 $0x1;
	s5 =	smul.u32 $0xC8, s5  }
0xc: {  	s6 =	sadd.s32 $0xA00, s6;
	s10 =	smov.u32 s2;
	[sflag:s4] =	ssyncpa.u1 $0x0  }
0xd: {  	p0 =	por $0x0, $0x0;
	[sflag:s7] =	ssyncpa.u1 $0x0;
	s7 =	sor.u32 $0x1, s5  }
.LBB1_4:
0xe: {  	s16 =	sshll.u32 s13, $0x3;
	s17 =	sand.u32 $0x78, s13  }
0xf: {  	s30 =	sand.u32 $0x7E00, s13;
	s12 =	sshll.u32 s12, $0xF;
	s16 =	sand.u32 $0xC00, s16  }
0x10: {  	[tilespmem:s15+$0x810 ss:$0x81] =	vst.msk $0xffff, v2;
	s31 =	sand.u32 $0x7, s13;
	s16 =	sor.u32 s17, s16;
	s17 =	sadd.s32 s3, s30  }
0x11: {  	[tilespmem:s15+$0x1020 ss:$0x81] =	vst.msk $0xffff, v0;
	s13 =	sshll.u32 s31, $0x12;
	s12 =	sadd.s32 s12, s17;
	s16 =	sshrl.u32 s16, $0x3  }
0x12: {  	[tilespmem:s15+$0x0 ss:$0x81] =	vst.msk $0xffff, v1;
	s13 =	sor.u32 $0x400, s13;
	s12 =	sadd.s32 s16, s12  }
0x13: {  	[hbm4b:s12+s13] =	stream.strided.scatter [tilespmem:s14], [sflag:$0x2], $0x2000, s8, s13, $0x20;
	[tilespmem:$0x8080] =	vst v63  }
.LBB1_5:
0x14: {  	s14 =	sadd.s32 $0x1, s9  }
0x15: {  	s12 =	sadd.s32 $0x1000, s10;
	s16 =	smov.u32 s10;
	p2 =	sgt.s32 s14, $0xC7  }
0x16: {  	s16 =	smov.u32 @p2 s12  }
0x17: {  	s14 =	simm.s32 @p2 $0x0;
	p2 =	sgt.s32 s16, $0xFFF  }
0x18: {  	s16 =	smov.u32 @p2 s2;
	p2 =	sne.s32 s11, s7  }
.Ltmp1:
0x19: {  	p1 =	slt.u32 s11, $0x2;
	(pc) =	sbr.rel @!p2 .LBB1_6-.Ltmp1, $4  }
0x1a: {  	s15 =	simm.s32 @!p1 $0x2  }
0x1b: {  	s13 =	smov.u32 s10;
	p0 =	por !p0, !p0;
	_ =	swait.ge @!p1 [sflag:s15], $0x2000  }
0x1c: {  	s12 =	smov.u32 s9;
	[sflag:s15] =	ssyncset.done @!p1 $0x0;
	s9 =	smov.u32 s14  }
0x1d: {  	s11 =	sadd.s32 $0x1, s11;
	[sflag:s15] =	ssyncadd.s32 @!p1 $0xFFFFE000;
	s10 =	smov.u32 s16  }
.LBB1_1:
0x1e: {  	p1 =	sge.u32 s11, s5  }
0x1f: {  	s14 =	sand.u32 @!p1 $0x1FFFFFF, s9  }
0x20: {  	s15 =	smulhi.u32 @!p1 $0x147AE15, s14;
	_ =	sdelay $0x1  }
0x21: {  	s15 =	smul.u32 @!p1 $0xC8, s15  }
0x22: {  	s16 =	sxor.u32 @!p1 $0xFFFFFFFF, s11;
	s17 =	smul.u32 @!p1 $0xC80, s10  }
0x23: {  	s31 =	sadd.s32 $0xFFFFFFFF, s11;
	s16 =	sshll.u32 @!p1 s16, $0xD;
	s14 =	ssub.s32 @!p1 s14, s15  }
0x24: {  	s15 =	sand.u32 @!p1 $0x2000, s16;
	s16 =	sadd.s32 @!p1 s6, s17;
	s14 =	sshll.u32 @!p1 s14, $0x4  }
0x25: {  	s17 =	simm.s32 @!p1 $0x6400;
	s14 =	sadd.s32 @!p1 s14, s16;
	s16 =	simm.s32 @!p1 $0x40  }
0x26: {  	[tilespmem:s15], [sflag:$0x1] =	stream.strided.gather @!p1 [hbm4b:s14+s16], $0x2000, s17, s16, $0x38;
	[tilespmem:$0x8080] =	vst v63  }
0x27: {  	p1 =	sge.u32 s31, s5  }
.Ltmp2:
0x28: {  	_ = 	snop;
	(pc) =	sbr.rel @p1 .LBB1_5-.Ltmp2, $1  }
0x29: {  	_ =	sdelay $0x3  }
0x2a: {  	s14 =	simm.s32 $0x1  }
0x2b: {  	_ =	swait.ge [sflag:s4], $0x2000;
	s14 =	simm.s32 @!p0 $0x0  }
0x2c: {  	[sflag:s4] =	ssyncset.done $0x0;
	s15 =	sshll.u32 s14, $0xD  }
0x2d: {  	[sflag:s4] =	ssyncadd.s32 $0xFFFFE000;
	s18 =	sor.u32 $0x20, s15  }
0x2e: {  	s14 =	smul.u32 $0x8100, s14;
	v3 =	vld [tilespmem:s18+$0x10]  }
0x2f: {  	s30 =	sand.u32 $0x1, s11;
	v2 =	vld [tilespmem:s18+$0xFFFFFFF0]  }
0x30: {  	s15 =	smul.u32 $0x8100, s30;
	s14 =	sshrl.u32 s14, $0x2;
	v0 =	vld [tilespmem:s18+$0x0]  }
0x31: {  	v1 =	vld [tilespmem:s18+$0xFFFFFFE0];
	s16 =	sor.u32 $0x4000, s14  }
0x32: {  	s31 =	sshrl.u32 s15, $0x2;
	s15 =	sadd.s32 $0x0, s16  }
0x33: {  	s17 =	simm.s32 $0x4;
	s18 =	sadd.s32 $0x40, s18;
	s14 =	sor.u32 $0x4000, s31;
	[tilespmem:s15+$0x1830 ss:$0x81] =	vst.msk $0xffff, v3  }
.LBB1_3:
0x34: {  	v3 =	vld [tilespmem:s18+$0x10];
	p1 =	sne.s32 s17, $0x1FC;
	[tilespmem:s15+$0x810 ss:$0x81] =	vst.msk $0xffff, v2;
	s19 =	smov.u32 s17;
	s17 =	sadd.s32 $0x4, s17  }
.Ltmp3:
0x35: {  	v2 =	vld [tilespmem:s18+$0xFFFFFFF0];
	[tilespmem:s15+$0x1020 ss:$0x81] =	vst.msk $0xffff, v0;
	(pc) =	sbr.rel @p1 .LBB1_3-.Ltmp3, $4  }
0x36: {  	v0 =	vld [tilespmem:s18+$0x0];
	[tilespmem:s15+$0x0 ss:$0x81] =	vst.msk $0xffff, v1  }
0x37: {  	s15 =	sshra.s32 s19, $0x2;
	v1 =	vld [tilespmem:s18+$0xFFFFFFE0]  }
0x38: {  	s15 =	sadd.s32 s15, s16  }
0x39: {  	s18 =	sadd.s32 $0x40, s18;
	[tilespmem:s15+$0x1830 ss:$0x81] =	vst.msk $0xffff, v3  }
.Ltmp4:
0x3a: {  	_ = 	snop;
	(pc) =	sbr.rel .LBB1_4-.Ltmp4, $1  }
0x3b: {  	_ =	sdelay $0x3  }
.LBB1_6:
0x3c: {  	_ =	sfence.sel $0x180000  }
0x3d: {  	s2 =	simm.s32 $0x1;
	[bflag:$0x0] =	sbarrier.arrive $0xFFFF  }
0x3e: {  	s31 =	simm.s32 $0x2;
	[sflag:s2] =	ssyncpa.u1 $0x1  }
0x3f: {  	[sflag:s31] =	ssyncpa.u1 $0x1  }
0x40: {  	p0 =	sne.s32 s0, $0x0;
	_ =	strace $0x9000004A  }
0x41: {  	s0 =	sadd.s32 @!p0 $0x100000, s1;
	[bflag:$0x2] =	sbarrier.arrive $0xFFFF  }
0x42: {  	[sflag:s0] =	ssyncadd.tile.s32 @!p0 $0x1;
	_ =	shalt  }
.Lfunc_end1:
_tile_overlayer_lowered:
.L_overlay_start_2:
0x43: {  	(tag) =	ssettag $0x2  }
0x44: {  	s0 =	rddreg [dreg:$0x0];
	s2 =	stileid.u32  }
0x45: {  	s1 =	rddreg [dreg:$0x1];
	p0 =	sne.s32 s2, $0x0  }
0x46: {  	s3 =	rddreg [dreg:$0x2];
	[bflag:$0x3] =	sbarrier.arrive $0xFFFF;
	s2 =	simm.s32 @!p0 $0x1C01  }
0x47: {  	[timem:s3], [sflag:s2] =	dma.local @!p0 [hbm:s0], s1  }
0x48: {  	s0 =	simm.s32 @!p0 $0x1  }
0x49: {  	_ =	swait.ge @!p0 [sflag:s0], s1  }
0x4a: {  	s1 =	ssub.s32 @!p0 $0x0, s1;
	[sflag:s0] =	ssyncset.done @!p0 $0x0  }
0x4b: {  	[sflag:s0] =	ssyncadd.s32 @!p0 s1  }
0x4c: {  	[bflag:$0x3] =	sbarrier.arrive $0xFFFF  }
0x4d: {  	_ =	shalt  }

</sc_bundles>
